<compile_context>
chip_gen: v7x
topology: tpu7x:2x2x1
jax: 0.10.2.dev20260603
libtpu: 0.0.44.dev20260713+nightly
codegen_flags: <defaults>
</compile_context>

<pallas_src>
import jax
import jax.numpy as jnp
from jax import lax
from jax.experimental import pallas as pl
from jax.experimental.pallas import tpu as pltpu
from jax.experimental.pallas import tpu_sc as plsc

NC = 2
NS = 16
L = 16
NW = NC * NS

B = 16384
D = 16
S = 8
E = B // NW
C = 16
CA = 32
NCH = E // C
R = 512


def _build_fx(u_v, v_v, fxu, fxv, loc, iota, cw=C):
    for blk in range(cw // L):
        ucv = u_v[pl.ds(loc + blk * L, L)]
        vcv = v_v[pl.ds(loc + blk * L, L)]
        for src, fx in ((ucv, fxu), (vcv, fxv)):
            for j in range(L // 2):
                e0, e1 = 2 * j, 2 * j + 1
                p0 = src.at[jnp.full((L,), e0, jnp.int32)].get(
                    mode="promise_in_bounds")
                p1 = src.at[jnp.full((L,), e1, jnp.int32)].get(
                    mode="promise_in_bounds")
                fx[pl.ds((blk * L + j * 2) * S, L)] = jnp.where(
                    iota < S, p0 * S + iota, p1 * S + (iota - S))


def _sc_body_a(u_hbm, v_hbm,
               usr_hbm, item_hbm, rel_hbm,
               nuu_f, nui_f, niu_f, nii_f, nir_f,
               uu_out, ui_out, iu_out, ii_out, ir_out,
               uself_out, vself_out,
               u_v, v_v, fxu, fxv,
               iuu, iui, iiu, iii, iir,
               uself_v, vself_v,
               ruu, rui, riu, rii, rir,
               sem1, sem2, semo):
    wid = lax.axis_index("s") * NC + lax.axis_index("c")
    base = pl.multiple_of(wid * E, E)
    iota = lax.iota(jnp.int32, L)

    pltpu.sync_copy(u_hbm.at[pl.ds(base, E)], u_v)
    pltpu.sync_copy(v_hbm.at[pl.ds(base, E)], v_v)

    def chunk_body(c, _):
        loc = pl.multiple_of(c * CA, CA)
        off = pl.multiple_of(base + c * CA, CA)
        uc = u_v.at[pl.ds(loc, CA)]
        vc = v_v.at[pl.ds(loc, CA)]
        _build_fx(u_v, v_v, fxu, fxv, loc, iota, cw=CA)

        l1 = [
            (nuu_f, fxu, iuu), (nui_f, fxu, iui),
            (niu_f, fxv, iiu), (nii_f, fxv, iii), (nir_f, fxv, iir),
        ]
        for tab, fx, dst in l1:
            pltpu.async_copy(tab.at[fx], dst, sem1)
        pltpu.async_copy(usr_hbm.at[uc], uself_v, sem1)
        pltpu.async_copy(item_hbm.at[vc], vself_v, sem1)
        for tab, fx, dst in l1:
            pltpu.make_async_copy(tab.at[fx], dst, sem1).wait()
        pltpu.make_async_copy(usr_hbm.at[uc], uself_v, sem1).wait()
        pltpu.make_async_copy(item_hbm.at[vc], vself_v, sem1).wait()

        row8 = pl.multiple_of(off * S, CA * S)
        pltpu.async_copy(uself_v, uself_out.at[pl.ds(off, CA)], semo)
        pltpu.async_copy(vself_v, vself_out.at[pl.ds(off, CA)], semo)

        l2 = [
            (usr_hbm, iuu, ruu, uu_out), (item_hbm, iui, rui, ui_out),
            (usr_hbm, iiu, riu, iu_out), (item_hbm, iii, rii, ii_out),
            (rel_hbm, iir, rir, ir_out),
        ]
        for tab, fx, dst, _o in l2:
            pltpu.async_copy(tab.at[fx], dst, sem2)
        for tab, fx, dst, _o in l2:
            pltpu.make_async_copy(tab.at[fx], dst, sem2).wait()

        for _t, _f, dst, out in l2:
            pltpu.async_copy(dst, out.at[pl.ds(row8, CA * S)], semo)

        pltpu.make_async_copy(uself_v, uself_out.at[pl.ds(off, CA)],
                              semo).wait()
        pltpu.make_async_copy(vself_v, vself_out.at[pl.ds(off, CA)],
                              semo).wait()
        for _t, _f, dst, out in l2:
            pltpu.make_async_copy(dst, out.at[pl.ds(row8, CA * S)],
                                  semo).wait()
        return 0

    lax.fori_loop(0, E // CA, chunk_body, 0, unroll=False)


def _sc_body_b(u_hbm, v_hbm,
               st_f, ratui_f, votui_f, timui_f,
               ratiu_f, votiu_f, timiu_f,
               st_out, ratui_out, votui_out, timui_out,
               ratiu_out, votiu_out, timiu_out,
               u_v, v_v, fxu, fxv,
               est, eratui, evotui, etimui, eratiu, evotiu, etimiu,
               sem1, semo):
    wid = lax.axis_index("s") * NC + lax.axis_index("c")
    base = pl.multiple_of(wid * E, E)
    iota = lax.iota(jnp.int32, L)

    pltpu.sync_copy(u_hbm.at[pl.ds(base, E)], u_v)
    pltpu.sync_copy(v_hbm.at[pl.ds(base, E)], v_v)

    def chunk_body(c, _):
        loc = pl.multiple_of(c * C, C)
        off = pl.multiple_of(base + c * C, C)
        _build_fx(u_v, v_v, fxu, fxv, loc, iota)

        l1 = [
            (st_f, fxu, est),
            (ratui_f, fxu, eratui), (votui_f, fxu, evotui),
            (timui_f, fxu, etimui),
            (ratiu_f, fxv, eratiu), (votiu_f, fxv, evotiu),
            (timiu_f, fxv, etimiu),
        ]
        for tab, fx, dst in l1:
            pltpu.async_copy(tab.at[fx], dst, sem1)
        for tab, fx, dst in l1:
            pltpu.make_async_copy(tab.at[fx], dst, sem1).wait()

        row8 = pl.multiple_of(off * S, C * S)
        outs = [
            (est, st_out), (eratui, ratui_out), (evotui, votui_out),
            (etimui, timui_out), (eratiu, ratiu_out), (evotiu, votiu_out),
            (etimiu, timiu_out),
        ]
        for src, dst in outs:
            pltpu.async_copy(src, dst.at[pl.ds(row8, C * S)], semo)
        for src, dst in outs:
            pltpu.make_async_copy(src, dst.at[pl.ds(row8, C * S)],
                                  semo).wait()
        return 0

    lax.fori_loop(0, NCH, chunk_body, 0, unroll=False)


def _sc_gather_a(u, v, usr_feat, item_feat, rel_feat,
                 nuu, nui, niu, nii, nir):
    f32, i32 = jnp.float32, jnp.int32
    row = lambda n: jax.ShapeDtypeStruct((n, D), f32)
    kfn = pl.kernel(
        _sc_body_a,
        out_type=[row(B * S), row(B * S), row(B * S), row(B * S), row(B * S),
                  row(B), row(B)],
        mesh=plsc.VectorSubcoreMesh(core_axis_name="c", subcore_axis_name="s"),
        compiler_params=pltpu.CompilerParams(use_tc_tiling_on_sc=False),
        scratch_types=(
            [pltpu.VMEM((E,), i32) for _ in range(2)]
            + [pltpu.VMEM((CA * S,), i32) for _ in range(2)]
            + [pltpu.VMEM((CA * S,), i32) for _ in range(5)]
            + [pltpu.VMEM((CA, D), f32) for _ in range(2)]
            + [pltpu.VMEM((CA * S, D), f32) for _ in range(5)]
            + [pltpu.SemaphoreType.DMA for _ in range(3)]
        ),
    )
    return kfn(u, v, usr_feat, item_feat, rel_feat, nuu, nui, niu, nii, nir)


def _sc_gather_b(u, v, st, ratui, votui, timui, ratiu, votiu, timiu):
    f32, i32 = jnp.float32, jnp.int32
    fl = lambda: jax.ShapeDtypeStruct((B * S,), f32)
    kfn = pl.kernel(
        _sc_body_b,
        out_type=[fl(), fl(), fl(), fl(), fl(), fl(), fl()],
        mesh=plsc.VectorSubcoreMesh(core_axis_name="c", subcore_axis_name="s"),
        compiler_params=pltpu.CompilerParams(use_tc_tiling_on_sc=False),
        scratch_types=(
            [pltpu.VMEM((E,), i32) for _ in range(2)]
            + [pltpu.VMEM((C * S,), i32) for _ in range(2)]
            + [pltpu.VMEM((C * S,), f32) for _ in range(7)]
            + [pltpu.SemaphoreType.DMA for _ in range(2)]
        ),
    )
    return kfn(u, v, st, ratui, votui, timui, ratiu, votiu, timiu)


def _tc_body(uu_ref, ui_ref, iu_ref, ii_ref, ir_ref,
             uself_ref, vself_ref,
             st_ref, ratui_ref, votui_ref, timui_ref,
             ratiu_ref, votiu_ref, timiu_ref,
             wu_ref, bu_ref, wv_ref, bv_ref,
             out_ref):
    uself = uself_ref[...]
    vself = vself_ref[...]

    def wsum(w, rows_ref):
        rows = rows_ref[...]
        acc = w[:, 0:1] * rows[:, 0:D]
        for s in range(1, S):
            acc = acc + w[:, s:s + 1] * rows[:, s * D:(s + 1) * D]
        return acc

    def softmax8(z):
        m = jnp.max(z, axis=1, keepdims=True)
        e = jnp.exp(z - m)
        return e / jnp.sum(e, axis=1, keepdims=True)

    st = jax.nn.sigmoid(st_ref[...])
    uu_agg = wsum(st, uu_ref) * (1.0 / S)
    z_ui = ratui_ref[...] * votui_ref[...] + timui_ref[...]
    ui_agg = wsum(softmax8(z_ui), ui_ref)
    u_vec = jnp.tanh(
        jnp.dot(uself + uu_agg + ui_agg, wu_ref[...],
                preferred_element_type=jnp.float32) + bu_ref[...])

    z_iu = ratiu_ref[...] * votiu_ref[...] + timiu_ref[...]
    iu_agg = wsum(softmax8(z_iu), iu_ref)
    ir = ir_ref[...]
    pi = jnp.concatenate(
        [jnp.sum(ir[:, s * D:(s + 1) * D] * uself, axis=1, keepdims=True)
         for s in range(S)], axis=1)
    ii_agg = wsum(softmax8(pi), ii_ref)
    v_vec = jnp.tanh(
        jnp.dot(vself + iu_agg + ii_agg, wv_ref[...],
                preferred_element_type=jnp.float32) + bv_ref[...])

    sdot = jnp.sum(u_vec * v_vec, axis=1)
    out_ref[...] = 5.0 / (1.0 + jnp.exp(-sdot))


def _tc_math(uu, ui, iu, ii, ir, uself, vself,
             st, ratui, votui, timui, ratiu, votiu, timiu,
             W_u, b_u, W_v, b_v):
    n = B // R
    bs_r = lambda w: pl.BlockSpec((R, w), lambda i: (i, 0))
    bs_w = pl.BlockSpec((D, D), lambda i: (0, 0))
    bs_b = pl.BlockSpec((1, D), lambda i: (0, 0))
    return pl.pallas_call(
        _tc_body,
        grid=(n,),
        in_specs=[bs_r(S * D), bs_r(S * D), bs_r(S * D), bs_r(S * D),
                  bs_r(S * D),
                  bs_r(D), bs_r(D),
                  bs_r(S), bs_r(S), bs_r(S), bs_r(S),
                  bs_r(S), bs_r(S), bs_r(S),
                  bs_w, bs_b, bs_w, bs_b],
        out_specs=pl.BlockSpec((R,), lambda i: (i,)),
        out_shape=jax.ShapeDtypeStruct((B,), jnp.float32),
    )(uu, ui, iu, ii, ir, uself, vself,
      st, ratui, votui, timui, ratiu, votiu, timiu,
      W_u, b_u.reshape(1, D), W_v, b_v.reshape(1, D))


def kernel(u, v, usr_feat, item_feat, rel_feat,
           neigh_uu, neigh_uu_st, neigh_ui, neigh_ui_rat, neigh_ui_vot,
           neigh_ui_tim, neigh_iu, neigh_iu_rat, neigh_iu_vot, neigh_iu_tim,
           neigh_ii, neigh_ir, W_u, b_u, W_v, b_v):
    i32 = jnp.int32
    flat = lambda t: t.reshape(-1)
    flati = lambda t: t.astype(i32).reshape(-1)
    ui32 = u.astype(i32)
    vi32 = v.astype(i32)
    (uu, ui, iu, ii, ir, uself, vself) = _sc_gather_a(
        ui32, vi32, usr_feat, item_feat, rel_feat,
        flati(neigh_uu), flati(neigh_ui), flati(neigh_iu),
        flati(neigh_ii), flati(neigh_ir))
    (st, ratui, votui, timui, ratiu, votiu, timiu) = _sc_gather_b(
        ui32, vi32,
        flat(neigh_uu_st), flat(neigh_ui_rat), flat(neigh_ui_vot),
        flat(neigh_ui_tim), flat(neigh_iu_rat), flat(neigh_iu_vot),
        flat(neigh_iu_tim))
    wide = lambda t: t.reshape(B, S * D)
    nar = lambda t: t.reshape(B, S)
    return _tc_math(
        wide(uu), wide(ui), wide(iu), wide(ii), wide(ir),
        uself, vself,
        nar(st), nar(ratui), nar(votui), nar(timui),
        nar(ratiu), nar(votiu), nar(timiu),
        W_u, b_u.reshape(1, D), W_v, b_v.reshape(1, D))

# --- scband reference (transcript-rebuilt; emitter-appended) ---
"""Pipeline reference for scband-sestkgcn-77103252897976 (READ-ONLY COPY).

The authoritative reference and input builder live on the scoring server;
editing this copy changes nothing except your own understanding.
"""

import jax, jax.numpy as jnp
import numpy as np

N_USER = 100000
N_ITEM = 100000
N_REL = 32
DIM = 16
B = 16384
S_UU = 8
S_UI = 8
S_IU = 8
S_II = 8


def setup_inputs(seed: int = 0) -> dict:
    key = jax.random.key(seed)
    ks = jax.random.split(key, 24)
    inp = {}
    inp["u"] = jax.random.randint(ks[0], (B,), 0, N_USER)
    inp["v"] = jax.random.randint(ks[1], (B,), 0, N_ITEM)
    # learned embedding tables (init std=0.8 as in the torch module)
    inp["usr_feat"] = jax.random.normal(ks[2], (N_USER, DIM), dtype=jnp.float32) * 0.8
    inp["item_feat"] = jax.random.normal(ks[3], (N_ITEM, DIM), dtype=jnp.float32) * 0.8
    inp["rel_feat"] = jax.random.normal(ks[4], (N_REL, DIM), dtype=jnp.float32) * 0.8
    # precomputed sampled-neighbor tables (built in __init__ in the torch module)
    inp["neigh_uu"] = jax.random.randint(ks[5], (N_USER, S_UU), 0, N_USER)
    inp["neigh_uu_st"] = jax.random.uniform(ks[6], (N_USER, S_UU), dtype=jnp.float32)
    inp["neigh_ui"] = jax.random.randint(ks[7], (N_USER, S_UI), 0, N_ITEM)
    inp["neigh_ui_rat"] = jax.random.uniform(ks[8], (N_USER, S_UI), dtype=jnp.float32, minval=0.0, maxval=5.0)
    inp["neigh_ui_vot"] = jax.random.uniform(ks[9], (N_USER, S_UI), dtype=jnp.float32)
    inp["neigh_ui_tim"] = jax.random.uniform(ks[10], (N_USER, S_UI), dtype=jnp.float32)
    inp["neigh_iu"] = jax.random.randint(ks[11], (N_ITEM, S_IU), 0, N_USER)
    inp["neigh_iu_rat"] = jax.random.uniform(ks[12], (N_ITEM, S_IU), dtype=jnp.float32, minval=0.0, maxval=5.0)
    inp["neigh_iu_vot"] = jax.random.uniform(ks[13], (N_ITEM, S_IU), dtype=jnp.float32)
    inp["neigh_iu_tim"] = jax.random.uniform(ks[14], (N_ITEM, S_IU), dtype=jnp.float32)
    inp["neigh_ii"] = jax.random.randint(ks[15], (N_ITEM, S_II), 0, N_ITEM)
    inp["neigh_ir"] = jax.random.randint(ks[16], (N_ITEM, S_II), 0, N_REL)
    # aggregator weights (one layer, n_layers=1)
    inp["W_u"] = jax.random.normal(ks[17], (DIM, DIM), dtype=jnp.float32) * (1.0 / np.sqrt(DIM))
    inp["b_u"] = jnp.zeros((DIM,), dtype=jnp.float32)
    inp["W_v"] = jax.random.normal(ks[18], (DIM, DIM), dtype=jnp.float32) * (1.0 / np.sqrt(DIM))
    inp["b_v"] = jnp.zeros((DIM,), dtype=jnp.float32)
    return inp


def reference(u, v, usr_feat, item_feat, rel_feat,
              neigh_uu, neigh_uu_st,
              neigh_ui, neigh_ui_rat, neigh_ui_vot, neigh_ui_tim,
              neigh_iu, neigh_iu_rat, neigh_iu_vot, neigh_iu_tim,
              neigh_ii, neigh_ir,
              W_u, b_u, W_v, b_v):
    max_rating = 5.0
    # ---- user side aggregation (social graph + consumed items) ----
    u_self = usr_feat[u]                                   # [B, d] gather
    uu = usr_feat[neigh_uu[u]]                             # [B, S, d] two-level gather
    st = jax.nn.sigmoid(neigh_uu_st[u])[..., None]          # social strength gate
    uu_agg = jnp.mean(uu * st, axis=1)
    ui = item_feat[neigh_ui[u]]                            # [B, S, d]
    w_ui = jax.nn.softmax(neigh_ui_rat[u] * neigh_ui_vot[u] + neigh_ui_tim[u], axis=1)[..., None]
    ui_agg = jnp.sum(ui * w_ui, axis=1)
    u_vec = jnp.tanh((u_self + uu_agg + ui_agg) @ W_u + b_u)
    # ---- item side aggregation (interacting users + KG neighbors) ----
    v_self = item_feat[v]                                  # [B, d]
    iu = usr_feat[neigh_iu[v]]                             # [B, S, d]
    w_iu = jax.nn.softmax(neigh_iu_rat[v] * neigh_iu_vot[v] + neigh_iu_tim[v], axis=1)[..., None]
    iu_agg = jnp.sum(iu * w_iu, axis=1)
    ii = item_feat[neigh_ii[v]]                            # [B, S, d]
    ir = rel_feat[neigh_ir[v]]                             # [B, S, d]
    pi = jnp.sum(ir * u_self[:, None, :], axis=-1)          # user-relation attention (KGCN)
    a = jax.nn.softmax(pi, axis=1)[..., None]
    ii_agg = jnp.sum(ii * a, axis=1)
    v_vec = jnp.tanh((v_self + iu_agg + ii_agg) @ W_v + b_v)
    # ---- rating prediction ----
    scores = jax.nn.sigmoid(jnp.sum(u_vec * v_vec, axis=-1)) * max_rating
    return scores

if __name__ == "__main__":
    import jax
    _d = setup_inputs()
    print(jax.jit(kernel)(*tuple(_d.values())))

</pallas_src>

<mosaic_0001>
#map = affine_map<(d0, d1) -> (0)>
#map1 = affine_map<(d0, d1) -> (0, 0)>
module attributes {stable_mosaic.version = 14 : i64} {
  func.func @_sc_body_a(%arg0: i32, %arg1: i32, %arg2: memref<16384xi32, #tpu.memory_space<hbm>>, %arg3: memref<16384xi32, #tpu.memory_space<hbm>>, %arg4: memref<100000x16xf32, #tpu.memory_space<hbm>>, %arg5: memref<100000x16xf32, #tpu.memory_space<hbm>>, %arg6: memref<32x16xf32, #tpu.memory_space<hbm>>, %arg7: memref<800000xi32, #tpu.memory_space<hbm>>, %arg8: memref<800000xi32, #tpu.memory_space<hbm>>, %arg9: memref<800000xi32, #tpu.memory_space<hbm>>, %arg10: memref<800000xi32, #tpu.memory_space<hbm>>, %arg11: memref<800000xi32, #tpu.memory_space<hbm>>, %arg12: memref<131072x16xf32, #tpu.memory_space<hbm>>, %arg13: memref<131072x16xf32, #tpu.memory_space<hbm>>, %arg14: memref<131072x16xf32, #tpu.memory_space<hbm>>, %arg15: memref<131072x16xf32, #tpu.memory_space<hbm>>, %arg16: memref<131072x16xf32, #tpu.memory_space<hbm>>, %arg17: memref<16384x16xf32, #tpu.memory_space<hbm>>, %arg18: memref<16384x16xf32, #tpu.memory_space<hbm>>, %arg19: memref<512xi32, #tpu.memory_space<vmem>>, %arg20: memref<512xi32, #tpu.memory_space<vmem>>, %arg21: memref<256xi32, #tpu.memory_space<vmem>>, %arg22: memref<256xi32, #tpu.memory_space<vmem>>, %arg23: memref<256xi32, #tpu.memory_space<vmem>>, %arg24: memref<256xi32, #tpu.memory_space<vmem>>, %arg25: memref<256xi32, #tpu.memory_space<vmem>>, %arg26: memref<256xi32, #tpu.memory_space<vmem>>, %arg27: memref<256xi32, #tpu.memory_space<vmem>>, %arg28: memref<32x16xf32, #tpu.memory_space<vmem>>, %arg29: memref<32x16xf32, #tpu.memory_space<vmem>>, %arg30: memref<256x16xf32, #tpu.memory_space<vmem>>, %arg31: memref<256x16xf32, #tpu.memory_space<vmem>>, %arg32: memref<256x16xf32, #tpu.memory_space<vmem>>, %arg33: memref<256x16xf32, #tpu.memory_space<vmem>>, %arg34: memref<256x16xf32, #tpu.memory_space<vmem>>, %arg35: memref<!tpu.dma_semaphore, #tpu.memory_space<semaphore_mem>>, %arg36: memref<!tpu.dma_semaphore, #tpu.memory_space<semaphore_mem>>, %arg37: memref<!tpu.dma_semaphore, #tpu.memory_space<semaphore_mem>>) attributes {dimension_semantics = [#tpu.dimension_semantics<core_parallel>, #tpu.dimension_semantics<subcore_parallel>], iteration_bounds = array<i64: 2, 16>, scalar_prefetch = 0 : i64, scratch_operands = 19 : i64, tpu.core_type = #tpu.core_type<sc_vector_subcore>, window_params = [{transform_indices = #map}, {transform_indices = #map}, {transform_indices = #map1}, {transform_indices = #map1}, {transform_indices = #map1}, {transform_indices = #map}, {transform_indices = #map}, {transform_indices = #map}, {transform_indices = #map}, {transform_indices = #map}, {transform_indices = #map1}, {transform_indices = #map1}, {transform_indices = #map1}, {transform_indices = #map1}, {transform_indices = #map1}, {transform_indices = #map1}, {transform_indices = #map1}]} {
    %mul3A = arith.constant 2 : i32
    %mul3A_0 = arith.muli %arg1, %mul3A : i32
    %add3A = arith.addi %mul3A_0, %arg0 : i32
    %mul3A_1 = arith.constant 512 : i32
    %mul3A_2 = arith.muli %add3A, %mul3A_1 : i32
    %multiple_of3A = tpu.assume_multiple %mul3A_2, 512 : i32
    %iota3A = tpu.iota {dimensions = array<i32: 0>} : vector<16xi32>
    "tpu.region"() ({
      %run_scoped3A = tpu.sem_alloc : memref<!tpu.dma_semaphore, #tpu.memory_space<semaphore_mem>>
      %dma_start3A = tpu.memref_slice %arg2[%multiple_of3A] : memref<16384xi32, #tpu.memory_space<hbm>> -> memref<512xi32, #tpu.memory_space<hbm>>
      %dma_start3A_9 = tpu.memref_slice %arg2[%multiple_of3A] : memref<16384xi32, #tpu.memory_space<hbm>> -> memref<512xi32, #tpu.memory_space<hbm>>
      tpu.enqueue_dma source(%dma_start3A_9 : memref<512xi32, #tpu.memory_space<hbm>>) target(%arg19 : memref<512xi32, #tpu.memory_space<vmem>>) target_semaphore(%run_scoped3A : memref<!tpu.dma_semaphore, #tpu.memory_space<semaphore_mem>>)
      %dma_wait3A = tpu.memref_slice %arg2[%multiple_of3A] : memref<16384xi32, #tpu.memory_space<hbm>> -> memref<512xi32, #tpu.memory_space<hbm>>
      %dma_wait3A_10 = tpu.memref_slice %arg2[%multiple_of3A] : memref<16384xi32, #tpu.memory_space<hbm>> -> memref<512xi32, #tpu.memory_space<hbm>>
      tpu.wait_dma2 semaphore(%run_scoped3A : memref<!tpu.dma_semaphore, #tpu.memory_space<semaphore_mem>>) src(%dma_wait3A_10 : memref<512xi32, #tpu.memory_space<hbm>>) dst(%arg19 : memref<512xi32, #tpu.memory_space<vmem>>)
      tpu.yield
    }) : () -> ()
    "tpu.region"() ({
      %run_scoped3A = tpu.sem_alloc : memref<!tpu.dma_semaphore, #tpu.memory_space<semaphore_mem>>
      %dma_start3A = tpu.memref_slice %arg3[%multiple_of3A] : memref<16384xi32, #tpu.memory_space<hbm>> -> memref<512xi32, #tpu.memory_space<hbm>>
      %dma_start3A_9 = tpu.memref_slice %arg3[%multiple_of3A] : memref<16384xi32, #tpu.memory_space<hbm>> -> memref<512xi32, #tpu.memory_space<hbm>>
      tpu.enqueue_dma source(%dma_start3A_9 : memref<512xi32, #tpu.memory_space<hbm>>) target(%arg20 : memref<512xi32, #tpu.memory_space<vmem>>) target_semaphore(%run_scoped3A : memref<!tpu.dma_semaphore, #tpu.memory_space<semaphore_mem>>)
      %dma_wait3A = tpu.memref_slice %arg3[%multiple_of3A] : memref<16384xi32, #tpu.memory_space<hbm>> -> memref<512xi32, #tpu.memory_space<hbm>>
      %dma_wait3A_10 = tpu.memref_slice %arg3[%multiple_of3A] : memref<16384xi32, #tpu.memory_space<hbm>> -> memref<512xi32, #tpu.memory_space<hbm>>
      tpu.wait_dma2 semaphore(%run_scoped3A : memref<!tpu.dma_semaphore, #tpu.memory_space<semaphore_mem>>) src(%dma_wait3A_10 : memref<512xi32, #tpu.memory_space<hbm>>) dst(%arg20 : memref<512xi32, #tpu.memory_space<vmem>>)
      tpu.yield
    }) : () -> ()
    %scan3A = arith.constant 0 : i32
    %scan3A_3 = arith.constant 0 : i32
    %scan3A_4 = arith.constant 16 : i32
    %scan3A_5 = arith.addi %scan3A_3, %scan3A_4 : i32
    %scan3A_6 = arith.constant 1 : i32
    %scan3A_7 = scf.for %scan3A_9 = %scan3A_3 to %scan3A_5 step %scan3A_6 iter_args(%scan3A_10 = %scan3A) -> (i32)  : i32 {
      %mul3A_11 = arith.constant 32 : i32
      %mul3A_12 = arith.muli %scan3A_9, %mul3A_11 : i32
      %multiple_of3A_13 = tpu.assume_multiple %mul3A_12, 32 : i32
      %mul3A_14 = arith.constant 32 : i32
      %mul3A_15 = arith.muli %scan3A_9, %mul3A_14 : i32
      %add3A_16 = arith.addi %multiple_of3A, %mul3A_15 : i32
      %multiple_of3A_17 = tpu.assume_multiple %add3A_16, 32 : i32
      %add3A_18 = arith.constant 0 : i32
      %add3A_19 = arith.addi %multiple_of3A_13, %add3A_18 : i32
      %get3A = arith.index_cast %add3A_19 : i32 to index
      %get3A_20 = tpu.vector_load %arg19[%get3A] {strides = array<i32>} : memref<512xi32, #tpu.memory_space<vmem>>, vector<16xi32>,
      %get3A_21 = vector.shape_cast %get3A_20 : vector<16xi32> to vector<16xi32>
      %add3A_22 = arith.constant 0 : i32
      %add3A_23 = arith.addi %multiple_of3A_13, %add3A_22 : i32
      %get3A_24 = arith.index_cast %add3A_23 : i32 to index
      %get3A_25 = tpu.vector_load %arg20[%get3A_24] {strides = array<i32>} : memref<512xi32, #tpu.memory_space<vmem>>, vector<16xi32>,
      %get3A_26 = vector.shape_cast %get3A_25 : vector<16xi32> to vector<16xi32>
      %broadcast_in_dim3A = arith.constant 0 : i32
      %broadcast_in_dim3A_27 = vector.broadcast %broadcast_in_dim3A : i32 to vector<16xi32>
      %lt3A = arith.constant 0 : i32
      %lt3A_28 = vector.broadcast %lt3A : i32 to vector<16xi32>
      %lt3A_29 = arith.cmpi slt, %broadcast_in_dim3A_27, %lt3A_28 : vector<16xi32>
      %add3A_30 = arith.constant 16 : i32
      %add3A_31 = vector.broadcast %add3A_30 : i32 to vector<16xi32>
      %add3A_32 = arith.addi %broadcast_in_dim3A_27, %add3A_31 : vector<16xi32>
      %select_n3A = arith.select %lt3A_29, %add3A_32, %broadcast_in_dim3A_27 : vector<16xi1>, vector<16xi32>
      %broadcast_in_dim3A_33 = vector.shape_cast %select_n3A : vector<16xi32> to vector<16x1xi32>
      %gather3A = vector.shape_cast %broadcast_in_dim3A_33 : vector<16x1xi32> to vector<16xi32>
      %gather3A_34 = tpu.dynamic_gather %get3A_21[%gather3A] in [0] : vector<16xi32>, vector<16xi32> -> vector<16xi32>
      %broadcast_in_dim3A_35 = arith.constant 1 : i32
      %broadcast_in_dim3A_36 = vector.broadcast %broadcast_in_dim3A_35 : i32 to vector<16xi32>
      %lt3A_37 = arith.constant 0 : i32
      %lt3A_38 = vector.broadcast %lt3A_37 : i32 to vector<16xi32>
      %lt3A_39 = arith.cmpi slt, %broadcast_in_dim3A_36, %lt3A_38 : vector<16xi32>
      %add3A_40 = arith.constant 16 : i32
      %add3A_41 = vector.broadcast %add3A_40 : i32 to vector<16xi32>
      %add3A_42 = arith.addi %broadcast_in_dim3A_36, %add3A_41 : vector<16xi32>
      %select_n3A_43 = arith.select %lt3A_39, %add3A_42, %broadcast_in_dim3A_36 : vector<16xi1>, vector<16xi32>
      %broadcast_in_dim3A_44 = vector.shape_cast %select_n3A_43 : vector<16xi32> to vector<16x1xi32>
      %gather3A_45 = vector.shape_cast %broadcast_in_dim3A_44 : vector<16x1xi32> to vector<16xi32>
      %gather3A_46 = tpu.dynamic_gather %get3A_21[%gather3A_45] in [0] : vector<16xi32>, vector<16xi32> -> vector<16xi32>
      %lt3A_47 = arith.constant 8 : i32
      %lt3A_48 = vector.broadcast %lt3A_47 : i32 to vector<16xi32>
      %lt3A_49 = arith.cmpi slt, %iota3A, %lt3A_48 : vector<16xi32>
      %mul3A_50 = arith.constant 8 : i32
      %mul3A_51 = vector.broadcast %mul3A_50 : i32 to vector<16xi32>
      %mul3A_52 = arith.muli %gather3A_34, %mul3A_51 : vector<16xi32>
      %add3A_53 = arith.addi %mul3A_52, %iota3A : vector<16xi32>
      %mul3A_54 = arith.constant 8 : i32
      %mul3A_55 = vector.broadcast %mul3A_54 : i32 to vector<16xi32>
      %mul3A_56 = arith.muli %gather3A_46, %mul3A_55 : vector<16xi32>
      %sub3A = arith.constant 8 : i32
      %sub3A_57 = vector.broadcast %sub3A : i32 to vector<16xi32>
      %sub3A_58 = arith.subi %iota3A, %sub3A_57 : vector<16xi32>
      %add3A_59 = arith.addi %mul3A_56, %sub3A_58 : vector<16xi32>
      %select_n3A_60 = arith.select %lt3A_49, %add3A_53, %add3A_59 : vector<16xi1>, vector<16xi32>
      %swap3A = arith.constant 0 : index
      %swap3A_61 = tpu.vector_load %arg21[%swap3A] {strides = array<i32>} : memref<256xi32, #tpu.memory_space<vmem>>, vector<16xi32>,
      %swap3A_62 = vector.shape_cast %swap3A_61 : vector<16xi32> to vector<16xi32>
      %swap3A_63 = vector.shape_cast %select_n3A_60 : vector<16xi32> to vector<16xi32>
      tpu.vector_store %arg21[%swap3A], %swap3A_63 {strides = array<i32>} : memref<256xi32, #tpu.memory_space<vmem>>, vector<16xi32>,
      %broadcast_in_dim3A_64 = arith.constant 2 : i32
      %broadcast_in_dim3A_65 = vector.broadcast %broadcast_in_dim3A_64 : i32 to vector<16xi32>
      %lt3A_66 = arith.constant 0 : i32
      %lt3A_67 = vector.broadcast %lt3A_66 : i32 to vector<16xi32>
      %lt3A_68 = arith.cmpi slt, %broadcast_in_dim3A_65, %lt3A_67 : vector<16xi32>
      %add3A_69 = arith.constant 16 : i32
      %add3A_70 = vector.broadcast %add3A_69 : i32 to vector<16xi32>
      %add3A_71 = arith.addi %broadcast_in_dim3A_65, %add3A_70 : vector<16xi32>
      %select_n3A_72 = arith.select %lt3A_68, %add3A_71, %broadcast_in_dim3A_65 : vector<16xi1>, vector<16xi32>
      %broadcast_in_dim3A_73 = vector.shape_cast %select_n3A_72 : vector<16xi32> to vector<16x1xi32>
      %gather3A_74 = vector.shape_cast %broadcast_in_dim3A_73 : vector<16x1xi32> to vector<16xi32>
      %gather3A_75 = tpu.dynamic_gather %get3A_21[%gather3A_74] in [0] : vector<16xi32>, vector<16xi32> -> vector<16xi32>
      %broadcast_in_dim3A_76 = arith.constant 3 : i32
      %broadcast_in_dim3A_77 = vector.broadcast %broadcast_in_dim3A_76 : i32 to vector<16xi32>
      %lt3A_78 = arith.constant 0 : i32
      %lt3A_79 = vector.broadcast %lt3A_78 : i32 to vector<16xi32>
      %lt3A_80 = arith.cmpi slt, %broadcast_in_dim3A_77, %lt3A_79 : vector<16xi32>
      %add3A_81 = arith.constant 16 : i32
      %add3A_82 = vector.broadcast %add3A_81 : i32 to vector<16xi32>
      %add3A_83 = arith.addi %broadcast_in_dim3A_77, %add3A_82 : vector<16xi32>
      %select_n3A_84 = arith.select %lt3A_80, %add3A_83, %broadcast_in_dim3A_77 : vector<16xi1>, vector<16xi32>
      %broadcast_in_dim3A_85 = vector.shape_cast %select_n3A_84 : vector<16xi32> to vector<16x1xi32>
      %gather3A_86 = vector.shape_cast %broadcast_in_dim3A_85 : vector<16x1xi32> to vector<16xi32>
      %gather3A_87 = tpu.dynamic_gather %get3A_21[%gather3A_86] in [0] : vector<16xi32>, vector<16xi32> -> vector<16xi32>
      %lt3A_88 = arith.constant 8 : i32
      %lt3A_89 = vector.broadcast %lt3A_88 : i32 to vector<16xi32>
      %lt3A_90 = arith.cmpi slt, %iota3A, %lt3A_89 : vector<16xi32>
      %mul3A_91 = arith.constant 8 : i32
      %mul3A_92 = vector.broadcast %mul3A_91 : i32 to vector<16xi32>
      %mul3A_93 = arith.muli %gather3A_75, %mul3A_92 : vector<16xi32>
      %add3A_94 = arith.addi %mul3A_93, %iota3A : vector<16xi32>
      %mul3A_95 = arith.constant 8 : i32
      %mul3A_96 = vector.broadcast %mul3A_95 : i32 to vector<16xi32>
      %mul3A_97 = arith.muli %gather3A_87, %mul3A_96 : vector<16xi32>
      %sub3A_98 = arith.constant 8 : i32
      %sub3A_99 = vector.broadcast %sub3A_98 : i32 to vector<16xi32>
      %sub3A_100 = arith.subi %iota3A, %sub3A_99 : vector<16xi32>
      %add3A_101 = arith.addi %mul3A_97, %sub3A_100 : vector<16xi32>
      %select_n3A_102 = arith.select %lt3A_90, %add3A_94, %add3A_101 : vector<16xi1>, vector<16xi32>
      %swap3A_103 = arith.constant 16 : index
      %swap3A_104 = tpu.vector_load %arg21[%swap3A_103] {strides = array<i32>} : memref<256xi32, #tpu.memory_space<vmem>>, vector<16xi32>,
      %swap3A_105 = vector.shape_cast %swap3A_104 : vector<16xi32> to vector<16xi32>
      %swap3A_106 = vector.shape_cast %select_n3A_102 : vector<16xi32> to vector<16xi32>
      tpu.vector_store %arg21[%swap3A_103], %swap3A_106 {strides = array<i32>} : memref<256xi32, #tpu.memory_space<vmem>>, vector<16xi32>,
      %broadcast_in_dim3A_107 = arith.constant 4 : i32
      %broadcast_in_dim3A_108 = vector.broadcast %broadcast_in_dim3A_107 : i32 to vector<16xi32>
      %lt3A_109 = arith.constant 0 : i32
      %lt3A_110 = vector.broadcast %lt3A_109 : i32 to vector<16xi32>
      %lt3A_111 = arith.cmpi slt, %broadcast_in_dim3A_108, %lt3A_110 : vector<16xi32>
      %add3A_112 = arith.constant 16 : i32
      %add3A_113 = vector.broadcast %add3A_112 : i32 to vector<16xi32>
      %add3A_114 = arith.addi %broadcast_in_dim3A_108, %add3A_113 : vector<16xi32>
      %select_n3A_115 = arith.select %lt3A_111, %add3A_114, %broadcast_in_dim3A_108 : vector<16xi1>, vector<16xi32>
      %broadcast_in_dim3A_116 = vector.shape_cast %select_n3A_115 : vector<16xi32> to vector<16x1xi32>
      %gather3A_117 = vector.shape_cast %broadcast_in_dim3A_116 : vector<16x1xi32> to vector<16xi32>
      %gather3A_118 = tpu.dynamic_gather %get3A_21[%gather3A_117] in [0] : vector<16xi32>, vector<16xi32> -> vector<16xi32>
      %broadcast_in_dim3A_119 = arith.constant 5 : i32
      %broadcast_in_dim3A_120 = vector.broadcast %broadcast_in_dim3A_119 : i32 to vector<16xi32>
      %lt3A_121 = arith.constant 0 : i32
      %lt3A_122 = vector.broadcast %lt3A_121 : i32 to vector<16xi32>
      %lt3A_123 = arith.cmpi slt, %broadcast_in_dim3A_120, %lt3A_122 : vector<16xi32>
      %add3A_124 = arith.constant 16 : i32
      %add3A_125 = vector.broadcast %add3A_124 : i32 to vector<16xi32>
      %add3A_126 = arith.addi %broadcast_in_dim3A_120, %add3A_125 : vector<16xi32>
      %select_n3A_127 = arith.select %lt3A_123, %add3A_126, %broadcast_in_dim3A_120 : vector<16xi1>, vector<16xi32>
      %broadcast_in_dim3A_128 = vector.shape_cast %select_n3A_127 : vector<16xi32> to vector<16x1xi32>
      %gather3A_129 = vector.shape_cast %broadcast_in_dim3A_128 : vector<16x1xi32> to vector<16xi32>
      %gather3A_130 = tpu.dynamic_gather %get3A_21[%gather3A_129] in [0] : vector<16xi32>, vector<16xi32> -> vector<16xi32>
      %lt3A_131 = arith.constant 8 : i32
      %lt3A_132 = vector.broadcast %lt3A_131 : i32 to vector<16xi32>
      %lt3A_133 = arith.cmpi slt, %iota3A, %lt3A_132 : vector<16xi32>
      %mul3A_134 = arith.constant 8 : i32
      %mul3A_135 = vector.broadcast %mul3A_134 : i32 to vector<16xi32>
      %mul3A_136 = arith.muli %gather3A_118, %mul3A_135 : vector<16xi32>
      %add3A_137 = arith.addi %mul3A_136, %iota3A : vector<16xi32>
      %mul3A_138 = arith.constant 8 : i32
      %mul3A_139 = vector.broadcast %mul3A_138 : i32 to vector<16xi32>
      %mul3A_140 = arith.muli %gather3A_130, %mul3A_139 : vector<16xi32>
      %sub3A_141 = arith.constant 8 : i32
      %sub3A_142 = vector.broadcast %sub3A_141 : i32 to vector<16xi32>
      %sub3A_143 = arith.subi %iota3A, %sub3A_142 : vector<16xi32>
      %add3A_144 = arith.addi %mul3A_140, %sub3A_143 : vector<16xi32>
      %select_n3A_145 = arith.select %lt3A_133, %add3A_137, %add3A_144 : vector<16xi1>, vector<16xi32>
      %swap3A_146 = arith.constant 32 : index
      %swap3A_147 = tpu.vector_load %arg21[%swap3A_146] {strides = array<i32>} : memref<256xi32, #tpu.memory_space<vmem>>, vector<16xi32>,
      %swap3A_148 = vector.shape_cast %swap3A_147 : vector<16xi32> to vector<16xi32>
      %swap3A_149 = vector.shape_cast %select_n3A_145 : vector<16xi32> to vector<16xi32>
      tpu.vector_store %arg21[%swap3A_146], %swap3A_149 {strides = array<i32>} : memref<256xi32, #tpu.memory_space<vmem>>, vector<16xi32>,
      %broadcast_in_dim3A_150 = arith.constant 6 : i32
      %broadcast_in_dim3A_151 = vector.broadcast %broadcast_in_dim3A_150 : i32 to vector<16xi32>
      %lt3A_152 = arith.constant 0 : i32
      %lt3A_153 = vector.broadcast %lt3A_152 : i32 to vector<16xi32>
      %lt3A_154 = arith.cmpi slt, %broadcast_in_dim3A_151, %lt3A_153 : vector<16xi32>
      %add3A_155 = arith.constant 16 : i32
      %add3A_156 = vector.broadcast %add3A_155 : i32 to vector<16xi32>
      %add3A_157 = arith.addi %broadcast_in_dim3A_151, %add3A_156 : vector<16xi32>
      %select_n3A_158 = arith.select %lt3A_154, %add3A_157, %broadcast_in_dim3A_151 : vector<16xi1>, vector<16xi32>
      %broadcast_in_dim3A_159 = vector.shape_cast %select_n3A_158 : vector<16xi32> to vector<16x1xi32>
      %gather3A_160 = vector.shape_cast %broadcast_in_dim3A_159 : vector<16x1xi32> to vector<16xi32>
      %gather3A_161 = tpu.dynamic_gather %get3A_21[%gather3A_160] in [0] : vector<16xi32>, vector<16xi32> -> vector<16xi32>
      %broadcast_in_dim3A_162 = arith.constant 7 : i32
      %broadcast_in_dim3A_163 = vector.broadcast %broadcast_in_dim3A_162 : i32 to vector<16xi32>
      %lt3A_164 = arith.constant 0 : i32
      %lt3A_165 = vector.broadcast %lt3A_164 : i32 to vector<16xi32>
      %lt3A_166 = arith.cmpi slt, %broadcast_in_dim3A_163, %lt3A_165 : vector<16xi32>
      %add3A_167 = arith.constant 16 : i32
      %add3A_168 = vector.broadcast %add3A_167 : i32 to vector<16xi32>
      %add3A_169 = arith.addi %broadcast_in_dim3A_163, %add3A_168 : vector<16xi32>
      %select_n3A_170 = arith.select %lt3A_166, %add3A_169, %broadcast_in_dim3A_163 : vector<16xi1>, vector<16xi32>
      %broadcast_in_dim3A_171 = vector.shape_cast %select_n3A_170 : vector<16xi32> to vector<16x1xi32>
      %gather3A_172 = vector.shape_cast %broadcast_in_dim3A_171 : vector<16x1xi32> to vector<16xi32>
      %gather3A_173 = tpu.dynamic_gather %get3A_21[%gather3A_172] in [0] : vector<16xi32>, vector<16xi32> -> vector<16xi32>
      %lt3A_174 = arith.constant 8 : i32
      %lt3A_175 = vector.broadcast %lt3A_174 : i32 to vector<16xi32>
      %lt3A_176 = arith.cmpi slt, %iota3A, %lt3A_175 : vector<16xi32>
      %mul3A_177 = arith.constant 8 : i32
      %mul3A_178 = vector.broadcast %mul3A_177 : i32 to vector<16xi32>
      %mul3A_179 = arith.muli %gather3A_161, %mul3A_178 : vector<16xi32>
      %add3A_180 = arith.addi %mul3A_179, %iota3A : vector<16xi32>
      %mul3A_181 = arith.constant 8 : i32
      %mul3A_182 = vector.broadcast %mul3A_181 : i32 to vector<16xi32>
      %mul3A_183 = arith.muli %gather3A_173, %mul3A_182 : vector<16xi32>
      %sub3A_184 = arith.constant 8 : i32
      %sub3A_185 = vector.broadcast %sub3A_184 : i32 to vector<16xi32>
      %sub3A_186 = arith.subi %iota3A, %sub3A_185 : vector<16xi32>
      %add3A_187 = arith.addi %mul3A_183, %sub3A_186 : vector<16xi32>
      %select_n3A_188 = arith.select %lt3A_176, %add3A_180, %add3A_187 : vector<16xi1>, vector<16xi32>
      %swap3A_189 = arith.constant 48 : index
      %swap3A_190 = tpu.vector_load %arg21[%swap3A_189] {strides = array<i32>} : memref<256xi32, #tpu.memory_space<vmem>>, vector<16xi32>,
      %swap3A_191 = vector.shape_cast %swap3A_190 : vector<16xi32> to vector<16xi32>
      %swap3A_192 = vector.shape_cast %select_n3A_188 : vector<16xi32> to vector<16xi32>
      tpu.vector_store %arg21[%swap3A_189], %swap3A_192 {strides = array<i32>} : memref<256xi32, #tpu.memory_space<vmem>>, vector<16xi32>,
      %broadcast_in_dim3A_193 = arith.constant 8 : i32
      %broadcast_in_dim3A_194 = vector.broadcast %broadcast_in_dim3A_193 : i32 to vector<16xi32>
      %lt3A_195 = arith.constant 0 : i32
      %lt3A_196 = vector.broadcast %lt3A_195 : i32 to vector<16xi32>
      %lt3A_197 = arith.cmpi slt, %broadcast_in_dim3A_194, %lt3A_196 : vector<16xi32>
      %add3A_198 = arith.constant 16 : i32
      %add3A_199 = vector.broadcast %add3A_198 : i32 to vector<16xi32>
      %add3A_200 = arith.addi %broadcast_in_dim3A_194, %add3A_199 : vector<16xi32>
      %select_n3A_201 = arith.select %lt3A_197, %add3A_200, %broadcast_in_dim3A_194 : vector<16xi1>, vector<16xi32>
      %broadcast_in_dim3A_202 = vector.shape_cast %select_n3A_201 : vector<16xi32> to vector<16x1xi32>
      %gather3A_203 = vector.shape_cast %broadcast_in_dim3A_202 : vector<16x1xi32> to vector<16xi32>
      %gather3A_204 = tpu.dynamic_gather %get3A_21[%gather3A_203] in [0] : vector<16xi32>, vector<16xi32> -> vector<16xi32>
      %broadcast_in_dim3A_205 = arith.constant 9 : i32
      %broadcast_in_dim3A_206 = vector.broadcast %broadcast_in_dim3A_205 : i32 to vector<16xi32>
      %lt3A_207 = arith.constant 0 : i32
      %lt3A_208 = vector.broadcast %lt3A_207 : i32 to vector<16xi32>
      %lt3A_209 = arith.cmpi slt, %broadcast_in_dim3A_206, %lt3A_208 : vector<16xi32>
      %add3A_210 = arith.constant 16 : i32
      %add3A_211 = vector.broadcast %add3A_210 : i32 to vector<16xi32>
      %add3A_212 = arith.addi %broadcast_in_dim3A_206, %add3A_211 : vector<16xi32>
      %select_n3A_213 = arith.select %lt3A_209, %add3A_212, %broadcast_in_dim3A_206 : vector<16xi1>, vector<16xi32>
      %broadcast_in_dim3A_214 = vector.shape_cast %select_n3A_213 : vector<16xi32> to vector<16x1xi32>
      %gather3A_215 = vector.shape_cast %broadcast_in_dim3A_214 : vector<16x1xi32> to vector<16xi32>
      %gather3A_216 = tpu.dynamic_gather %get3A_21[%gather3A_215] in [0] : vector<16xi32>, vector<16xi32> -> vector<16xi32>
      %lt3A_217 = arith.constant 8 : i32
      %lt3A_218 = vector.broadcast %lt3A_217 : i32 to vector<16xi32>
      %lt3A_219 = arith.cmpi slt, %iota3A, %lt3A_218 : vector<16xi32>
      %mul3A_220 = arith.constant 8 : i32
      %mul3A_221 = vector.broadcast %mul3A_220 : i32 to vector<16xi32>
      %mul3A_222 = arith.muli %gather3A_204, %mul3A_221 : vector<16xi32>
      %add3A_223 = arith.addi %mul3A_222, %iota3A : vector<16xi32>
      %mul3A_224 = arith.constant 8 : i32
      %mul3A_225 = vector.broadcast %mul3A_224 : i32 to vector<16xi32>
      %mul3A_226 = arith.muli %gather3A_216, %mul3A_225 : vector<16xi32>
      %sub3A_227 = arith.constant 8 : i32
      %sub3A_228 = vector.broadcast %sub3A_227 : i32 to vector<16xi32>
      %sub3A_229 = arith.subi %iota3A, %sub3A_228 : vector<16xi32>
      %add3A_230 = arith.addi %mul3A_226, %sub3A_229 : vector<16xi32>
      %select_n3A_231 = arith.select %lt3A_219, %add3A_223, %add3A_230 : vector<16xi1>, vector<16xi32>
      %swap3A_232 = arith.constant 64 : index
      %swap3A_233 = tpu.vector_load %arg21[%swap3A_232] {strides = array<i32>} : memref<256xi32, #tpu.memory_space<vmem>>, vector<16xi32>,
      %swap3A_234 = vector.shape_cast %swap3A_233 : vector<16xi32> to vector<16xi32>
      %swap3A_235 = vector.shape_cast %select_n3A_231 : vector<16xi32> to vector<16xi32>
      tpu.vector_store %arg21[%swap3A_232], %swap3A_235 {strides = array<i32>} : memref<256xi32, #tpu.memory_space<vmem>>, vector<16xi32>,
      %broadcast_in_dim3A_236 = arith.constant 10 : i32
      %broadcast_in_dim3A_237 = vector.broadcast %broadcast_in_dim3A_236 : i32 to vector<16xi32>
      %lt3A_238 = arith.constant 0 : i32
      %lt3A_239 = vector.broadcast %lt3A_238 : i32 to vector<16xi32>
      %lt3A_240 = arith.cmpi slt, %broadcast_in_dim3A_237, %lt3A_239 : vector<16xi32>
      %add3A_241 = arith.constant 16 : i32
      %add3A_242 = vector.broadcast %add3A_241 : i32 to vector<16xi32>
      %add3A_243 = arith.addi %broadcast_in_dim3A_237, %add3A_242 : vector<16xi32>
      %select_n3A_244 = arith.select %lt3A_240, %add3A_243, %broadcast_in_dim3A_237 : vector<16xi1>, vector<16xi32>
      %broadcast_in_dim3A_245 = vector.shape_cast %select_n3A_244 : vector<16xi32> to vector<16x1xi32>
      %gather3A_246 = vector.shape_cast %broadcast_in_dim3A_245 : vector<16x1xi32> to vector<16xi32>
      %gather3A_247 = tpu.dynamic_gather %get3A_21[%gather3A_246] in [0] : vector<16xi32>, vector<16xi32> -> vector<16xi32>
      %broadcast_in_dim3A_248 = arith.constant 11 : i32
      %broadcast_in_dim3A_249 = vector.broadcast %broadcast_in_dim3A_248 : i32 to vector<16xi32>
      %lt3A_250 = arith.constant 0 : i32
      %lt3A_251 = vector.broadcast %lt3A_250 : i32 to vector<16xi32>
      %lt3A_252 = arith.cmpi slt, %broadcast_in_dim3A_249, %lt3A_251 : vector<16xi32>
      %add3A_253 = arith.constant 16 : i32
      %add3A_254 = vector.broadcast %add3A_253 : i32 to vector<16xi32>
      %add3A_255 = arith.addi %broadcast_in_dim3A_249, %add3A_254 : vector<16xi32>
      %select_n3A_256 = arith.select %lt3A_252, %add3A_255, %broadcast_in_dim3A_249 : vector<16xi1>, vector<16xi32>
      %broadcast_in_dim3A_257 = vector.shape_cast %select_n3A_256 : vector<16xi32> to vector<16x1xi32>
      %gather3A_258 = vector.shape_cast %broadcast_in_dim3A_257 : vector<16x1xi32> to vector<16xi32>
      %gather3A_259 = tpu.dynamic_gather %get3A_21[%gather3A_258] in [0] : vector<16xi32>, vector<16xi32> -> vector<16xi32>
      %lt3A_260 = arith.constant 8 : i32
      %lt3A_261 = vector.broadcast %lt3A_260 : i32 to vector<16xi32>
      %lt3A_262 = arith.cmpi slt, %iota3A, %lt3A_261 : vector<16xi32>
      %mul3A_263 = arith.constant 8 : i32
      %mul3A_264 = vector.broadcast %mul3A_263 : i32 to vector<16xi32>
      %mul3A_265 = arith.muli %gather3A_247, %mul3A_264 : vector<16xi32>
      %add3A_266 = arith.addi %mul3A_265, %iota3A : vector<16xi32>
      %mul3A_267 = arith.constant 8 : i32
      %mul3A_268 = vector.broadcast %mul3A_267 : i32 to vector<16xi32>
      %mul3A_269 = arith.muli %gather3A_259, %mul3A_268 : vector<16xi32>
      %sub3A_270 = arith.constant 8 : i32
      %sub3A_271 = vector.broadcast %sub3A_270 : i32 to vector<16xi32>
      %sub3A_272 = arith.subi %iota3A, %sub3A_271 : vector<16xi32>
      %add3A_273 = arith.addi %mul3A_269, %sub3A_272 : vector<16xi32>
      %select_n3A_274 = arith.select %lt3A_262, %add3A_266, %add3A_273 : vector<16xi1>, vector<16xi32>
      %swap3A_275 = arith.constant 80 : index
      %swap3A_276 = tpu.vector_load %arg21[%swap3A_275] {strides = array<i32>} : memref<256xi32, #tpu.memory_space<vmem>>, vector<16xi32>,
      %swap3A_277 = vector.shape_cast %swap3A_276 : vector<16xi32> to vector<16xi32>
      %swap3A_278 = vector.shape_cast %select_n3A_274 : vector<16xi32> to vector<16xi32>
      tpu.vector_store %arg21[%swap3A_275], %swap3A_278 {strides = array<i32>} : memref<256xi32, #tpu.memory_space<vmem>>, vector<16xi32>,
      %broadcast_in_dim3A_279 = arith.constant 12 : i32
      %broadcast_in_dim3A_280 = vector.broadcast %broadcast_in_dim3A_279 : i32 to vector<16xi32>
      %lt3A_281 = arith.constant 0 : i32
      %lt3A_282 = vector.broadcast %lt3A_281 : i32 to vector<16xi32>
      %lt3A_283 = arith.cmpi slt, %broadcast_in_dim3A_280, %lt3A_282 : vector<16xi32>
      %add3A_284 = arith.constant 16 : i32
      %add3A_285 = vector.broadcast %add3A_284 : i32 to vector<16xi32>
      %add3A_286 = arith.addi %broadcast_in_dim3A_280, %add3A_285 : vector<16xi32>
      %select_n3A_287 = arith.select %lt3A_283, %add3A_286, %broadcast_in_dim3A_280 : vector<16xi1>, vector<16xi32>
      %broadcast_in_dim3A_288 = vector.shape_cast %select_n3A_287 : vector<16xi32> to vector<16x1xi32>
      %gather3A_289 = vector.shape_cast %broadcast_in_dim3A_288 : vector<16x1xi32> to vector<16xi32>
      %gather3A_290 = tpu.dynamic_gather %get3A_21[%gather3A_289] in [0] : vector<16xi32>, vector<16xi32> -> vector<16xi32>
      %broadcast_in_dim3A_291 = arith.constant 13 : i32
      %broadcast_in_dim3A_292 = vector.broadcast %broadcast_in_dim3A_291 : i32 to vector<16xi32>
      %lt3A_293 = arith.constant 0 : i32
      %lt3A_294 = vector.broadcast %lt3A_293 : i32 to vector<16xi32>
      %lt3A_295 = arith.cmpi slt, %broadcast_in_dim3A_292, %lt3A_294 : vector<16xi32>
      %add3A_296 = arith.constant 16 : i32
      %add3A_297 = vector.broadcast %add3A_296 : i32 to vector<16xi32>
      %add3A_298 = arith.addi %broadcast_in_dim3A_292, %add3A_297 : vector<16xi32>
      %select_n3A_299 = arith.select %lt3A_295, %add3A_298, %broadcast_in_dim3A_292 : vector<16xi1>, vector<16xi32>
      %broadcast_in_dim3A_300 = vector.shape_cast %select_n3A_299 : vector<16xi32> to vector<16x1xi32>
      %gather3A_301 = vector.shape_cast %broadcast_in_dim3A_300 : vector<16x1xi32> to vector<16xi32>
      %gather3A_302 = tpu.dynamic_gather %get3A_21[%gather3A_301] in [0] : vector<16xi32>, vector<16xi32> -> vector<16xi32>
      %lt3A_303 = arith.constant 8 : i32
      %lt3A_304 = vector.broadcast %lt3A_303 : i32 to vector<16xi32>
      %lt3A_305 = arith.cmpi slt, %iota3A, %lt3A_304 : vector<16xi32>
      %mul3A_306 = arith.constant 8 : i32
      %mul3A_307 = vector.broadcast %mul3A_306 : i32 to vector<16xi32>
      %mul3A_308 = arith.muli %gather3A_290, %mul3A_307 : vector<16xi32>
      %add3A_309 = arith.addi %mul3A_308, %iota3A : vector<16xi32>
      %mul3A_310 = arith.constant 8 : i32
      %mul3A_311 = vector.broadcast %mul3A_310 : i32 to vector<16xi32>
      %mul3A_312 = arith.muli %gather3A_302, %mul3A_311 : vector<16xi32>
      %sub3A_313 = arith.constant 8 : i32
      %sub3A_314 = vector.broadcast %sub3A_313 : i32 to vector<16xi32>
      %sub3A_315 = arith.subi %iota3A, %sub3A_314 : vector<16xi32>
      %add3A_316 = arith.addi %mul3A_312, %sub3A_315 : vector<16xi32>
      %select_n3A_317 = arith.select %lt3A_305, %add3A_309, %add3A_316 : vector<16xi1>, vector<16xi32>
      %swap3A_318 = arith.constant 96 : index
      %swap3A_319 = tpu.vector_load %arg21[%swap3A_318] {strides = array<i32>} : memref<256xi32, #tpu.memory_space<vmem>>, vector<16xi32>,
      %swap3A_320 = vector.shape_cast %swap3A_319 : vector<16xi32> to vector<16xi32>
      %swap3A_321 = vector.shape_cast %select_n3A_317 : vector<16xi32> to vector<16xi32>
      tpu.vector_store %arg21[%swap3A_318], %swap3A_321 {strides = array<i32>} : memref<256xi32, #tpu.memory_space<vmem>>, vector<16xi32>,
      %broadcast_in_dim3A_322 = arith.constant 14 : i32
      %broadcast_in_dim3A_323 = vector.broadcast %broadcast_in_dim3A_322 : i32 to vector<16xi32>
      %lt3A_324 = arith.constant 0 : i32
      %lt3A_325 = vector.broadcast %lt3A_324 : i32 to vector<16xi32>
      %lt3A_326 = arith.cmpi slt, %broadcast_in_dim3A_323, %lt3A_325 : vector<16xi32>
      %add3A_327 = arith.constant 16 : i32
      %add3A_328 = vector.broadcast %add3A_327 : i32 to vector<16xi32>
      %add3A_329 = arith.addi %broadcast_in_dim3A_323, %add3A_328 : vector<16xi32>
      %select_n3A_330 = arith.select %lt3A_326, %add3A_329, %broadcast_in_dim3A_323 : vector<16xi1>, vector<16xi32>
      %broadcast_in_dim3A_331 = vector.shape_cast %select_n3A_330 : vector<16xi32> to vector<16x1xi32>
      %gather3A_332 = vector.shape_cast %broadcast_in_dim3A_331 : vector<16x1xi32> to vector<16xi32>
      %gather3A_333 = tpu.dynamic_gather %get3A_21[%gather3A_332] in [0] : vector<16xi32>, vector<16xi32> -> vector<16xi32>
      %broadcast_in_dim3A_334 = arith.constant 15 : i32
      %broadcast_in_dim3A_335 = vector.broadcast %broadcast_in_dim3A_334 : i32 to vector<16xi32>
      %lt3A_336 = arith.constant 0 : i32
      %lt3A_337 = vector.broadcast %lt3A_336 : i32 to vector<16xi32>
      %lt3A_338 = arith.cmpi slt, %broadcast_in_dim3A_335, %lt3A_337 : vector<16xi32>
      %add3A_339 = arith.constant 16 : i32
      %add3A_340 = vector.broadcast %add3A_339 : i32 to vector<16xi32>
      %add3A_341 = arith.addi %broadcast_in_dim3A_335, %add3A_340 : vector<16xi32>
      %select_n3A_342 = arith.select %lt3A_338, %add3A_341, %broadcast_in_dim3A_335 : vector<16xi1>, vector<16xi32>
      %broadcast_in_dim3A_343 = vector.shape_cast %select_n3A_342 : vector<16xi32> to vector<16x1xi32>
      %gather3A_344 = vector.shape_cast %broadcast_in_dim3A_343 : vector<16x1xi32> to vector<16xi32>
      %gather3A_345 = tpu.dynamic_gather %get3A_21[%gather3A_344] in [0] : vector<16xi32>, vector<16xi32> -> vector<16xi32>
      %lt3A_346 = arith.constant 8 : i32
      %lt3A_347 = vector.broadcast %lt3A_346 : i32 to vector<16xi32>
      %lt3A_348 = arith.cmpi slt, %iota3A, %lt3A_347 : vector<16xi32>
      %mul3A_349 = arith.constant 8 : i32
      %mul3A_350 = vector.broadcast %mul3A_349 : i32 to vector<16xi32>
      %mul3A_351 = arith.muli %gather3A_333, %mul3A_350 : vector<16xi32>
      %add3A_352 = arith.addi %mul3A_351, %iota3A : vector<16xi32>
      %mul3A_353 = arith.constant 8 : i32
      %mul3A_354 = vector.broadcast %mul3A_353 : i32 to vector<16xi32>
      %mul3A_355 = arith.muli %gather3A_345, %mul3A_354 : vector<16xi32>
      %sub3A_356 = arith.constant 8 : i32
      %sub3A_357 = vector.broadcast %sub3A_356 : i32 to vector<16xi32>
      %sub3A_358 = arith.subi %iota3A, %sub3A_357 : vector<16xi32>
      %add3A_359 = arith.addi %mul3A_355, %sub3A_358 : vector<16xi32>
      %select_n3A_360 = arith.select %lt3A_348, %add3A_352, %add3A_359 : vector<16xi1>, vector<16xi32>
      %swap3A_361 = arith.constant 112 : index
      %swap3A_362 = tpu.vector_load %arg21[%swap3A_361] {strides = array<i32>} : memref<256xi32, #tpu.memory_space<vmem>>, vector<16xi32>,
      %swap3A_363 = vector.shape_cast %swap3A_362 : vector<16xi32> to vector<16xi32>
      %swap3A_364 = vector.shape_cast %select_n3A_360 : vector<16xi32> to vector<16xi32>
      tpu.vector_store %arg21[%swap3A_361], %swap3A_364 {strides = array<i32>} : memref<256xi32, #tpu.memory_space<vmem>>, vector<16xi32>,
      %broadcast_in_dim3A_365 = arith.constant 0 : i32
      %broadcast_in_dim3A_366 = vector.broadcast %broadcast_in_dim3A_365 : i32 to vector<16xi32>
      %lt3A_367 = arith.constant 0 : i32
      %lt3A_368 = vector.broadcast %lt3A_367 : i32 to vector<16xi32>
      %lt3A_369 = arith.cmpi slt, %broadcast_in_dim3A_366, %lt3A_368 : vector<16xi32>
      %add3A_370 = arith.constant 16 : i32
      %add3A_371 = vector.broadcast %add3A_370 : i32 to vector<16xi32>
      %add3A_372 = arith.addi %broadcast_in_dim3A_366, %add3A_371 : vector<16xi32>
      %select_n3A_373 = arith.select %lt3A_369, %add3A_372, %broadcast_in_dim3A_366 : vector<16xi1>, vector<16xi32>
      %broadcast_in_dim3A_374 = vector.shape_cast %select_n3A_373 : vector<16xi32> to vector<16x1xi32>
      %gather3A_375 = vector.shape_cast %broadcast_in_dim3A_374 : vector<16x1xi32> to vector<16xi32>
      %gather3A_376 = tpu.dynamic_gather %get3A_26[%gather3A_375] in [0] : vector<16xi32>, vector<16xi32> -> vector<16xi32>
      %broadcast_in_dim3A_377 = arith.constant 1 : i32
      %broadcast_in_dim3A_378 = vector.broadcast %broadcast_in_dim3A_377 : i32 to vector<16xi32>
      %lt3A_379 = arith.constant 0 : i32
      %lt3A_380 = vector.broadcast %lt3A_379 : i32 to vector<16xi32>
      %lt3A_381 = arith.cmpi slt, %broadcast_in_dim3A_378, %lt3A_380 : vector<16xi32>
      %add3A_382 = arith.constant 16 : i32
      %add3A_383 = vector.broadcast %add3A_382 : i32 to vector<16xi32>
      %add3A_384 = arith.addi %broadcast_in_dim3A_378, %add3A_383 : vector<16xi32>
      %select_n3A_385 = arith.select %lt3A_381, %add3A_384, %broadcast_in_dim3A_378 : vector<16xi1>, vector<16xi32>
      %broadcast_in_dim3A_386 = vector.shape_cast %select_n3A_385 : vector<16xi32> to vector<16x1xi32>
      %gather3A_387 = vector.shape_cast %broadcast_in_dim3A_386 : vector<16x1xi32> to vector<16xi32>
      %gather3A_388 = tpu.dynamic_gather %get3A_26[%gather3A_387] in [0] : vector<16xi32>, vector<16xi32> -> vector<16xi32>
      %lt3A_389 = arith.constant 8 : i32
      %lt3A_390 = vector.broadcast %lt3A_389 : i32 to vector<16xi32>
      %lt3A_391 = arith.cmpi slt, %iota3A, %lt3A_390 : vector<16xi32>
      %mul3A_392 = arith.constant 8 : i32
      %mul3A_393 = vector.broadcast %mul3A_392 : i32 to vector<16xi32>
      %mul3A_394 = arith.muli %gather3A_376, %mul3A_393 : vector<16xi32>
      %add3A_395 = arith.addi %mul3A_394, %iota3A : vector<16xi32>
      %mul3A_396 = arith.constant 8 : i32
      %mul3A_397 = vector.broadcast %mul3A_396 : i32 to vector<16xi32>
      %mul3A_398 = arith.muli %gather3A_388, %mul3A_397 : vector<16xi32>
      %sub3A_399 = arith.constant 8 : i32
      %sub3A_400 = vector.broadcast %sub3A_399 : i32 to vector<16xi32>
      %sub3A_401 = arith.subi %iota3A, %sub3A_400 : vector<16xi32>
      %add3A_402 = arith.addi %mul3A_398, %sub3A_401 : vector<16xi32>
      %select_n3A_403 = arith.select %lt3A_391, %add3A_395, %add3A_402 : vector<16xi1>, vector<16xi32>
      %swap3A_404 = arith.constant 0 : index
      %swap3A_405 = tpu.vector_load %arg22[%swap3A_404] {strides = array<i32>} : memref<256xi32, #tpu.memory_space<vmem>>, vector<16xi32>,
      %swap3A_406 = vector.shape_cast %swap3A_405 : vector<16xi32> to vector<16xi32>
      %swap3A_407 = vector.shape_cast %select_n3A_403 : vector<16xi32> to vector<16xi32>
      tpu.vector_store %arg22[%swap3A_404], %swap3A_407 {strides = array<i32>} : memref<256xi32, #tpu.memory_space<vmem>>, vector<16xi32>,
      %broadcast_in_dim3A_408 = arith.constant 2 : i32
      %broadcast_in_dim3A_409 = vector.broadcast %broadcast_in_dim3A_408 : i32 to vector<16xi32>
      %lt3A_410 = arith.constant 0 : i32
      %lt3A_411 = vector.broadcast %lt3A_410 : i32 to vector<16xi32>
      %lt3A_412 = arith.cmpi slt, %broadcast_in_dim3A_409, %lt3A_411 : vector<16xi32>
      %add3A_413 = arith.constant 16 : i32
      %add3A_414 = vector.broadcast %add3A_413 : i32 to vector<16xi32>
      %add3A_415 = arith.addi %broadcast_in_dim3A_409, %add3A_414 : vector<16xi32>
      %select_n3A_416 = arith.select %lt3A_412, %add3A_415, %broadcast_in_dim3A_409 : vector<16xi1>, vector<16xi32>
      %broadcast_in_dim3A_417 = vector.shape_cast %select_n3A_416 : vector<16xi32> to vector<16x1xi32>
      %gather3A_418 = vector.shape_cast %broadcast_in_dim3A_417 : vector<16x1xi32> to vector<16xi32>
      %gather3A_419 = tpu.dynamic_gather %get3A_26[%gather3A_418] in [0] : vector<16xi32>, vector<16xi32> -> vector<16xi32>
      %broadcast_in_dim3A_420 = arith.constant 3 : i32
      %broadcast_in_dim3A_421 = vector.broadcast %broadcast_in_dim3A_420 : i32 to vector<16xi32>
      %lt3A_422 = arith.constant 0 : i32
      %lt3A_423 = vector.broadcast %lt3A_422 : i32 to vector<16xi32>
      %lt3A_424 = arith.cmpi slt, %broadcast_in_dim3A_421, %lt3A_423 : vector<16xi32>
      %add3A_425 = arith.constant 16 : i32
      %add3A_426 = vector.broadcast %add3A_425 : i32 to vector<16xi32>
      %add3A_427 = arith.addi %broadcast_in_dim3A_421, %add3A_426 : vector<16xi32>
      %select_n3A_428 = arith.select %lt3A_424, %add3A_427, %broadcast_in_dim3A_421 : vector<16xi1>, vector<16xi32>
      %broadcast_in_dim3A_429 = vector.shape_cast %select_n3A_428 : vector<16xi32> to vector<16x1xi32>
      %gather3A_430 = vector.shape_cast %broadcast_in_dim3A_429 : vector<16x1xi32> to vector<16xi32>
      %gather3A_431 = tpu.dynamic_gather %get3A_26[%gather3A_430] in [0] : vector<16xi32>, vector<16xi32> -> vector<16xi32>
      %lt3A_432 = arith.constant 8 : i32
      %lt3A_433 = vector.broadcast %lt3A_432 : i32 to vector<16xi32>
      %lt3A_434 = arith.cmpi slt, %iota3A, %lt3A_433 : vector<16xi32>
      %mul3A_435 = arith.constant 8 : i32
      %mul3A_436 = vector.broadcast %mul3A_435 : i32 to vector<16xi32>
      %mul3A_437 = arith.muli %gather3A_419, %mul3A_436 : vector<16xi32>
      %add3A_438 = arith.addi %mul3A_437, %iota3A : vector<16xi32>
      %mul3A_439 = arith.constant 8 : i32
      %mul3A_440 = vector.broadcast %mul3A_439 : i32 to vector<16xi32>
      %mul3A_441 = arith.muli %gather3A_431, %mul3A_440 : vector<16xi32>
      %sub3A_442 = arith.constant 8 : i32
      %sub3A_443 = vector.broadcast %sub3A_442 : i32 to vector<16xi32>
      %sub3A_444 = arith.subi %iota3A, %sub3A_443 : vector<16xi32>
      %add3A_445 = arith.addi %mul3A_441, %sub3A_444 : vector<16xi32>
      %select_n3A_446 = arith.select %lt3A_434, %add3A_438, %add3A_445 : vector<16xi1>, vector<16xi32>
      %swap3A_447 = arith.constant 16 : index
      %swap3A_448 = tpu.vector_load %arg22[%swap3A_447] {strides = array<i32>} : memref<256xi32, #tpu.memory_space<vmem>>, vector<16xi32>,
      %swap3A_449 = vector.shape_cast %swap3A_448 : vector<16xi32> to vector<16xi32>
      %swap3A_450 = vector.shape_cast %select_n3A_446 : vector<16xi32> to vector<16xi32>
      tpu.vector_store %arg22[%swap3A_447], %swap3A_450 {strides = array<i32>} : memref<256xi32, #tpu.memory_space<vmem>>, vector<16xi32>,
      %broadcast_in_dim3A_451 = arith.constant 4 : i32
      %broadcast_in_dim3A_452 = vector.broadcast %broadcast_in_dim3A_451 : i32 to vector<16xi32>
      %lt3A_453 = arith.constant 0 : i32
      %lt3A_454 = vector.broadcast %lt3A_453 : i32 to vector<16xi32>
      %lt3A_455 = arith.cmpi slt, %broadcast_in_dim3A_452, %lt3A_454 : vector<16xi32>
      %add3A_456 = arith.constant 16 : i32
      %add3A_457 = vector.broadcast %add3A_456 : i32 to vector<16xi32>
      %add3A_458 = arith.addi %broadcast_in_dim3A_452, %add3A_457 : vector<16xi32>
      %select_n3A_459 = arith.select %lt3A_455, %add3A_458, %broadcast_in_dim3A_452 : vector<16xi1>, vector<16xi32>
      %broadcast_in_dim3A_460 = vector.shape_cast %select_n3A_459 : vector<16xi32> to vector<16x1xi32>
      %gather3A_461 = vector.shape_cast %broadcast_in_dim3A_460 : vector<16x1xi32> to vector<16xi32>
      %gather3A_462 = tpu.dynamic_gather %get3A_26[%gather3A_461] in [0] : vector<16xi32>, vector<16xi32> -> vector<16xi32>
      %broadcast_in_dim3A_463 = arith.constant 5 : i32
      %broadcast_in_dim3A_464 = vector.broadcast %broadcast_in_dim3A_463 : i32 to vector<16xi32>
      %lt3A_465 = arith.constant 0 : i32
      %lt3A_466 = vector.broadcast %lt3A_465 : i32 to vector<16xi32>
      %lt3A_467 = arith.cmpi slt, %broadcast_in_dim3A_464, %lt3A_466 : vector<16xi32>
      %add3A_468 = arith.constant 16 : i32
      %add3A_469 = vector.broadcast %add3A_468 : i32 to vector<16xi32>
      %add3A_470 = arith.addi %broadcast_in_dim3A_464, %add3A_469 : vector<16xi32>
      %select_n3A_471 = arith.select %lt3A_467, %add3A_470, %broadcast_in_dim3A_464 : vector<16xi1>, vector<16xi32>
      %broadcast_in_dim3A_472 = vector.shape_cast %select_n3A_471 : vector<16xi32> to vector<16x1xi32>
      %gather3A_473 = vector.shape_cast %broadcast_in_dim3A_472 : vector<16x1xi32> to vector<16xi32>
      %gather3A_474 = tpu.dynamic_gather %get3A_26[%gather3A_473] in [0] : vector<16xi32>, vector<16xi32> -> vector<16xi32>
      %lt3A_475 = arith.constant 8 : i32
      %lt3A_476 = vector.broadcast %lt3A_475 : i32 to vector<16xi32>
      %lt3A_477 = arith.cmpi slt, %iota3A, %lt3A_476 : vector<16xi32>
      %mul3A_478 = arith.constant 8 : i32
      %mul3A_479 = vector.broadcast %mul3A_478 : i32 to vector<16xi32>
      %mul3A_480 = arith.muli %gather3A_462, %mul3A_479 : vector<16xi32>
      %add3A_481 = arith.addi %mul3A_480, %iota3A : vector<16xi32>
      %mul3A_482 = arith.constant 8 : i32
      %mul3A_483 = vector.broadcast %mul3A_482 : i32 to vector<16xi32>
      %mul3A_484 = arith.muli %gather3A_474, %mul3A_483 : vector<16xi32>
      %sub3A_485 = arith.constant 8 : i32
      %sub3A_486 = vector.broadcast %sub3A_485 : i32 to vector<16xi32>
      %sub3A_487 = arith.subi %iota3A, %sub3A_486 : vector<16xi32>
      %add3A_488 = arith.addi %mul3A_484, %sub3A_487 : vector<16xi32>
      %select_n3A_489 = arith.select %lt3A_477, %add3A_481, %add3A_488 : vector<16xi1>, vector<16xi32>
      %swap3A_490 = arith.constant 32 : index
      %swap3A_491 = tpu.vector_load %arg22[%swap3A_490] {strides = array<i32>} : memref<256xi32, #tpu.memory_space<vmem>>, vector<16xi32>,
      %swap3A_492 = vector.shape_cast %swap3A_491 : vector<16xi32> to vector<16xi32>
      %swap3A_493 = vector.shape_cast %select_n3A_489 : vector<16xi32> to vector<16xi32>
      tpu.vector_store %arg22[%swap3A_490], %swap3A_493 {strides = array<i32>} : memref<256xi32, #tpu.memory_space<vmem>>, vector<16xi32>,
      %broadcast_in_dim3A_494 = arith.constant 6 : i32
      %broadcast_in_dim3A_495 = vector.broadcast %broadcast_in_dim3A_494 : i32 to vector<16xi32>
      %lt3A_496 = arith.constant 0 : i32
      %lt3A_497 = vector.broadcast %lt3A_496 : i32 to vector<16xi32>
      %lt3A_498 = arith.cmpi slt, %broadcast_in_dim3A_495, %lt3A_497 : vector<16xi32>
      %add3A_499 = arith.constant 16 : i32
      %add3A_500 = vector.broadcast %add3A_499 : i32 to vector<16xi32>
      %add3A_501 = arith.addi %broadcast_in_dim3A_495, %add3A_500 : vector<16xi32>
      %select_n3A_502 = arith.select %lt3A_498, %add3A_501, %broadcast_in_dim3A_495 : vector<16xi1>, vector<16xi32>
      %broadcast_in_dim3A_503 = vector.shape_cast %select_n3A_502 : vector<16xi32> to vector<16x1xi32>
      %gather3A_504 = vector.shape_cast %broadcast_in_dim3A_503 : vector<16x1xi32> to vector<16xi32>
      %gather3A_505 = tpu.dynamic_gather %get3A_26[%gather3A_504] in [0] : vector<16xi32>, vector<16xi32> -> vector<16xi32>
      %broadcast_in_dim3A_506 = arith.constant 7 : i32
      %broadcast_in_dim3A_507 = vector.broadcast %broadcast_in_dim3A_506 : i32 to vector<16xi32>
      %lt3A_508 = arith.constant 0 : i32
      %lt3A_509 = vector.broadcast %lt3A_508 : i32 to vector<16xi32>
      %lt3A_510 = arith.cmpi slt, %broadcast_in_dim3A_507, %lt3A_509 : vector<16xi32>
      %add3A_511 = arith.constant 16 : i32
      %add3A_512 = vector.broadcast %add3A_511 : i32 to vector<16xi32>
      %add3A_513 = arith.addi %broadcast_in_dim3A_507, %add3A_512 : vector<16xi32>
      %select_n3A_514 = arith.select %lt3A_510, %add3A_513, %broadcast_in_dim3A_507 : vector<16xi1>, vector<16xi32>
      %broadcast_in_dim3A_515 = vector.shape_cast %select_n3A_514 : vector<16xi32> to vector<16x1xi32>
      %gather3A_516 = vector.shape_cast %broadcast_in_dim3A_515 : vector<16x1xi32> to vector<16xi32>
      %gather3A_517 = tpu.dynamic_gather %get3A_26[%gather3A_516] in [0] : vector<16xi32>, vector<16xi32> -> vector<16xi32>
      %lt3A_518 = arith.constant 8 : i32
      %lt3A_519 = vector.broadcast %lt3A_518 : i32 to vector<16xi32>
      %lt3A_520 = arith.cmpi slt, %iota3A, %lt3A_519 : vector<16xi32>
      %mul3A_521 = arith.constant 8 : i32
      %mul3A_522 = vector.broadcast %mul3A_521 : i32 to vector<16xi32>
      %mul3A_523 = arith.muli %gather3A_505, %mul3A_522 : vector<16xi32>
      %add3A_524 = arith.addi %mul3A_523, %iota3A : vector<16xi32>
      %mul3A_525 = arith.constant 8 : i32
      %mul3A_526 = vector.broadcast %mul3A_525 : i32 to vector<16xi32>
      %mul3A_527 = arith.muli %gather3A_517, %mul3A_526 : vector<16xi32>
      %sub3A_528 = arith.constant 8 : i32
      %sub3A_529 = vector.broadcast %sub3A_528 : i32 to vector<16xi32>
      %sub3A_530 = arith.subi %iota3A, %sub3A_529 : vector<16xi32>
      %add3A_531 = arith.addi %mul3A_527, %sub3A_530 : vector<16xi32>
      %select_n3A_532 = arith.select %lt3A_520, %add3A_524, %add3A_531 : vector<16xi1>, vector<16xi32>
      %swap3A_533 = arith.constant 48 : index
      %swap3A_534 = tpu.vector_load %arg22[%swap3A_533] {strides = array<i32>} : memref<256xi32, #tpu.memory_space<vmem>>, vector<16xi32>,
      %swap3A_535 = vector.shape_cast %swap3A_534 : vector<16xi32> to vector<16xi32>
      %swap3A_536 = vector.shape_cast %select_n3A_532 : vector<16xi32> to vector<16xi32>
      tpu.vector_store %arg22[%swap3A_533], %swap3A_536 {strides = array<i32>} : memref<256xi32, #tpu.memory_space<vmem>>, vector<16xi32>,
      %broadcast_in_dim3A_537 = arith.constant 8 : i32
      %broadcast_in_dim3A_538 = vector.broadcast %broadcast_in_dim3A_537 : i32 to vector<16xi32>
      %lt3A_539 = arith.constant 0 : i32
      %lt3A_540 = vector.broadcast %lt3A_539 : i32 to vector<16xi32>
      %lt3A_541 = arith.cmpi slt, %broadcast_in_dim3A_538, %lt3A_540 : vector<16xi32>
      %add3A_542 = arith.constant 16 : i32
      %add3A_543 = vector.broadcast %add3A_542 : i32 to vector<16xi32>
      %add3A_544 = arith.addi %broadcast_in_dim3A_538, %add3A_543 : vector<16xi32>
      %select_n3A_545 = arith.select %lt3A_541, %add3A_544, %broadcast_in_dim3A_538 : vector<16xi1>, vector<16xi32>
      %broadcast_in_dim3A_546 = vector.shape_cast %select_n3A_545 : vector<16xi32> to vector<16x1xi32>
      %gather3A_547 = vector.shape_cast %broadcast_in_dim3A_546 : vector<16x1xi32> to vector<16xi32>
      %gather3A_548 = tpu.dynamic_gather %get3A_26[%gather3A_547] in [0] : vector<16xi32>, vector<16xi32> -> vector<16xi32>
      %broadcast_in_dim3A_549 = arith.constant 9 : i32
      %broadcast_in_dim3A_550 = vector.broadcast %broadcast_in_dim3A_549 : i32 to vector<16xi32>
      %lt3A_551 = arith.constant 0 : i32
      %lt3A_552 = vector.broadcast %lt3A_551 : i32 to vector<16xi32>
      %lt3A_553 = arith.cmpi slt, %broadcast_in_dim3A_550, %lt3A_552 : vector<16xi32>
      %add3A_554 = arith.constant 16 : i32
      %add3A_555 = vector.broadcast %add3A_554 : i32 to vector<16xi32>
      %add3A_556 = arith.addi %broadcast_in_dim3A_550, %add3A_555 : vector<16xi32>
      %select_n3A_557 = arith.select %lt3A_553, %add3A_556, %broadcast_in_dim3A_550 : vector<16xi1>, vector<16xi32>
      %broadcast_in_dim3A_558 = vector.shape_cast %select_n3A_557 : vector<16xi32> to vector<16x1xi32>
      %gather3A_559 = vector.shape_cast %broadcast_in_dim3A_558 : vector<16x1xi32> to vector<16xi32>
      %gather3A_560 = tpu.dynamic_gather %get3A_26[%gather3A_559] in [0] : vector<16xi32>, vector<16xi32> -> vector<16xi32>
      %lt3A_561 = arith.constant 8 : i32
      %lt3A_562 = vector.broadcast %lt3A_561 : i32 to vector<16xi32>
      %lt3A_563 = arith.cmpi slt, %iota3A, %lt3A_562 : vector<16xi32>
      %mul3A_564 = arith.constant 8 : i32
      %mul3A_565 = vector.broadcast %mul3A_564 : i32 to vector<16xi32>
      %mul3A_566 = arith.muli %gather3A_548, %mul3A_565 : vector<16xi32>
      %add3A_567 = arith.addi %mul3A_566, %iota3A : vector<16xi32>
      %mul3A_568 = arith.constant 8 : i32
      %mul3A_569 = vector.broadcast %mul3A_568 : i32 to vector<16xi32>
      %mul3A_570 = arith.muli %gather3A_560, %mul3A_569 : vector<16xi32>
      %sub3A_571 = arith.constant 8 : i32
      %sub3A_572 = vector.broadcast %sub3A_571 : i32 to vector<16xi32>
      %sub3A_573 = arith.subi %iota3A, %sub3A_572 : vector<16xi32>
      %add3A_574 = arith.addi %mul3A_570, %sub3A_573 : vector<16xi32>
      %select_n3A_575 = arith.select %lt3A_563, %add3A_567, %add3A_574 : vector<16xi1>, vector<16xi32>
      %swap3A_576 = arith.constant 64 : index
      %swap3A_577 = tpu.vector_load %arg22[%swap3A_576] {strides = array<i32>} : memref<256xi32, #tpu.memory_space<vmem>>, vector<16xi32>,
      %swap3A_578 = vector.shape_cast %swap3A_577 : vector<16xi32> to vector<16xi32>
      %swap3A_579 = vector.shape_cast %select_n3A_575 : vector<16xi32> to vector<16xi32>
      tpu.vector_store %arg22[%swap3A_576], %swap3A_579 {strides = array<i32>} : memref<256xi32, #tpu.memory_space<vmem>>, vector<16xi32>,
      %broadcast_in_dim3A_580 = arith.constant 10 : i32
      %broadcast_in_dim3A_581 = vector.broadcast %broadcast_in_dim3A_580 : i32 to vector<16xi32>
      %lt3A_582 = arith.constant 0 : i32
      %lt3A_583 = vector.broadcast %lt3A_582 : i32 to vector<16xi32>
      %lt3A_584 = arith.cmpi slt, %broadcast_in_dim3A_581, %lt3A_583 : vector<16xi32>
      %add3A_585 = arith.constant 16 : i32
      %add3A_586 = vector.broadcast %add3A_585 : i32 to vector<16xi32>
      %add3A_587 = arith.addi %broadcast_in_dim3A_581, %add3A_586 : vector<16xi32>
      %select_n3A_588 = arith.select %lt3A_584, %add3A_587, %broadcast_in_dim3A_581 : vector<16xi1>, vector<16xi32>
      %broadcast_in_dim3A_589 = vector.shape_cast %select_n3A_588 : vector<16xi32> to vector<16x1xi32>
      %gather3A_590 = vector.shape_cast %broadcast_in_dim3A_589 : vector<16x1xi32> to vector<16xi32>
      %gather3A_591 = tpu.dynamic_gather %get3A_26[%gather3A_590] in [0] : vector<16xi32>, vector<16xi32> -> vector<16xi32>
      %broadcast_in_dim3A_592 = arith.constant 11 : i32
      %broadcast_in_dim3A_593 = vector.broadcast %broadcast_in_dim3A_592 : i32 to vector<16xi32>
      %lt3A_594 = arith.constant 0 : i32
      %lt3A_595 = vector.broadcast %lt3A_594 : i32 to vector<16xi32>
      %lt3A_596 = arith.cmpi slt, %broadcast_in_dim3A_593, %lt3A_595 : vector<16xi32>
      %add3A_597 = arith.constant 16 : i32
      %add3A_598 = vector.broadcast %add3A_597 : i32 to vector<16xi32>
      %add3A_599 = arith.addi %broadcast_in_dim3A_593, %add3A_598 : vector<16xi32>
      %select_n3A_600 = arith.select %lt3A_596, %add3A_599, %broadcast_in_dim3A_593 : vector<16xi1>, vector<16xi32>
      %broadcast_in_dim3A_601 = vector.shape_cast %select_n3A_600 : vector<16xi32> to vector<16x1xi32>
      %gather3A_602 = vector.shape_cast %broadcast_in_dim3A_601 : vector<16x1xi32> to vector<16xi32>
      %gather3A_603 = tpu.dynamic_gather %get3A_26[%gather3A_602] in [0] : vector<16xi32>, vector<16xi32> -> vector<16xi32>
      %lt3A_604 = arith.constant 8 : i32
      %lt3A_605 = vector.broadcast %lt3A_604 : i32 to vector<16xi32>
      %lt3A_606 = arith.cmpi slt, %iota3A, %lt3A_605 : vector<16xi32>
      %mul3A_607 = arith.constant 8 : i32
      %mul3A_608 = vector.broadcast %mul3A_607 : i32 to vector<16xi32>
      %mul3A_609 = arith.muli %gather3A_591, %mul3A_608 : vector<16xi32>
      %add3A_610 = arith.addi %mul3A_609, %iota3A : vector<16xi32>
      %mul3A_611 = arith.constant 8 : i32
      %mul3A_612 = vector.broadcast %mul3A_611 : i32 to vector<16xi32>
      %mul3A_613 = arith.muli %gather3A_603, %mul3A_612 : vector<16xi32>
      %sub3A_614 = arith.constant 8 : i32
      %sub3A_615 = vector.broadcast %sub3A_614 : i32 to vector<16xi32>
      %sub3A_616 = arith.subi %iota3A, %sub3A_615 : vector<16xi32>
      %add3A_617 = arith.addi %mul3A_613, %sub3A_616 : vector<16xi32>
      %select_n3A_618 = arith.select %lt3A_606, %add3A_610, %add3A_617 : vector<16xi1>, vector<16xi32>
      %swap3A_619 = arith.constant 80 : index
      %swap3A_620 = tpu.vector_load %arg22[%swap3A_619] {strides = array<i32>} : memref<256xi32, #tpu.memory_space<vmem>>, vector<16xi32>,
      %swap3A_621 = vector.shape_cast %swap3A_620 : vector<16xi32> to vector<16xi32>
      %swap3A_622 = vector.shape_cast %select_n3A_618 : vector<16xi32> to vector<16xi32>
      tpu.vector_store %arg22[%swap3A_619], %swap3A_622 {strides = array<i32>} : memref<256xi32, #tpu.memory_space<vmem>>, vector<16xi32>,
      %broadcast_in_dim3A_623 = arith.constant 12 : i32
      %broadcast_in_dim3A_624 = vector.broadcast %broadcast_in_dim3A_623 : i32 to vector<16xi32>
      %lt3A_625 = arith.constant 0 : i32
      %lt3A_626 = vector.broadcast %lt3A_625 : i32 to vector<16xi32>
      %lt3A_627 = arith.cmpi slt, %broadcast_in_dim3A_624, %lt3A_626 : vector<16xi32>
      %add3A_628 = arith.constant 16 : i32
      %add3A_629 = vector.broadcast %add3A_628 : i32 to vector<16xi32>
      %add3A_630 = arith.addi %broadcast_in_dim3A_624, %add3A_629 : vector<16xi32>
      %select_n3A_631 = arith.select %lt3A_627, %add3A_630, %broadcast_in_dim3A_624 : vector<16xi1>, vector<16xi32>
      %broadcast_in_dim3A_632 = vector.shape_cast %select_n3A_631 : vector<16xi32> to vector<16x1xi32>
      %gather3A_633 = vector.shape_cast %broadcast_in_dim3A_632 : vector<16x1xi32> to vector<16xi32>
      %gather3A_634 = tpu.dynamic_gather %get3A_26[%gather3A_633] in [0] : vector<16xi32>, vector<16xi32> -> vector<16xi32>
      %broadcast_in_dim3A_635 = arith.constant 13 : i32
      %broadcast_in_dim3A_636 = vector.broadcast %broadcast_in_dim3A_635 : i32 to vector<16xi32>
      %lt3A_637 = arith.constant 0 : i32
      %lt3A_638 = vector.broadcast %lt3A_637 : i32 to vector<16xi32>
      %lt3A_639 = arith.cmpi slt, %broadcast_in_dim3A_636, %lt3A_638 : vector<16xi32>
      %add3A_640 = arith.constant 16 : i32
      %add3A_641 = vector.broadcast %add3A_640 : i32 to vector<16xi32>
      %add3A_642 = arith.addi %broadcast_in_dim3A_636, %add3A_641 : vector<16xi32>
      %select_n3A_643 = arith.select %lt3A_639, %add3A_642, %broadcast_in_dim3A_636 : vector<16xi1>, vector<16xi32>
      %broadcast_in_dim3A_644 = vector.shape_cast %select_n3A_643 : vector<16xi32> to vector<16x1xi32>
      %gather3A_645 = vector.shape_cast %broadcast_in_dim3A_644 : vector<16x1xi32> to vector<16xi32>
      %gather3A_646 = tpu.dynamic_gather %get3A_26[%gather3A_645] in [0] : vector<16xi32>, vector<16xi32> -> vector<16xi32>
      %lt3A_647 = arith.constant 8 : i32
      %lt3A_648 = vector.broadcast %lt3A_647 : i32 to vector<16xi32>
      %lt3A_649 = arith.cmpi slt, %iota3A, %lt3A_648 : vector<16xi32>
      %mul3A_650 = arith.constant 8 : i32
      %mul3A_651 = vector.broadcast %mul3A_650 : i32 to vector<16xi32>
      %mul3A_652 = arith.muli %gather3A_634, %mul3A_651 : vector<16xi32>
      %add3A_653 = arith.addi %mul3A_652, %iota3A : vector<16xi32>
      %mul3A_654 = arith.constant 8 : i32
      %mul3A_655 = vector.broadcast %mul3A_654 : i32 to vector<16xi32>
      %mul3A_656 = arith.muli %gather3A_646, %mul3A_655 : vector<16xi32>
      %sub3A_657 = arith.constant 8 : i32
      %sub3A_658 = vector.broadcast %sub3A_657 : i32 to vector<16xi32>
      %sub3A_659 = arith.subi %iota3A, %sub3A_658 : vector<16xi32>
      %add3A_660 = arith.addi %mul3A_656, %sub3A_659 : vector<16xi32>
      %select_n3A_661 = arith.select %lt3A_649, %add3A_653, %add3A_660 : vector<16xi1>, vector<16xi32>
      %swap3A_662 = arith.constant 96 : index
      %swap3A_663 = tpu.vector_load %arg22[%swap3A_662] {strides = array<i32>} : memref<256xi32, #tpu.memory_space<vmem>>, vector<16xi32>,
      %swap3A_664 = vector.shape_cast %swap3A_663 : vector<16xi32> to vector<16xi32>
      %swap3A_665 = vector.shape_cast %select_n3A_661 : vector<16xi32> to vector<16xi32>
      tpu.vector_store %arg22[%swap3A_662], %swap3A_665 {strides = array<i32>} : memref<256xi32, #tpu.memory_space<vmem>>, vector<16xi32>,
      %broadcast_in_dim3A_666 = arith.constant 14 : i32
      %broadcast_in_dim3A_667 = vector.broadcast %broadcast_in_dim3A_666 : i32 to vector<16xi32>
      %lt3A_668 = arith.constant 0 : i32
      %lt3A_669 = vector.broadcast %lt3A_668 : i32 to vector<16xi32>
      %lt3A_670 = arith.cmpi slt, %broadcast_in_dim3A_667, %lt3A_669 : vector<16xi32>
      %add3A_671 = arith.constant 16 : i32
      %add3A_672 = vector.broadcast %add3A_671 : i32 to vector<16xi32>
      %add3A_673 = arith.addi %broadcast_in_dim3A_667, %add3A_672 : vector<16xi32>
      %select_n3A_674 = arith.select %lt3A_670, %add3A_673, %broadcast_in_dim3A_667 : vector<16xi1>, vector<16xi32>
      %broadcast_in_dim3A_675 = vector.shape_cast %select_n3A_674 : vector<16xi32> to vector<16x1xi32>
      %gather3A_676 = vector.shape_cast %broadcast_in_dim3A_675 : vector<16x1xi32> to vector<16xi32>
      %gather3A_677 = tpu.dynamic_gather %get3A_26[%gather3A_676] in [0] : vector<16xi32>, vector<16xi32> -> vector<16xi32>
      %broadcast_in_dim3A_678 = arith.constant 15 : i32
      %broadcast_in_dim3A_679 = vector.broadcast %broadcast_in_dim3A_678 : i32 to vector<16xi32>
      %lt3A_680 = arith.constant 0 : i32
      %lt3A_681 = vector.broadcast %lt3A_680 : i32 to vector<16xi32>
      %lt3A_682 = arith.cmpi slt, %broadcast_in_dim3A_679, %lt3A_681 : vector<16xi32>
      %add3A_683 = arith.constant 16 : i32
      %add3A_684 = vector.broadcast %add3A_683 : i32 to vector<16xi32>
      %add3A_685 = arith.addi %broadcast_in_dim3A_679, %add3A_684 : vector<16xi32>
      %select_n3A_686 = arith.select %lt3A_682, %add3A_685, %broadcast_in_dim3A_679 : vector<16xi1>, vector<16xi32>
      %broadcast_in_dim3A_687 = vector.shape_cast %select_n3A_686 : vector<16xi32> to vector<16x1xi32>
      %gather3A_688 = vector.shape_cast %broadcast_in_dim3A_687 : vector<16x1xi32> to vector<16xi32>
      %gather3A_689 = tpu.dynamic_gather %get3A_26[%gather3A_688] in [0] : vector<16xi32>, vector<16xi32> -> vector<16xi32>
      %lt3A_690 = arith.constant 8 : i32
      %lt3A_691 = vector.broadcast %lt3A_690 : i32 to vector<16xi32>
      %lt3A_692 = arith.cmpi slt, %iota3A, %lt3A_691 : vector<16xi32>
      %mul3A_693 = arith.constant 8 : i32
      %mul3A_694 = vector.broadcast %mul3A_693 : i32 to vector<16xi32>
      %mul3A_695 = arith.muli %gather3A_677, %mul3A_694 : vector<16xi32>
      %add3A_696 = arith.addi %mul3A_695, %iota3A : vector<16xi32>
      %mul3A_697 = arith.constant 8 : i32
      %mul3A_698 = vector.broadcast %mul3A_697 : i32 to vector<16xi32>
      %mul3A_699 = arith.muli %gather3A_689, %mul3A_698 : vector<16xi32>
      %sub3A_700 = arith.constant 8 : i32
      %sub3A_701 = vector.broadcast %sub3A_700 : i32 to vector<16xi32>
      %sub3A_702 = arith.subi %iota3A, %sub3A_701 : vector<16xi32>
      %add3A_703 = arith.addi %mul3A_699, %sub3A_702 : vector<16xi32>
      %select_n3A_704 = arith.select %lt3A_692, %add3A_696, %add3A_703 : vector<16xi1>, vector<16xi32>
      %swap3A_705 = arith.constant 112 : index
      %swap3A_706 = tpu.vector_load %arg22[%swap3A_705] {strides = array<i32>} : memref<256xi32, #tpu.memory_space<vmem>>, vector<16xi32>,
      %swap3A_707 = vector.shape_cast %swap3A_706 : vector<16xi32> to vector<16xi32>
      %swap3A_708 = vector.shape_cast %select_n3A_704 : vector<16xi32> to vector<16xi32>
      tpu.vector_store %arg22[%swap3A_705], %swap3A_708 {strides = array<i32>} : memref<256xi32, #tpu.memory_space<vmem>>, vector<16xi32>,
      %add3A_709 = arith.constant 16 : i32
      %add3A_710 = arith.addi %multiple_of3A_13, %add3A_709 : i32
      %get3A_711 = arith.index_cast %add3A_710 : i32 to index
      %get3A_712 = tpu.vector_load %arg19[%get3A_711] {strides = array<i32>} : memref<512xi32, #tpu.memory_space<vmem>>, vector<16xi32>,
      %get3A_713 = vector.shape_cast %get3A_712 : vector<16xi32> to vector<16xi32>
      %add3A_714 = arith.constant 16 : i32
      %add3A_715 = arith.addi %multiple_of3A_13, %add3A_714 : i32
      %get3A_716 = arith.index_cast %add3A_715 : i32 to index
      %get3A_717 = tpu.vector_load %arg20[%get3A_716] {strides = array<i32>} : memref<512xi32, #tpu.memory_space<vmem>>, vector<16xi32>,
      %get3A_718 = vector.shape_cast %get3A_717 : vector<16xi32> to vector<16xi32>
      %broadcast_in_dim3A_719 = arith.constant 0 : i32
      %broadcast_in_dim3A_720 = vector.broadcast %broadcast_in_dim3A_719 : i32 to vector<16xi32>
      %lt3A_721 = arith.constant 0 : i32
      %lt3A_722 = vector.broadcast %lt3A_721 : i32 to vector<16xi32>
      %lt3A_723 = arith.cmpi slt, %broadcast_in_dim3A_720, %lt3A_722 : vector<16xi32>
      %add3A_724 = arith.constant 16 : i32
      %add3A_725 = vector.broadcast %add3A_724 : i32 to vector<16xi32>
      %add3A_726 = arith.addi %broadcast_in_dim3A_720, %add3A_725 : vector<16xi32>
      %select_n3A_727 = arith.select %lt3A_723, %add3A_726, %broadcast_in_dim3A_720 : vector<16xi1>, vector<16xi32>
      %broadcast_in_dim3A_728 = vector.shape_cast %select_n3A_727 : vector<16xi32> to vector<16x1xi32>
      %gather3A_729 = vector.shape_cast %broadcast_in_dim3A_728 : vector<16x1xi32> to vector<16xi32>
      %gather3A_730 = tpu.dynamic_gather %get3A_713[%gather3A_729] in [0] : vector<16xi32>, vector<16xi32> -> vector<16xi32>
      %broadcast_in_dim3A_731 = arith.constant 1 : i32
      %broadcast_in_dim3A_732 = vector.broadcast %broadcast_in_dim3A_731 : i32 to vector<16xi32>
      %lt3A_733 = arith.constant 0 : i32
      %lt3A_734 = vector.broadcast %lt3A_733 : i32 to vector<16xi32>
      %lt3A_735 = arith.cmpi slt, %broadcast_in_dim3A_732, %lt3A_734 : vector<16xi32>
      %add3A_736 = arith.constant 16 : i32
      %add3A_737 = vector.broadcast %add3A_736 : i32 to vector<16xi32>
      %add3A_738 = arith.addi %broadcast_in_dim3A_732, %add3A_737 : vector<16xi32>
      %select_n3A_739 = arith.select %lt3A_735, %add3A_738, %broadcast_in_dim3A_732 : vector<16xi1>, vector<16xi32>
      %broadcast_in_dim3A_740 = vector.shape_cast %select_n3A_739 : vector<16xi32> to vector<16x1xi32>
      %gather3A_741 = vector.shape_cast %broadcast_in_dim3A_740 : vector<16x1xi32> to vector<16xi32>
      %gather3A_742 = tpu.dynamic_gather %get3A_713[%gather3A_741] in [0] : vector<16xi32>, vector<16xi32> -> vector<16xi32>
      %lt3A_743 = arith.constant 8 : i32
      %lt3A_744 = vector.broadcast %lt3A_743 : i32 to vector<16xi32>
      %lt3A_745 = arith.cmpi slt, %iota3A, %lt3A_744 : vector<16xi32>
      %mul3A_746 = arith.constant 8 : i32
      %mul3A_747 = vector.broadcast %mul3A_746 : i32 to vector<16xi32>
      %mul3A_748 = arith.muli %gather3A_730, %mul3A_747 : vector<16xi32>
      %add3A_749 = arith.addi %mul3A_748, %iota3A : vector<16xi32>
      %mul3A_750 = arith.constant 8 : i32
      %mul3A_751 = vector.broadcast %mul3A_750 : i32 to vector<16xi32>
      %mul3A_752 = arith.muli %gather3A_742, %mul3A_751 : vector<16xi32>
      %sub3A_753 = arith.constant 8 : i32
      %sub3A_754 = vector.broadcast %sub3A_753 : i32 to vector<16xi32>
      %sub3A_755 = arith.subi %iota3A, %sub3A_754 : vector<16xi32>
      %add3A_756 = arith.addi %mul3A_752, %sub3A_755 : vector<16xi32>
      %select_n3A_757 = arith.select %lt3A_745, %add3A_749, %add3A_756 : vector<16xi1>, vector<16xi32>
      %swap3A_758 = arith.constant 128 : index
      %swap3A_759 = tpu.vector_load %arg21[%swap3A_758] {strides = array<i32>} : memref<256xi32, #tpu.memory_space<vmem>>, vector<16xi32>,
      %swap3A_760 = vector.shape_cast %swap3A_759 : vector<16xi32> to vector<16xi32>
      %swap3A_761 = vector.shape_cast %select_n3A_757 : vector<16xi32> to vector<16xi32>
      tpu.vector_store %arg21[%swap3A_758], %swap3A_761 {strides = array<i32>} : memref<256xi32, #tpu.memory_space<vmem>>, vector<16xi32>,
      %broadcast_in_dim3A_762 = arith.constant 2 : i32
      %broadcast_in_dim3A_763 = vector.broadcast %broadcast_in_dim3A_762 : i32 to vector<16xi32>
      %lt3A_764 = arith.constant 0 : i32
      %lt3A_765 = vector.broadcast %lt3A_764 : i32 to vector<16xi32>
      %lt3A_766 = arith.cmpi slt, %broadcast_in_dim3A_763, %lt3A_765 : vector<16xi32>
      %add3A_767 = arith.constant 16 : i32
      %add3A_768 = vector.broadcast %add3A_767 : i32 to vector<16xi32>
      %add3A_769 = arith.addi %broadcast_in_dim3A_763, %add3A_768 : vector<16xi32>
      %select_n3A_770 = arith.select %lt3A_766, %add3A_769, %broadcast_in_dim3A_763 : vector<16xi1>, vector<16xi32>
      %broadcast_in_dim3A_771 = vector.shape_cast %select_n3A_770 : vector<16xi32> to vector<16x1xi32>
      %gather3A_772 = vector.shape_cast %broadcast_in_dim3A_771 : vector<16x1xi32> to vector<16xi32>
      %gather3A_773 = tpu.dynamic_gather %get3A_713[%gather3A_772] in [0] : vector<16xi32>, vector<16xi32> -> vector<16xi32>
      %broadcast_in_dim3A_774 = arith.constant 3 : i32
      %broadcast_in_dim3A_775 = vector.broadcast %broadcast_in_dim3A_774 : i32 to vector<16xi32>
      %lt3A_776 = arith.constant 0 : i32
      %lt3A_777 = vector.broadcast %lt3A_776 : i32 to vector<16xi32>
      %lt3A_778 = arith.cmpi slt, %broadcast_in_dim3A_775, %lt3A_777 : vector<16xi32>
      %add3A_779 = arith.constant 16 : i32
      %add3A_780 = vector.broadcast %add3A_779 : i32 to vector<16xi32>
      %add3A_781 = arith.addi %broadcast_in_dim3A_775, %add3A_780 : vector<16xi32>
      %select_n3A_782 = arith.select %lt3A_778, %add3A_781, %broadcast_in_dim3A_775 : vector<16xi1>, vector<16xi32>
      %broadcast_in_dim3A_783 = vector.shape_cast %select_n3A_782 : vector<16xi32> to vector<16x1xi32>
      %gather3A_784 = vector.shape_cast %broadcast_in_dim3A_783 : vector<16x1xi32> to vector<16xi32>
      %gather3A_785 = tpu.dynamic_gather %get3A_713[%gather3A_784] in [0] : vector<16xi32>, vector<16xi32> -> vector<16xi32>
      %lt3A_786 = arith.constant 8 : i32
      %lt3A_787 = vector.broadcast %lt3A_786 : i32 to vector<16xi32>
      %lt3A_788 = arith.cmpi slt, %iota3A, %lt3A_787 : vector<16xi32>
      %mul3A_789 = arith.constant 8 : i32
      %mul3A_790 = vector.broadcast %mul3A_789 : i32 to vector<16xi32>
      %mul3A_791 = arith.muli %gather3A_773, %mul3A_790 : vector<16xi32>
      %add3A_792 = arith.addi %mul3A_791, %iota3A : vector<16xi32>
      %mul3A_793 = arith.constant 8 : i32
      %mul3A_794 = vector.broadcast %mul3A_793 : i32 to vector<16xi32>
      %mul3A_795 = arith.muli %gather3A_785, %mul3A_794 : vector<16xi32>
      %sub3A_796 = arith.constant 8 : i32
      %sub3A_797 = vector.broadcast %sub3A_796 : i32 to vector<16xi32>
      %sub3A_798 = arith.subi %iota3A, %sub3A_797 : vector<16xi32>
      %add3A_799 = arith.addi %mul3A_795, %sub3A_798 : vector<16xi32>
      %select_n3A_800 = arith.select %lt3A_788, %add3A_792, %add3A_799 : vector<16xi1>, vector<16xi32>
      %swap3A_801 = arith.constant 144 : index
      %swap3A_802 = tpu.vector_load %arg21[%swap3A_801] {strides = array<i32>} : memref<256xi32, #tpu.memory_space<vmem>>, vector<16xi32>,
      %swap3A_803 = vector.shape_cast %swap3A_802 : vector<16xi32> to vector<16xi32>
      %swap3A_804 = vector.shape_cast %select_n3A_800 : vector<16xi32> to vector<16xi32>
      tpu.vector_store %arg21[%swap3A_801], %swap3A_804 {strides = array<i32>} : memref<256xi32, #tpu.memory_space<vmem>>, vector<16xi32>,
      %broadcast_in_dim3A_805 = arith.constant 4 : i32
      %broadcast_in_dim3A_806 = vector.broadcast %broadcast_in_dim3A_805 : i32 to vector<16xi32>
      %lt3A_807 = arith.constant 0 : i32
      %lt3A_808 = vector.broadcast %lt3A_807 : i32 to vector<16xi32>
      %lt3A_809 = arith.cmpi slt, %broadcast_in_dim3A_806, %lt3A_808 : vector<16xi32>
      %add3A_810 = arith.constant 16 : i32
      %add3A_811 = vector.broadcast %add3A_810 : i32 to vector<16xi32>
      %add3A_812 = arith.addi %broadcast_in_dim3A_806, %add3A_811 : vector<16xi32>
      %select_n3A_813 = arith.select %lt3A_809, %add3A_812, %broadcast_in_dim3A_806 : vector<16xi1>, vector<16xi32>
      %broadcast_in_dim3A_814 = vector.shape_cast %select_n3A_813 : vector<16xi32> to vector<16x1xi32>
      %gather3A_815 = vector.shape_cast %broadcast_in_dim3A_814 : vector<16x1xi32> to vector<16xi32>
      %gather3A_816 = tpu.dynamic_gather %get3A_713[%gather3A_815] in [0] : vector<16xi32>, vector<16xi32> -> vector<16xi32>
      %broadcast_in_dim3A_817 = arith.constant 5 : i32
      %broadcast_in_dim3A_818 = vector.broadcast %broadcast_in_dim3A_817 : i32 to vector<16xi32>
      %lt3A_819 = arith.constant 0 : i32
      %lt3A_820 = vector.broadcast %lt3A_819 : i32 to vector<16xi32>
      %lt3A_821 = arith.cmpi slt, %broadcast_in_dim3A_818, %lt3A_820 : vector<16xi32>
      %add3A_822 = arith.constant 16 : i32
      %add3A_823 = vector.broadcast %add3A_822 : i32 to vector<16xi32>
      %add3A_824 = arith.addi %broadcast_in_dim3A_818, %add3A_823 : vector<16xi32>
      %select_n3A_825 = arith.select %lt3A_821, %add3A_824, %broadcast_in_dim3A_818 : vector<16xi1>, vector<16xi32>
      %broadcast_in_dim3A_826 = vector.shape_cast %select_n3A_825 : vector<16xi32> to vector<16x1xi32>
      %gather3A_827 = vector.shape_cast %broadcast_in_dim3A_826 : vector<16x1xi32> to vector<16xi32>
      %gather3A_828 = tpu.dynamic_gather %get3A_713[%gather3A_827] in [0] : vector<16xi32>, vector<16xi32> -> vector<16xi32>
      %lt3A_829 = arith.constant 8 : i32
      %lt3A_830 = vector.broadcast %lt3A_829 : i32 to vector<16xi32>
      %lt3A_831 = arith.cmpi slt, %iota3A, %lt3A_830 : vector<16xi32>
      %mul3A_832 = arith.constant 8 : i32
      %mul3A_833 = vector.broadcast %mul3A_832 : i32 to vector<16xi32>
      %mul3A_834 = arith.muli %gather3A_816, %mul3A_833 : vector<16xi32>
      %add3A_835 = arith.addi %mul3A_834, %iota3A : vector<16xi32>
      %mul3A_836 = arith.constant 8 : i32
      %mul3A_837 = vector.broadcast %mul3A_836 : i32 to vector<16xi32>
      %mul3A_838 = arith.muli %gather3A_828, %mul3A_837 : vector<16xi32>
      %sub3A_839 = arith.constant 8 : i32
      %sub3A_840 = vector.broadcast %sub3A_839 : i32 to vector<16xi32>
      %sub3A_841 = arith.subi %iota3A, %sub3A_840 : vector<16xi32>
      %add3A_842 = arith.addi %mul3A_838, %sub3A_841 : vector<16xi32>
      %select_n3A_843 = arith.select %lt3A_831, %add3A_835, %add3A_842 : vector<16xi1>, vector<16xi32>
      %swap3A_844 = arith.constant 160 : index
      %swap3A_845 = tpu.vector_load %arg21[%swap3A_844] {strides = array<i32>} : memref<256xi32, #tpu.memory_space<vmem>>, vector<16xi32>,
      %swap3A_846 = vector.shape_cast %swap3A_845 : vector<16xi32> to vector<16xi32>
      %swap3A_847 = vector.shape_cast %select_n3A_843 : vector<16xi32> to vector<16xi32>
      tpu.vector_store %arg21[%swap3A_844], %swap3A_847 {strides = array<i32>} : memref<256xi32, #tpu.memory_space<vmem>>, vector<16xi32>,
      %broadcast_in_dim3A_848 = arith.constant 6 : i32
      %broadcast_in_dim3A_849 = vector.broadcast %broadcast_in_dim3A_848 : i32 to vector<16xi32>
      %lt3A_850 = arith.constant 0 : i32
      %lt3A_851 = vector.broadcast %lt3A_850 : i32 to vector<16xi32>
      %lt3A_852 = arith.cmpi slt, %broadcast_in_dim3A_849, %lt3A_851 : vector<16xi32>
      %add3A_853 = arith.constant 16 : i32
      %add3A_854 = vector.broadcast %add3A_853 : i32 to vector<16xi32>
      %add3A_855 = arith.addi %broadcast_in_dim3A_849, %add3A_854 : vector<16xi32>
      %select_n3A_856 = arith.select %lt3A_852, %add3A_855, %broadcast_in_dim3A_849 : vector<16xi1>, vector<16xi32>
      %broadcast_in_dim3A_857 = vector.shape_cast %select_n3A_856 : vector<16xi32> to vector<16x1xi32>
      %gather3A_858 = vector.shape_cast %broadcast_in_dim3A_857 : vector<16x1xi32> to vector<16xi32>
      %gather3A_859 = tpu.dynamic_gather %get3A_713[%gather3A_858] in [0] : vector<16xi32>, vector<16xi32> -> vector<16xi32>
      %broadcast_in_dim3A_860 = arith.constant 7 : i32
      %broadcast_in_dim3A_861 = vector.broadcast %broadcast_in_dim3A_860 : i32 to vector<16xi32>
      %lt3A_862 = arith.constant 0 : i32
      %lt3A_863 = vector.broadcast %lt3A_862 : i32 to vector<16xi32>
      %lt3A_864 = arith.cmpi slt, %broadcast_in_dim3A_861, %lt3A_863 : vector<16xi32>
      %add3A_865 = arith.constant 16 : i32
      %add3A_866 = vector.broadcast %add3A_865 : i32 to vector<16xi32>
      %add3A_867 = arith.addi %broadcast_in_dim3A_861, %add3A_866 : vector<16xi32>
      %select_n3A_868 = arith.select %lt3A_864, %add3A_867, %broadcast_in_dim3A_861 : vector<16xi1>, vector<16xi32>
      %broadcast_in_dim3A_869 = vector.shape_cast %select_n3A_868 : vector<16xi32> to vector<16x1xi32>
      %gather3A_870 = vector.shape_cast %broadcast_in_dim3A_869 : vector<16x1xi32> to vector<16xi32>
      %gather3A_871 = tpu.dynamic_gather %get3A_713[%gather3A_870] in [0] : vector<16xi32>, vector<16xi32> -> vector<16xi32>
      %lt3A_872 = arith.constant 8 : i32
      %lt3A_873 = vector.broadcast %lt3A_872 : i32 to vector<16xi32>
      %lt3A_874 = arith.cmpi slt, %iota3A, %lt3A_873 : vector<16xi32>
      %mul3A_875 = arith.constant 8 : i32
      %mul3A_876 = vector.broadcast %mul3A_875 : i32 to vector<16xi32>
      %mul3A_877 = arith.muli %gather3A_859, %mul3A_876 : vector<16xi32>
      %add3A_878 = arith.addi %mul3A_877, %iota3A : vector<16xi32>
      %mul3A_879 = arith.constant 8 : i32
      %mul3A_880 = vector.broadcast %mul3A_879 : i32 to vector<16xi32>
      %mul3A_881 = arith.muli %gather3A_871, %mul3A_880 : vector<16xi32>
      %sub3A_882 = arith.constant 8 : i32
      %sub3A_883 = vector.broadcast %sub3A_882 : i32 to vector<16xi32>
      %sub3A_884 = arith.subi %iota3A, %sub3A_883 : vector<16xi32>
      %add3A_885 = arith.addi %mul3A_881, %sub3A_884 : vector<16xi32>
      %select_n3A_886 = arith.select %lt3A_874, %add3A_878, %add3A_885 : vector<16xi1>, vector<16xi32>
      %swap3A_887 = arith.constant 176 : index
      %swap3A_888 = tpu.vector_load %arg21[%swap3A_887] {strides = array<i32>} : memref<256xi32, #tpu.memory_space<vmem>>, vector<16xi32>,
      %swap3A_889 = vector.shape_cast %swap3A_888 : vector<16xi32> to vector<16xi32>
      %swap3A_890 = vector.shape_cast %select_n3A_886 : vector<16xi32> to vector<16xi32>
      tpu.vector_store %arg21[%swap3A_887], %swap3A_890 {strides = array<i32>} : memref<256xi32, #tpu.memory_space<vmem>>, vector<16xi32>,
      %broadcast_in_dim3A_891 = arith.constant 8 : i32
      %broadcast_in_dim3A_892 = vector.broadcast %broadcast_in_dim3A_891 : i32 to vector<16xi32>
      %lt3A_893 = arith.constant 0 : i32
      %lt3A_894 = vector.broadcast %lt3A_893 : i32 to vector<16xi32>
      %lt3A_895 = arith.cmpi slt, %broadcast_in_dim3A_892, %lt3A_894 : vector<16xi32>
      %add3A_896 = arith.constant 16 : i32
      %add3A_897 = vector.broadcast %add3A_896 : i32 to vector<16xi32>
      %add3A_898 = arith.addi %broadcast_in_dim3A_892, %add3A_897 : vector<16xi32>
      %select_n3A_899 = arith.select %lt3A_895, %add3A_898, %broadcast_in_dim3A_892 : vector<16xi1>, vector<16xi32>
      %broadcast_in_dim3A_900 = vector.shape_cast %select_n3A_899 : vector<16xi32> to vector<16x1xi32>
      %gather3A_901 = vector.shape_cast %broadcast_in_dim3A_900 : vector<16x1xi32> to vector<16xi32>
      %gather3A_902 = tpu.dynamic_gather %get3A_713[%gather3A_901] in [0] : vector<16xi32>, vector<16xi32> -> vector<16xi32>
      %broadcast_in_dim3A_903 = arith.constant 9 : i32
      %broadcast_in_dim3A_904 = vector.broadcast %broadcast_in_dim3A_903 : i32 to vector<16xi32>
      %lt3A_905 = arith.constant 0 : i32
      %lt3A_906 = vector.broadcast %lt3A_905 : i32 to vector<16xi32>
      %lt3A_907 = arith.cmpi slt, %broadcast_in_dim3A_904, %lt3A_906 : vector<16xi32>
      %add3A_908 = arith.constant 16 : i32
      %add3A_909 = vector.broadcast %add3A_908 : i32 to vector<16xi32>
      %add3A_910 = arith.addi %broadcast_in_dim3A_904, %add3A_909 : vector<16xi32>
      %select_n3A_911 = arith.select %lt3A_907, %add3A_910, %broadcast_in_dim3A_904 : vector<16xi1>, vector<16xi32>
      %broadcast_in_dim3A_912 = vector.shape_cast %select_n3A_911 : vector<16xi32> to vector<16x1xi32>
      %gather3A_913 = vector.shape_cast %broadcast_in_dim3A_912 : vector<16x1xi32> to vector<16xi32>
      %gather3A_914 = tpu.dynamic_gather %get3A_713[%gather3A_913] in [0] : vector<16xi32>, vector<16xi32> -> vector<16xi32>
      %lt3A_915 = arith.constant 8 : i32
      %lt3A_916 = vector.broadcast %lt3A_915 : i32 to vector<16xi32>
      %lt3A_917 = arith.cmpi slt, %iota3A, %lt3A_916 : vector<16xi32>
      %mul3A_918 = arith.constant 8 : i32
      %mul3A_919 = vector.broadcast %mul3A_918 : i32 to vector<16xi32>
      %mul3A_920 = arith.muli %gather3A_902, %mul3A_919 : vector<16xi32>
      %add3A_921 = arith.addi %mul3A_920, %iota3A : vector<16xi32>
      %mul3A_922 = arith.constant 8 : i32
      %mul3A_923 = vector.broadcast %mul3A_922 : i32 to vector<16xi32>
      %mul3A_924 = arith.muli %gather3A_914, %mul3A_923 : vector<16xi32>
      %sub3A_925 = arith.constant 8 : i32
      %sub3A_926 = vector.broadcast %sub3A_925 : i32 to vector<16xi32>
      %sub3A_927 = arith.subi %iota3A, %sub3A_926 : vector<16xi32>
      %add3A_928 = arith.addi %mul3A_924, %sub3A_927 : vector<16xi32>
      %select_n3A_929 = arith.select %lt3A_917, %add3A_921, %add3A_928 : vector<16xi1>, vector<16xi32>
      %swap3A_930 = arith.constant 192 : index
      %swap3A_931 = tpu.vector_load %arg21[%swap3A_930] {strides = array<i32>} : memref<256xi32, #tpu.memory_space<vmem>>, vector<16xi32>,
      %swap3A_932 = vector.shape_cast %swap3A_931 : vector<16xi32> to vector<16xi32>
      %swap3A_933 = vector.shape_cast %select_n3A_929 : vector<16xi32> to vector<16xi32>
      tpu.vector_store %arg21[%swap3A_930], %swap3A_933 {strides = array<i32>} : memref<256xi32, #tpu.memory_space<vmem>>, vector<16xi32>,
      %broadcast_in_dim3A_934 = arith.constant 10 : i32
      %broadcast_in_dim3A_935 = vector.broadcast %broadcast_in_dim3A_934 : i32 to vector<16xi32>
      %lt3A_936 = arith.constant 0 : i32
      %lt3A_937 = vector.broadcast %lt3A_936 : i32 to vector<16xi32>
      %lt3A_938 = arith.cmpi slt, %broadcast_in_dim3A_935, %lt3A_937 : vector<16xi32>
      %add3A_939 = arith.constant 16 : i32
      %add3A_940 = vector.broadcast %add3A_939 : i32 to vector<16xi32>
      %add3A_941 = arith.addi %broadcast_in_dim3A_935, %add3A_940 : vector<16xi32>
      %select_n3A_942 = arith.select %lt3A_938, %add3A_941, %broadcast_in_dim3A_935 : vector<16xi1>, vector<16xi32>
      %broadcast_in_dim3A_943 = vector.shape_cast %select_n3A_942 : vector<16xi32> to vector<16x1xi32>
      %gather3A_944 = vector.shape_cast %broadcast_in_dim3A_943 : vector<16x1xi32> to vector<16xi32>
      %gather3A_945 = tpu.dynamic_gather %get3A_713[%gather3A_944] in [0] : vector<16xi32>, vector<16xi32> -> vector<16xi32>
      %broadcast_in_dim3A_946 = arith.constant 11 : i32
      %broadcast_in_dim3A_947 = vector.broadcast %broadcast_in_dim3A_946 : i32 to vector<16xi32>
      %lt3A_948 = arith.constant 0 : i32
      %lt3A_949 = vector.broadcast %lt3A_948 : i32 to vector<16xi32>
      %lt3A_950 = arith.cmpi slt, %broadcast_in_dim3A_947, %lt3A_949 : vector<16xi32>
      %add3A_951 = arith.constant 16 : i32
      %add3A_952 = vector.broadcast %add3A_951 : i32 to vector<16xi32>
      %add3A_953 = arith.addi %broadcast_in_dim3A_947, %add3A_952 : vector<16xi32>
      %select_n3A_954 = arith.select %lt3A_950, %add3A_953, %broadcast_in_dim3A_947 : vector<16xi1>, vector<16xi32>
      %broadcast_in_dim3A_955 = vector.shape_cast %select_n3A_954 : vector<16xi32> to vector<16x1xi32>
      %gather3A_956 = vector.shape_cast %broadcast_in_dim3A_955 : vector<16x1xi32> to vector<16xi32>
      %gather3A_957 = tpu.dynamic_gather %get3A_713[%gather3A_956] in [0] : vector<16xi32>, vector<16xi32> -> vector<16xi32>
      %lt3A_958 = arith.constant 8 : i32
      %lt3A_959 = vector.broadcast %lt3A_958 : i32 to vector<16xi32>
      %lt3A_960 = arith.cmpi slt, %iota3A, %lt3A_959 : vector<16xi32>
      %mul3A_961 = arith.constant 8 : i32
      %mul3A_962 = vector.broadcast %mul3A_961 : i32 to vector<16xi32>
      %mul3A_963 = arith.muli %gather3A_945, %mul3A_962 : vector<16xi32>
      %add3A_964 = arith.addi %mul3A_963, %iota3A : vector<16xi32>
      %mul3A_965 = arith.constant 8 : i32
      %mul3A_966 = vector.broadcast %mul3A_965 : i32 to vector<16xi32>
      %mul3A_967 = arith.muli %gather3A_957, %mul3A_966 : vector<16xi32>
      %sub3A_968 = arith.constant 8 : i32
      %sub3A_969 = vector.broadcast %sub3A_968 : i32 to vector<16xi32>
      %sub3A_970 = arith.subi %iota3A, %sub3A_969 : vector<16xi32>
      %add3A_971 = arith.addi %mul3A_967, %sub3A_970 : vector<16xi32>
      %select_n3A_972 = arith.select %lt3A_960, %add3A_964, %add3A_971 : vector<16xi1>, vector<16xi32>
      %swap3A_973 = arith.constant 208 : index
      %swap3A_974 = tpu.vector_load %arg21[%swap3A_973] {strides = array<i32>} : memref<256xi32, #tpu.memory_space<vmem>>, vector<16xi32>,
      %swap3A_975 = vector.shape_cast %swap3A_974 : vector<16xi32> to vector<16xi32>
      %swap3A_976 = vector.shape_cast %select_n3A_972 : vector<16xi32> to vector<16xi32>
      tpu.vector_store %arg21[%swap3A_973], %swap3A_976 {strides = array<i32>} : memref<256xi32, #tpu.memory_space<vmem>>, vector<16xi32>,
      %broadcast_in_dim3A_977 = arith.constant 12 : i32
      %broadcast_in_dim3A_978 = vector.broadcast %broadcast_in_dim3A_977 : i32 to vector<16xi32>
      %lt3A_979 = arith.constant 0 : i32
      %lt3A_980 = vector.broadcast %lt3A_979 : i32 to vector<16xi32>
      %lt3A_981 = arith.cmpi slt, %broadcast_in_dim3A_978, %lt3A_980 : vector<16xi32>
      %add3A_982 = arith.constant 16 : i32
      %add3A_983 = vector.broadcast %add3A_982 : i32 to vector<16xi32>
      %add3A_984 = arith.addi %broadcast_in_dim3A_978, %add3A_983 : vector<16xi32>
      %select_n3A_985 = arith.select %lt3A_981, %add3A_984, %broadcast_in_dim3A_978 : vector<16xi1>, vector<16xi32>
      %broadcast_in_dim3A_986 = vector.shape_cast %select_n3A_985 : vector<16xi32> to vector<16x1xi32>
      %gather3A_987 = vector.shape_cast %broadcast_in_dim3A_986 : vector<16x1xi32> to vector<16xi32>
      %gather3A_988 = tpu.dynamic_gather %get3A_713[%gather3A_987] in [0] : vector<16xi32>, vector<16xi32> -> vector<16xi32>
      %broadcast_in_dim3A_989 = arith.constant 13 : i32
      %broadcast_in_dim3A_990 = vector.broadcast %broadcast_in_dim3A_989 : i32 to vector<16xi32>
      %lt3A_991 = arith.constant 0 : i32
      %lt3A_992 = vector.broadcast %lt3A_991 : i32 to vector<16xi32>
      %lt3A_993 = arith.cmpi slt, %broadcast_in_dim3A_990, %lt3A_992 : vector<16xi32>
      %add3A_994 = arith.constant 16 : i32
      %add3A_995 = vector.broadcast %add3A_994 : i32 to vector<16xi32>
      %add3A_996 = arith.addi %broadcast_in_dim3A_990, %add3A_995 : vector<16xi32>
      %select_n3A_997 = arith.select %lt3A_993, %add3A_996, %broadcast_in_dim3A_990 : vector<16xi1>, vector<16xi32>
      %broadcast_in_dim3A_998 = vector.shape_cast %select_n3A_997 : vector<16xi32> to vector<16x1xi32>
      %gather3A_999 = vector.shape_cast %broadcast_in_dim3A_998 : vector<16x1xi32> to vector<16xi32>
      %gather3A_1000 = tpu.dynamic_gather %get3A_713[%gather3A_999] in [0] : vector<16xi32>, vector<16xi32> -> vector<16xi32>
      %lt3A_1001 = arith.constant 8 : i32
      %lt3A_1002 = vector.broadcast %lt3A_1001 : i32 to vector<16xi32>
      %lt3A_1003 = arith.cmpi slt, %iota3A, %lt3A_1002 : vector<16xi32>
      %mul3A_1004 = arith.constant 8 : i32
      %mul3A_1005 = vector.broadcast %mul3A_1004 : i32 to vector<16xi32>
      %mul3A_1006 = arith.muli %gather3A_988, %mul3A_1005 : vector<16xi32>
      %add3A_1007 = arith.addi %mul3A_1006, %iota3A : vector<16xi32>
      %mul3A_1008 = arith.constant 8 : i32
      %mul3A_1009 = vector.broadcast %mul3A_1008 : i32 to vector<16xi32>
      %mul3A_1010 = arith.muli %gather3A_1000, %mul3A_1009 : vector<16xi32>
      %sub3A_1011 = arith.constant 8 : i32
      %sub3A_1012 = vector.broadcast %sub3A_1011 : i32 to vector<16xi32>
      %sub3A_1013 = arith.subi %iota3A, %sub3A_1012 : vector<16xi32>
      %add3A_1014 = arith.addi %mul3A_1010, %sub3A_1013 : vector<16xi32>
      %select_n3A_1015 = arith.select %lt3A_1003, %add3A_1007, %add3A_1014 : vector<16xi1>, vector<16xi32>
      %swap3A_1016 = arith.constant 224 : index
      %swap3A_1017 = tpu.vector_load %arg21[%swap3A_1016] {strides = array<i32>} : memref<256xi32, #tpu.memory_space<vmem>>, vector<16xi32>,
      %swap3A_1018 = vector.shape_cast %swap3A_1017 : vector<16xi32> to vector<16xi32>
      %swap3A_1019 = vector.shape_cast %select_n3A_1015 : vector<16xi32> to vector<16xi32>
      tpu.vector_store %arg21[%swap3A_1016], %swap3A_1019 {strides = array<i32>} : memref<256xi32, #tpu.memory_space<vmem>>, vector<16xi32>,
      %broadcast_in_dim3A_1020 = arith.constant 14 : i32
      %broadcast_in_dim3A_1021 = vector.broadcast %broadcast_in_dim3A_1020 : i32 to vector<16xi32>
      %lt3A_1022 = arith.constant 0 : i32
      %lt3A_1023 = vector.broadcast %lt3A_1022 : i32 to vector<16xi32>
      %lt3A_1024 = arith.cmpi slt, %broadcast_in_dim3A_1021, %lt3A_1023 : vector<16xi32>
      %add3A_1025 = arith.constant 16 : i32
      %add3A_1026 = vector.broadcast %add3A_1025 : i32 to vector<16xi32>
      %add3A_1027 = arith.addi %broadcast_in_dim3A_1021, %add3A_1026 : vector<16xi32>
      %select_n3A_1028 = arith.select %lt3A_1024, %add3A_1027, %broadcast_in_dim3A_1021 : vector<16xi1>, vector<16xi32>
      %broadcast_in_dim3A_1029 = vector.shape_cast %select_n3A_1028 : vector<16xi32> to vector<16x1xi32>
      %gather3A_1030 = vector.shape_cast %broadcast_in_dim3A_1029 : vector<16x1xi32> to vector<16xi32>
      %gather3A_1031 = tpu.dynamic_gather %get3A_713[%gather3A_1030] in [0] : vector<16xi32>, vector<16xi32> -> vector<16xi32>
      %broadcast_in_dim3A_1032 = arith.constant 15 : i32
      %broadcast_in_dim3A_1033 = vector.broadcast %broadcast_in_dim3A_1032 : i32 to vector<16xi32>
      %lt3A_1034 = arith.constant 0 : i32
      %lt3A_1035 = vector.broadcast %lt3A_1034 : i32 to vector<16xi32>
      %lt3A_1036 = arith.cmpi slt, %broadcast_in_dim3A_1033, %lt3A_1035 : vector<16xi32>
      %add3A_1037 = arith.constant 16 : i32
      %add3A_1038 = vector.broadcast %add3A_1037 : i32 to vector<16xi32>
      %add3A_1039 = arith.addi %broadcast_in_dim3A_1033, %add3A_1038 : vector<16xi32>
      %select_n3A_1040 = arith.select %lt3A_1036, %add3A_1039, %broadcast_in_dim3A_1033 : vector<16xi1>, vector<16xi32>
      %broadcast_in_dim3A_1041 = vector.shape_cast %select_n3A_1040 : vector<16xi32> to vector<16x1xi32>
      %gather3A_1042 = vector.shape_cast %broadcast_in_dim3A_1041 : vector<16x1xi32> to vector<16xi32>
      %gather3A_1043 = tpu.dynamic_gather %get3A_713[%gather3A_1042] in [0] : vector<16xi32>, vector<16xi32> -> vector<16xi32>
      %lt3A_1044 = arith.constant 8 : i32
      %lt3A_1045 = vector.broadcast %lt3A_1044 : i32 to vector<16xi32>
      %lt3A_1046 = arith.cmpi slt, %iota3A, %lt3A_1045 : vector<16xi32>
      %mul3A_1047 = arith.constant 8 : i32
      %mul3A_1048 = vector.broadcast %mul3A_1047 : i32 to vector<16xi32>
      %mul3A_1049 = arith.muli %gather3A_1031, %mul3A_1048 : vector<16xi32>
      %add3A_1050 = arith.addi %mul3A_1049, %iota3A : vector<16xi32>
      %mul3A_1051 = arith.constant 8 : i32
      %mul3A_1052 = vector.broadcast %mul3A_1051 : i32 to vector<16xi32>
      %mul3A_1053 = arith.muli %gather3A_1043, %mul3A_1052 : vector<16xi32>
      %sub3A_1054 = arith.constant 8 : i32
      %sub3A_1055 = vector.broadcast %sub3A_1054 : i32 to vector<16xi32>
      %sub3A_1056 = arith.subi %iota3A, %sub3A_1055 : vector<16xi32>
      %add3A_1057 = arith.addi %mul3A_1053, %sub3A_1056 : vector<16xi32>
      %select_n3A_1058 = arith.select %lt3A_1046, %add3A_1050, %add3A_1057 : vector<16xi1>, vector<16xi32>
      %swap3A_1059 = arith.constant 240 : index
      %swap3A_1060 = tpu.vector_load %arg21[%swap3A_1059] {strides = array<i32>} : memref<256xi32, #tpu.memory_space<vmem>>, vector<16xi32>,
      %swap3A_1061 = vector.shape_cast %swap3A_1060 : vector<16xi32> to vector<16xi32>
      %swap3A_1062 = vector.shape_cast %select_n3A_1058 : vector<16xi32> to vector<16xi32>
      tpu.vector_store %arg21[%swap3A_1059], %swap3A_1062 {strides = array<i32>} : memref<256xi32, #tpu.memory_space<vmem>>, vector<16xi32>,
      %broadcast_in_dim3A_1063 = arith.constant 0 : i32
      %broadcast_in_dim3A_1064 = vector.broadcast %broadcast_in_dim3A_1063 : i32 to vector<16xi32>
      %lt3A_1065 = arith.constant 0 : i32
      %lt3A_1066 = vector.broadcast %lt3A_1065 : i32 to vector<16xi32>
      %lt3A_1067 = arith.cmpi slt, %broadcast_in_dim3A_1064, %lt3A_1066 : vector<16xi32>
      %add3A_1068 = arith.constant 16 : i32
      %add3A_1069 = vector.broadcast %add3A_1068 : i32 to vector<16xi32>
      %add3A_1070 = arith.addi %broadcast_in_dim3A_1064, %add3A_1069 : vector<16xi32>
      %select_n3A_1071 = arith.select %lt3A_1067, %add3A_1070, %broadcast_in_dim3A_1064 : vector<16xi1>, vector<16xi32>
      %broadcast_in_dim3A_1072 = vector.shape_cast %select_n3A_1071 : vector<16xi32> to vector<16x1xi32>
      %gather3A_1073 = vector.shape_cast %broadcast_in_dim3A_1072 : vector<16x1xi32> to vector<16xi32>
      %gather3A_1074 = tpu.dynamic_gather %get3A_718[%gather3A_1073] in [0] : vector<16xi32>, vector<16xi32> -> vector<16xi32>
      %broadcast_in_dim3A_1075 = arith.constant 1 : i32
      %broadcast_in_dim3A_1076 = vector.broadcast %broadcast_in_dim3A_1075 : i32 to vector<16xi32>
      %lt3A_1077 = arith.constant 0 : i32
      %lt3A_1078 = vector.broadcast %lt3A_1077 : i32 to vector<16xi32>
      %lt3A_1079 = arith.cmpi slt, %broadcast_in_dim3A_1076, %lt3A_1078 : vector<16xi32>
      %add3A_1080 = arith.constant 16 : i32
      %add3A_1081 = vector.broadcast %add3A_1080 : i32 to vector<16xi32>
      %add3A_1082 = arith.addi %broadcast_in_dim3A_1076, %add3A_1081 : vector<16xi32>
      %select_n3A_1083 = arith.select %lt3A_1079, %add3A_1082, %broadcast_in_dim3A_1076 : vector<16xi1>, vector<16xi32>
      %broadcast_in_dim3A_1084 = vector.shape_cast %select_n3A_1083 : vector<16xi32> to vector<16x1xi32>
      %gather3A_1085 = vector.shape_cast %broadcast_in_dim3A_1084 : vector<16x1xi32> to vector<16xi32>
      %gather3A_1086 = tpu.dynamic_gather %get3A_718[%gather3A_1085] in [0] : vector<16xi32>, vector<16xi32> -> vector<16xi32>
      %lt3A_1087 = arith.constant 8 : i32
      %lt3A_1088 = vector.broadcast %lt3A_1087 : i32 to vector<16xi32>
      %lt3A_1089 = arith.cmpi slt, %iota3A, %lt3A_1088 : vector<16xi32>
      %mul3A_1090 = arith.constant 8 : i32
      %mul3A_1091 = vector.broadcast %mul3A_1090 : i32 to vector<16xi32>
      %mul3A_1092 = arith.muli %gather3A_1074, %mul3A_1091 : vector<16xi32>
      %add3A_1093 = arith.addi %mul3A_1092, %iota3A : vector<16xi32>
      %mul3A_1094 = arith.constant 8 : i32
      %mul3A_1095 = vector.broadcast %mul3A_1094 : i32 to vector<16xi32>
      %mul3A_1096 = arith.muli %gather3A_1086, %mul3A_1095 : vector<16xi32>
      %sub3A_1097 = arith.constant 8 : i32
      %sub3A_1098 = vector.broadcast %sub3A_1097 : i32 to vector<16xi32>
      %sub3A_1099 = arith.subi %iota3A, %sub3A_1098 : vector<16xi32>
      %add3A_1100 = arith.addi %mul3A_1096, %sub3A_1099 : vector<16xi32>
      %select_n3A_1101 = arith.select %lt3A_1089, %add3A_1093, %add3A_1100 : vector<16xi1>, vector<16xi32>
      %swap3A_1102 = arith.constant 128 : index
      %swap3A_1103 = tpu.vector_load %arg22[%swap3A_1102] {strides = array<i32>} : memref<256xi32, #tpu.memory_space<vmem>>, vector<16xi32>,
      %swap3A_1104 = vector.shape_cast %swap3A_1103 : vector<16xi32> to vector<16xi32>
      %swap3A_1105 = vector.shape_cast %select_n3A_1101 : vector<16xi32> to vector<16xi32>
      tpu.vector_store %arg22[%swap3A_1102], %swap3A_1105 {strides = array<i32>} : memref<256xi32, #tpu.memory_space<vmem>>, vector<16xi32>,
      %broadcast_in_dim3A_1106 = arith.constant 2 : i32
      %broadcast_in_dim3A_1107 = vector.broadcast %broadcast_in_dim3A_1106 : i32 to vector<16xi32>
      %lt3A_1108 = arith.constant 0 : i32
      %lt3A_1109 = vector.broadcast %lt3A_1108 : i32 to vector<16xi32>
      %lt3A_1110 = arith.cmpi slt, %broadcast_in_dim3A_1107, %lt3A_1109 : vector<16xi32>
      %add3A_1111 = arith.constant 16 : i32
      %add3A_1112 = vector.broadcast %add3A_1111 : i32 to vector<16xi32>
      %add3A_1113 = arith.addi %broadcast_in_dim3A_1107, %add3A_1112 : vector<16xi32>
      %select_n3A_1114 = arith.select %lt3A_1110, %add3A_1113, %broadcast_in_dim3A_1107 : vector<16xi1>, vector<16xi32>
      %broadcast_in_dim3A_1115 = vector.shape_cast %select_n3A_1114 : vector<16xi32> to vector<16x1xi32>
      %gather3A_1116 = vector.shape_cast %broadcast_in_dim3A_1115 : vector<16x1xi32> to vector<16xi32>
      %gather3A_1117 = tpu.dynamic_gather %get3A_718[%gather3A_1116] in [0] : vector<16xi32>, vector<16xi32> -> vector<16xi32>
      %broadcast_in_dim3A_1118 = arith.constant 3 : i32
      %broadcast_in_dim3A_1119 = vector.broadcast %broadcast_in_dim3A_1118 : i32 to vector<16xi32>
      %lt3A_1120 = arith.constant 0 : i32
      %lt3A_1121 = vector.broadcast %lt3A_1120 : i32 to vector<16xi32>
      %lt3A_1122 = arith.cmpi slt, %broadcast_in_dim3A_1119, %lt3A_1121 : vector<16xi32>
      %add3A_1123 = arith.constant 16 : i32
      %add3A_1124 = vector.broadcast %add3A_1123 : i32 to vector<16xi32>
      %add3A_1125 = arith.addi %broadcast_in_dim3A_1119, %add3A_1124 : vector<16xi32>
      %select_n3A_1126 = arith.select %lt3A_1122, %add3A_1125, %broadcast_in_dim3A_1119 : vector<16xi1>, vector<16xi32>
      %broadcast_in_dim3A_1127 = vector.shape_cast %select_n3A_1126 : vector<16xi32> to vector<16x1xi32>
      %gather3A_1128 = vector.shape_cast %broadcast_in_dim3A_1127 : vector<16x1xi32> to vector<16xi32>
      %gather3A_1129 = tpu.dynamic_gather %get3A_718[%gather3A_1128] in [0] : vector<16xi32>, vector<16xi32> -> vector<16xi32>
      %lt3A_1130 = arith.constant 8 : i32
      %lt3A_1131 = vector.broadcast %lt3A_1130 : i32 to vector<16xi32>
      %lt3A_1132 = arith.cmpi slt, %iota3A, %lt3A_1131 : vector<16xi32>
      %mul3A_1133 = arith.constant 8 : i32
      %mul3A_1134 = vector.broadcast %mul3A_1133 : i32 to vector<16xi32>
      %mul3A_1135 = arith.muli %gather3A_1117, %mul3A_1134 : vector<16xi32>
      %add3A_1136 = arith.addi %mul3A_1135, %iota3A : vector<16xi32>
      %mul3A_1137 = arith.constant 8 : i32
      %mul3A_1138 = vector.broadcast %mul3A_1137 : i32 to vector<16xi32>
      %mul3A_1139 = arith.muli %gather3A_1129, %mul3A_1138 : vector<16xi32>
      %sub3A_1140 = arith.constant 8 : i32
      %sub3A_1141 = vector.broadcast %sub3A_1140 : i32 to vector<16xi32>
      %sub3A_1142 = arith.subi %iota3A, %sub3A_1141 : vector<16xi32>
      %add3A_1143 = arith.addi %mul3A_1139, %sub3A_1142 : vector<16xi32>
      %select_n3A_1144 = arith.select %lt3A_1132, %add3A_1136, %add3A_1143 : vector<16xi1>, vector<16xi32>
      %swap3A_1145 = arith.constant 144 : index
      %swap3A_1146 = tpu.vector_load %arg22[%swap3A_1145] {strides = array<i32>} : memref<256xi32, #tpu.memory_space<vmem>>, vector<16xi32>,
      %swap3A_1147 = vector.shape_cast %swap3A_1146 : vector<16xi32> to vector<16xi32>
      %swap3A_1148 = vector.shape_cast %select_n3A_1144 : vector<16xi32> to vector<16xi32>
      tpu.vector_store %arg22[%swap3A_1145], %swap3A_1148 {strides = array<i32>} : memref<256xi32, #tpu.memory_space<vmem>>, vector<16xi32>,
      %broadcast_in_dim3A_1149 = arith.constant 4 : i32
      %broadcast_in_dim3A_1150 = vector.broadcast %broadcast_in_dim3A_1149 : i32 to vector<16xi32>
      %lt3A_1151 = arith.constant 0 : i32
      %lt3A_1152 = vector.broadcast %lt3A_1151 : i32 to vector<16xi32>
      %lt3A_1153 = arith.cmpi slt, %broadcast_in_dim3A_1150, %lt3A_1152 : vector<16xi32>
      %add3A_1154 = arith.constant 16 : i32
      %add3A_1155 = vector.broadcast %add3A_1154 : i32 to vector<16xi32>
      %add3A_1156 = arith.addi %broadcast_in_dim3A_1150, %add3A_1155 : vector<16xi32>
      %select_n3A_1157 = arith.select %lt3A_1153, %add3A_1156, %broadcast_in_dim3A_1150 : vector<16xi1>, vector<16xi32>
      %broadcast_in_dim3A_1158 = vector.shape_cast %select_n3A_1157 : vector<16xi32> to vector<16x1xi32>
      %gather3A_1159 = vector.shape_cast %broadcast_in_dim3A_1158 : vector<16x1xi32> to vector<16xi32>
      %gather3A_1160 = tpu.dynamic_gather %get3A_718[%gather3A_1159] in [0] : vector<16xi32>, vector<16xi32> -> vector<16xi32>
      %broadcast_in_dim3A_1161 = arith.constant 5 : i32
      %broadcast_in_dim3A_1162 = vector.broadcast %broadcast_in_dim3A_1161 : i32 to vector<16xi32>
      %lt3A_1163 = arith.constant 0 : i32
      %lt3A_1164 = vector.broadcast %lt3A_1163 : i32 to vector<16xi32>
      %lt3A_1165 = arith.cmpi slt, %broadcast_in_dim3A_1162, %lt3A_1164 : vector<16xi32>
      %add3A_1166 = arith.constant 16 : i32
      %add3A_1167 = vector.broadcast %add3A_1166 : i32 to vector<16xi32>
      %add3A_1168 = arith.addi %broadcast_in_dim3A_1162, %add3A_1167 : vector<16xi32>
      %select_n3A_1169 = arith.select %lt3A_1165, %add3A_1168, %broadcast_in_dim3A_1162 : vector<16xi1>, vector<16xi32>
      %broadcast_in_dim3A_1170 = vector.shape_cast %select_n3A_1169 : vector<16xi32> to vector<16x1xi32>
      %gather3A_1171 = vector.shape_cast %broadcast_in_dim3A_1170 : vector<16x1xi32> to vector<16xi32>
      %gather3A_1172 = tpu.dynamic_gather %get3A_718[%gather3A_1171] in [0] : vector<16xi32>, vector<16xi32> -> vector<16xi32>
      %lt3A_1173 = arith.constant 8 : i32
      %lt3A_1174 = vector.broadcast %lt3A_1173 : i32 to vector<16xi32>
      %lt3A_1175 = arith.cmpi slt, %iota3A, %lt3A_1174 : vector<16xi32>
      %mul3A_1176 = arith.constant 8 : i32
      %mul3A_1177 = vector.broadcast %mul3A_1176 : i32 to vector<16xi32>
      %mul3A_1178 = arith.muli %gather3A_1160, %mul3A_1177 : vector<16xi32>
      %add3A_1179 = arith.addi %mul3A_1178, %iota3A : vector<16xi32>
      %mul3A_1180 = arith.constant 8 : i32
      %mul3A_1181 = vector.broadcast %mul3A_1180 : i32 to vector<16xi32>
      %mul3A_1182 = arith.muli %gather3A_1172, %mul3A_1181 : vector<16xi32>
      %sub3A_1183 = arith.constant 8 : i32
      %sub3A_1184 = vector.broadcast %sub3A_1183 : i32 to vector<16xi32>
      %sub3A_1185 = arith.subi %iota3A, %sub3A_1184 : vector<16xi32>
      %add3A_1186 = arith.addi %mul3A_1182, %sub3A_1185 : vector<16xi32>
      %select_n3A_1187 = arith.select %lt3A_1175, %add3A_1179, %add3A_1186 : vector<16xi1>, vector<16xi32>
      %swap3A_1188 = arith.constant 160 : index
      %swap3A_1189 = tpu.vector_load %arg22[%swap3A_1188] {strides = array<i32>} : memref<256xi32, #tpu.memory_space<vmem>>, vector<16xi32>,
      %swap3A_1190 = vector.shape_cast %swap3A_1189 : vector<16xi32> to vector<16xi32>
      %swap3A_1191 = vector.shape_cast %select_n3A_1187 : vector<16xi32> to vector<16xi32>
      tpu.vector_store %arg22[%swap3A_1188], %swap3A_1191 {strides = array<i32>} : memref<256xi32, #tpu.memory_space<vmem>>, vector<16xi32>,
      %broadcast_in_dim3A_1192 = arith.constant 6 : i32
      %broadcast_in_dim3A_1193 = vector.broadcast %broadcast_in_dim3A_1192 : i32 to vector<16xi32>
      %lt3A_1194 = arith.constant 0 : i32
      %lt3A_1195 = vector.broadcast %lt3A_1194 : i32 to vector<16xi32>
      %lt3A_1196 = arith.cmpi slt, %broadcast_in_dim3A_1193, %lt3A_1195 : vector<16xi32>
      %add3A_1197 = arith.constant 16 : i32
      %add3A_1198 = vector.broadcast %add3A_1197 : i32 to vector<16xi32>
      %add3A_1199 = arith.addi %broadcast_in_dim3A_1193, %add3A_1198 : vector<16xi32>
      %select_n3A_1200 = arith.select %lt3A_1196, %add3A_1199, %broadcast_in_dim3A_1193 : vector<16xi1>, vector<16xi32>
      %broadcast_in_dim3A_1201 = vector.shape_cast %select_n3A_1200 : vector<16xi32> to vector<16x1xi32>
      %gather3A_1202 = vector.shape_cast %broadcast_in_dim3A_1201 : vector<16x1xi32> to vector<16xi32>
      %gather3A_1203 = tpu.dynamic_gather %get3A_718[%gather3A_1202] in [0] : vector<16xi32>, vector<16xi32> -> vector<16xi32>
      %broadcast_in_dim3A_1204 = arith.constant 7 : i32
      %broadcast_in_dim3A_1205 = vector.broadcast %broadcast_in_dim3A_1204 : i32 to vector<16xi32>
      %lt3A_1206 = arith.constant 0 : i32
      %lt3A_1207 = vector.broadcast %lt3A_1206 : i32 to vector<16xi32>
      %lt3A_1208 = arith.cmpi slt, %broadcast_in_dim3A_1205, %lt3A_1207 : vector<16xi32>
      %add3A_1209 = arith.constant 16 : i32
      %add3A_1210 = vector.broadcast %add3A_1209 : i32 to vector<16xi32>
      %add3A_1211 = arith.addi %broadcast_in_dim3A_1205, %add3A_1210 : vector<16xi32>
      %select_n3A_1212 = arith.select %lt3A_1208, %add3A_1211, %broadcast_in_dim3A_1205 : vector<16xi1>, vector<16xi32>
      %broadcast_in_dim3A_1213 = vector.shape_cast %select_n3A_1212 : vector<16xi32> to vector<16x1xi32>
      %gather3A_1214 = vector.shape_cast %broadcast_in_dim3A_1213 : vector<16x1xi32> to vector<16xi32>
      %gather3A_1215 = tpu.dynamic_gather %get3A_718[%gather3A_1214] in [0] : vector<16xi32>, vector<16xi32> -> vector<16xi32>
      %lt3A_1216 = arith.constant 8 : i32
      %lt3A_1217 = vector.broadcast %lt3A_1216 : i32 to vector<16xi32>
      %lt3A_1218 = arith.cmpi slt, %iota3A, %lt3A_1217 : vector<16xi32>
      %mul3A_1219 = arith.constant 8 : i32
      %mul3A_1220 = vector.broadcast %mul3A_1219 : i32 to vector<16xi32>
      %mul3A_1221 = arith.muli %gather3A_1203, %mul3A_1220 : vector<16xi32>
      %add3A_1222 = arith.addi %mul3A_1221, %iota3A : vector<16xi32>
      %mul3A_1223 = arith.constant 8 : i32
      %mul3A_1224 = vector.broadcast %mul3A_1223 : i32 to vector<16xi32>
      %mul3A_1225 = arith.muli %gather3A_1215, %mul3A_1224 : vector<16xi32>
      %sub3A_1226 = arith.constant 8 : i32
      %sub3A_1227 = vector.broadcast %sub3A_1226 : i32 to vector<16xi32>
      %sub3A_1228 = arith.subi %iota3A, %sub3A_1227 : vector<16xi32>
      %add3A_1229 = arith.addi %mul3A_1225, %sub3A_1228 : vector<16xi32>
      %select_n3A_1230 = arith.select %lt3A_1218, %add3A_1222, %add3A_1229 : vector<16xi1>, vector<16xi32>
      %swap3A_1231 = arith.constant 176 : index
      %swap3A_1232 = tpu.vector_load %arg22[%swap3A_1231] {strides = array<i32>} : memref<256xi32, #tpu.memory_space<vmem>>, vector<16xi32>,
      %swap3A_1233 = vector.shape_cast %swap3A_1232 : vector<16xi32> to vector<16xi32>
      %swap3A_1234 = vector.shape_cast %select_n3A_1230 : vector<16xi32> to vector<16xi32>
      tpu.vector_store %arg22[%swap3A_1231], %swap3A_1234 {strides = array<i32>} : memref<256xi32, #tpu.memory_space<vmem>>, vector<16xi32>,
      %broadcast_in_dim3A_1235 = arith.constant 8 : i32
      %broadcast_in_dim3A_1236 = vector.broadcast %broadcast_in_dim3A_1235 : i32 to vector<16xi32>
      %lt3A_1237 = arith.constant 0 : i32
      %lt3A_1238 = vector.broadcast %lt3A_1237 : i32 to vector<16xi32>
      %lt3A_1239 = arith.cmpi slt, %broadcast_in_dim3A_1236, %lt3A_1238 : vector<16xi32>
      %add3A_1240 = arith.constant 16 : i32
      %add3A_1241 = vector.broadcast %add3A_1240 : i32 to vector<16xi32>
      %add3A_1242 = arith.addi %broadcast_in_dim3A_1236, %add3A_1241 : vector<16xi32>
      %select_n3A_1243 = arith.select %lt3A_1239, %add3A_1242, %broadcast_in_dim3A_1236 : vector<16xi1>, vector<16xi32>
      %broadcast_in_dim3A_1244 = vector.shape_cast %select_n3A_1243 : vector<16xi32> to vector<16x1xi32>
      %gather3A_1245 = vector.shape_cast %broadcast_in_dim3A_1244 : vector<16x1xi32> to vector<16xi32>
      %gather3A_1246 = tpu.dynamic_gather %get3A_718[%gather3A_1245] in [0] : vector<16xi32>, vector<16xi32> -> vector<16xi32>
      %broadcast_in_dim3A_1247 = arith.constant 9 : i32
      %broadcast_in_dim3A_1248 = vector.broadcast %broadcast_in_dim3A_1247 : i32 to vector<16xi32>
      %lt3A_1249 = arith.constant 0 : i32
      %lt3A_1250 = vector.broadcast %lt3A_1249 : i32 to vector<16xi32>
      %lt3A_1251 = arith.cmpi slt, %broadcast_in_dim3A_1248, %lt3A_1250 : vector<16xi32>
      %add3A_1252 = arith.constant 16 : i32
      %add3A_1253 = vector.broadcast %add3A_1252 : i32 to vector<16xi32>
      %add3A_1254 = arith.addi %broadcast_in_dim3A_1248, %add3A_1253 : vector<16xi32>
      %select_n3A_1255 = arith.select %lt3A_1251, %add3A_1254, %broadcast_in_dim3A_1248 : vector<16xi1>, vector<16xi32>
      %broadcast_in_dim3A_1256 = vector.shape_cast %select_n3A_1255 : vector<16xi32> to vector<16x1xi32>
      %gather3A_1257 = vector.shape_cast %broadcast_in_dim3A_1256 : vector<16x1xi32> to vector<16xi32>
      %gather3A_1258 = tpu.dynamic_gather %get3A_718[%gather3A_1257] in [0] : vector<16xi32>, vector<16xi32> -> vector<16xi32>
      %lt3A_1259 = arith.constant 8 : i32
      %lt3A_1260 = vector.broadcast %lt3A_1259 : i32 to vector<16xi32>
      %lt3A_1261 = arith.cmpi slt, %iota3A, %lt3A_1260 : vector<16xi32>
      %mul3A_1262 = arith.constant 8 : i32
      %mul3A_1263 = vector.broadcast %mul3A_1262 : i32 to vector<16xi32>
      %mul3A_1264 = arith.muli %gather3A_1246, %mul3A_1263 : vector<16xi32>
      %add3A_1265 = arith.addi %mul3A_1264, %iota3A : vector<16xi32>
      %mul3A_1266 = arith.constant 8 : i32
      %mul3A_1267 = vector.broadcast %mul3A_1266 : i32 to vector<16xi32>
      %mul3A_1268 = arith.muli %gather3A_1258, %mul3A_1267 : vector<16xi32>
      %sub3A_1269 = arith.constant 8 : i32
      %sub3A_1270 = vector.broadcast %sub3A_1269 : i32 to vector<16xi32>
      %sub3A_1271 = arith.subi %iota3A, %sub3A_1270 : vector<16xi32>
      %add3A_1272 = arith.addi %mul3A_1268, %sub3A_1271 : vector<16xi32>
      %select_n3A_1273 = arith.select %lt3A_1261, %add3A_1265, %add3A_1272 : vector<16xi1>, vector<16xi32>
      %swap3A_1274 = arith.constant 192 : index
      %swap3A_1275 = tpu.vector_load %arg22[%swap3A_1274] {strides = array<i32>} : memref<256xi32, #tpu.memory_space<vmem>>, vector<16xi32>,
      %swap3A_1276 = vector.shape_cast %swap3A_1275 : vector<16xi32> to vector<16xi32>
      %swap3A_1277 = vector.shape_cast %select_n3A_1273 : vector<16xi32> to vector<16xi32>
      tpu.vector_store %arg22[%swap3A_1274], %swap3A_1277 {strides = array<i32>} : memref<256xi32, #tpu.memory_space<vmem>>, vector<16xi32>,
      %broadcast_in_dim3A_1278 = arith.constant 10 : i32
      %broadcast_in_dim3A_1279 = vector.broadcast %broadcast_in_dim3A_1278 : i32 to vector<16xi32>
      %lt3A_1280 = arith.constant 0 : i32
      %lt3A_1281 = vector.broadcast %lt3A_1280 : i32 to vector<16xi32>
      %lt3A_1282 = arith.cmpi slt, %broadcast_in_dim3A_1279, %lt3A_1281 : vector<16xi32>
      %add3A_1283 = arith.constant 16 : i32
      %add3A_1284 = vector.broadcast %add3A_1283 : i32 to vector<16xi32>
      %add3A_1285 = arith.addi %broadcast_in_dim3A_1279, %add3A_1284 : vector<16xi32>
      %select_n3A_1286 = arith.select %lt3A_1282, %add3A_1285, %broadcast_in_dim3A_1279 : vector<16xi1>, vector<16xi32>
      %broadcast_in_dim3A_1287 = vector.shape_cast %select_n3A_1286 : vector<16xi32> to vector<16x1xi32>
      %gather3A_1288 = vector.shape_cast %broadcast_in_dim3A_1287 : vector<16x1xi32> to vector<16xi32>
      %gather3A_1289 = tpu.dynamic_gather %get3A_718[%gather3A_1288] in [0] : vector<16xi32>, vector<16xi32> -> vector<16xi32>
      %broadcast_in_dim3A_1290 = arith.constant 11 : i32
      %broadcast_in_dim3A_1291 = vector.broadcast %broadcast_in_dim3A_1290 : i32 to vector<16xi32>
      %lt3A_1292 = arith.constant 0 : i32
      %lt3A_1293 = vector.broadcast %lt3A_1292 : i32 to vector<16xi32>
      %lt3A_1294 = arith.cmpi slt, %broadcast_in_dim3A_1291, %lt3A_1293 : vector<16xi32>
      %add3A_1295 = arith.constant 16 : i32
      %add3A_1296 = vector.broadcast %add3A_1295 : i32 to vector<16xi32>
      %add3A_1297 = arith.addi %broadcast_in_dim3A_1291, %add3A_1296 : vector<16xi32>
      %select_n3A_1298 = arith.select %lt3A_1294, %add3A_1297, %broadcast_in_dim3A_1291 : vector<16xi1>, vector<16xi32>
      %broadcast_in_dim3A_1299 = vector.shape_cast %select_n3A_1298 : vector<16xi32> to vector<16x1xi32>
      %gather3A_1300 = vector.shape_cast %broadcast_in_dim3A_1299 : vector<16x1xi32> to vector<16xi32>
      %gather3A_1301 = tpu.dynamic_gather %get3A_718[%gather3A_1300] in [0] : vector<16xi32>, vector<16xi32> -> vector<16xi32>
      %lt3A_1302 = arith.constant 8 : i32
      %lt3A_1303 = vector.broadcast %lt3A_1302 : i32 to vector<16xi32>
      %lt3A_1304 = arith.cmpi slt, %iota3A, %lt3A_1303 : vector<16xi32>
      %mul3A_1305 = arith.constant 8 : i32
      %mul3A_1306 = vector.broadcast %mul3A_1305 : i32 to vector<16xi32>
      %mul3A_1307 = arith.muli %gather3A_1289, %mul3A_1306 : vector<16xi32>
      %add3A_1308 = arith.addi %mul3A_1307, %iota3A : vector<16xi32>
      %mul3A_1309 = arith.constant 8 : i32
      %mul3A_1310 = vector.broadcast %mul3A_1309 : i32 to vector<16xi32>
      %mul3A_1311 = arith.muli %gather3A_1301, %mul3A_1310 : vector<16xi32>
      %sub3A_1312 = arith.constant 8 : i32
      %sub3A_1313 = vector.broadcast %sub3A_1312 : i32 to vector<16xi32>
      %sub3A_1314 = arith.subi %iota3A, %sub3A_1313 : vector<16xi32>
      %add3A_1315 = arith.addi %mul3A_1311, %sub3A_1314 : vector<16xi32>
      %select_n3A_1316 = arith.select %lt3A_1304, %add3A_1308, %add3A_1315 : vector<16xi1>, vector<16xi32>
      %swap3A_1317 = arith.constant 208 : index
      %swap3A_1318 = tpu.vector_load %arg22[%swap3A_1317] {strides = array<i32>} : memref<256xi32, #tpu.memory_space<vmem>>, vector<16xi32>,
      %swap3A_1319 = vector.shape_cast %swap3A_1318 : vector<16xi32> to vector<16xi32>
      %swap3A_1320 = vector.shape_cast %select_n3A_1316 : vector<16xi32> to vector<16xi32>
      tpu.vector_store %arg22[%swap3A_1317], %swap3A_1320 {strides = array<i32>} : memref<256xi32, #tpu.memory_space<vmem>>, vector<16xi32>,
      %broadcast_in_dim3A_1321 = arith.constant 12 : i32
      %broadcast_in_dim3A_1322 = vector.broadcast %broadcast_in_dim3A_1321 : i32 to vector<16xi32>
      %lt3A_1323 = arith.constant 0 : i32
      %lt3A_1324 = vector.broadcast %lt3A_1323 : i32 to vector<16xi32>
      %lt3A_1325 = arith.cmpi slt, %broadcast_in_dim3A_1322, %lt3A_1324 : vector<16xi32>
      %add3A_1326 = arith.constant 16 : i32
      %add3A_1327 = vector.broadcast %add3A_1326 : i32 to vector<16xi32>
      %add3A_1328 = arith.addi %broadcast_in_dim3A_1322, %add3A_1327 : vector<16xi32>
      %select_n3A_1329 = arith.select %lt3A_1325, %add3A_1328, %broadcast_in_dim3A_1322 : vector<16xi1>, vector<16xi32>
      %broadcast_in_dim3A_1330 = vector.shape_cast %select_n3A_1329 : vector<16xi32> to vector<16x1xi32>
      %gather3A_1331 = vector.shape_cast %broadcast_in_dim3A_1330 : vector<16x1xi32> to vector<16xi32>
      %gather3A_1332 = tpu.dynamic_gather %get3A_718[%gather3A_1331] in [0] : vector<16xi32>, vector<16xi32> -> vector<16xi32>
      %broadcast_in_dim3A_1333 = arith.constant 13 : i32
      %broadcast_in_dim3A_1334 = vector.broadcast %broadcast_in_dim3A_1333 : i32 to vector<16xi32>
      %lt3A_1335 = arith.constant 0 : i32
      %lt3A_1336 = vector.broadcast %lt3A_1335 : i32 to vector<16xi32>
      %lt3A_1337 = arith.cmpi slt, %broadcast_in_dim3A_1334, %lt3A_1336 : vector<16xi32>
      %add3A_1338 = arith.constant 16 : i32
      %add3A_1339 = vector.broadcast %add3A_1338 : i32 to vector<16xi32>
      %add3A_1340 = arith.addi %broadcast_in_dim3A_1334, %add3A_1339 : vector<16xi32>
      %select_n3A_1341 = arith.select %lt3A_1337, %add3A_1340, %broadcast_in_dim3A_1334 : vector<16xi1>, vector<16xi32>
      %broadcast_in_dim3A_1342 = vector.shape_cast %select_n3A_1341 : vector<16xi32> to vector<16x1xi32>
      %gather3A_1343 = vector.shape_cast %broadcast_in_dim3A_1342 : vector<16x1xi32> to vector<16xi32>
      %gather3A_1344 = tpu.dynamic_gather %get3A_718[%gather3A_1343] in [0] : vector<16xi32>, vector<16xi32> -> vector<16xi32>
      %lt3A_1345 = arith.constant 8 : i32
      %lt3A_1346 = vector.broadcast %lt3A_1345 : i32 to vector<16xi32>
      %lt3A_1347 = arith.cmpi slt, %iota3A, %lt3A_1346 : vector<16xi32>
      %mul3A_1348 = arith.constant 8 : i32
      %mul3A_1349 = vector.broadcast %mul3A_1348 : i32 to vector<16xi32>
      %mul3A_1350 = arith.muli %gather3A_1332, %mul3A_1349 : vector<16xi32>
      %add3A_1351 = arith.addi %mul3A_1350, %iota3A : vector<16xi32>
      %mul3A_1352 = arith.constant 8 : i32
      %mul3A_1353 = vector.broadcast %mul3A_1352 : i32 to vector<16xi32>
      %mul3A_1354 = arith.muli %gather3A_1344, %mul3A_1353 : vector<16xi32>
      %sub3A_1355 = arith.constant 8 : i32
      %sub3A_1356 = vector.broadcast %sub3A_1355 : i32 to vector<16xi32>
      %sub3A_1357 = arith.subi %iota3A, %sub3A_1356 : vector<16xi32>
      %add3A_1358 = arith.addi %mul3A_1354, %sub3A_1357 : vector<16xi32>
      %select_n3A_1359 = arith.select %lt3A_1347, %add3A_1351, %add3A_1358 : vector<16xi1>, vector<16xi32>
      %swap3A_1360 = arith.constant 224 : index
      %swap3A_1361 = tpu.vector_load %arg22[%swap3A_1360] {strides = array<i32>} : memref<256xi32, #tpu.memory_space<vmem>>, vector<16xi32>,
      %swap3A_1362 = vector.shape_cast %swap3A_1361 : vector<16xi32> to vector<16xi32>
      %swap3A_1363 = vector.shape_cast %select_n3A_1359 : vector<16xi32> to vector<16xi32>
      tpu.vector_store %arg22[%swap3A_1360], %swap3A_1363 {strides = array<i32>} : memref<256xi32, #tpu.memory_space<vmem>>, vector<16xi32>,
      %broadcast_in_dim3A_1364 = arith.constant 14 : i32
      %broadcast_in_dim3A_1365 = vector.broadcast %broadcast_in_dim3A_1364 : i32 to vector<16xi32>
      %lt3A_1366 = arith.constant 0 : i32
      %lt3A_1367 = vector.broadcast %lt3A_1366 : i32 to vector<16xi32>
      %lt3A_1368 = arith.cmpi slt, %broadcast_in_dim3A_1365, %lt3A_1367 : vector<16xi32>
      %add3A_1369 = arith.constant 16 : i32
      %add3A_1370 = vector.broadcast %add3A_1369 : i32 to vector<16xi32>
      %add3A_1371 = arith.addi %broadcast_in_dim3A_1365, %add3A_1370 : vector<16xi32>
      %select_n3A_1372 = arith.select %lt3A_1368, %add3A_1371, %broadcast_in_dim3A_1365 : vector<16xi1>, vector<16xi32>
      %broadcast_in_dim3A_1373 = vector.shape_cast %select_n3A_1372 : vector<16xi32> to vector<16x1xi32>
      %gather3A_1374 = vector.shape_cast %broadcast_in_dim3A_1373 : vector<16x1xi32> to vector<16xi32>
      %gather3A_1375 = tpu.dynamic_gather %get3A_718[%gather3A_1374] in [0] : vector<16xi32>, vector<16xi32> -> vector<16xi32>
      %broadcast_in_dim3A_1376 = arith.constant 15 : i32
      %broadcast_in_dim3A_1377 = vector.broadcast %broadcast_in_dim3A_1376 : i32 to vector<16xi32>
      %lt3A_1378 = arith.constant 0 : i32
      %lt3A_1379 = vector.broadcast %lt3A_1378 : i32 to vector<16xi32>
      %lt3A_1380 = arith.cmpi slt, %broadcast_in_dim3A_1377, %lt3A_1379 : vector<16xi32>
      %add3A_1381 = arith.constant 16 : i32
      %add3A_1382 = vector.broadcast %add3A_1381 : i32 to vector<16xi32>
      %add3A_1383 = arith.addi %broadcast_in_dim3A_1377, %add3A_1382 : vector<16xi32>
      %select_n3A_1384 = arith.select %lt3A_1380, %add3A_1383, %broadcast_in_dim3A_1377 : vector<16xi1>, vector<16xi32>
      %broadcast_in_dim3A_1385 = vector.shape_cast %select_n3A_1384 : vector<16xi32> to vector<16x1xi32>
      %gather3A_1386 = vector.shape_cast %broadcast_in_dim3A_1385 : vector<16x1xi32> to vector<16xi32>
      %gather3A_1387 = tpu.dynamic_gather %get3A_718[%gather3A_1386] in [0] : vector<16xi32>, vector<16xi32> -> vector<16xi32>
      %lt3A_1388 = arith.constant 8 : i32
      %lt3A_1389 = vector.broadcast %lt3A_1388 : i32 to vector<16xi32>
      %lt3A_1390 = arith.cmpi slt, %iota3A, %lt3A_1389 : vector<16xi32>
      %mul3A_1391 = arith.constant 8 : i32
      %mul3A_1392 = vector.broadcast %mul3A_1391 : i32 to vector<16xi32>
      %mul3A_1393 = arith.muli %gather3A_1375, %mul3A_1392 : vector<16xi32>
      %add3A_1394 = arith.addi %mul3A_1393, %iota3A : vector<16xi32>
      %mul3A_1395 = arith.constant 8 : i32
      %mul3A_1396 = vector.broadcast %mul3A_1395 : i32 to vector<16xi32>
      %mul3A_1397 = arith.muli %gather3A_1387, %mul3A_1396 : vector<16xi32>
      %sub3A_1398 = arith.constant 8 : i32
      %sub3A_1399 = vector.broadcast %sub3A_1398 : i32 to vector<16xi32>
      %sub3A_1400 = arith.subi %iota3A, %sub3A_1399 : vector<16xi32>
      %add3A_1401 = arith.addi %mul3A_1397, %sub3A_1400 : vector<16xi32>
      %select_n3A_1402 = arith.select %lt3A_1390, %add3A_1394, %add3A_1401 : vector<16xi1>, vector<16xi32>
      %swap3A_1403 = arith.constant 240 : index
      %swap3A_1404 = tpu.vector_load %arg22[%swap3A_1403] {strides = array<i32>} : memref<256xi32, #tpu.memory_space<vmem>>, vector<16xi32>,
      %swap3A_1405 = vector.shape_cast %swap3A_1404 : vector<16xi32> to vector<16xi32>
      %swap3A_1406 = vector.shape_cast %select_n3A_1402 : vector<16xi32> to vector<16xi32>
      tpu.vector_store %arg22[%swap3A_1403], %swap3A_1406 {strides = array<i32>} : memref<256xi32, #tpu.memory_space<vmem>>, vector<16xi32>,
      %dma_start3A = arith.constant 0 : i32
      %dma_start3A_1407 = tpu.memref_slice %arg7[%dma_start3A] : memref<800000xi32, #tpu.memory_space<hbm>> -> memref<800000xi32, #tpu.memory_space<hbm>>
      tpu.enqueue_indirect_dma source(%dma_start3A_1407 : memref<800000xi32, #tpu.memory_space<hbm>>) target(%arg23 : memref<256xi32, #tpu.memory_space<vmem>>) offsets(%arg21 : memref<256xi32, #tpu.memory_space<vmem>>) semaphore(%arg35 : memref<!tpu.dma_semaphore, #tpu.memory_space<semaphore_mem>>)
      %dma_start3A_1408 = arith.constant 0 : i32
      %dma_start3A_1409 = tpu.memref_slice %arg8[%dma_start3A_1408] : memref<800000xi32, #tpu.memory_space<hbm>> -> memref<800000xi32, #tpu.memory_space<hbm>>
      tpu.enqueue_indirect_dma source(%dma_start3A_1409 : memref<800000xi32, #tpu.memory_space<hbm>>) target(%arg24 : memref<256xi32, #tpu.memory_space<vmem>>) offsets(%arg21 : memref<256xi32, #tpu.memory_space<vmem>>) semaphore(%arg35 : memref<!tpu.dma_semaphore, #tpu.memory_space<semaphore_mem>>)
      %dma_start3A_1410 = arith.constant 0 : i32
      %dma_start3A_1411 = tpu.memref_slice %arg9[%dma_start3A_1410] : memref<800000xi32, #tpu.memory_space<hbm>> -> memref<800000xi32, #tpu.memory_space<hbm>>
      tpu.enqueue_indirect_dma source(%dma_start3A_1411 : memref<800000xi32, #tpu.memory_space<hbm>>) target(%arg25 : memref<256xi32, #tpu.memory_space<vmem>>) offsets(%arg22 : memref<256xi32, #tpu.memory_space<vmem>>) semaphore(%arg35 : memref<!tpu.dma_semaphore, #tpu.memory_space<semaphore_mem>>)
      %dma_start3A_1412 = arith.constant 0 : i32
      %dma_start3A_1413 = tpu.memref_slice %arg10[%dma_start3A_1412] : memref<800000xi32, #tpu.memory_space<hbm>> -> memref<800000xi32, #tpu.memory_space<hbm>>
      tpu.enqueue_indirect_dma source(%dma_start3A_1413 : memref<800000xi32, #tpu.memory_space<hbm>>) target(%arg26 : memref<256xi32, #tpu.memory_space<vmem>>) offsets(%arg22 : memref<256xi32, #tpu.memory_space<vmem>>) semaphore(%arg35 : memref<!tpu.dma_semaphore, #tpu.memory_space<semaphore_mem>>)
      %dma_start3A_1414 = arith.constant 0 : i32
      %dma_start3A_1415 = tpu.memref_slice %arg11[%dma_start3A_1414] : memref<800000xi32, #tpu.memory_space<hbm>> -> memref<800000xi32, #tpu.memory_space<hbm>>
      tpu.enqueue_indirect_dma source(%dma_start3A_1415 : memref<800000xi32, #tpu.memory_space<hbm>>) target(%arg27 : memref<256xi32, #tpu.memory_space<vmem>>) offsets(%arg22 : memref<256xi32, #tpu.memory_space<vmem>>) semaphore(%arg35 : memref<!tpu.dma_semaphore, #tpu.memory_space<semaphore_mem>>)
      %dma_start3A_1416 = tpu.memref_slice %arg19[%multiple_of3A_13] : memref<512xi32, #tpu.memory_space<vmem>> -> memref<32xi32, #tpu.memory_space<vmem>>
      %dma_start3A_1417 = arith.constant 0 : i32
      %dma_start3A_1418 = arith.constant 0 : i32
      %dma_start3A_1419 = tpu.memref_slice %arg4[%dma_start3A_1417, %dma_start3A_1418] : memref<100000x16xf32, #tpu.memory_space<hbm>> -> memref<100000x16xf32, #tpu.memory_space<hbm>>
      tpu.enqueue_indirect_dma source(%dma_start3A_1419 : memref<100000x16xf32, #tpu.memory_space<hbm>>) target(%arg28 : memref<32x16xf32, #tpu.memory_space<vmem>>) offsets(%dma_start3A_1416 : memref<32xi32, #tpu.memory_space<vmem>>) semaphore(%arg35 : memref<!tpu.dma_semaphore, #tpu.memory_space<semaphore_mem>>)
      %dma_start3A_1420 = tpu.memref_slice %arg20[%multiple_of3A_13] : memref<512xi32, #tpu.memory_space<vmem>> -> memref<32xi32, #tpu.memory_space<vmem>>
      %dma_start3A_1421 = arith.constant 0 : i32
      %dma_start3A_1422 = arith.constant 0 : i32
      %dma_start3A_1423 = tpu.memref_slice %arg5[%dma_start3A_1421, %dma_start3A_1422] : memref<100000x16xf32, #tpu.memory_space<hbm>> -> memref<100000x16xf32, #tpu.memory_space<hbm>>
      tpu.enqueue_indirect_dma source(%dma_start3A_1423 : memref<100000x16xf32, #tpu.memory_space<hbm>>) target(%arg29 : memref<32x16xf32, #tpu.memory_space<vmem>>) offsets(%dma_start3A_1420 : memref<32xi32, #tpu.memory_space<vmem>>) semaphore(%arg35 : memref<!tpu.dma_semaphore, #tpu.memory_space<semaphore_mem>>)
      %dma_wait3A = arith.constant 0 : i32
      %dma_wait3A_1424 = tpu.memref_slice %arg7[%dma_wait3A] : memref<800000xi32, #tpu.memory_space<hbm>> -> memref<800000xi32, #tpu.memory_space<hbm>>
      tpu.wait_indirect_dma semaphore(%arg35 : memref<!tpu.dma_semaphore, #tpu.memory_space<semaphore_mem>>) src(%dma_wait3A_1424 : memref<800000xi32, #tpu.memory_space<hbm>>) dst(%arg23 : memref<256xi32, #tpu.memory_space<vmem>>)
      %dma_wait3A_1425 = arith.constant 0 : i32
      %dma_wait3A_1426 = tpu.memref_slice %arg8[%dma_wait3A_1425] : memref<800000xi32, #tpu.memory_space<hbm>> -> memref<800000xi32, #tpu.memory_space<hbm>>
      tpu.wait_indirect_dma semaphore(%arg35 : memref<!tpu.dma_semaphore, #tpu.memory_space<semaphore_mem>>) src(%dma_wait3A_1426 : memref<800000xi32, #tpu.memory_space<hbm>>) dst(%arg24 : memref<256xi32, #tpu.memory_space<vmem>>)
      %dma_wait3A_1427 = arith.constant 0 : i32
      %dma_wait3A_1428 = tpu.memref_slice %arg9[%dma_wait3A_1427] : memref<800000xi32, #tpu.memory_space<hbm>> -> memref<800000xi32, #tpu.memory_space<hbm>>
      tpu.wait_indirect_dma semaphore(%arg35 : memref<!tpu.dma_semaphore, #tpu.memory_space<semaphore_mem>>) src(%dma_wait3A_1428 : memref<800000xi32, #tpu.memory_space<hbm>>) dst(%arg25 : memref<256xi32, #tpu.memory_space<vmem>>)
      %dma_wait3A_1429 = arith.constant 0 : i32
      %dma_wait3A_1430 = tpu.memref_slice %arg10[%dma_wait3A_1429] : memref<800000xi32, #tpu.memory_space<hbm>> -> memref<800000xi32, #tpu.memory_space<hbm>>
      tpu.wait_indirect_dma semaphore(%arg35 : memref<!tpu.dma_semaphore, #tpu.memory_space<semaphore_mem>>) src(%dma_wait3A_1430 : memref<800000xi32, #tpu.memory_space<hbm>>) dst(%arg26 : memref<256xi32, #tpu.memory_space<vmem>>)
      %dma_wait3A_1431 = arith.constant 0 : i32
      %dma_wait3A_1432 = tpu.memref_slice %arg11[%dma_wait3A_1431] : memref<800000xi32, #tpu.memory_space<hbm>> -> memref<800000xi32, #tpu.memory_space<hbm>>
      tpu.wait_indirect_dma semaphore(%arg35 : memref<!tpu.dma_semaphore, #tpu.memory_space<semaphore_mem>>) src(%dma_wait3A_1432 : memref<800000xi32, #tpu.memory_space<hbm>>) dst(%arg27 : memref<256xi32, #tpu.memory_space<vmem>>)
      %dma_wait3A_1433 = tpu.memref_slice %arg19[%multiple_of3A_13] : memref<512xi32, #tpu.memory_space<vmem>> -> memref<32xi32, #tpu.memory_space<vmem>>
      %dma_wait3A_1434 = arith.constant 0 : i32
      %dma_wait3A_1435 = arith.constant 0 : i32
      %dma_wait3A_1436 = tpu.memref_slice %arg4[%dma_wait3A_1434, %dma_wait3A_1435] : memref<100000x16xf32, #tpu.memory_space<hbm>> -> memref<100000x16xf32, #tpu.memory_space<hbm>>
      tpu.wait_indirect_dma semaphore(%arg35 : memref<!tpu.dma_semaphore, #tpu.memory_space<semaphore_mem>>) src(%dma_wait3A_1436 : memref<100000x16xf32, #tpu.memory_space<hbm>>) dst(%arg28 : memref<32x16xf32, #tpu.memory_space<vmem>>)
      %dma_wait3A_1437 = tpu.memref_slice %arg20[%multiple_of3A_13] : memref<512xi32, #tpu.memory_space<vmem>> -> memref<32xi32, #tpu.memory_space<vmem>>
      %dma_wait3A_1438 = arith.constant 0 : i32
      %dma_wait3A_1439 = arith.constant 0 : i32
      %dma_wait3A_1440 = tpu.memref_slice %arg5[%dma_wait3A_1438, %dma_wait3A_1439] : memref<100000x16xf32, #tpu.memory_space<hbm>> -> memref<100000x16xf32, #tpu.memory_space<hbm>>
      tpu.wait_indirect_dma semaphore(%arg35 : memref<!tpu.dma_semaphore, #tpu.memory_space<semaphore_mem>>) src(%dma_wait3A_1440 : memref<100000x16xf32, #tpu.memory_space<hbm>>) dst(%arg29 : memref<32x16xf32, #tpu.memory_space<vmem>>)
      %mul3A_1441 = arith.constant 8 : i32
      %mul3A_1442 = arith.muli %multiple_of3A_17, %mul3A_1441 : i32
      %multiple_of3A_1443 = tpu.assume_multiple %mul3A_1442, 256 : i32
      %dma_start3A_1444 = arith.constant 0 : i32
      %dma_start3A_1445 = tpu.memref_slice %arg17[%multiple_of3A_17, %dma_start3A_1444] : memref<16384x16xf32, #tpu.memory_space<hbm>> -> memref<32x16xf32, #tpu.memory_space<hbm>>
      %dma_start3A_1446 = arith.constant 0 : i32
      %dma_start3A_1447 = tpu.memref_slice %arg17[%multiple_of3A_17, %dma_start3A_1446] : memref<16384x16xf32, #tpu.memory_space<hbm>> -> memref<32x16xf32, #tpu.memory_space<hbm>>
      tpu.enqueue_dma source(%arg28 : memref<32x16xf32, #tpu.memory_space<vmem>>) target(%dma_start3A_1447 : memref<32x16xf32, #tpu.memory_space<hbm>>) target_semaphore(%arg37 : memref<!tpu.dma_semaphore, #tpu.memory_space<semaphore_mem>>)
      %dma_start3A_1448 = arith.constant 0 : i32
      %dma_start3A_1449 = tpu.memref_slice %arg18[%multiple_of3A_17, %dma_start3A_1448] : memref<16384x16xf32, #tpu.memory_space<hbm>> -> memref<32x16xf32, #tpu.memory_space<hbm>>
      %dma_start3A_1450 = arith.constant 0 : i32
      %dma_start3A_1451 = tpu.memref_slice %arg18[%multiple_of3A_17, %dma_start3A_1450] : memref<16384x16xf32, #tpu.memory_space<hbm>> -> memref<32x16xf32, #tpu.memory_space<hbm>>
      tpu.enqueue_dma source(%arg29 : memref<32x16xf32, #tpu.memory_space<vmem>>) target(%dma_start3A_1451 : memref<32x16xf32, #tpu.memory_space<hbm>>) target_semaphore(%arg37 : memref<!tpu.dma_semaphore, #tpu.memory_space<semaphore_mem>>)
      %dma_start3A_1452 = arith.constant 0 : i32
      %dma_start3A_1453 = arith.constant 0 : i32
      %dma_start3A_1454 = tpu.memref_slice %arg4[%dma_start3A_1452, %dma_start3A_1453] : memref<100000x16xf32, #tpu.memory_space<hbm>> -> memref<100000x16xf32, #tpu.memory_space<hbm>>
      tpu.enqueue_indirect_dma source(%dma_start3A_1454 : memref<100000x16xf32, #tpu.memory_space<hbm>>) target(%arg30 : memref<256x16xf32, #tpu.memory_space<vmem>>) offsets(%arg23 : memref<256xi32, #tpu.memory_space<vmem>>) semaphore(%arg36 : memref<!tpu.dma_semaphore, #tpu.memory_space<semaphore_mem>>)
      %dma_start3A_1455 = arith.constant 0 : i32
      %dma_start3A_1456 = arith.constant 0 : i32
      %dma_start3A_1457 = tpu.memref_slice %arg5[%dma_start3A_1455, %dma_start3A_1456] : memref<100000x16xf32, #tpu.memory_space<hbm>> -> memref<100000x16xf32, #tpu.memory_space<hbm>>
      tpu.enqueue_indirect_dma source(%dma_start3A_1457 : memref<100000x16xf32, #tpu.memory_space<hbm>>) target(%arg31 : memref<256x16xf32, #tpu.memory_space<vmem>>) offsets(%arg24 : memref<256xi32, #tpu.memory_space<vmem>>) semaphore(%arg36 : memref<!tpu.dma_semaphore, #tpu.memory_space<semaphore_mem>>)
      %dma_start3A_1458 = arith.constant 0 : i32
      %dma_start3A_1459 = arith.constant 0 : i32
      %dma_start3A_1460 = tpu.memref_slice %arg4[%dma_start3A_1458, %dma_start3A_1459] : memref<100000x16xf32, #tpu.memory_space<hbm>> -> memref<100000x16xf32, #tpu.memory_space<hbm>>
      tpu.enqueue_indirect_dma source(%dma_start3A_1460 : memref<100000x16xf32, #tpu.memory_space<hbm>>) target(%arg32 : memref<256x16xf32, #tpu.memory_space<vmem>>) offsets(%arg25 : memref<256xi32, #tpu.memory_space<vmem>>) semaphore(%arg36 : memref<!tpu.dma_semaphore, #tpu.memory_space<semaphore_mem>>)
      %dma_start3A_1461 = arith.constant 0 : i32
      %dma_start3A_1462 = arith.constant 0 : i32
      %dma_start3A_1463 = tpu.memref_slice %arg5[%dma_start3A_1461, %dma_start3A_1462] : memref<100000x16xf32, #tpu.memory_space<hbm>> -> memref<100000x16xf32, #tpu.memory_space<hbm>>
      tpu.enqueue_indirect_dma source(%dma_start3A_1463 : memref<100000x16xf32, #tpu.memory_space<hbm>>) target(%arg33 : memref<256x16xf32, #tpu.memory_space<vmem>>) offsets(%arg26 : memref<256xi32, #tpu.memory_space<vmem>>) semaphore(%arg36 : memref<!tpu.dma_semaphore, #tpu.memory_space<semaphore_mem>>)
      %dma_start3A_1464 = arith.constant 0 : i32
      %dma_start3A_1465 = arith.constant 0 : i32
      %dma_start3A_1466 = tpu.memref_slice %arg6[%dma_start3A_1464, %dma_start3A_1465] : memref<32x16xf32, #tpu.memory_space<hbm>> -> memref<32x16xf32, #tpu.memory_space<hbm>>
      tpu.enqueue_indirect_dma source(%dma_start3A_1466 : memref<32x16xf32, #tpu.memory_space<hbm>>) target(%arg34 : memref<256x16xf32, #tpu.memory_space<vmem>>) offsets(%arg27 : memref<256xi32, #tpu.memory_space<vmem>>) semaphore(%arg36 : memref<!tpu.dma_semaphore, #tpu.memory_space<semaphore_mem>>)
      %dma_wait3A_1467 = arith.constant 0 : i32
      %dma_wait3A_1468 = arith.constant 0 : i32
      %dma_wait3A_1469 = tpu.memref_slice %arg4[%dma_wait3A_1467, %dma_wait3A_1468] : memref<100000x16xf32, #tpu.memory_space<hbm>> -> memref<100000x16xf32, #tpu.memory_space<hbm>>
      tpu.wait_indirect_dma semaphore(%arg36 : memref<!tpu.dma_semaphore, #tpu.memory_space<semaphore_mem>>) src(%dma_wait3A_1469 : memref<100000x16xf32, #tpu.memory_space<hbm>>) dst(%arg30 : memref<256x16xf32, #tpu.memory_space<vmem>>)
      %dma_wait3A_1470 = arith.constant 0 : i32
      %dma_wait3A_1471 = arith.constant 0 : i32
      %dma_wait3A_1472 = tpu.memref_slice %arg5[%dma_wait3A_1470, %dma_wait3A_1471] : memref<100000x16xf32, #tpu.memory_space<hbm>> -> memref<100000x16xf32, #tpu.memory_space<hbm>>
      tpu.wait_indirect_dma semaphore(%arg36 : memref<!tpu.dma_semaphore, #tpu.memory_space<semaphore_mem>>) src(%dma_wait3A_1472 : memref<100000x16xf32, #tpu.memory_space<hbm>>) dst(%arg31 : memref<256x16xf32, #tpu.memory_space<vmem>>)
      %dma_wait3A_1473 = arith.constant 0 : i32
      %dma_wait3A_1474 = arith.constant 0 : i32
      %dma_wait3A_1475 = tpu.memref_slice %arg4[%dma_wait3A_1473, %dma_wait3A_1474] : memref<100000x16xf32, #tpu.memory_space<hbm>> -> memref<100000x16xf32, #tpu.memory_space<hbm>>
      tpu.wait_indirect_dma semaphore(%arg36 : memref<!tpu.dma_semaphore, #tpu.memory_space<semaphore_mem>>) src(%dma_wait3A_1475 : memref<100000x16xf32, #tpu.memory_space<hbm>>) dst(%arg32 : memref<256x16xf32, #tpu.memory_space<vmem>>)
      %dma_wait3A_1476 = arith.constant 0 : i32
      %dma_wait3A_1477 = arith.constant 0 : i32
      %dma_wait3A_1478 = tpu.memref_slice %arg5[%dma_wait3A_1476, %dma_wait3A_1477] : memref<100000x16xf32, #tpu.memory_space<hbm>> -> memref<100000x16xf32, #tpu.memory_space<hbm>>
      tpu.wait_indirect_dma semaphore(%arg36 : memref<!tpu.dma_semaphore, #tpu.memory_space<semaphore_mem>>) src(%dma_wait3A_1478 : memref<100000x16xf32, #tpu.memory_space<hbm>>) dst(%arg33 : memref<256x16xf32, #tpu.memory_space<vmem>>)
      %dma_wait3A_1479 = arith.constant 0 : i32
      %dma_wait3A_1480 = arith.constant 0 : i32
      %dma_wait3A_1481 = tpu.memref_slice %arg6[%dma_wait3A_1479, %dma_wait3A_1480] : memref<32x16xf32, #tpu.memory_space<hbm>> -> memref<32x16xf32, #tpu.memory_space<hbm>>
      tpu.wait_indirect_dma semaphore(%arg36 : memref<!tpu.dma_semaphore, #tpu.memory_space<semaphore_mem>>) src(%dma_wait3A_1481 : memref<32x16xf32, #tpu.memory_space<hbm>>) dst(%arg34 : memref<256x16xf32, #tpu.memory_space<vmem>>)
      %dma_start3A_1482 = arith.constant 0 : i32
      %dma_start3A_1483 = tpu.memref_slice %arg12[%multiple_of3A_1443, %dma_start3A_1482] : memref<131072x16xf32, #tpu.memory_space<hbm>> -> memref<256x16xf32, #tpu.memory_space<hbm>>
      %dma_start3A_1484 = arith.constant 0 : i32
      %dma_start3A_1485 = tpu.memref_slice %arg12[%multiple_of3A_1443, %dma_start3A_1484] : memref<131072x16xf32, #tpu.memory_space<hbm>> -> memref<256x16xf32, #tpu.memory_space<hbm>>
      tpu.enqueue_dma source(%arg30 : memref<256x16xf32, #tpu.memory_space<vmem>>) target(%dma_start3A_1485 : memref<256x16xf32, #tpu.memory_space<hbm>>) target_semaphore(%arg37 : memref<!tpu.dma_semaphore, #tpu.memory_space<semaphore_mem>>)
      %dma_start3A_1486 = arith.constant 0 : i32
      %dma_start3A_1487 = tpu.memref_slice %arg13[%multiple_of3A_1443, %dma_start3A_1486] : memref<131072x16xf32, #tpu.memory_space<hbm>> -> memref<256x16xf32, #tpu.memory_space<hbm>>
      %dma_start3A_1488 = arith.constant 0 : i32
      %dma_start3A_1489 = tpu.memref_slice %arg13[%multiple_of3A_1443, %dma_start3A_1488] : memref<131072x16xf32, #tpu.memory_space<hbm>> -> memref<256x16xf32, #tpu.memory_space<hbm>>
      tpu.enqueue_dma source(%arg31 : memref<256x16xf32, #tpu.memory_space<vmem>>) target(%dma_start3A_1489 : memref<256x16xf32, #tpu.memory_space<hbm>>) target_semaphore(%arg37 : memref<!tpu.dma_semaphore, #tpu.memory_space<semaphore_mem>>)
      %dma_start3A_1490 = arith.constant 0 : i32
      %dma_start3A_1491 = tpu.memref_slice %arg14[%multiple_of3A_1443, %dma_start3A_1490] : memref<131072x16xf32, #tpu.memory_space<hbm>> -> memref<256x16xf32, #tpu.memory_space<hbm>>
      %dma_start3A_1492 = arith.constant 0 : i32
      %dma_start3A_1493 = tpu.memref_slice %arg14[%multiple_of3A_1443, %dma_start3A_1492] : memref<131072x16xf32, #tpu.memory_space<hbm>> -> memref<256x16xf32, #tpu.memory_space<hbm>>
      tpu.enqueue_dma source(%arg32 : memref<256x16xf32, #tpu.memory_space<vmem>>) target(%dma_start3A_1493 : memref<256x16xf32, #tpu.memory_space<hbm>>) target_semaphore(%arg37 : memref<!tpu.dma_semaphore, #tpu.memory_space<semaphore_mem>>)
      %dma_start3A_1494 = arith.constant 0 : i32
      %dma_start3A_1495 = tpu.memref_slice %arg15[%multiple_of3A_1443, %dma_start3A_1494] : memref<131072x16xf32, #tpu.memory_space<hbm>> -> memref<256x16xf32, #tpu.memory_space<hbm>>
      %dma_start3A_1496 = arith.constant 0 : i32
      %dma_start3A_1497 = tpu.memref_slice %arg15[%multiple_of3A_1443, %dma_start3A_1496] : memref<131072x16xf32, #tpu.memory_space<hbm>> -> memref<256x16xf32, #tpu.memory_space<hbm>>
      tpu.enqueue_dma source(%arg33 : memref<256x16xf32, #tpu.memory_space<vmem>>) target(%dma_start3A_1497 : memref<256x16xf32, #tpu.memory_space<hbm>>) target_semaphore(%arg37 : memref<!tpu.dma_semaphore, #tpu.memory_space<semaphore_mem>>)
      %dma_start3A_1498 = arith.constant 0 : i32
      %dma_start3A_1499 = tpu.memref_slice %arg16[%multiple_of3A_1443, %dma_start3A_1498] : memref<131072x16xf32, #tpu.memory_space<hbm>> -> memref<256x16xf32, #tpu.memory_space<hbm>>
      %dma_start3A_1500 = arith.constant 0 : i32
      %dma_start3A_1501 = tpu.memref_slice %arg16[%multiple_of3A_1443, %dma_start3A_1500] : memref<131072x16xf32, #tpu.memory_space<hbm>> -> memref<256x16xf32, #tpu.memory_space<hbm>>
      tpu.enqueue_dma source(%arg34 : memref<256x16xf32, #tpu.memory_space<vmem>>) target(%dma_start3A_1501 : memref<256x16xf32, #tpu.memory_space<hbm>>) target_semaphore(%arg37 : memref<!tpu.dma_semaphore, #tpu.memory_space<semaphore_mem>>)
      %dma_wait3A_1502 = arith.constant 0 : i32
      %dma_wait3A_1503 = tpu.memref_slice %arg17[%multiple_of3A_17, %dma_wait3A_1502] : memref<16384x16xf32, #tpu.memory_space<hbm>> -> memref<32x16xf32, #tpu.memory_space<hbm>>
      %dma_wait3A_1504 = arith.constant 0 : i32
      %dma_wait3A_1505 = tpu.memref_slice %arg17[%multiple_of3A_17, %dma_wait3A_1504] : memref<16384x16xf32, #tpu.memory_space<hbm>> -> memref<32x16xf32, #tpu.memory_space<hbm>>
      tpu.wait_dma2 semaphore(%arg37 : memref<!tpu.dma_semaphore, #tpu.memory_space<semaphore_mem>>) src(%arg28 : memref<32x16xf32, #tpu.memory_space<vmem>>) dst(%dma_wait3A_1505 : memref<32x16xf32, #tpu.memory_space<hbm>>)
      %dma_wait3A_1506 = arith.constant 0 : i32
      %dma_wait3A_1507 = tpu.memref_slice %arg18[%multiple_of3A_17, %dma_wait3A_1506] : memref<16384x16xf32, #tpu.memory_space<hbm>> -> memref<32x16xf32, #tpu.memory_space<hbm>>
      %dma_wait3A_1508 = arith.constant 0 : i32
      %dma_wait3A_1509 = tpu.memref_slice %arg18[%multiple_of3A_17, %dma_wait3A_1508] : memref<16384x16xf32, #tpu.memory_space<hbm>> -> memref<32x16xf32, #tpu.memory_space<hbm>>
      tpu.wait_dma2 semaphore(%arg37 : memref<!tpu.dma_semaphore, #tpu.memory_space<semaphore_mem>>) src(%arg29 : memref<32x16xf32, #tpu.memory_space<vmem>>) dst(%dma_wait3A_1509 : memref<32x16xf32, #tpu.memory_space<hbm>>)
      %dma_wait3A_1510 = arith.constant 0 : i32
      %dma_wait3A_1511 = tpu.memref_slice %arg12[%multiple_of3A_1443, %dma_wait3A_1510] : memref<131072x16xf32, #tpu.memory_space<hbm>> -> memref<256x16xf32, #tpu.memory_space<hbm>>
      %dma_wait3A_1512 = arith.constant 0 : i32
      %dma_wait3A_1513 = tpu.memref_slice %arg12[%multiple_of3A_1443, %dma_wait3A_1512] : memref<131072x16xf32, #tpu.memory_space<hbm>> -> memref<256x16xf32, #tpu.memory_space<hbm>>
      tpu.wait_dma2 semaphore(%arg37 : memref<!tpu.dma_semaphore, #tpu.memory_space<semaphore_mem>>) src(%arg30 : memref<256x16xf32, #tpu.memory_space<vmem>>) dst(%dma_wait3A_1513 : memref<256x16xf32, #tpu.memory_space<hbm>>)
      %dma_wait3A_1514 = arith.constant 0 : i32
      %dma_wait3A_1515 = tpu.memref_slice %arg13[%multiple_of3A_1443, %dma_wait3A_1514] : memref<131072x16xf32, #tpu.memory_space<hbm>> -> memref<256x16xf32, #tpu.memory_space<hbm>>
      %dma_wait3A_1516 = arith.constant 0 : i32
      %dma_wait3A_1517 = tpu.memref_slice %arg13[%multiple_of3A_1443, %dma_wait3A_1516] : memref<131072x16xf32, #tpu.memory_space<hbm>> -> memref<256x16xf32, #tpu.memory_space<hbm>>
      tpu.wait_dma2 semaphore(%arg37 : memref<!tpu.dma_semaphore, #tpu.memory_space<semaphore_mem>>) src(%arg31 : memref<256x16xf32, #tpu.memory_space<vmem>>) dst(%dma_wait3A_1517 : memref<256x16xf32, #tpu.memory_space<hbm>>)
      %dma_wait3A_1518 = arith.constant 0 : i32
      %dma_wait3A_1519 = tpu.memref_slice %arg14[%multiple_of3A_1443, %dma_wait3A_1518] : memref<131072x16xf32, #tpu.memory_space<hbm>> -> memref<256x16xf32, #tpu.memory_space<hbm>>
      %dma_wait3A_1520 = arith.constant 0 : i32
      %dma_wait3A_1521 = tpu.memref_slice %arg14[%multiple_of3A_1443, %dma_wait3A_1520] : memref<131072x16xf32, #tpu.memory_space<hbm>> -> memref<256x16xf32, #tpu.memory_space<hbm>>
      tpu.wait_dma2 semaphore(%arg37 : memref<!tpu.dma_semaphore, #tpu.memory_space<semaphore_mem>>) src(%arg32 : memref<256x16xf32, #tpu.memory_space<vmem>>) dst(%dma_wait3A_1521 : memref<256x16xf32, #tpu.memory_space<hbm>>)
      %dma_wait3A_1522 = arith.constant 0 : i32
      %dma_wait3A_1523 = tpu.memref_slice %arg15[%multiple_of3A_1443, %dma_wait3A_1522] : memref<131072x16xf32, #tpu.memory_space<hbm>> -> memref<256x16xf32, #tpu.memory_space<hbm>>
      %dma_wait3A_1524 = arith.constant 0 : i32
      %dma_wait3A_1525 = tpu.memref_slice %arg15[%multiple_of3A_1443, %dma_wait3A_1524] : memref<131072x16xf32, #tpu.memory_space<hbm>> -> memref<256x16xf32, #tpu.memory_space<hbm>>
      tpu.wait_dma2 semaphore(%arg37 : memref<!tpu.dma_semaphore, #tpu.memory_space<semaphore_mem>>) src(%arg33 : memref<256x16xf32, #tpu.memory_space<vmem>>) dst(%dma_wait3A_1525 : memref<256x16xf32, #tpu.memory_space<hbm>>)
      %dma_wait3A_1526 = arith.constant 0 : i32
      %dma_wait3A_1527 = tpu.memref_slice %arg16[%multiple_of3A_1443, %dma_wait3A_1526] : memref<131072x16xf32, #tpu.memory_space<hbm>> -> memref<256x16xf32, #tpu.memory_space<hbm>>
      %dma_wait3A_1528 = arith.constant 0 : i32
      %dma_wait3A_1529 = tpu.memref_slice %arg16[%multiple_of3A_1443, %dma_wait3A_1528] : memref<131072x16xf32, #tpu.memory_space<hbm>> -> memref<256x16xf32, #tpu.memory_space<hbm>>
      tpu.wait_dma2 semaphore(%arg37 : memref<!tpu.dma_semaphore, #tpu.memory_space<semaphore_mem>>) src(%arg34 : memref<256x16xf32, #tpu.memory_space<vmem>>) dst(%dma_wait3A_1529 : memref<256x16xf32, #tpu.memory_space<hbm>>)
      %scan3A_1530 = arith.constant 0 : i32
      scf.yield %scan3A_1530 : i32
    }
    %scan3A_8 = arith.constant 16 : i32
    return
  }
}

#map = affine_map<(d0, d1) -> (0)>
module attributes {stable_mosaic.version = 14 : i64} {
  func.func @_sc_body_b(%arg0: i32, %arg1: i32, %arg2: memref<16384xi32, #tpu.memory_space<hbm>>, %arg3: memref<16384xi32, #tpu.memory_space<hbm>>, %arg4: memref<800000xf32, #tpu.memory_space<hbm>>, %arg5: memref<800000xf32, #tpu.memory_space<hbm>>, %arg6: memref<800000xf32, #tpu.memory_space<hbm>>, %arg7: memref<800000xf32, #tpu.memory_space<hbm>>, %arg8: memref<800000xf32, #tpu.memory_space<hbm>>, %arg9: memref<800000xf32, #tpu.memory_space<hbm>>, %arg10: memref<800000xf32, #tpu.memory_space<hbm>>, %arg11: memref<131072xf32, #tpu.memory_space<hbm>>, %arg12: memref<131072xf32, #tpu.memory_space<hbm>>, %arg13: memref<131072xf32, #tpu.memory_space<hbm>>, %arg14: memref<131072xf32, #tpu.memory_space<hbm>>, %arg15: memref<131072xf32, #tpu.memory_space<hbm>>, %arg16: memref<131072xf32, #tpu.memory_space<hbm>>, %arg17: memref<131072xf32, #tpu.memory_space<hbm>>, %arg18: memref<512xi32, #tpu.memory_space<vmem>>, %arg19: memref<512xi32, #tpu.memory_space<vmem>>, %arg20: memref<128xi32, #tpu.memory_space<vmem>>, %arg21: memref<128xi32, #tpu.memory_space<vmem>>, %arg22: memref<128xf32, #tpu.memory_space<vmem>>, %arg23: memref<128xf32, #tpu.memory_space<vmem>>, %arg24: memref<128xf32, #tpu.memory_space<vmem>>, %arg25: memref<128xf32, #tpu.memory_space<vmem>>, %arg26: memref<128xf32, #tpu.memory_space<vmem>>, %arg27: memref<128xf32, #tpu.memory_space<vmem>>, %arg28: memref<128xf32, #tpu.memory_space<vmem>>, %arg29: memref<!tpu.dma_semaphore, #tpu.memory_space<semaphore_mem>>, %arg30: memref<!tpu.dma_semaphore, #tpu.memory_space<semaphore_mem>>) attributes {dimension_semantics = [#tpu.dimension_semantics<core_parallel>, #tpu.dimension_semantics<subcore_parallel>], iteration_bounds = array<i64: 2, 16>, scalar_prefetch = 0 : i64, scratch_operands = 13 : i64, tpu.core_type = #tpu.core_type<sc_vector_subcore>, window_params = [{transform_indices = #map}, {transform_indices = #map}, {transform_indices = #map}, {transform_indices = #map}, {transform_indices = #map}, {transform_indices = #map}, {transform_indices = #map}, {transform_indices = #map}, {transform_indices = #map}, {transform_indices = #map}, {transform_indices = #map}, {transform_indices = #map}, {transform_indices = #map}, {transform_indices = #map}, {transform_indices = #map}, {transform_indices = #map}]} {
    %mul3A = arith.constant 2 : i32
    %mul3A_0 = arith.muli %arg1, %mul3A : i32
    %add3A = arith.addi %mul3A_0, %arg0 : i32
    %mul3A_1 = arith.constant 512 : i32
    %mul3A_2 = arith.muli %add3A, %mul3A_1 : i32
    %multiple_of3A = tpu.assume_multiple %mul3A_2, 512 : i32
    %iota3A = tpu.iota {dimensions = array<i32: 0>} : vector<16xi32>
    "tpu.region"() ({
      %run_scoped3A = tpu.sem_alloc : memref<!tpu.dma_semaphore, #tpu.memory_space<semaphore_mem>>
      %dma_start3A = tpu.memref_slice %arg2[%multiple_of3A] : memref<16384xi32, #tpu.memory_space<hbm>> -> memref<512xi32, #tpu.memory_space<hbm>>
      %dma_start3A_9 = tpu.memref_slice %arg2[%multiple_of3A] : memref<16384xi32, #tpu.memory_space<hbm>> -> memref<512xi32, #tpu.memory_space<hbm>>
      tpu.enqueue_dma source(%dma_start3A_9 : memref<512xi32, #tpu.memory_space<hbm>>) target(%arg18 : memref<512xi32, #tpu.memory_space<vmem>>) target_semaphore(%run_scoped3A : memref<!tpu.dma_semaphore, #tpu.memory_space<semaphore_mem>>)
      %dma_wait3A = tpu.memref_slice %arg2[%multiple_of3A] : memref<16384xi32, #tpu.memory_space<hbm>> -> memref<512xi32, #tpu.memory_space<hbm>>
      %dma_wait3A_10 = tpu.memref_slice %arg2[%multiple_of3A] : memref<16384xi32, #tpu.memory_space<hbm>> -> memref<512xi32, #tpu.memory_space<hbm>>
      tpu.wait_dma2 semaphore(%run_scoped3A : memref<!tpu.dma_semaphore, #tpu.memory_space<semaphore_mem>>) src(%dma_wait3A_10 : memref<512xi32, #tpu.memory_space<hbm>>) dst(%arg18 : memref<512xi32, #tpu.memory_space<vmem>>)
      tpu.yield
    }) : () -> ()
    "tpu.region"() ({
      %run_scoped3A = tpu.sem_alloc : memref<!tpu.dma_semaphore, #tpu.memory_space<semaphore_mem>>
      %dma_start3A = tpu.memref_slice %arg3[%multiple_of3A] : memref<16384xi32, #tpu.memory_space<hbm>> -> memref<512xi32, #tpu.memory_space<hbm>>
      %dma_start3A_9 = tpu.memref_slice %arg3[%multiple_of3A] : memref<16384xi32, #tpu.memory_space<hbm>> -> memref<512xi32, #tpu.memory_space<hbm>>
      tpu.enqueue_dma source(%dma_start3A_9 : memref<512xi32, #tpu.memory_space<hbm>>) target(%arg19 : memref<512xi32, #tpu.memory_space<vmem>>) target_semaphore(%run_scoped3A : memref<!tpu.dma_semaphore, #tpu.memory_space<semaphore_mem>>)
      %dma_wait3A = tpu.memref_slice %arg3[%multiple_of3A] : memref<16384xi32, #tpu.memory_space<hbm>> -> memref<512xi32, #tpu.memory_space<hbm>>
      %dma_wait3A_10 = tpu.memref_slice %arg3[%multiple_of3A] : memref<16384xi32, #tpu.memory_space<hbm>> -> memref<512xi32, #tpu.memory_space<hbm>>
      tpu.wait_dma2 semaphore(%run_scoped3A : memref<!tpu.dma_semaphore, #tpu.memory_space<semaphore_mem>>) src(%dma_wait3A_10 : memref<512xi32, #tpu.memory_space<hbm>>) dst(%arg19 : memref<512xi32, #tpu.memory_space<vmem>>)
      tpu.yield
    }) : () -> ()
    %scan3A = arith.constant 0 : i32
    %scan3A_3 = arith.constant 0 : i32
    %scan3A_4 = arith.constant 32 : i32
    %scan3A_5 = arith.addi %scan3A_3, %scan3A_4 : i32
    %scan3A_6 = arith.constant 1 : i32
    %scan3A_7 = scf.for %scan3A_9 = %scan3A_3 to %scan3A_5 step %scan3A_6 iter_args(%scan3A_10 = %scan3A) -> (i32)  : i32 {
      %mul3A_11 = arith.constant 16 : i32
      %mul3A_12 = arith.muli %scan3A_9, %mul3A_11 : i32
      %multiple_of3A_13 = tpu.assume_multiple %mul3A_12, 16 : i32
      %mul3A_14 = arith.constant 16 : i32
      %mul3A_15 = arith.muli %scan3A_9, %mul3A_14 : i32
      %add3A_16 = arith.addi %multiple_of3A, %mul3A_15 : i32
      %multiple_of3A_17 = tpu.assume_multiple %add3A_16, 16 : i32
      %add3A_18 = arith.constant 0 : i32
      %add3A_19 = arith.addi %multiple_of3A_13, %add3A_18 : i32
      %get3A = arith.index_cast %add3A_19 : i32 to index
      %get3A_20 = tpu.vector_load %arg18[%get3A] {strides = array<i32>} : memref<512xi32, #tpu.memory_space<vmem>>, vector<16xi32>,
      %get3A_21 = vector.shape_cast %get3A_20 : vector<16xi32> to vector<16xi32>
      %add3A_22 = arith.constant 0 : i32
      %add3A_23 = arith.addi %multiple_of3A_13, %add3A_22 : i32
      %get3A_24 = arith.index_cast %add3A_23 : i32 to index
      %get3A_25 = tpu.vector_load %arg19[%get3A_24] {strides = array<i32>} : memref<512xi32, #tpu.memory_space<vmem>>, vector<16xi32>,
      %get3A_26 = vector.shape_cast %get3A_25 : vector<16xi32> to vector<16xi32>
      %broadcast_in_dim3A = arith.constant 0 : i32
      %broadcast_in_dim3A_27 = vector.broadcast %broadcast_in_dim3A : i32 to vector<16xi32>
      %lt3A = arith.constant 0 : i32
      %lt3A_28 = vector.broadcast %lt3A : i32 to vector<16xi32>
      %lt3A_29 = arith.cmpi slt, %broadcast_in_dim3A_27, %lt3A_28 : vector<16xi32>
      %add3A_30 = arith.constant 16 : i32
      %add3A_31 = vector.broadcast %add3A_30 : i32 to vector<16xi32>
      %add3A_32 = arith.addi %broadcast_in_dim3A_27, %add3A_31 : vector<16xi32>
      %select_n3A = arith.select %lt3A_29, %add3A_32, %broadcast_in_dim3A_27 : vector<16xi1>, vector<16xi32>
      %broadcast_in_dim3A_33 = vector.shape_cast %select_n3A : vector<16xi32> to vector<16x1xi32>
      %gather3A = vector.shape_cast %broadcast_in_dim3A_33 : vector<16x1xi32> to vector<16xi32>
      %gather3A_34 = tpu.dynamic_gather %get3A_21[%gather3A] in [0] : vector<16xi32>, vector<16xi32> -> vector<16xi32>
      %broadcast_in_dim3A_35 = arith.constant 1 : i32
      %broadcast_in_dim3A_36 = vector.broadcast %broadcast_in_dim3A_35 : i32 to vector<16xi32>
      %lt3A_37 = arith.constant 0 : i32
      %lt3A_38 = vector.broadcast %lt3A_37 : i32 to vector<16xi32>
      %lt3A_39 = arith.cmpi slt, %broadcast_in_dim3A_36, %lt3A_38 : vector<16xi32>
      %add3A_40 = arith.constant 16 : i32
      %add3A_41 = vector.broadcast %add3A_40 : i32 to vector<16xi32>
      %add3A_42 = arith.addi %broadcast_in_dim3A_36, %add3A_41 : vector<16xi32>
      %select_n3A_43 = arith.select %lt3A_39, %add3A_42, %broadcast_in_dim3A_36 : vector<16xi1>, vector<16xi32>
      %broadcast_in_dim3A_44 = vector.shape_cast %select_n3A_43 : vector<16xi32> to vector<16x1xi32>
      %gather3A_45 = vector.shape_cast %broadcast_in_dim3A_44 : vector<16x1xi32> to vector<16xi32>
      %gather3A_46 = tpu.dynamic_gather %get3A_21[%gather3A_45] in [0] : vector<16xi32>, vector<16xi32> -> vector<16xi32>
      %lt3A_47 = arith.constant 8 : i32
      %lt3A_48 = vector.broadcast %lt3A_47 : i32 to vector<16xi32>
      %lt3A_49 = arith.cmpi slt, %iota3A, %lt3A_48 : vector<16xi32>
      %mul3A_50 = arith.constant 8 : i32
      %mul3A_51 = vector.broadcast %mul3A_50 : i32 to vector<16xi32>
      %mul3A_52 = arith.muli %gather3A_34, %mul3A_51 : vector<16xi32>
      %add3A_53 = arith.addi %mul3A_52, %iota3A : vector<16xi32>
      %mul3A_54 = arith.constant 8 : i32
      %mul3A_55 = vector.broadcast %mul3A_54 : i32 to vector<16xi32>
      %mul3A_56 = arith.muli %gather3A_46, %mul3A_55 : vector<16xi32>
      %sub3A = arith.constant 8 : i32
      %sub3A_57 = vector.broadcast %sub3A : i32 to vector<16xi32>
      %sub3A_58 = arith.subi %iota3A, %sub3A_57 : vector<16xi32>
      %add3A_59 = arith.addi %mul3A_56, %sub3A_58 : vector<16xi32>
      %select_n3A_60 = arith.select %lt3A_49, %add3A_53, %add3A_59 : vector<16xi1>, vector<16xi32>
      %swap3A = arith.constant 0 : index
      %swap3A_61 = tpu.vector_load %arg20[%swap3A] {strides = array<i32>} : memref<128xi32, #tpu.memory_space<vmem>>, vector<16xi32>,
      %swap3A_62 = vector.shape_cast %swap3A_61 : vector<16xi32> to vector<16xi32>
      %swap3A_63 = vector.shape_cast %select_n3A_60 : vector<16xi32> to vector<16xi32>
      tpu.vector_store %arg20[%swap3A], %swap3A_63 {strides = array<i32>} : memref<128xi32, #tpu.memory_space<vmem>>, vector<16xi32>,
      %broadcast_in_dim3A_64 = arith.constant 2 : i32
      %broadcast_in_dim3A_65 = vector.broadcast %broadcast_in_dim3A_64 : i32 to vector<16xi32>
      %lt3A_66 = arith.constant 0 : i32
      %lt3A_67 = vector.broadcast %lt3A_66 : i32 to vector<16xi32>
      %lt3A_68 = arith.cmpi slt, %broadcast_in_dim3A_65, %lt3A_67 : vector<16xi32>
      %add3A_69 = arith.constant 16 : i32
      %add3A_70 = vector.broadcast %add3A_69 : i32 to vector<16xi32>
      %add3A_71 = arith.addi %broadcast_in_dim3A_65, %add3A_70 : vector<16xi32>
      %select_n3A_72 = arith.select %lt3A_68, %add3A_71, %broadcast_in_dim3A_65 : vector<16xi1>, vector<16xi32>
      %broadcast_in_dim3A_73 = vector.shape_cast %select_n3A_72 : vector<16xi32> to vector<16x1xi32>
      %gather3A_74 = vector.shape_cast %broadcast_in_dim3A_73 : vector<16x1xi32> to vector<16xi32>
      %gather3A_75 = tpu.dynamic_gather %get3A_21[%gather3A_74] in [0] : vector<16xi32>, vector<16xi32> -> vector<16xi32>
      %broadcast_in_dim3A_76 = arith.constant 3 : i32
      %broadcast_in_dim3A_77 = vector.broadcast %broadcast_in_dim3A_76 : i32 to vector<16xi32>
      %lt3A_78 = arith.constant 0 : i32
      %lt3A_79 = vector.broadcast %lt3A_78 : i32 to vector<16xi32>
      %lt3A_80 = arith.cmpi slt, %broadcast_in_dim3A_77, %lt3A_79 : vector<16xi32>
      %add3A_81 = arith.constant 16 : i32
      %add3A_82 = vector.broadcast %add3A_81 : i32 to vector<16xi32>
      %add3A_83 = arith.addi %broadcast_in_dim3A_77, %add3A_82 : vector<16xi32>
      %select_n3A_84 = arith.select %lt3A_80, %add3A_83, %broadcast_in_dim3A_77 : vector<16xi1>, vector<16xi32>
      %broadcast_in_dim3A_85 = vector.shape_cast %select_n3A_84 : vector<16xi32> to vector<16x1xi32>
      %gather3A_86 = vector.shape_cast %broadcast_in_dim3A_85 : vector<16x1xi32> to vector<16xi32>
      %gather3A_87 = tpu.dynamic_gather %get3A_21[%gather3A_86] in [0] : vector<16xi32>, vector<16xi32> -> vector<16xi32>
      %lt3A_88 = arith.constant 8 : i32
      %lt3A_89 = vector.broadcast %lt3A_88 : i32 to vector<16xi32>
      %lt3A_90 = arith.cmpi slt, %iota3A, %lt3A_89 : vector<16xi32>
      %mul3A_91 = arith.constant 8 : i32
      %mul3A_92 = vector.broadcast %mul3A_91 : i32 to vector<16xi32>
      %mul3A_93 = arith.muli %gather3A_75, %mul3A_92 : vector<16xi32>
      %add3A_94 = arith.addi %mul3A_93, %iota3A : vector<16xi32>
      %mul3A_95 = arith.constant 8 : i32
      %mul3A_96 = vector.broadcast %mul3A_95 : i32 to vector<16xi32>
      %mul3A_97 = arith.muli %gather3A_87, %mul3A_96 : vector<16xi32>
      %sub3A_98 = arith.constant 8 : i32
      %sub3A_99 = vector.broadcast %sub3A_98 : i32 to vector<16xi32>
      %sub3A_100 = arith.subi %iota3A, %sub3A_99 : vector<16xi32>
      %add3A_101 = arith.addi %mul3A_97, %sub3A_100 : vector<16xi32>
      %select_n3A_102 = arith.select %lt3A_90, %add3A_94, %add3A_101 : vector<16xi1>, vector<16xi32>
      %swap3A_103 = arith.constant 16 : index
      %swap3A_104 = tpu.vector_load %arg20[%swap3A_103] {strides = array<i32>} : memref<128xi32, #tpu.memory_space<vmem>>, vector<16xi32>,
      %swap3A_105 = vector.shape_cast %swap3A_104 : vector<16xi32> to vector<16xi32>
      %swap3A_106 = vector.shape_cast %select_n3A_102 : vector<16xi32> to vector<16xi32>
      tpu.vector_store %arg20[%swap3A_103], %swap3A_106 {strides = array<i32>} : memref<128xi32, #tpu.memory_space<vmem>>, vector<16xi32>,
      %broadcast_in_dim3A_107 = arith.constant 4 : i32
      %broadcast_in_dim3A_108 = vector.broadcast %broadcast_in_dim3A_107 : i32 to vector<16xi32>
      %lt3A_109 = arith.constant 0 : i32
      %lt3A_110 = vector.broadcast %lt3A_109 : i32 to vector<16xi32>
      %lt3A_111 = arith.cmpi slt, %broadcast_in_dim3A_108, %lt3A_110 : vector<16xi32>
      %add3A_112 = arith.constant 16 : i32
      %add3A_113 = vector.broadcast %add3A_112 : i32 to vector<16xi32>
      %add3A_114 = arith.addi %broadcast_in_dim3A_108, %add3A_113 : vector<16xi32>
      %select_n3A_115 = arith.select %lt3A_111, %add3A_114, %broadcast_in_dim3A_108 : vector<16xi1>, vector<16xi32>
      %broadcast_in_dim3A_116 = vector.shape_cast %select_n3A_115 : vector<16xi32> to vector<16x1xi32>
      %gather3A_117 = vector.shape_cast %broadcast_in_dim3A_116 : vector<16x1xi32> to vector<16xi32>
      %gather3A_118 = tpu.dynamic_gather %get3A_21[%gather3A_117] in [0] : vector<16xi32>, vector<16xi32> -> vector<16xi32>
      %broadcast_in_dim3A_119 = arith.constant 5 : i32
      %broadcast_in_dim3A_120 = vector.broadcast %broadcast_in_dim3A_119 : i32 to vector<16xi32>
      %lt3A_121 = arith.constant 0 : i32
      %lt3A_122 = vector.broadcast %lt3A_121 : i32 to vector<16xi32>
      %lt3A_123 = arith.cmpi slt, %broadcast_in_dim3A_120, %lt3A_122 : vector<16xi32>
      %add3A_124 = arith.constant 16 : i32
      %add3A_125 = vector.broadcast %add3A_124 : i32 to vector<16xi32>
      %add3A_126 = arith.addi %broadcast_in_dim3A_120, %add3A_125 : vector<16xi32>
      %select_n3A_127 = arith.select %lt3A_123, %add3A_126, %broadcast_in_dim3A_120 : vector<16xi1>, vector<16xi32>
      %broadcast_in_dim3A_128 = vector.shape_cast %select_n3A_127 : vector<16xi32> to vector<16x1xi32>
      %gather3A_129 = vector.shape_cast %broadcast_in_dim3A_128 : vector<16x1xi32> to vector<16xi32>
      %gather3A_130 = tpu.dynamic_gather %get3A_21[%gather3A_129] in [0] : vector<16xi32>, vector<16xi32> -> vector<16xi32>
      %lt3A_131 = arith.constant 8 : i32
      %lt3A_132 = vector.broadcast %lt3A_131 : i32 to vector<16xi32>
      %lt3A_133 = arith.cmpi slt, %iota3A, %lt3A_132 : vector<16xi32>
      %mul3A_134 = arith.constant 8 : i32
      %mul3A_135 = vector.broadcast %mul3A_134 : i32 to vector<16xi32>
      %mul3A_136 = arith.muli %gather3A_118, %mul3A_135 : vector<16xi32>
      %add3A_137 = arith.addi %mul3A_136, %iota3A : vector<16xi32>
      %mul3A_138 = arith.constant 8 : i32
      %mul3A_139 = vector.broadcast %mul3A_138 : i32 to vector<16xi32>
      %mul3A_140 = arith.muli %gather3A_130, %mul3A_139 : vector<16xi32>
      %sub3A_141 = arith.constant 8 : i32
      %sub3A_142 = vector.broadcast %sub3A_141 : i32 to vector<16xi32>
      %sub3A_143 = arith.subi %iota3A, %sub3A_142 : vector<16xi32>
      %add3A_144 = arith.addi %mul3A_140, %sub3A_143 : vector<16xi32>
      %select_n3A_145 = arith.select %lt3A_133, %add3A_137, %add3A_144 : vector<16xi1>, vector<16xi32>
      %swap3A_146 = arith.constant 32 : index
      %swap3A_147 = tpu.vector_load %arg20[%swap3A_146] {strides = array<i32>} : memref<128xi32, #tpu.memory_space<vmem>>, vector<16xi32>,
      %swap3A_148 = vector.shape_cast %swap3A_147 : vector<16xi32> to vector<16xi32>
      %swap3A_149 = vector.shape_cast %select_n3A_145 : vector<16xi32> to vector<16xi32>
      tpu.vector_store %arg20[%swap3A_146], %swap3A_149 {strides = array<i32>} : memref<128xi32, #tpu.memory_space<vmem>>, vector<16xi32>,
      %broadcast_in_dim3A_150 = arith.constant 6 : i32
      %broadcast_in_dim3A_151 = vector.broadcast %broadcast_in_dim3A_150 : i32 to vector<16xi32>
      %lt3A_152 = arith.constant 0 : i32
      %lt3A_153 = vector.broadcast %lt3A_152 : i32 to vector<16xi32>
      %lt3A_154 = arith.cmpi slt, %broadcast_in_dim3A_151, %lt3A_153 : vector<16xi32>
      %add3A_155 = arith.constant 16 : i32
      %add3A_156 = vector.broadcast %add3A_155 : i32 to vector<16xi32>
      %add3A_157 = arith.addi %broadcast_in_dim3A_151, %add3A_156 : vector<16xi32>
      %select_n3A_158 = arith.select %lt3A_154, %add3A_157, %broadcast_in_dim3A_151 : vector<16xi1>, vector<16xi32>
      %broadcast_in_dim3A_159 = vector.shape_cast %select_n3A_158 : vector<16xi32> to vector<16x1xi32>
      %gather3A_160 = vector.shape_cast %broadcast_in_dim3A_159 : vector<16x1xi32> to vector<16xi32>
      %gather3A_161 = tpu.dynamic_gather %get3A_21[%gather3A_160] in [0] : vector<16xi32>, vector<16xi32> -> vector<16xi32>
      %broadcast_in_dim3A_162 = arith.constant 7 : i32
      %broadcast_in_dim3A_163 = vector.broadcast %broadcast_in_dim3A_162 : i32 to vector<16xi32>
      %lt3A_164 = arith.constant 0 : i32
      %lt3A_165 = vector.broadcast %lt3A_164 : i32 to vector<16xi32>
      %lt3A_166 = arith.cmpi slt, %broadcast_in_dim3A_163, %lt3A_165 : vector<16xi32>
      %add3A_167 = arith.constant 16 : i32
      %add3A_168 = vector.broadcast %add3A_167 : i32 to vector<16xi32>
      %add3A_169 = arith.addi %broadcast_in_dim3A_163, %add3A_168 : vector<16xi32>
      %select_n3A_170 = arith.select %lt3A_166, %add3A_169, %broadcast_in_dim3A_163 : vector<16xi1>, vector<16xi32>
      %broadcast_in_dim3A_171 = vector.shape_cast %select_n3A_170 : vector<16xi32> to vector<16x1xi32>
      %gather3A_172 = vector.shape_cast %broadcast_in_dim3A_171 : vector<16x1xi32> to vector<16xi32>
      %gather3A_173 = tpu.dynamic_gather %get3A_21[%gather3A_172] in [0] : vector<16xi32>, vector<16xi32> -> vector<16xi32>
      %lt3A_174 = arith.constant 8 : i32
      %lt3A_175 = vector.broadcast %lt3A_174 : i32 to vector<16xi32>
      %lt3A_176 = arith.cmpi slt, %iota3A, %lt3A_175 : vector<16xi32>
      %mul3A_177 = arith.constant 8 : i32
      %mul3A_178 = vector.broadcast %mul3A_177 : i32 to vector<16xi32>
      %mul3A_179 = arith.muli %gather3A_161, %mul3A_178 : vector<16xi32>
      %add3A_180 = arith.addi %mul3A_179, %iota3A : vector<16xi32>
      %mul3A_181 = arith.constant 8 : i32
      %mul3A_182 = vector.broadcast %mul3A_181 : i32 to vector<16xi32>
      %mul3A_183 = arith.muli %gather3A_173, %mul3A_182 : vector<16xi32>
      %sub3A_184 = arith.constant 8 : i32
      %sub3A_185 = vector.broadcast %sub3A_184 : i32 to vector<16xi32>
      %sub3A_186 = arith.subi %iota3A, %sub3A_185 : vector<16xi32>
      %add3A_187 = arith.addi %mul3A_183, %sub3A_186 : vector<16xi32>
      %select_n3A_188 = arith.select %lt3A_176, %add3A_180, %add3A_187 : vector<16xi1>, vector<16xi32>
      %swap3A_189 = arith.constant 48 : index
      %swap3A_190 = tpu.vector_load %arg20[%swap3A_189] {strides = array<i32>} : memref<128xi32, #tpu.memory_space<vmem>>, vector<16xi32>,
      %swap3A_191 = vector.shape_cast %swap3A_190 : vector<16xi32> to vector<16xi32>
      %swap3A_192 = vector.shape_cast %select_n3A_188 : vector<16xi32> to vector<16xi32>
      tpu.vector_store %arg20[%swap3A_189], %swap3A_192 {strides = array<i32>} : memref<128xi32, #tpu.memory_space<vmem>>, vector<16xi32>,
      %broadcast_in_dim3A_193 = arith.constant 8 : i32
      %broadcast_in_dim3A_194 = vector.broadcast %broadcast_in_dim3A_193 : i32 to vector<16xi32>
      %lt3A_195 = arith.constant 0 : i32
      %lt3A_196 = vector.broadcast %lt3A_195 : i32 to vector<16xi32>
      %lt3A_197 = arith.cmpi slt, %broadcast_in_dim3A_194, %lt3A_196 : vector<16xi32>
      %add3A_198 = arith.constant 16 : i32
      %add3A_199 = vector.broadcast %add3A_198 : i32 to vector<16xi32>
      %add3A_200 = arith.addi %broadcast_in_dim3A_194, %add3A_199 : vector<16xi32>
      %select_n3A_201 = arith.select %lt3A_197, %add3A_200, %broadcast_in_dim3A_194 : vector<16xi1>, vector<16xi32>
      %broadcast_in_dim3A_202 = vector.shape_cast %select_n3A_201 : vector<16xi32> to vector<16x1xi32>
      %gather3A_203 = vector.shape_cast %broadcast_in_dim3A_202 : vector<16x1xi32> to vector<16xi32>
      %gather3A_204 = tpu.dynamic_gather %get3A_21[%gather3A_203] in [0] : vector<16xi32>, vector<16xi32> -> vector<16xi32>
      %broadcast_in_dim3A_205 = arith.constant 9 : i32
      %broadcast_in_dim3A_206 = vector.broadcast %broadcast_in_dim3A_205 : i32 to vector<16xi32>
      %lt3A_207 = arith.constant 0 : i32
      %lt3A_208 = vector.broadcast %lt3A_207 : i32 to vector<16xi32>
      %lt3A_209 = arith.cmpi slt, %broadcast_in_dim3A_206, %lt3A_208 : vector<16xi32>
      %add3A_210 = arith.constant 16 : i32
      %add3A_211 = vector.broadcast %add3A_210 : i32 to vector<16xi32>
      %add3A_212 = arith.addi %broadcast_in_dim3A_206, %add3A_211 : vector<16xi32>
      %select_n3A_213 = arith.select %lt3A_209, %add3A_212, %broadcast_in_dim3A_206 : vector<16xi1>, vector<16xi32>
      %broadcast_in_dim3A_214 = vector.shape_cast %select_n3A_213 : vector<16xi32> to vector<16x1xi32>
      %gather3A_215 = vector.shape_cast %broadcast_in_dim3A_214 : vector<16x1xi32> to vector<16xi32>
      %gather3A_216 = tpu.dynamic_gather %get3A_21[%gather3A_215] in [0] : vector<16xi32>, vector<16xi32> -> vector<16xi32>
      %lt3A_217 = arith.constant 8 : i32
      %lt3A_218 = vector.broadcast %lt3A_217 : i32 to vector<16xi32>
      %lt3A_219 = arith.cmpi slt, %iota3A, %lt3A_218 : vector<16xi32>
      %mul3A_220 = arith.constant 8 : i32
      %mul3A_221 = vector.broadcast %mul3A_220 : i32 to vector<16xi32>
      %mul3A_222 = arith.muli %gather3A_204, %mul3A_221 : vector<16xi32>
      %add3A_223 = arith.addi %mul3A_222, %iota3A : vector<16xi32>
      %mul3A_224 = arith.constant 8 : i32
      %mul3A_225 = vector.broadcast %mul3A_224 : i32 to vector<16xi32>
      %mul3A_226 = arith.muli %gather3A_216, %mul3A_225 : vector<16xi32>
      %sub3A_227 = arith.constant 8 : i32
      %sub3A_228 = vector.broadcast %sub3A_227 : i32 to vector<16xi32>
      %sub3A_229 = arith.subi %iota3A, %sub3A_228 : vector<16xi32>
      %add3A_230 = arith.addi %mul3A_226, %sub3A_229 : vector<16xi32>
      %select_n3A_231 = arith.select %lt3A_219, %add3A_223, %add3A_230 : vector<16xi1>, vector<16xi32>
      %swap3A_232 = arith.constant 64 : index
      %swap3A_233 = tpu.vector_load %arg20[%swap3A_232] {strides = array<i32>} : memref<128xi32, #tpu.memory_space<vmem>>, vector<16xi32>,
      %swap3A_234 = vector.shape_cast %swap3A_233 : vector<16xi32> to vector<16xi32>
      %swap3A_235 = vector.shape_cast %select_n3A_231 : vector<16xi32> to vector<16xi32>
      tpu.vector_store %arg20[%swap3A_232], %swap3A_235 {strides = array<i32>} : memref<128xi32, #tpu.memory_space<vmem>>, vector<16xi32>,
      %broadcast_in_dim3A_236 = arith.constant 10 : i32
      %broadcast_in_dim3A_237 = vector.broadcast %broadcast_in_dim3A_236 : i32 to vector<16xi32>
      %lt3A_238 = arith.constant 0 : i32
      %lt3A_239 = vector.broadcast %lt3A_238 : i32 to vector<16xi32>
      %lt3A_240 = arith.cmpi slt, %broadcast_in_dim3A_237, %lt3A_239 : vector<16xi32>
      %add3A_241 = arith.constant 16 : i32
      %add3A_242 = vector.broadcast %add3A_241 : i32 to vector<16xi32>
      %add3A_243 = arith.addi %broadcast_in_dim3A_237, %add3A_242 : vector<16xi32>
      %select_n3A_244 = arith.select %lt3A_240, %add3A_243, %broadcast_in_dim3A_237 : vector<16xi1>, vector<16xi32>
      %broadcast_in_dim3A_245 = vector.shape_cast %select_n3A_244 : vector<16xi32> to vector<16x1xi32>
      %gather3A_246 = vector.shape_cast %broadcast_in_dim3A_245 : vector<16x1xi32> to vector<16xi32>
      %gather3A_247 = tpu.dynamic_gather %get3A_21[%gather3A_246] in [0] : vector<16xi32>, vector<16xi32> -> vector<16xi32>
      %broadcast_in_dim3A_248 = arith.constant 11 : i32
      %broadcast_in_dim3A_249 = vector.broadcast %broadcast_in_dim3A_248 : i32 to vector<16xi32>
      %lt3A_250 = arith.constant 0 : i32
      %lt3A_251 = vector.broadcast %lt3A_250 : i32 to vector<16xi32>
      %lt3A_252 = arith.cmpi slt, %broadcast_in_dim3A_249, %lt3A_251 : vector<16xi32>
      %add3A_253 = arith.constant 16 : i32
      %add3A_254 = vector.broadcast %add3A_253 : i32 to vector<16xi32>
      %add3A_255 = arith.addi %broadcast_in_dim3A_249, %add3A_254 : vector<16xi32>
      %select_n3A_256 = arith.select %lt3A_252, %add3A_255, %broadcast_in_dim3A_249 : vector<16xi1>, vector<16xi32>
      %broadcast_in_dim3A_257 = vector.shape_cast %select_n3A_256 : vector<16xi32> to vector<16x1xi32>
      %gather3A_258 = vector.shape_cast %broadcast_in_dim3A_257 : vector<16x1xi32> to vector<16xi32>
      %gather3A_259 = tpu.dynamic_gather %get3A_21[%gather3A_258] in [0] : vector<16xi32>, vector<16xi32> -> vector<16xi32>
      %lt3A_260 = arith.constant 8 : i32
      %lt3A_261 = vector.broadcast %lt3A_260 : i32 to vector<16xi32>
      %lt3A_262 = arith.cmpi slt, %iota3A, %lt3A_261 : vector<16xi32>
      %mul3A_263 = arith.constant 8 : i32
      %mul3A_264 = vector.broadcast %mul3A_263 : i32 to vector<16xi32>
      %mul3A_265 = arith.muli %gather3A_247, %mul3A_264 : vector<16xi32>
      %add3A_266 = arith.addi %mul3A_265, %iota3A : vector<16xi32>
      %mul3A_267 = arith.constant 8 : i32
      %mul3A_268 = vector.broadcast %mul3A_267 : i32 to vector<16xi32>
      %mul3A_269 = arith.muli %gather3A_259, %mul3A_268 : vector<16xi32>
      %sub3A_270 = arith.constant 8 : i32
      %sub3A_271 = vector.broadcast %sub3A_270 : i32 to vector<16xi32>
      %sub3A_272 = arith.subi %iota3A, %sub3A_271 : vector<16xi32>
      %add3A_273 = arith.addi %mul3A_269, %sub3A_272 : vector<16xi32>
      %select_n3A_274 = arith.select %lt3A_262, %add3A_266, %add3A_273 : vector<16xi1>, vector<16xi32>
      %swap3A_275 = arith.constant 80 : index
      %swap3A_276 = tpu.vector_load %arg20[%swap3A_275] {strides = array<i32>} : memref<128xi32, #tpu.memory_space<vmem>>, vector<16xi32>,
      %swap3A_277 = vector.shape_cast %swap3A_276 : vector<16xi32> to vector<16xi32>
      %swap3A_278 = vector.shape_cast %select_n3A_274 : vector<16xi32> to vector<16xi32>
      tpu.vector_store %arg20[%swap3A_275], %swap3A_278 {strides = array<i32>} : memref<128xi32, #tpu.memory_space<vmem>>, vector<16xi32>,
      %broadcast_in_dim3A_279 = arith.constant 12 : i32
      %broadcast_in_dim3A_280 = vector.broadcast %broadcast_in_dim3A_279 : i32 to vector<16xi32>
      %lt3A_281 = arith.constant 0 : i32
      %lt3A_282 = vector.broadcast %lt3A_281 : i32 to vector<16xi32>
      %lt3A_283 = arith.cmpi slt, %broadcast_in_dim3A_280, %lt3A_282 : vector<16xi32>
      %add3A_284 = arith.constant 16 : i32
      %add3A_285 = vector.broadcast %add3A_284 : i32 to vector<16xi32>
      %add3A_286 = arith.addi %broadcast_in_dim3A_280, %add3A_285 : vector<16xi32>
      %select_n3A_287 = arith.select %lt3A_283, %add3A_286, %broadcast_in_dim3A_280 : vector<16xi1>, vector<16xi32>
      %broadcast_in_dim3A_288 = vector.shape_cast %select_n3A_287 : vector<16xi32> to vector<16x1xi32>
      %gather3A_289 = vector.shape_cast %broadcast_in_dim3A_288 : vector<16x1xi32> to vector<16xi32>
      %gather3A_290 = tpu.dynamic_gather %get3A_21[%gather3A_289] in [0] : vector<16xi32>, vector<16xi32> -> vector<16xi32>
      %broadcast_in_dim3A_291 = arith.constant 13 : i32
      %broadcast_in_dim3A_292 = vector.broadcast %broadcast_in_dim3A_291 : i32 to vector<16xi32>
      %lt3A_293 = arith.constant 0 : i32
      %lt3A_294 = vector.broadcast %lt3A_293 : i32 to vector<16xi32>
      %lt3A_295 = arith.cmpi slt, %broadcast_in_dim3A_292, %lt3A_294 : vector<16xi32>
      %add3A_296 = arith.constant 16 : i32
      %add3A_297 = vector.broadcast %add3A_296 : i32 to vector<16xi32>
      %add3A_298 = arith.addi %broadcast_in_dim3A_292, %add3A_297 : vector<16xi32>
      %select_n3A_299 = arith.select %lt3A_295, %add3A_298, %broadcast_in_dim3A_292 : vector<16xi1>, vector<16xi32>
      %broadcast_in_dim3A_300 = vector.shape_cast %select_n3A_299 : vector<16xi32> to vector<16x1xi32>
      %gather3A_301 = vector.shape_cast %broadcast_in_dim3A_300 : vector<16x1xi32> to vector<16xi32>
      %gather3A_302 = tpu.dynamic_gather %get3A_21[%gather3A_301] in [0] : vector<16xi32>, vector<16xi32> -> vector<16xi32>
      %lt3A_303 = arith.constant 8 : i32
      %lt3A_304 = vector.broadcast %lt3A_303 : i32 to vector<16xi32>
      %lt3A_305 = arith.cmpi slt, %iota3A, %lt3A_304 : vector<16xi32>
      %mul3A_306 = arith.constant 8 : i32
      %mul3A_307 = vector.broadcast %mul3A_306 : i32 to vector<16xi32>
      %mul3A_308 = arith.muli %gather3A_290, %mul3A_307 : vector<16xi32>
      %add3A_309 = arith.addi %mul3A_308, %iota3A : vector<16xi32>
      %mul3A_310 = arith.constant 8 : i32
      %mul3A_311 = vector.broadcast %mul3A_310 : i32 to vector<16xi32>
      %mul3A_312 = arith.muli %gather3A_302, %mul3A_311 : vector<16xi32>
      %sub3A_313 = arith.constant 8 : i32
      %sub3A_314 = vector.broadcast %sub3A_313 : i32 to vector<16xi32>
      %sub3A_315 = arith.subi %iota3A, %sub3A_314 : vector<16xi32>
      %add3A_316 = arith.addi %mul3A_312, %sub3A_315 : vector<16xi32>
      %select_n3A_317 = arith.select %lt3A_305, %add3A_309, %add3A_316 : vector<16xi1>, vector<16xi32>
      %swap3A_318 = arith.constant 96 : index
      %swap3A_319 = tpu.vector_load %arg20[%swap3A_318] {strides = array<i32>} : memref<128xi32, #tpu.memory_space<vmem>>, vector<16xi32>,
      %swap3A_320 = vector.shape_cast %swap3A_319 : vector<16xi32> to vector<16xi32>
      %swap3A_321 = vector.shape_cast %select_n3A_317 : vector<16xi32> to vector<16xi32>
      tpu.vector_store %arg20[%swap3A_318], %swap3A_321 {strides = array<i32>} : memref<128xi32, #tpu.memory_space<vmem>>, vector<16xi32>,
      %broadcast_in_dim3A_322 = arith.constant 14 : i32
      %broadcast_in_dim3A_323 = vector.broadcast %broadcast_in_dim3A_322 : i32 to vector<16xi32>
      %lt3A_324 = arith.constant 0 : i32
      %lt3A_325 = vector.broadcast %lt3A_324 : i32 to vector<16xi32>
      %lt3A_326 = arith.cmpi slt, %broadcast_in_dim3A_323, %lt3A_325 : vector<16xi32>
      %add3A_327 = arith.constant 16 : i32
      %add3A_328 = vector.broadcast %add3A_327 : i32 to vector<16xi32>
      %add3A_329 = arith.addi %broadcast_in_dim3A_323, %add3A_328 : vector<16xi32>
      %select_n3A_330 = arith.select %lt3A_326, %add3A_329, %broadcast_in_dim3A_323 : vector<16xi1>, vector<16xi32>
      %broadcast_in_dim3A_331 = vector.shape_cast %select_n3A_330 : vector<16xi32> to vector<16x1xi32>
      %gather3A_332 = vector.shape_cast %broadcast_in_dim3A_331 : vector<16x1xi32> to vector<16xi32>
      %gather3A_333 = tpu.dynamic_gather %get3A_21[%gather3A_332] in [0] : vector<16xi32>, vector<16xi32> -> vector<16xi32>
      %broadcast_in_dim3A_334 = arith.constant 15 : i32
      %broadcast_in_dim3A_335 = vector.broadcast %broadcast_in_dim3A_334 : i32 to vector<16xi32>
      %lt3A_336 = arith.constant 0 : i32
      %lt3A_337 = vector.broadcast %lt3A_336 : i32 to vector<16xi32>
      %lt3A_338 = arith.cmpi slt, %broadcast_in_dim3A_335, %lt3A_337 : vector<16xi32>
      %add3A_339 = arith.constant 16 : i32
      %add3A_340 = vector.broadcast %add3A_339 : i32 to vector<16xi32>
      %add3A_341 = arith.addi %broadcast_in_dim3A_335, %add3A_340 : vector<16xi32>
      %select_n3A_342 = arith.select %lt3A_338, %add3A_341, %broadcast_in_dim3A_335 : vector<16xi1>, vector<16xi32>
      %broadcast_in_dim3A_343 = vector.shape_cast %select_n3A_342 : vector<16xi32> to vector<16x1xi32>
      %gather3A_344 = vector.shape_cast %broadcast_in_dim3A_343 : vector<16x1xi32> to vector<16xi32>
      %gather3A_345 = tpu.dynamic_gather %get3A_21[%gather3A_344] in [0] : vector<16xi32>, vector<16xi32> -> vector<16xi32>
      %lt3A_346 = arith.constant 8 : i32
      %lt3A_347 = vector.broadcast %lt3A_346 : i32 to vector<16xi32>
      %lt3A_348 = arith.cmpi slt, %iota3A, %lt3A_347 : vector<16xi32>
      %mul3A_349 = arith.constant 8 : i32
      %mul3A_350 = vector.broadcast %mul3A_349 : i32 to vector<16xi32>
      %mul3A_351 = arith.muli %gather3A_333, %mul3A_350 : vector<16xi32>
      %add3A_352 = arith.addi %mul3A_351, %iota3A : vector<16xi32>
      %mul3A_353 = arith.constant 8 : i32
      %mul3A_354 = vector.broadcast %mul3A_353 : i32 to vector<16xi32>
      %mul3A_355 = arith.muli %gather3A_345, %mul3A_354 : vector<16xi32>
      %sub3A_356 = arith.constant 8 : i32
      %sub3A_357 = vector.broadcast %sub3A_356 : i32 to vector<16xi32>
      %sub3A_358 = arith.subi %iota3A, %sub3A_357 : vector<16xi32>
      %add3A_359 = arith.addi %mul3A_355, %sub3A_358 : vector<16xi32>
      %select_n3A_360 = arith.select %lt3A_348, %add3A_352, %add3A_359 : vector<16xi1>, vector<16xi32>
      %swap3A_361 = arith.constant 112 : index
      %swap3A_362 = tpu.vector_load %arg20[%swap3A_361] {strides = array<i32>} : memref<128xi32, #tpu.memory_space<vmem>>, vector<16xi32>,
      %swap3A_363 = vector.shape_cast %swap3A_362 : vector<16xi32> to vector<16xi32>
      %swap3A_364 = vector.shape_cast %select_n3A_360 : vector<16xi32> to vector<16xi32>
      tpu.vector_store %arg20[%swap3A_361], %swap3A_364 {strides = array<i32>} : memref<128xi32, #tpu.memory_space<vmem>>, vector<16xi32>,
      %broadcast_in_dim3A_365 = arith.constant 0 : i32
      %broadcast_in_dim3A_366 = vector.broadcast %broadcast_in_dim3A_365 : i32 to vector<16xi32>
      %lt3A_367 = arith.constant 0 : i32
      %lt3A_368 = vector.broadcast %lt3A_367 : i32 to vector<16xi32>
      %lt3A_369 = arith.cmpi slt, %broadcast_in_dim3A_366, %lt3A_368 : vector<16xi32>
      %add3A_370 = arith.constant 16 : i32
      %add3A_371 = vector.broadcast %add3A_370 : i32 to vector<16xi32>
      %add3A_372 = arith.addi %broadcast_in_dim3A_366, %add3A_371 : vector<16xi32>
      %select_n3A_373 = arith.select %lt3A_369, %add3A_372, %broadcast_in_dim3A_366 : vector<16xi1>, vector<16xi32>
      %broadcast_in_dim3A_374 = vector.shape_cast %select_n3A_373 : vector<16xi32> to vector<16x1xi32>
      %gather3A_375 = vector.shape_cast %broadcast_in_dim3A_374 : vector<16x1xi32> to vector<16xi32>
      %gather3A_376 = tpu.dynamic_gather %get3A_26[%gather3A_375] in [0] : vector<16xi32>, vector<16xi32> -> vector<16xi32>
      %broadcast_in_dim3A_377 = arith.constant 1 : i32
      %broadcast_in_dim3A_378 = vector.broadcast %broadcast_in_dim3A_377 : i32 to vector<16xi32>
      %lt3A_379 = arith.constant 0 : i32
      %lt3A_380 = vector.broadcast %lt3A_379 : i32 to vector<16xi32>
      %lt3A_381 = arith.cmpi slt, %broadcast_in_dim3A_378, %lt3A_380 : vector<16xi32>
      %add3A_382 = arith.constant 16 : i32
      %add3A_383 = vector.broadcast %add3A_382 : i32 to vector<16xi32>
      %add3A_384 = arith.addi %broadcast_in_dim3A_378, %add3A_383 : vector<16xi32>
      %select_n3A_385 = arith.select %lt3A_381, %add3A_384, %broadcast_in_dim3A_378 : vector<16xi1>, vector<16xi32>
      %broadcast_in_dim3A_386 = vector.shape_cast %select_n3A_385 : vector<16xi32> to vector<16x1xi32>
      %gather3A_387 = vector.shape_cast %broadcast_in_dim3A_386 : vector<16x1xi32> to vector<16xi32>
      %gather3A_388 = tpu.dynamic_gather %get3A_26[%gather3A_387] in [0] : vector<16xi32>, vector<16xi32> -> vector<16xi32>
      %lt3A_389 = arith.constant 8 : i32
      %lt3A_390 = vector.broadcast %lt3A_389 : i32 to vector<16xi32>
      %lt3A_391 = arith.cmpi slt, %iota3A, %lt3A_390 : vector<16xi32>
      %mul3A_392 = arith.constant 8 : i32
      %mul3A_393 = vector.broadcast %mul3A_392 : i32 to vector<16xi32>
      %mul3A_394 = arith.muli %gather3A_376, %mul3A_393 : vector<16xi32>
      %add3A_395 = arith.addi %mul3A_394, %iota3A : vector<16xi32>
      %mul3A_396 = arith.constant 8 : i32
      %mul3A_397 = vector.broadcast %mul3A_396 : i32 to vector<16xi32>
      %mul3A_398 = arith.muli %gather3A_388, %mul3A_397 : vector<16xi32>
      %sub3A_399 = arith.constant 8 : i32
      %sub3A_400 = vector.broadcast %sub3A_399 : i32 to vector<16xi32>
      %sub3A_401 = arith.subi %iota3A, %sub3A_400 : vector<16xi32>
      %add3A_402 = arith.addi %mul3A_398, %sub3A_401 : vector<16xi32>
      %select_n3A_403 = arith.select %lt3A_391, %add3A_395, %add3A_402 : vector<16xi1>, vector<16xi32>
      %swap3A_404 = arith.constant 0 : index
      %swap3A_405 = tpu.vector_load %arg21[%swap3A_404] {strides = array<i32>} : memref<128xi32, #tpu.memory_space<vmem>>, vector<16xi32>,
      %swap3A_406 = vector.shape_cast %swap3A_405 : vector<16xi32> to vector<16xi32>
      %swap3A_407 = vector.shape_cast %select_n3A_403 : vector<16xi32> to vector<16xi32>
      tpu.vector_store %arg21[%swap3A_404], %swap3A_407 {strides = array<i32>} : memref<128xi32, #tpu.memory_space<vmem>>, vector<16xi32>,
      %broadcast_in_dim3A_408 = arith.constant 2 : i32
      %broadcast_in_dim3A_409 = vector.broadcast %broadcast_in_dim3A_408 : i32 to vector<16xi32>
      %lt3A_410 = arith.constant 0 : i32
      %lt3A_411 = vector.broadcast %lt3A_410 : i32 to vector<16xi32>
      %lt3A_412 = arith.cmpi slt, %broadcast_in_dim3A_409, %lt3A_411 : vector<16xi32>
      %add3A_413 = arith.constant 16 : i32
      %add3A_414 = vector.broadcast %add3A_413 : i32 to vector<16xi32>
      %add3A_415 = arith.addi %broadcast_in_dim3A_409, %add3A_414 : vector<16xi32>
      %select_n3A_416 = arith.select %lt3A_412, %add3A_415, %broadcast_in_dim3A_409 : vector<16xi1>, vector<16xi32>
      %broadcast_in_dim3A_417 = vector.shape_cast %select_n3A_416 : vector<16xi32> to vector<16x1xi32>
      %gather3A_418 = vector.shape_cast %broadcast_in_dim3A_417 : vector<16x1xi32> to vector<16xi32>
      %gather3A_419 = tpu.dynamic_gather %get3A_26[%gather3A_418] in [0] : vector<16xi32>, vector<16xi32> -> vector<16xi32>
      %broadcast_in_dim3A_420 = arith.constant 3 : i32
      %broadcast_in_dim3A_421 = vector.broadcast %broadcast_in_dim3A_420 : i32 to vector<16xi32>
      %lt3A_422 = arith.constant 0 : i32
      %lt3A_423 = vector.broadcast %lt3A_422 : i32 to vector<16xi32>
      %lt3A_424 = arith.cmpi slt, %broadcast_in_dim3A_421, %lt3A_423 : vector<16xi32>
      %add3A_425 = arith.constant 16 : i32
      %add3A_426 = vector.broadcast %add3A_425 : i32 to vector<16xi32>
      %add3A_427 = arith.addi %broadcast_in_dim3A_421, %add3A_426 : vector<16xi32>
      %select_n3A_428 = arith.select %lt3A_424, %add3A_427, %broadcast_in_dim3A_421 : vector<16xi1>, vector<16xi32>
      %broadcast_in_dim3A_429 = vector.shape_cast %select_n3A_428 : vector<16xi32> to vector<16x1xi32>
      %gather3A_430 = vector.shape_cast %broadcast_in_dim3A_429 : vector<16x1xi32> to vector<16xi32>
      %gather3A_431 = tpu.dynamic_gather %get3A_26[%gather3A_430] in [0] : vector<16xi32>, vector<16xi32> -> vector<16xi32>
      %lt3A_432 = arith.constant 8 : i32
      %lt3A_433 = vector.broadcast %lt3A_432 : i32 to vector<16xi32>
      %lt3A_434 = arith.cmpi slt, %iota3A, %lt3A_433 : vector<16xi32>
      %mul3A_435 = arith.constant 8 : i32
      %mul3A_436 = vector.broadcast %mul3A_435 : i32 to vector<16xi32>
      %mul3A_437 = arith.muli %gather3A_419, %mul3A_436 : vector<16xi32>
      %add3A_438 = arith.addi %mul3A_437, %iota3A : vector<16xi32>
      %mul3A_439 = arith.constant 8 : i32
      %mul3A_440 = vector.broadcast %mul3A_439 : i32 to vector<16xi32>
      %mul3A_441 = arith.muli %gather3A_431, %mul3A_440 : vector<16xi32>
      %sub3A_442 = arith.constant 8 : i32
      %sub3A_443 = vector.broadcast %sub3A_442 : i32 to vector<16xi32>
      %sub3A_444 = arith.subi %iota3A, %sub3A_443 : vector<16xi32>
      %add3A_445 = arith.addi %mul3A_441, %sub3A_444 : vector<16xi32>
      %select_n3A_446 = arith.select %lt3A_434, %add3A_438, %add3A_445 : vector<16xi1>, vector<16xi32>
      %swap3A_447 = arith.constant 16 : index
      %swap3A_448 = tpu.vector_load %arg21[%swap3A_447] {strides = array<i32>} : memref<128xi32, #tpu.memory_space<vmem>>, vector<16xi32>,
      %swap3A_449 = vector.shape_cast %swap3A_448 : vector<16xi32> to vector<16xi32>
      %swap3A_450 = vector.shape_cast %select_n3A_446 : vector<16xi32> to vector<16xi32>
      tpu.vector_store %arg21[%swap3A_447], %swap3A_450 {strides = array<i32>} : memref<128xi32, #tpu.memory_space<vmem>>, vector<16xi32>,
      %broadcast_in_dim3A_451 = arith.constant 4 : i32
      %broadcast_in_dim3A_452 = vector.broadcast %broadcast_in_dim3A_451 : i32 to vector<16xi32>
      %lt3A_453 = arith.constant 0 : i32
      %lt3A_454 = vector.broadcast %lt3A_453 : i32 to vector<16xi32>
      %lt3A_455 = arith.cmpi slt, %broadcast_in_dim3A_452, %lt3A_454 : vector<16xi32>
      %add3A_456 = arith.constant 16 : i32
      %add3A_457 = vector.broadcast %add3A_456 : i32 to vector<16xi32>
      %add3A_458 = arith.addi %broadcast_in_dim3A_452, %add3A_457 : vector<16xi32>
      %select_n3A_459 = arith.select %lt3A_455, %add3A_458, %broadcast_in_dim3A_452 : vector<16xi1>, vector<16xi32>
      %broadcast_in_dim3A_460 = vector.shape_cast %select_n3A_459 : vector<16xi32> to vector<16x1xi32>
      %gather3A_461 = vector.shape_cast %broadcast_in_dim3A_460 : vector<16x1xi32> to vector<16xi32>
      %gather3A_462 = tpu.dynamic_gather %get3A_26[%gather3A_461] in [0] : vector<16xi32>, vector<16xi32> -> vector<16xi32>
      %broadcast_in_dim3A_463 = arith.constant 5 : i32
      %broadcast_in_dim3A_464 = vector.broadcast %broadcast_in_dim3A_463 : i32 to vector<16xi32>
      %lt3A_465 = arith.constant 0 : i32
      %lt3A_466 = vector.broadcast %lt3A_465 : i32 to vector<16xi32>
      %lt3A_467 = arith.cmpi slt, %broadcast_in_dim3A_464, %lt3A_466 : vector<16xi32>
      %add3A_468 = arith.constant 16 : i32
      %add3A_469 = vector.broadcast %add3A_468 : i32 to vector<16xi32>
      %add3A_470 = arith.addi %broadcast_in_dim3A_464, %add3A_469 : vector<16xi32>
      %select_n3A_471 = arith.select %lt3A_467, %add3A_470, %broadcast_in_dim3A_464 : vector<16xi1>, vector<16xi32>
      %broadcast_in_dim3A_472 = vector.shape_cast %select_n3A_471 : vector<16xi32> to vector<16x1xi32>
      %gather3A_473 = vector.shape_cast %broadcast_in_dim3A_472 : vector<16x1xi32> to vector<16xi32>
      %gather3A_474 = tpu.dynamic_gather %get3A_26[%gather3A_473] in [0] : vector<16xi32>, vector<16xi32> -> vector<16xi32>
      %lt3A_475 = arith.constant 8 : i32
      %lt3A_476 = vector.broadcast %lt3A_475 : i32 to vector<16xi32>
      %lt3A_477 = arith.cmpi slt, %iota3A, %lt3A_476 : vector<16xi32>
      %mul3A_478 = arith.constant 8 : i32
      %mul3A_479 = vector.broadcast %mul3A_478 : i32 to vector<16xi32>
      %mul3A_480 = arith.muli %gather3A_462, %mul3A_479 : vector<16xi32>
      %add3A_481 = arith.addi %mul3A_480, %iota3A : vector<16xi32>
      %mul3A_482 = arith.constant 8 : i32
      %mul3A_483 = vector.broadcast %mul3A_482 : i32 to vector<16xi32>
      %mul3A_484 = arith.muli %gather3A_474, %mul3A_483 : vector<16xi32>
      %sub3A_485 = arith.constant 8 : i32
      %sub3A_486 = vector.broadcast %sub3A_485 : i32 to vector<16xi32>
      %sub3A_487 = arith.subi %iota3A, %sub3A_486 : vector<16xi32>
      %add3A_488 = arith.addi %mul3A_484, %sub3A_487 : vector<16xi32>
      %select_n3A_489 = arith.select %lt3A_477, %add3A_481, %add3A_488 : vector<16xi1>, vector<16xi32>
      %swap3A_490 = arith.constant 32 : index
      %swap3A_491 = tpu.vector_load %arg21[%swap3A_490] {strides = array<i32>} : memref<128xi32, #tpu.memory_space<vmem>>, vector<16xi32>,
      %swap3A_492 = vector.shape_cast %swap3A_491 : vector<16xi32> to vector<16xi32>
      %swap3A_493 = vector.shape_cast %select_n3A_489 : vector<16xi32> to vector<16xi32>
      tpu.vector_store %arg21[%swap3A_490], %swap3A_493 {strides = array<i32>} : memref<128xi32, #tpu.memory_space<vmem>>, vector<16xi32>,
      %broadcast_in_dim3A_494 = arith.constant 6 : i32
      %broadcast_in_dim3A_495 = vector.broadcast %broadcast_in_dim3A_494 : i32 to vector<16xi32>
      %lt3A_496 = arith.constant 0 : i32
      %lt3A_497 = vector.broadcast %lt3A_496 : i32 to vector<16xi32>
      %lt3A_498 = arith.cmpi slt, %broadcast_in_dim3A_495, %lt3A_497 : vector<16xi32>
      %add3A_499 = arith.constant 16 : i32
      %add3A_500 = vector.broadcast %add3A_499 : i32 to vector<16xi32>
      %add3A_501 = arith.addi %broadcast_in_dim3A_495, %add3A_500 : vector<16xi32>
      %select_n3A_502 = arith.select %lt3A_498, %add3A_501, %broadcast_in_dim3A_495 : vector<16xi1>, vector<16xi32>
      %broadcast_in_dim3A_503 = vector.shape_cast %select_n3A_502 : vector<16xi32> to vector<16x1xi32>
      %gather3A_504 = vector.shape_cast %broadcast_in_dim3A_503 : vector<16x1xi32> to vector<16xi32>
      %gather3A_505 = tpu.dynamic_gather %get3A_26[%gather3A_504] in [0] : vector<16xi32>, vector<16xi32> -> vector<16xi32>
      %broadcast_in_dim3A_506 = arith.constant 7 : i32
      %broadcast_in_dim3A_507 = vector.broadcast %broadcast_in_dim3A_506 : i32 to vector<16xi32>
      %lt3A_508 = arith.constant 0 : i32
      %lt3A_509 = vector.broadcast %lt3A_508 : i32 to vector<16xi32>
      %lt3A_510 = arith.cmpi slt, %broadcast_in_dim3A_507, %lt3A_509 : vector<16xi32>
      %add3A_511 = arith.constant 16 : i32
      %add3A_512 = vector.broadcast %add3A_511 : i32 to vector<16xi32>
      %add3A_513 = arith.addi %broadcast_in_dim3A_507, %add3A_512 : vector<16xi32>
      %select_n3A_514 = arith.select %lt3A_510, %add3A_513, %broadcast_in_dim3A_507 : vector<16xi1>, vector<16xi32>
      %broadcast_in_dim3A_515 = vector.shape_cast %select_n3A_514 : vector<16xi32> to vector<16x1xi32>
      %gather3A_516 = vector.shape_cast %broadcast_in_dim3A_515 : vector<16x1xi32> to vector<16xi32>
      %gather3A_517 = tpu.dynamic_gather %get3A_26[%gather3A_516] in [0] : vector<16xi32>, vector<16xi32> -> vector<16xi32>
      %lt3A_518 = arith.constant 8 : i32
      %lt3A_519 = vector.broadcast %lt3A_518 : i32 to vector<16xi32>
      %lt3A_520 = arith.cmpi slt, %iota3A, %lt3A_519 : vector<16xi32>
      %mul3A_521 = arith.constant 8 : i32
      %mul3A_522 = vector.broadcast %mul3A_521 : i32 to vector<16xi32>
      %mul3A_523 = arith.muli %gather3A_505, %mul3A_522 : vector<16xi32>
      %add3A_524 = arith.addi %mul3A_523, %iota3A : vector<16xi32>
      %mul3A_525 = arith.constant 8 : i32
      %mul3A_526 = vector.broadcast %mul3A_525 : i32 to vector<16xi32>
      %mul3A_527 = arith.muli %gather3A_517, %mul3A_526 : vector<16xi32>
      %sub3A_528 = arith.constant 8 : i32
      %sub3A_529 = vector.broadcast %sub3A_528 : i32 to vector<16xi32>
      %sub3A_530 = arith.subi %iota3A, %sub3A_529 : vector<16xi32>
      %add3A_531 = arith.addi %mul3A_527, %sub3A_530 : vector<16xi32>
      %select_n3A_532 = arith.select %lt3A_520, %add3A_524, %add3A_531 : vector<16xi1>, vector<16xi32>
      %swap3A_533 = arith.constant 48 : index
      %swap3A_534 = tpu.vector_load %arg21[%swap3A_533] {strides = array<i32>} : memref<128xi32, #tpu.memory_space<vmem>>, vector<16xi32>,
      %swap3A_535 = vector.shape_cast %swap3A_534 : vector<16xi32> to vector<16xi32>
      %swap3A_536 = vector.shape_cast %select_n3A_532 : vector<16xi32> to vector<16xi32>
      tpu.vector_store %arg21[%swap3A_533], %swap3A_536 {strides = array<i32>} : memref<128xi32, #tpu.memory_space<vmem>>, vector<16xi32>,
      %broadcast_in_dim3A_537 = arith.constant 8 : i32
      %broadcast_in_dim3A_538 = vector.broadcast %broadcast_in_dim3A_537 : i32 to vector<16xi32>
      %lt3A_539 = arith.constant 0 : i32
      %lt3A_540 = vector.broadcast %lt3A_539 : i32 to vector<16xi32>
      %lt3A_541 = arith.cmpi slt, %broadcast_in_dim3A_538, %lt3A_540 : vector<16xi32>
      %add3A_542 = arith.constant 16 : i32
      %add3A_543 = vector.broadcast %add3A_542 : i32 to vector<16xi32>
      %add3A_544 = arith.addi %broadcast_in_dim3A_538, %add3A_543 : vector<16xi32>
      %select_n3A_545 = arith.select %lt3A_541, %add3A_544, %broadcast_in_dim3A_538 : vector<16xi1>, vector<16xi32>
      %broadcast_in_dim3A_546 = vector.shape_cast %select_n3A_545 : vector<16xi32> to vector<16x1xi32>
      %gather3A_547 = vector.shape_cast %broadcast_in_dim3A_546 : vector<16x1xi32> to vector<16xi32>
      %gather3A_548 = tpu.dynamic_gather %get3A_26[%gather3A_547] in [0] : vector<16xi32>, vector<16xi32> -> vector<16xi32>
      %broadcast_in_dim3A_549 = arith.constant 9 : i32
      %broadcast_in_dim3A_550 = vector.broadcast %broadcast_in_dim3A_549 : i32 to vector<16xi32>
      %lt3A_551 = arith.constant 0 : i32
      %lt3A_552 = vector.broadcast %lt3A_551 : i32 to vector<16xi32>
      %lt3A_553 = arith.cmpi slt, %broadcast_in_dim3A_550, %lt3A_552 : vector<16xi32>
      %add3A_554 = arith.constant 16 : i32
      %add3A_555 = vector.broadcast %add3A_554 : i32 to vector<16xi32>
      %add3A_556 = arith.addi %broadcast_in_dim3A_550, %add3A_555 : vector<16xi32>
      %select_n3A_557 = arith.select %lt3A_553, %add3A_556, %broadcast_in_dim3A_550 : vector<16xi1>, vector<16xi32>
      %broadcast_in_dim3A_558 = vector.shape_cast %select_n3A_557 : vector<16xi32> to vector<16x1xi32>
      %gather3A_559 = vector.shape_cast %broadcast_in_dim3A_558 : vector<16x1xi32> to vector<16xi32>
      %gather3A_560 = tpu.dynamic_gather %get3A_26[%gather3A_559] in [0] : vector<16xi32>, vector<16xi32> -> vector<16xi32>
      %lt3A_561 = arith.constant 8 : i32
      %lt3A_562 = vector.broadcast %lt3A_561 : i32 to vector<16xi32>
      %lt3A_563 = arith.cmpi slt, %iota3A, %lt3A_562 : vector<16xi32>
      %mul3A_564 = arith.constant 8 : i32
      %mul3A_565 = vector.broadcast %mul3A_564 : i32 to vector<16xi32>
      %mul3A_566 = arith.muli %gather3A_548, %mul3A_565 : vector<16xi32>
      %add3A_567 = arith.addi %mul3A_566, %iota3A : vector<16xi32>
      %mul3A_568 = arith.constant 8 : i32
      %mul3A_569 = vector.broadcast %mul3A_568 : i32 to vector<16xi32>
      %mul3A_570 = arith.muli %gather3A_560, %mul3A_569 : vector<16xi32>
      %sub3A_571 = arith.constant 8 : i32
      %sub3A_572 = vector.broadcast %sub3A_571 : i32 to vector<16xi32>
      %sub3A_573 = arith.subi %iota3A, %sub3A_572 : vector<16xi32>
      %add3A_574 = arith.addi %mul3A_570, %sub3A_573 : vector<16xi32>
      %select_n3A_575 = arith.select %lt3A_563, %add3A_567, %add3A_574 : vector<16xi1>, vector<16xi32>
      %swap3A_576 = arith.constant 64 : index
      %swap3A_577 = tpu.vector_load %arg21[%swap3A_576] {strides = array<i32>} : memref<128xi32, #tpu.memory_space<vmem>>, vector<16xi32>,
      %swap3A_578 = vector.shape_cast %swap3A_577 : vector<16xi32> to vector<16xi32>
      %swap3A_579 = vector.shape_cast %select_n3A_575 : vector<16xi32> to vector<16xi32>
      tpu.vector_store %arg21[%swap3A_576], %swap3A_579 {strides = array<i32>} : memref<128xi32, #tpu.memory_space<vmem>>, vector<16xi32>,
      %broadcast_in_dim3A_580 = arith.constant 10 : i32
      %broadcast_in_dim3A_581 = vector.broadcast %broadcast_in_dim3A_580 : i32 to vector<16xi32>
      %lt3A_582 = arith.constant 0 : i32
      %lt3A_583 = vector.broadcast %lt3A_582 : i32 to vector<16xi32>
      %lt3A_584 = arith.cmpi slt, %broadcast_in_dim3A_581, %lt3A_583 : vector<16xi32>
      %add3A_585 = arith.constant 16 : i32
      %add3A_586 = vector.broadcast %add3A_585 : i32 to vector<16xi32>
      %add3A_587 = arith.addi %broadcast_in_dim3A_581, %add3A_586 : vector<16xi32>
      %select_n3A_588 = arith.select %lt3A_584, %add3A_587, %broadcast_in_dim3A_581 : vector<16xi1>, vector<16xi32>
      %broadcast_in_dim3A_589 = vector.shape_cast %select_n3A_588 : vector<16xi32> to vector<16x1xi32>
      %gather3A_590 = vector.shape_cast %broadcast_in_dim3A_589 : vector<16x1xi32> to vector<16xi32>
      %gather3A_591 = tpu.dynamic_gather %get3A_26[%gather3A_590] in [0] : vector<16xi32>, vector<16xi32> -> vector<16xi32>
      %broadcast_in_dim3A_592 = arith.constant 11 : i32
      %broadcast_in_dim3A_593 = vector.broadcast %broadcast_in_dim3A_592 : i32 to vector<16xi32>
      %lt3A_594 = arith.constant 0 : i32
      %lt3A_595 = vector.broadcast %lt3A_594 : i32 to vector<16xi32>
      %lt3A_596 = arith.cmpi slt, %broadcast_in_dim3A_593, %lt3A_595 : vector<16xi32>
      %add3A_597 = arith.constant 16 : i32
      %add3A_598 = vector.broadcast %add3A_597 : i32 to vector<16xi32>
      %add3A_599 = arith.addi %broadcast_in_dim3A_593, %add3A_598 : vector<16xi32>
      %select_n3A_600 = arith.select %lt3A_596, %add3A_599, %broadcast_in_dim3A_593 : vector<16xi1>, vector<16xi32>
      %broadcast_in_dim3A_601 = vector.shape_cast %select_n3A_600 : vector<16xi32> to vector<16x1xi32>
      %gather3A_602 = vector.shape_cast %broadcast_in_dim3A_601 : vector<16x1xi32> to vector<16xi32>
      %gather3A_603 = tpu.dynamic_gather %get3A_26[%gather3A_602] in [0] : vector<16xi32>, vector<16xi32> -> vector<16xi32>
      %lt3A_604 = arith.constant 8 : i32
      %lt3A_605 = vector.broadcast %lt3A_604 : i32 to vector<16xi32>
      %lt3A_606 = arith.cmpi slt, %iota3A, %lt3A_605 : vector<16xi32>
      %mul3A_607 = arith.constant 8 : i32
      %mul3A_608 = vector.broadcast %mul3A_607 : i32 to vector<16xi32>
      %mul3A_609 = arith.muli %gather3A_591, %mul3A_608 : vector<16xi32>
      %add3A_610 = arith.addi %mul3A_609, %iota3A : vector<16xi32>
      %mul3A_611 = arith.constant 8 : i32
      %mul3A_612 = vector.broadcast %mul3A_611 : i32 to vector<16xi32>
      %mul3A_613 = arith.muli %gather3A_603, %mul3A_612 : vector<16xi32>
      %sub3A_614 = arith.constant 8 : i32
      %sub3A_615 = vector.broadcast %sub3A_614 : i32 to vector<16xi32>
      %sub3A_616 = arith.subi %iota3A, %sub3A_615 : vector<16xi32>
      %add3A_617 = arith.addi %mul3A_613, %sub3A_616 : vector<16xi32>
      %select_n3A_618 = arith.select %lt3A_606, %add3A_610, %add3A_617 : vector<16xi1>, vector<16xi32>
      %swap3A_619 = arith.constant 80 : index
      %swap3A_620 = tpu.vector_load %arg21[%swap3A_619] {strides = array<i32>} : memref<128xi32, #tpu.memory_space<vmem>>, vector<16xi32>,
      %swap3A_621 = vector.shape_cast %swap3A_620 : vector<16xi32> to vector<16xi32>
      %swap3A_622 = vector.shape_cast %select_n3A_618 : vector<16xi32> to vector<16xi32>
      tpu.vector_store %arg21[%swap3A_619], %swap3A_622 {strides = array<i32>} : memref<128xi32, #tpu.memory_space<vmem>>, vector<16xi32>,
      %broadcast_in_dim3A_623 = arith.constant 12 : i32
      %broadcast_in_dim3A_624 = vector.broadcast %broadcast_in_dim3A_623 : i32 to vector<16xi32>
      %lt3A_625 = arith.constant 0 : i32
      %lt3A_626 = vector.broadcast %lt3A_625 : i32 to vector<16xi32>
      %lt3A_627 = arith.cmpi slt, %broadcast_in_dim3A_624, %lt3A_626 : vector<16xi32>
      %add3A_628 = arith.constant 16 : i32
      %add3A_629 = vector.broadcast %add3A_628 : i32 to vector<16xi32>
      %add3A_630 = arith.addi %broadcast_in_dim3A_624, %add3A_629 : vector<16xi32>
      %select_n3A_631 = arith.select %lt3A_627, %add3A_630, %broadcast_in_dim3A_624 : vector<16xi1>, vector<16xi32>
      %broadcast_in_dim3A_632 = vector.shape_cast %select_n3A_631 : vector<16xi32> to vector<16x1xi32>
      %gather3A_633 = vector.shape_cast %broadcast_in_dim3A_632 : vector<16x1xi32> to vector<16xi32>
      %gather3A_634 = tpu.dynamic_gather %get3A_26[%gather3A_633] in [0] : vector<16xi32>, vector<16xi32> -> vector<16xi32>
      %broadcast_in_dim3A_635 = arith.constant 13 : i32
      %broadcast_in_dim3A_636 = vector.broadcast %broadcast_in_dim3A_635 : i32 to vector<16xi32>
      %lt3A_637 = arith.constant 0 : i32
      %lt3A_638 = vector.broadcast %lt3A_637 : i32 to vector<16xi32>
      %lt3A_639 = arith.cmpi slt, %broadcast_in_dim3A_636, %lt3A_638 : vector<16xi32>
      %add3A_640 = arith.constant 16 : i32
      %add3A_641 = vector.broadcast %add3A_640 : i32 to vector<16xi32>
      %add3A_642 = arith.addi %broadcast_in_dim3A_636, %add3A_641 : vector<16xi32>
      %select_n3A_643 = arith.select %lt3A_639, %add3A_642, %broadcast_in_dim3A_636 : vector<16xi1>, vector<16xi32>
      %broadcast_in_dim3A_644 = vector.shape_cast %select_n3A_643 : vector<16xi32> to vector<16x1xi32>
      %gather3A_645 = vector.shape_cast %broadcast_in_dim3A_644 : vector<16x1xi32> to vector<16xi32>
      %gather3A_646 = tpu.dynamic_gather %get3A_26[%gather3A_645] in [0] : vector<16xi32>, vector<16xi32> -> vector<16xi32>
      %lt3A_647 = arith.constant 8 : i32
      %lt3A_648 = vector.broadcast %lt3A_647 : i32 to vector<16xi32>
      %lt3A_649 = arith.cmpi slt, %iota3A, %lt3A_648 : vector<16xi32>
      %mul3A_650 = arith.constant 8 : i32
      %mul3A_651 = vector.broadcast %mul3A_650 : i32 to vector<16xi32>
      %mul3A_652 = arith.muli %gather3A_634, %mul3A_651 : vector<16xi32>
      %add3A_653 = arith.addi %mul3A_652, %iota3A : vector<16xi32>
      %mul3A_654 = arith.constant 8 : i32
      %mul3A_655 = vector.broadcast %mul3A_654 : i32 to vector<16xi32>
      %mul3A_656 = arith.muli %gather3A_646, %mul3A_655 : vector<16xi32>
      %sub3A_657 = arith.constant 8 : i32
      %sub3A_658 = vector.broadcast %sub3A_657 : i32 to vector<16xi32>
      %sub3A_659 = arith.subi %iota3A, %sub3A_658 : vector<16xi32>
      %add3A_660 = arith.addi %mul3A_656, %sub3A_659 : vector<16xi32>
      %select_n3A_661 = arith.select %lt3A_649, %add3A_653, %add3A_660 : vector<16xi1>, vector<16xi32>
      %swap3A_662 = arith.constant 96 : index
      %swap3A_663 = tpu.vector_load %arg21[%swap3A_662] {strides = array<i32>} : memref<128xi32, #tpu.memory_space<vmem>>, vector<16xi32>,
      %swap3A_664 = vector.shape_cast %swap3A_663 : vector<16xi32> to vector<16xi32>
      %swap3A_665 = vector.shape_cast %select_n3A_661 : vector<16xi32> to vector<16xi32>
      tpu.vector_store %arg21[%swap3A_662], %swap3A_665 {strides = array<i32>} : memref<128xi32, #tpu.memory_space<vmem>>, vector<16xi32>,
      %broadcast_in_dim3A_666 = arith.constant 14 : i32
      %broadcast_in_dim3A_667 = vector.broadcast %broadcast_in_dim3A_666 : i32 to vector<16xi32>
      %lt3A_668 = arith.constant 0 : i32
      %lt3A_669 = vector.broadcast %lt3A_668 : i32 to vector<16xi32>
      %lt3A_670 = arith.cmpi slt, %broadcast_in_dim3A_667, %lt3A_669 : vector<16xi32>
      %add3A_671 = arith.constant 16 : i32
      %add3A_672 = vector.broadcast %add3A_671 : i32 to vector<16xi32>
      %add3A_673 = arith.addi %broadcast_in_dim3A_667, %add3A_672 : vector<16xi32>
      %select_n3A_674 = arith.select %lt3A_670, %add3A_673, %broadcast_in_dim3A_667 : vector<16xi1>, vector<16xi32>
      %broadcast_in_dim3A_675 = vector.shape_cast %select_n3A_674 : vector<16xi32> to vector<16x1xi32>
      %gather3A_676 = vector.shape_cast %broadcast_in_dim3A_675 : vector<16x1xi32> to vector<16xi32>
      %gather3A_677 = tpu.dynamic_gather %get3A_26[%gather3A_676] in [0] : vector<16xi32>, vector<16xi32> -> vector<16xi32>
      %broadcast_in_dim3A_678 = arith.constant 15 : i32
      %broadcast_in_dim3A_679 = vector.broadcast %broadcast_in_dim3A_678 : i32 to vector<16xi32>
      %lt3A_680 = arith.constant 0 : i32
      %lt3A_681 = vector.broadcast %lt3A_680 : i32 to vector<16xi32>
      %lt3A_682 = arith.cmpi slt, %broadcast_in_dim3A_679, %lt3A_681 : vector<16xi32>
      %add3A_683 = arith.constant 16 : i32
      %add3A_684 = vector.broadcast %add3A_683 : i32 to vector<16xi32>
      %add3A_685 = arith.addi %broadcast_in_dim3A_679, %add3A_684 : vector<16xi32>
      %select_n3A_686 = arith.select %lt3A_682, %add3A_685, %broadcast_in_dim3A_679 : vector<16xi1>, vector<16xi32>
      %broadcast_in_dim3A_687 = vector.shape_cast %select_n3A_686 : vector<16xi32> to vector<16x1xi32>
      %gather3A_688 = vector.shape_cast %broadcast_in_dim3A_687 : vector<16x1xi32> to vector<16xi32>
      %gather3A_689 = tpu.dynamic_gather %get3A_26[%gather3A_688] in [0] : vector<16xi32>, vector<16xi32> -> vector<16xi32>
      %lt3A_690 = arith.constant 8 : i32
      %lt3A_691 = vector.broadcast %lt3A_690 : i32 to vector<16xi32>
      %lt3A_692 = arith.cmpi slt, %iota3A, %lt3A_691 : vector<16xi32>
      %mul3A_693 = arith.constant 8 : i32
      %mul3A_694 = vector.broadcast %mul3A_693 : i32 to vector<16xi32>
      %mul3A_695 = arith.muli %gather3A_677, %mul3A_694 : vector<16xi32>
      %add3A_696 = arith.addi %mul3A_695, %iota3A : vector<16xi32>
      %mul3A_697 = arith.constant 8 : i32
      %mul3A_698 = vector.broadcast %mul3A_697 : i32 to vector<16xi32>
      %mul3A_699 = arith.muli %gather3A_689, %mul3A_698 : vector<16xi32>
      %sub3A_700 = arith.constant 8 : i32
      %sub3A_701 = vector.broadcast %sub3A_700 : i32 to vector<16xi32>
      %sub3A_702 = arith.subi %iota3A, %sub3A_701 : vector<16xi32>
      %add3A_703 = arith.addi %mul3A_699, %sub3A_702 : vector<16xi32>
      %select_n3A_704 = arith.select %lt3A_692, %add3A_696, %add3A_703 : vector<16xi1>, vector<16xi32>
      %swap3A_705 = arith.constant 112 : index
      %swap3A_706 = tpu.vector_load %arg21[%swap3A_705] {strides = array<i32>} : memref<128xi32, #tpu.memory_space<vmem>>, vector<16xi32>,
      %swap3A_707 = vector.shape_cast %swap3A_706 : vector<16xi32> to vector<16xi32>
      %swap3A_708 = vector.shape_cast %select_n3A_704 : vector<16xi32> to vector<16xi32>
      tpu.vector_store %arg21[%swap3A_705], %swap3A_708 {strides = array<i32>} : memref<128xi32, #tpu.memory_space<vmem>>, vector<16xi32>,
      %dma_start3A = arith.constant 0 : i32
      %dma_start3A_709 = tpu.memref_slice %arg4[%dma_start3A] : memref<800000xf32, #tpu.memory_space<hbm>> -> memref<800000xf32, #tpu.memory_space<hbm>>
      tpu.enqueue_indirect_dma source(%dma_start3A_709 : memref<800000xf32, #tpu.memory_space<hbm>>) target(%arg22 : memref<128xf32, #tpu.memory_space<vmem>>) offsets(%arg20 : memref<128xi32, #tpu.memory_space<vmem>>) semaphore(%arg29 : memref<!tpu.dma_semaphore, #tpu.memory_space<semaphore_mem>>)
      %dma_start3A_710 = arith.constant 0 : i32
      %dma_start3A_711 = tpu.memref_slice %arg5[%dma_start3A_710] : memref<800000xf32, #tpu.memory_space<hbm>> -> memref<800000xf32, #tpu.memory_space<hbm>>
      tpu.enqueue_indirect_dma source(%dma_start3A_711 : memref<800000xf32, #tpu.memory_space<hbm>>) target(%arg23 : memref<128xf32, #tpu.memory_space<vmem>>) offsets(%arg20 : memref<128xi32, #tpu.memory_space<vmem>>) semaphore(%arg29 : memref<!tpu.dma_semaphore, #tpu.memory_space<semaphore_mem>>)
      %dma_start3A_712 = arith.constant 0 : i32
      %dma_start3A_713 = tpu.memref_slice %arg6[%dma_start3A_712] : memref<800000xf32, #tpu.memory_space<hbm>> -> memref<800000xf32, #tpu.memory_space<hbm>>
      tpu.enqueue_indirect_dma source(%dma_start3A_713 : memref<800000xf32, #tpu.memory_space<hbm>>) target(%arg24 : memref<128xf32, #tpu.memory_space<vmem>>) offsets(%arg20 : memref<128xi32, #tpu.memory_space<vmem>>) semaphore(%arg29 : memref<!tpu.dma_semaphore, #tpu.memory_space<semaphore_mem>>)
      %dma_start3A_714 = arith.constant 0 : i32
      %dma_start3A_715 = tpu.memref_slice %arg7[%dma_start3A_714] : memref<800000xf32, #tpu.memory_space<hbm>> -> memref<800000xf32, #tpu.memory_space<hbm>>
      tpu.enqueue_indirect_dma source(%dma_start3A_715 : memref<800000xf32, #tpu.memory_space<hbm>>) target(%arg25 : memref<128xf32, #tpu.memory_space<vmem>>) offsets(%arg20 : memref<128xi32, #tpu.memory_space<vmem>>) semaphore(%arg29 : memref<!tpu.dma_semaphore, #tpu.memory_space<semaphore_mem>>)
      %dma_start3A_716 = arith.constant 0 : i32
      %dma_start3A_717 = tpu.memref_slice %arg8[%dma_start3A_716] : memref<800000xf32, #tpu.memory_space<hbm>> -> memref<800000xf32, #tpu.memory_space<hbm>>
      tpu.enqueue_indirect_dma source(%dma_start3A_717 : memref<800000xf32, #tpu.memory_space<hbm>>) target(%arg26 : memref<128xf32, #tpu.memory_space<vmem>>) offsets(%arg21 : memref<128xi32, #tpu.memory_space<vmem>>) semaphore(%arg29 : memref<!tpu.dma_semaphore, #tpu.memory_space<semaphore_mem>>)
      %dma_start3A_718 = arith.constant 0 : i32
      %dma_start3A_719 = tpu.memref_slice %arg9[%dma_start3A_718] : memref<800000xf32, #tpu.memory_space<hbm>> -> memref<800000xf32, #tpu.memory_space<hbm>>
      tpu.enqueue_indirect_dma source(%dma_start3A_719 : memref<800000xf32, #tpu.memory_space<hbm>>) target(%arg27 : memref<128xf32, #tpu.memory_space<vmem>>) offsets(%arg21 : memref<128xi32, #tpu.memory_space<vmem>>) semaphore(%arg29 : memref<!tpu.dma_semaphore, #tpu.memory_space<semaphore_mem>>)
      %dma_start3A_720 = arith.constant 0 : i32
      %dma_start3A_721 = tpu.memref_slice %arg10[%dma_start3A_720] : memref<800000xf32, #tpu.memory_space<hbm>> -> memref<800000xf32, #tpu.memory_space<hbm>>
      tpu.enqueue_indirect_dma source(%dma_start3A_721 : memref<800000xf32, #tpu.memory_space<hbm>>) target(%arg28 : memref<128xf32, #tpu.memory_space<vmem>>) offsets(%arg21 : memref<128xi32, #tpu.memory_space<vmem>>) semaphore(%arg29 : memref<!tpu.dma_semaphore, #tpu.memory_space<semaphore_mem>>)
      %dma_wait3A = arith.constant 0 : i32
      %dma_wait3A_722 = tpu.memref_slice %arg4[%dma_wait3A] : memref<800000xf32, #tpu.memory_space<hbm>> -> memref<800000xf32, #tpu.memory_space<hbm>>
      tpu.wait_indirect_dma semaphore(%arg29 : memref<!tpu.dma_semaphore, #tpu.memory_space<semaphore_mem>>) src(%dma_wait3A_722 : memref<800000xf32, #tpu.memory_space<hbm>>) dst(%arg22 : memref<128xf32, #tpu.memory_space<vmem>>)
      %dma_wait3A_723 = arith.constant 0 : i32
      %dma_wait3A_724 = tpu.memref_slice %arg5[%dma_wait3A_723] : memref<800000xf32, #tpu.memory_space<hbm>> -> memref<800000xf32, #tpu.memory_space<hbm>>
      tpu.wait_indirect_dma semaphore(%arg29 : memref<!tpu.dma_semaphore, #tpu.memory_space<semaphore_mem>>) src(%dma_wait3A_724 : memref<800000xf32, #tpu.memory_space<hbm>>) dst(%arg23 : memref<128xf32, #tpu.memory_space<vmem>>)
      %dma_wait3A_725 = arith.constant 0 : i32
      %dma_wait3A_726 = tpu.memref_slice %arg6[%dma_wait3A_725] : memref<800000xf32, #tpu.memory_space<hbm>> -> memref<800000xf32, #tpu.memory_space<hbm>>
      tpu.wait_indirect_dma semaphore(%arg29 : memref<!tpu.dma_semaphore, #tpu.memory_space<semaphore_mem>>) src(%dma_wait3A_726 : memref<800000xf32, #tpu.memory_space<hbm>>) dst(%arg24 : memref<128xf32, #tpu.memory_space<vmem>>)
      %dma_wait3A_727 = arith.constant 0 : i32
      %dma_wait3A_728 = tpu.memref_slice %arg7[%dma_wait3A_727] : memref<800000xf32, #tpu.memory_space<hbm>> -> memref<800000xf32, #tpu.memory_space<hbm>>
      tpu.wait_indirect_dma semaphore(%arg29 : memref<!tpu.dma_semaphore, #tpu.memory_space<semaphore_mem>>) src(%dma_wait3A_728 : memref<800000xf32, #tpu.memory_space<hbm>>) dst(%arg25 : memref<128xf32, #tpu.memory_space<vmem>>)
      %dma_wait3A_729 = arith.constant 0 : i32
      %dma_wait3A_730 = tpu.memref_slice %arg8[%dma_wait3A_729] : memref<800000xf32, #tpu.memory_space<hbm>> -> memref<800000xf32, #tpu.memory_space<hbm>>
      tpu.wait_indirect_dma semaphore(%arg29 : memref<!tpu.dma_semaphore, #tpu.memory_space<semaphore_mem>>) src(%dma_wait3A_730 : memref<800000xf32, #tpu.memory_space<hbm>>) dst(%arg26 : memref<128xf32, #tpu.memory_space<vmem>>)
      %dma_wait3A_731 = arith.constant 0 : i32
      %dma_wait3A_732 = tpu.memref_slice %arg9[%dma_wait3A_731] : memref<800000xf32, #tpu.memory_space<hbm>> -> memref<800000xf32, #tpu.memory_space<hbm>>
      tpu.wait_indirect_dma semaphore(%arg29 : memref<!tpu.dma_semaphore, #tpu.memory_space<semaphore_mem>>) src(%dma_wait3A_732 : memref<800000xf32, #tpu.memory_space<hbm>>) dst(%arg27 : memref<128xf32, #tpu.memory_space<vmem>>)
      %dma_wait3A_733 = arith.constant 0 : i32
      %dma_wait3A_734 = tpu.memref_slice %arg10[%dma_wait3A_733] : memref<800000xf32, #tpu.memory_space<hbm>> -> memref<800000xf32, #tpu.memory_space<hbm>>
      tpu.wait_indirect_dma semaphore(%arg29 : memref<!tpu.dma_semaphore, #tpu.memory_space<semaphore_mem>>) src(%dma_wait3A_734 : memref<800000xf32, #tpu.memory_space<hbm>>) dst(%arg28 : memref<128xf32, #tpu.memory_space<vmem>>)
      %mul3A_735 = arith.constant 8 : i32
      %mul3A_736 = arith.muli %multiple_of3A_17, %mul3A_735 : i32
      %multiple_of3A_737 = tpu.assume_multiple %mul3A_736, 128 : i32
      %dma_start3A_738 = tpu.memref_slice %arg11[%multiple_of3A_737] : memref<131072xf32, #tpu.memory_space<hbm>> -> memref<128xf32, #tpu.memory_space<hbm>>
      %dma_start3A_739 = tpu.memref_slice %arg11[%multiple_of3A_737] : memref<131072xf32, #tpu.memory_space<hbm>> -> memref<128xf32, #tpu.memory_space<hbm>>
      tpu.enqueue_dma source(%arg22 : memref<128xf32, #tpu.memory_space<vmem>>) target(%dma_start3A_739 : memref<128xf32, #tpu.memory_space<hbm>>) target_semaphore(%arg30 : memref<!tpu.dma_semaphore, #tpu.memory_space<semaphore_mem>>)
      %dma_start3A_740 = tpu.memref_slice %arg12[%multiple_of3A_737] : memref<131072xf32, #tpu.memory_space<hbm>> -> memref<128xf32, #tpu.memory_space<hbm>>
      %dma_start3A_741 = tpu.memref_slice %arg12[%multiple_of3A_737] : memref<131072xf32, #tpu.memory_space<hbm>> -> memref<128xf32, #tpu.memory_space<hbm>>
      tpu.enqueue_dma source(%arg23 : memref<128xf32, #tpu.memory_space<vmem>>) target(%dma_start3A_741 : memref<128xf32, #tpu.memory_space<hbm>>) target_semaphore(%arg30 : memref<!tpu.dma_semaphore, #tpu.memory_space<semaphore_mem>>)
      %dma_start3A_742 = tpu.memref_slice %arg13[%multiple_of3A_737] : memref<131072xf32, #tpu.memory_space<hbm>> -> memref<128xf32, #tpu.memory_space<hbm>>
      %dma_start3A_743 = tpu.memref_slice %arg13[%multiple_of3A_737] : memref<131072xf32, #tpu.memory_space<hbm>> -> memref<128xf32, #tpu.memory_space<hbm>>
      tpu.enqueue_dma source(%arg24 : memref<128xf32, #tpu.memory_space<vmem>>) target(%dma_start3A_743 : memref<128xf32, #tpu.memory_space<hbm>>) target_semaphore(%arg30 : memref<!tpu.dma_semaphore, #tpu.memory_space<semaphore_mem>>)
      %dma_start3A_744 = tpu.memref_slice %arg14[%multiple_of3A_737] : memref<131072xf32, #tpu.memory_space<hbm>> -> memref<128xf32, #tpu.memory_space<hbm>>
      %dma_start3A_745 = tpu.memref_slice %arg14[%multiple_of3A_737] : memref<131072xf32, #tpu.memory_space<hbm>> -> memref<128xf32, #tpu.memory_space<hbm>>
      tpu.enqueue_dma source(%arg25 : memref<128xf32, #tpu.memory_space<vmem>>) target(%dma_start3A_745 : memref<128xf32, #tpu.memory_space<hbm>>) target_semaphore(%arg30 : memref<!tpu.dma_semaphore, #tpu.memory_space<semaphore_mem>>)
      %dma_start3A_746 = tpu.memref_slice %arg15[%multiple_of3A_737] : memref<131072xf32, #tpu.memory_space<hbm>> -> memref<128xf32, #tpu.memory_space<hbm>>
      %dma_start3A_747 = tpu.memref_slice %arg15[%multiple_of3A_737] : memref<131072xf32, #tpu.memory_space<hbm>> -> memref<128xf32, #tpu.memory_space<hbm>>
      tpu.enqueue_dma source(%arg26 : memref<128xf32, #tpu.memory_space<vmem>>) target(%dma_start3A_747 : memref<128xf32, #tpu.memory_space<hbm>>) target_semaphore(%arg30 : memref<!tpu.dma_semaphore, #tpu.memory_space<semaphore_mem>>)
      %dma_start3A_748 = tpu.memref_slice %arg16[%multiple_of3A_737] : memref<131072xf32, #tpu.memory_space<hbm>> -> memref<128xf32, #tpu.memory_space<hbm>>
      %dma_start3A_749 = tpu.memref_slice %arg16[%multiple_of3A_737] : memref<131072xf32, #tpu.memory_space<hbm>> -> memref<128xf32, #tpu.memory_space<hbm>>
      tpu.enqueue_dma source(%arg27 : memref<128xf32, #tpu.memory_space<vmem>>) target(%dma_start3A_749 : memref<128xf32, #tpu.memory_space<hbm>>) target_semaphore(%arg30 : memref<!tpu.dma_semaphore, #tpu.memory_space<semaphore_mem>>)
      %dma_start3A_750 = tpu.memref_slice %arg17[%multiple_of3A_737] : memref<131072xf32, #tpu.memory_space<hbm>> -> memref<128xf32, #tpu.memory_space<hbm>>
      %dma_start3A_751 = tpu.memref_slice %arg17[%multiple_of3A_737] : memref<131072xf32, #tpu.memory_space<hbm>> -> memref<128xf32, #tpu.memory_space<hbm>>
      tpu.enqueue_dma source(%arg28 : memref<128xf32, #tpu.memory_space<vmem>>) target(%dma_start3A_751 : memref<128xf32, #tpu.memory_space<hbm>>) target_semaphore(%arg30 : memref<!tpu.dma_semaphore, #tpu.memory_space<semaphore_mem>>)
      %dma_wait3A_752 = tpu.memref_slice %arg11[%multiple_of3A_737] : memref<131072xf32, #tpu.memory_space<hbm>> -> memref<128xf32, #tpu.memory_space<hbm>>
      %dma_wait3A_753 = tpu.memref_slice %arg11[%multiple_of3A_737] : memref<131072xf32, #tpu.memory_space<hbm>> -> memref<128xf32, #tpu.memory_space<hbm>>
      tpu.wait_dma2 semaphore(%arg30 : memref<!tpu.dma_semaphore, #tpu.memory_space<semaphore_mem>>) src(%arg22 : memref<128xf32, #tpu.memory_space<vmem>>) dst(%dma_wait3A_753 : memref<128xf32, #tpu.memory_space<hbm>>)
      %dma_wait3A_754 = tpu.memref_slice %arg12[%multiple_of3A_737] : memref<131072xf32, #tpu.memory_space<hbm>> -> memref<128xf32, #tpu.memory_space<hbm>>
      %dma_wait3A_755 = tpu.memref_slice %arg12[%multiple_of3A_737] : memref<131072xf32, #tpu.memory_space<hbm>> -> memref<128xf32, #tpu.memory_space<hbm>>
      tpu.wait_dma2 semaphore(%arg30 : memref<!tpu.dma_semaphore, #tpu.memory_space<semaphore_mem>>) src(%arg23 : memref<128xf32, #tpu.memory_space<vmem>>) dst(%dma_wait3A_755 : memref<128xf32, #tpu.memory_space<hbm>>)
      %dma_wait3A_756 = tpu.memref_slice %arg13[%multiple_of3A_737] : memref<131072xf32, #tpu.memory_space<hbm>> -> memref<128xf32, #tpu.memory_space<hbm>>
      %dma_wait3A_757 = tpu.memref_slice %arg13[%multiple_of3A_737] : memref<131072xf32, #tpu.memory_space<hbm>> -> memref<128xf32, #tpu.memory_space<hbm>>
      tpu.wait_dma2 semaphore(%arg30 : memref<!tpu.dma_semaphore, #tpu.memory_space<semaphore_mem>>) src(%arg24 : memref<128xf32, #tpu.memory_space<vmem>>) dst(%dma_wait3A_757 : memref<128xf32, #tpu.memory_space<hbm>>)
      %dma_wait3A_758 = tpu.memref_slice %arg14[%multiple_of3A_737] : memref<131072xf32, #tpu.memory_space<hbm>> -> memref<128xf32, #tpu.memory_space<hbm>>
      %dma_wait3A_759 = tpu.memref_slice %arg14[%multiple_of3A_737] : memref<131072xf32, #tpu.memory_space<hbm>> -> memref<128xf32, #tpu.memory_space<hbm>>
      tpu.wait_dma2 semaphore(%arg30 : memref<!tpu.dma_semaphore, #tpu.memory_space<semaphore_mem>>) src(%arg25 : memref<128xf32, #tpu.memory_space<vmem>>) dst(%dma_wait3A_759 : memref<128xf32, #tpu.memory_space<hbm>>)
      %dma_wait3A_760 = tpu.memref_slice %arg15[%multiple_of3A_737] : memref<131072xf32, #tpu.memory_space<hbm>> -> memref<128xf32, #tpu.memory_space<hbm>>
      %dma_wait3A_761 = tpu.memref_slice %arg15[%multiple_of3A_737] : memref<131072xf32, #tpu.memory_space<hbm>> -> memref<128xf32, #tpu.memory_space<hbm>>
      tpu.wait_dma2 semaphore(%arg30 : memref<!tpu.dma_semaphore, #tpu.memory_space<semaphore_mem>>) src(%arg26 : memref<128xf32, #tpu.memory_space<vmem>>) dst(%dma_wait3A_761 : memref<128xf32, #tpu.memory_space<hbm>>)
      %dma_wait3A_762 = tpu.memref_slice %arg16[%multiple_of3A_737] : memref<131072xf32, #tpu.memory_space<hbm>> -> memref<128xf32, #tpu.memory_space<hbm>>
      %dma_wait3A_763 = tpu.memref_slice %arg16[%multiple_of3A_737] : memref<131072xf32, #tpu.memory_space<hbm>> -> memref<128xf32, #tpu.memory_space<hbm>>
      tpu.wait_dma2 semaphore(%arg30 : memref<!tpu.dma_semaphore, #tpu.memory_space<semaphore_mem>>) src(%arg27 : memref<128xf32, #tpu.memory_space<vmem>>) dst(%dma_wait3A_763 : memref<128xf32, #tpu.memory_space<hbm>>)
      %dma_wait3A_764 = tpu.memref_slice %arg17[%multiple_of3A_737] : memref<131072xf32, #tpu.memory_space<hbm>> -> memref<128xf32, #tpu.memory_space<hbm>>
      %dma_wait3A_765 = tpu.memref_slice %arg17[%multiple_of3A_737] : memref<131072xf32, #tpu.memory_space<hbm>> -> memref<128xf32, #tpu.memory_space<hbm>>
      tpu.wait_dma2 semaphore(%arg30 : memref<!tpu.dma_semaphore, #tpu.memory_space<semaphore_mem>>) src(%arg28 : memref<128xf32, #tpu.memory_space<vmem>>) dst(%dma_wait3A_765 : memref<128xf32, #tpu.memory_space<hbm>>)
      %scan3A_766 = arith.constant 0 : i32
      scf.yield %scan3A_766 : i32
    }
    %scan3A_8 = arith.constant 32 : i32
    return
  }
}

module attributes {stable_mosaic.version = 14 : i64} {
  func.func @_tc_body(%arg0: i32, %arg1: memref<512x128xf32, #tpu.memory_space<vmem>>, %arg2: memref<512x128xf32, #tpu.memory_space<vmem>>, %arg3: memref<512x128xf32, #tpu.memory_space<vmem>>, %arg4: memref<512x128xf32, #tpu.memory_space<vmem>>, %arg5: memref<512x128xf32, #tpu.memory_space<vmem>>, %arg6: memref<512x16xf32, #tpu.memory_space<vmem>>, %arg7: memref<512x16xf32, #tpu.memory_space<vmem>>, %arg8: memref<512x8xf32, #tpu.memory_space<vmem>>, %arg9: memref<512x8xf32, #tpu.memory_space<vmem>>, %arg10: memref<512x8xf32, #tpu.memory_space<vmem>>, %arg11: memref<512x8xf32, #tpu.memory_space<vmem>>, %arg12: memref<512x8xf32, #tpu.memory_space<vmem>>, %arg13: memref<512x8xf32, #tpu.memory_space<vmem>>, %arg14: memref<512x8xf32, #tpu.memory_space<vmem>>, %arg15: memref<16x16xf32, #tpu.memory_space<vmem>>, %arg16: memref<1x16xf32, #tpu.memory_space<vmem>>, %arg17: memref<16x16xf32, #tpu.memory_space<vmem>>, %arg18: memref<1x16xf32, #tpu.memory_space<vmem>>, %arg19: memref<512xf32, #tpu.memory_space<vmem>>) attributes {dimension_semantics = [#tpu.dimension_semantics<arbitrary>], iteration_bounds = array<i64: 32>, scalar_prefetch = 0 : i64, scratch_operands = 0 : i64, tpu.core_type = #tpu.core_type<tc>, window_params = [{transform_indices = @transform_0, window_bounds = array<i64: 512, 128>}, {transform_indices = @transform_1, window_bounds = array<i64: 512, 128>}, {transform_indices = @transform_2, window_bounds = array<i64: 512, 128>}, {transform_indices = @transform_3, window_bounds = array<i64: 512, 128>}, {transform_indices = @transform_4, window_bounds = array<i64: 512, 128>}, {transform_indices = @transform_5, window_bounds = array<i64: 512, 16>}, {transform_indices = @transform_6, window_bounds = array<i64: 512, 16>}, {transform_indices = @transform_7, window_bounds = array<i64: 512, 8>}, {transform_indices = @transform_8, window_bounds = array<i64: 512, 8>}, {transform_indices = @transform_9, window_bounds = array<i64: 512, 8>}, {transform_indices = @transform_10, window_bounds = array<i64: 512, 8>}, {transform_indices = @transform_11, window_bounds = array<i64: 512, 8>}, {transform_indices = @transform_12, window_bounds = array<i64: 512, 8>}, {transform_indices = @transform_13, window_bounds = array<i64: 512, 8>}, {pipeline_mode = #tpu.pipeline_mode<synchronous>, transform_indices = @transform_14, window_bounds = array<i64: 16, 16>}, {pipeline_mode = #tpu.pipeline_mode<synchronous>, transform_indices = @transform_15, window_bounds = array<i64: 1, 16>}, {pipeline_mode = #tpu.pipeline_mode<synchronous>, transform_indices = @transform_16, window_bounds = array<i64: 16, 16>}, {pipeline_mode = #tpu.pipeline_mode<synchronous>, transform_indices = @transform_17, window_bounds = array<i64: 1, 16>}, {transform_indices = @transform_18, window_bounds = array<i64: 512>}]} {
    %get3A = arith.constant 0 : index
    %get3A_0 = arith.constant 0 : index
    %get3A_1 = vector.load %arg6[%get3A, %get3A_0] : memref<512x16xf32, #tpu.memory_space<vmem>>, vector<512x16xf32>
    %get3A_2 = arith.constant 0 : index
    %get3A_3 = arith.constant 0 : index
    %get3A_4 = vector.load %arg7[%get3A_2, %get3A_3] : memref<512x16xf32, #tpu.memory_space<vmem>>, vector<512x16xf32>
    %get3A_5 = arith.constant 0 : index
    %get3A_6 = arith.constant 0 : index
    %get3A_7 = vector.load %arg8[%get3A_5, %get3A_6] : memref<512x8xf32, #tpu.memory_space<vmem>>, vector<512x8xf32>
    %logistic3A = arith.negf %get3A_7 : vector<512x8xf32>
    %logistic3A_8 = math.exp %logistic3A : vector<512x8xf32>
    %logistic3A_9 = arith.constant 1.000000e+00 : f32
    %logistic3A_10 = vector.broadcast %logistic3A_9 : f32 to vector<512x8xf32>
    %logistic3A_11 = arith.addf %logistic3A_10, %logistic3A_8 : vector<512x8xf32>
    %logistic3A_12 = arith.divf %logistic3A_10, %logistic3A_11 : vector<512x8xf32>
    %get3A_13 = arith.constant 0 : index
    %get3A_14 = arith.constant 0 : index
    %get3A_15 = vector.load %arg1[%get3A_13, %get3A_14] : memref<512x128xf32, #tpu.memory_space<vmem>>, vector<512x128xf32>
    %slice3A = vector.extract_strided_slice %logistic3A_12 {offsets = [0, 0], sizes = [512, 1], strides = [1, 1]} : vector<512x8xf32> to vector<512x1xf32>
    %slice3A_16 = vector.extract_strided_slice %get3A_15 {offsets = [0, 0], sizes = [512, 16], strides = [1, 1]} : vector<512x128xf32> to vector<512x16xf32>
    %mul3A = vector.broadcast %slice3A : vector<512x1xf32> to vector<512x16xf32>
    %mul3A_17 = arith.mulf %mul3A, %slice3A_16 : vector<512x16xf32>
    %slice3A_18 = vector.extract_strided_slice %logistic3A_12 {offsets = [0, 1], sizes = [512, 1], strides = [1, 1]} : vector<512x8xf32> to vector<512x1xf32>
    %slice3A_19 = vector.extract_strided_slice %get3A_15 {offsets = [0, 16], sizes = [512, 16], strides = [1, 1]} : vector<512x128xf32> to vector<512x16xf32>
    %mul3A_20 = vector.broadcast %slice3A_18 : vector<512x1xf32> to vector<512x16xf32>
    %mul3A_21 = arith.mulf %mul3A_20, %slice3A_19 : vector<512x16xf32>
    %add3A = arith.addf %mul3A_17, %mul3A_21 : vector<512x16xf32>
    %slice3A_22 = vector.extract_strided_slice %logistic3A_12 {offsets = [0, 2], sizes = [512, 1], strides = [1, 1]} : vector<512x8xf32> to vector<512x1xf32>
    %slice3A_23 = vector.extract_strided_slice %get3A_15 {offsets = [0, 32], sizes = [512, 16], strides = [1, 1]} : vector<512x128xf32> to vector<512x16xf32>
    %mul3A_24 = vector.broadcast %slice3A_22 : vector<512x1xf32> to vector<512x16xf32>
    %mul3A_25 = arith.mulf %mul3A_24, %slice3A_23 : vector<512x16xf32>
    %add3A_26 = arith.addf %add3A, %mul3A_25 : vector<512x16xf32>
    %slice3A_27 = vector.extract_strided_slice %logistic3A_12 {offsets = [0, 3], sizes = [512, 1], strides = [1, 1]} : vector<512x8xf32> to vector<512x1xf32>
    %slice3A_28 = vector.extract_strided_slice %get3A_15 {offsets = [0, 48], sizes = [512, 16], strides = [1, 1]} : vector<512x128xf32> to vector<512x16xf32>
    %mul3A_29 = vector.broadcast %slice3A_27 : vector<512x1xf32> to vector<512x16xf32>
    %mul3A_30 = arith.mulf %mul3A_29, %slice3A_28 : vector<512x16xf32>
    %add3A_31 = arith.addf %add3A_26, %mul3A_30 : vector<512x16xf32>
    %slice3A_32 = vector.extract_strided_slice %logistic3A_12 {offsets = [0, 4], sizes = [512, 1], strides = [1, 1]} : vector<512x8xf32> to vector<512x1xf32>
    %slice3A_33 = vector.extract_strided_slice %get3A_15 {offsets = [0, 64], sizes = [512, 16], strides = [1, 1]} : vector<512x128xf32> to vector<512x16xf32>
    %mul3A_34 = vector.broadcast %slice3A_32 : vector<512x1xf32> to vector<512x16xf32>
    %mul3A_35 = arith.mulf %mul3A_34, %slice3A_33 : vector<512x16xf32>
    %add3A_36 = arith.addf %add3A_31, %mul3A_35 : vector<512x16xf32>
    %slice3A_37 = vector.extract_strided_slice %logistic3A_12 {offsets = [0, 5], sizes = [512, 1], strides = [1, 1]} : vector<512x8xf32> to vector<512x1xf32>
    %slice3A_38 = vector.extract_strided_slice %get3A_15 {offsets = [0, 80], sizes = [512, 16], strides = [1, 1]} : vector<512x128xf32> to vector<512x16xf32>
    %mul3A_39 = vector.broadcast %slice3A_37 : vector<512x1xf32> to vector<512x16xf32>
    %mul3A_40 = arith.mulf %mul3A_39, %slice3A_38 : vector<512x16xf32>
    %add3A_41 = arith.addf %add3A_36, %mul3A_40 : vector<512x16xf32>
    %slice3A_42 = vector.extract_strided_slice %logistic3A_12 {offsets = [0, 6], sizes = [512, 1], strides = [1, 1]} : vector<512x8xf32> to vector<512x1xf32>
    %slice3A_43 = vector.extract_strided_slice %get3A_15 {offsets = [0, 96], sizes = [512, 16], strides = [1, 1]} : vector<512x128xf32> to vector<512x16xf32>
    %mul3A_44 = vector.broadcast %slice3A_42 : vector<512x1xf32> to vector<512x16xf32>
    %mul3A_45 = arith.mulf %mul3A_44, %slice3A_43 : vector<512x16xf32>
    %add3A_46 = arith.addf %add3A_41, %mul3A_45 : vector<512x16xf32>
    %slice3A_47 = vector.extract_strided_slice %logistic3A_12 {offsets = [0, 7], sizes = [512, 1], strides = [1, 1]} : vector<512x8xf32> to vector<512x1xf32>
    %slice3A_48 = vector.extract_strided_slice %get3A_15 {offsets = [0, 112], sizes = [512, 16], strides = [1, 1]} : vector<512x128xf32> to vector<512x16xf32>
    %mul3A_49 = vector.broadcast %slice3A_47 : vector<512x1xf32> to vector<512x16xf32>
    %mul3A_50 = arith.mulf %mul3A_49, %slice3A_48 : vector<512x16xf32>
    %add3A_51 = arith.addf %add3A_46, %mul3A_50 : vector<512x16xf32>
    %mul3A_52 = arith.constant 1.250000e-01 : f32
    %mul3A_53 = vector.broadcast %mul3A_52 : f32 to vector<512x16xf32>
    %mul3A_54 = arith.mulf %add3A_51, %mul3A_53 : vector<512x16xf32>
    %get3A_55 = arith.constant 0 : index
    %get3A_56 = arith.constant 0 : index
    %get3A_57 = vector.load %arg9[%get3A_55, %get3A_56] : memref<512x8xf32, #tpu.memory_space<vmem>>, vector<512x8xf32>
    %get3A_58 = arith.constant 0 : index
    %get3A_59 = arith.constant 0 : index
    %get3A_60 = vector.load %arg10[%get3A_58, %get3A_59] : memref<512x8xf32, #tpu.memory_space<vmem>>, vector<512x8xf32>
    %mul3A_61 = arith.mulf %get3A_57, %get3A_60 : vector<512x8xf32>
    %get3A_62 = arith.constant 0 : index
    %get3A_63 = arith.constant 0 : index
    %get3A_64 = vector.load %arg11[%get3A_62, %get3A_63] : memref<512x8xf32, #tpu.memory_space<vmem>>, vector<512x8xf32>
    %add3A_65 = arith.addf %mul3A_61, %get3A_64 : vector<512x8xf32>
    %reduce_max3A = arith.constant dense<0xFF800000> : vector<512xf32>
    %reduce_max3A_66 = vector.multi_reduction <maximumf>, %add3A_65, %reduce_max3A [1] : vector<512x8xf32> to vector<512xf32>
    %broadcast_in_dim3A = vector.shape_cast %reduce_max3A_66 : vector<512xf32> to vector<512x1xf32>
    %sub3A = vector.broadcast %broadcast_in_dim3A : vector<512x1xf32> to vector<512x8xf32>
    %sub3A_67 = arith.subf %add3A_65, %sub3A : vector<512x8xf32>
    %exp3A = math.exp %sub3A_67 : vector<512x8xf32>
    %reduce_sum3A = arith.constant dense<0.000000e+00> : vector<512xf32>
    %reduce_sum3A_68 = vector.multi_reduction <add>, %exp3A, %reduce_sum3A [1] : vector<512x8xf32> to vector<512xf32>
    %broadcast_in_dim3A_69 = vector.shape_cast %reduce_sum3A_68 : vector<512xf32> to vector<512x1xf32>
    %div3A = vector.broadcast %broadcast_in_dim3A_69 : vector<512x1xf32> to vector<512x8xf32>
    %div3A_70 = arith.divf %exp3A, %div3A : vector<512x8xf32>
    %get3A_71 = arith.constant 0 : index
    %get3A_72 = arith.constant 0 : index
    %get3A_73 = vector.load %arg2[%get3A_71, %get3A_72] : memref<512x128xf32, #tpu.memory_space<vmem>>, vector<512x128xf32>
    %slice3A_74 = vector.extract_strided_slice %div3A_70 {offsets = [0, 0], sizes = [512, 1], strides = [1, 1]} : vector<512x8xf32> to vector<512x1xf32>
    %slice3A_75 = vector.extract_strided_slice %get3A_73 {offsets = [0, 0], sizes = [512, 16], strides = [1, 1]} : vector<512x128xf32> to vector<512x16xf32>
    %mul3A_76 = vector.broadcast %slice3A_74 : vector<512x1xf32> to vector<512x16xf32>
    %mul3A_77 = arith.mulf %mul3A_76, %slice3A_75 : vector<512x16xf32>
    %slice3A_78 = vector.extract_strided_slice %div3A_70 {offsets = [0, 1], sizes = [512, 1], strides = [1, 1]} : vector<512x8xf32> to vector<512x1xf32>
    %slice3A_79 = vector.extract_strided_slice %get3A_73 {offsets = [0, 16], sizes = [512, 16], strides = [1, 1]} : vector<512x128xf32> to vector<512x16xf32>
    %mul3A_80 = vector.broadcast %slice3A_78 : vector<512x1xf32> to vector<512x16xf32>
    %mul3A_81 = arith.mulf %mul3A_80, %slice3A_79 : vector<512x16xf32>
    %add3A_82 = arith.addf %mul3A_77, %mul3A_81 : vector<512x16xf32>
    %slice3A_83 = vector.extract_strided_slice %div3A_70 {offsets = [0, 2], sizes = [512, 1], strides = [1, 1]} : vector<512x8xf32> to vector<512x1xf32>
    %slice3A_84 = vector.extract_strided_slice %get3A_73 {offsets = [0, 32], sizes = [512, 16], strides = [1, 1]} : vector<512x128xf32> to vector<512x16xf32>
    %mul3A_85 = vector.broadcast %slice3A_83 : vector<512x1xf32> to vector<512x16xf32>
    %mul3A_86 = arith.mulf %mul3A_85, %slice3A_84 : vector<512x16xf32>
    %add3A_87 = arith.addf %add3A_82, %mul3A_86 : vector<512x16xf32>
    %slice3A_88 = vector.extract_strided_slice %div3A_70 {offsets = [0, 3], sizes = [512, 1], strides = [1, 1]} : vector<512x8xf32> to vector<512x1xf32>
    %slice3A_89 = vector.extract_strided_slice %get3A_73 {offsets = [0, 48], sizes = [512, 16], strides = [1, 1]} : vector<512x128xf32> to vector<512x16xf32>
    %mul3A_90 = vector.broadcast %slice3A_88 : vector<512x1xf32> to vector<512x16xf32>
    %mul3A_91 = arith.mulf %mul3A_90, %slice3A_89 : vector<512x16xf32>
    %add3A_92 = arith.addf %add3A_87, %mul3A_91 : vector<512x16xf32>
    %slice3A_93 = vector.extract_strided_slice %div3A_70 {offsets = [0, 4], sizes = [512, 1], strides = [1, 1]} : vector<512x8xf32> to vector<512x1xf32>
    %slice3A_94 = vector.extract_strided_slice %get3A_73 {offsets = [0, 64], sizes = [512, 16], strides = [1, 1]} : vector<512x128xf32> to vector<512x16xf32>
    %mul3A_95 = vector.broadcast %slice3A_93 : vector<512x1xf32> to vector<512x16xf32>
    %mul3A_96 = arith.mulf %mul3A_95, %slice3A_94 : vector<512x16xf32>
    %add3A_97 = arith.addf %add3A_92, %mul3A_96 : vector<512x16xf32>
    %slice3A_98 = vector.extract_strided_slice %div3A_70 {offsets = [0, 5], sizes = [512, 1], strides = [1, 1]} : vector<512x8xf32> to vector<512x1xf32>
    %slice3A_99 = vector.extract_strided_slice %get3A_73 {offsets = [0, 80], sizes = [512, 16], strides = [1, 1]} : vector<512x128xf32> to vector<512x16xf32>
    %mul3A_100 = vector.broadcast %slice3A_98 : vector<512x1xf32> to vector<512x16xf32>
    %mul3A_101 = arith.mulf %mul3A_100, %slice3A_99 : vector<512x16xf32>
    %add3A_102 = arith.addf %add3A_97, %mul3A_101 : vector<512x16xf32>
    %slice3A_103 = vector.extract_strided_slice %div3A_70 {offsets = [0, 6], sizes = [512, 1], strides = [1, 1]} : vector<512x8xf32> to vector<512x1xf32>
    %slice3A_104 = vector.extract_strided_slice %get3A_73 {offsets = [0, 96], sizes = [512, 16], strides = [1, 1]} : vector<512x128xf32> to vector<512x16xf32>
    %mul3A_105 = vector.broadcast %slice3A_103 : vector<512x1xf32> to vector<512x16xf32>
    %mul3A_106 = arith.mulf %mul3A_105, %slice3A_104 : vector<512x16xf32>
    %add3A_107 = arith.addf %add3A_102, %mul3A_106 : vector<512x16xf32>
    %slice3A_108 = vector.extract_strided_slice %div3A_70 {offsets = [0, 7], sizes = [512, 1], strides = [1, 1]} : vector<512x8xf32> to vector<512x1xf32>
    %slice3A_109 = vector.extract_strided_slice %get3A_73 {offsets = [0, 112], sizes = [512, 16], strides = [1, 1]} : vector<512x128xf32> to vector<512x16xf32>
    %mul3A_110 = vector.broadcast %slice3A_108 : vector<512x1xf32> to vector<512x16xf32>
    %mul3A_111 = arith.mulf %mul3A_110, %slice3A_109 : vector<512x16xf32>
    %add3A_112 = arith.addf %add3A_107, %mul3A_111 : vector<512x16xf32>
    %add3A_113 = arith.addf %get3A_1, %mul3A_54 : vector<512x16xf32>
    %add3A_114 = arith.addf %add3A_113, %add3A_112 : vector<512x16xf32>
    %get3A_115 = arith.constant 0 : index
    %get3A_116 = arith.constant 0 : index
    %get3A_117 = vector.load %arg15[%get3A_115, %get3A_116] : memref<16x16xf32, #tpu.memory_space<vmem>>, vector<16x16xf32>
    %dot_general3A = arith.constant dense<0.000000e+00> : vector<512x16xf32>
    %dot_general3A_118 = tpu.matmul %add3A_114, %get3A_117, %dot_general3A {dimension_numbers = #tpu.dot_dimension_numbers<[1], [0], [0], [1], [0, 0, 1, 1], [], []>, transpose_lhs_hint = false} : vector<512x16xf32>, vector<16x16xf32>, vector<512x16xf32> -> vector<512x16xf32>
    %get3A_119 = arith.constant 0 : index
    %get3A_120 = arith.constant 0 : index
    %get3A_121 = vector.load %arg16[%get3A_119, %get3A_120] : memref<1x16xf32, #tpu.memory_space<vmem>>, vector<1x16xf32>
    %add3A_122 = vector.broadcast %get3A_121 : vector<1x16xf32> to vector<512x16xf32>
    %add3A_123 = arith.addf %dot_general3A_118, %add3A_122 : vector<512x16xf32>
    %tanh3A = math.tanh %add3A_123 : vector<512x16xf32>
    %get3A_124 = arith.constant 0 : index
    %get3A_125 = arith.constant 0 : index
    %get3A_126 = vector.load %arg12[%get3A_124, %get3A_125] : memref<512x8xf32, #tpu.memory_space<vmem>>, vector<512x8xf32>
    %get3A_127 = arith.constant 0 : index
    %get3A_128 = arith.constant 0 : index
    %get3A_129 = vector.load %arg13[%get3A_127, %get3A_128] : memref<512x8xf32, #tpu.memory_space<vmem>>, vector<512x8xf32>
    %mul3A_130 = arith.mulf %get3A_126, %get3A_129 : vector<512x8xf32>
    %get3A_131 = arith.constant 0 : index
    %get3A_132 = arith.constant 0 : index
    %get3A_133 = vector.load %arg14[%get3A_131, %get3A_132] : memref<512x8xf32, #tpu.memory_space<vmem>>, vector<512x8xf32>
    %add3A_134 = arith.addf %mul3A_130, %get3A_133 : vector<512x8xf32>
    %reduce_max3A_135 = arith.constant dense<0xFF800000> : vector<512xf32>
    %reduce_max3A_136 = vector.multi_reduction <maximumf>, %add3A_134, %reduce_max3A_135 [1] : vector<512x8xf32> to vector<512xf32>
    %broadcast_in_dim3A_137 = vector.shape_cast %reduce_max3A_136 : vector<512xf32> to vector<512x1xf32>
    %sub3A_138 = vector.broadcast %broadcast_in_dim3A_137 : vector<512x1xf32> to vector<512x8xf32>
    %sub3A_139 = arith.subf %add3A_134, %sub3A_138 : vector<512x8xf32>
    %exp3A_140 = math.exp %sub3A_139 : vector<512x8xf32>
    %reduce_sum3A_141 = arith.constant dense<0.000000e+00> : vector<512xf32>
    %reduce_sum3A_142 = vector.multi_reduction <add>, %exp3A_140, %reduce_sum3A_141 [1] : vector<512x8xf32> to vector<512xf32>
    %broadcast_in_dim3A_143 = vector.shape_cast %reduce_sum3A_142 : vector<512xf32> to vector<512x1xf32>
    %div3A_144 = vector.broadcast %broadcast_in_dim3A_143 : vector<512x1xf32> to vector<512x8xf32>
    %div3A_145 = arith.divf %exp3A_140, %div3A_144 : vector<512x8xf32>
    %get3A_146 = arith.constant 0 : index
    %get3A_147 = arith.constant 0 : index
    %get3A_148 = vector.load %arg3[%get3A_146, %get3A_147] : memref<512x128xf32, #tpu.memory_space<vmem>>, vector<512x128xf32>
    %slice3A_149 = vector.extract_strided_slice %div3A_145 {offsets = [0, 0], sizes = [512, 1], strides = [1, 1]} : vector<512x8xf32> to vector<512x1xf32>
    %slice3A_150 = vector.extract_strided_slice %get3A_148 {offsets = [0, 0], sizes = [512, 16], strides = [1, 1]} : vector<512x128xf32> to vector<512x16xf32>
    %mul3A_151 = vector.broadcast %slice3A_149 : vector<512x1xf32> to vector<512x16xf32>
    %mul3A_152 = arith.mulf %mul3A_151, %slice3A_150 : vector<512x16xf32>
    %slice3A_153 = vector.extract_strided_slice %div3A_145 {offsets = [0, 1], sizes = [512, 1], strides = [1, 1]} : vector<512x8xf32> to vector<512x1xf32>
    %slice3A_154 = vector.extract_strided_slice %get3A_148 {offsets = [0, 16], sizes = [512, 16], strides = [1, 1]} : vector<512x128xf32> to vector<512x16xf32>
    %mul3A_155 = vector.broadcast %slice3A_153 : vector<512x1xf32> to vector<512x16xf32>
    %mul3A_156 = arith.mulf %mul3A_155, %slice3A_154 : vector<512x16xf32>
    %add3A_157 = arith.addf %mul3A_152, %mul3A_156 : vector<512x16xf32>
    %slice3A_158 = vector.extract_strided_slice %div3A_145 {offsets = [0, 2], sizes = [512, 1], strides = [1, 1]} : vector<512x8xf32> to vector<512x1xf32>
    %slice3A_159 = vector.extract_strided_slice %get3A_148 {offsets = [0, 32], sizes = [512, 16], strides = [1, 1]} : vector<512x128xf32> to vector<512x16xf32>
    %mul3A_160 = vector.broadcast %slice3A_158 : vector<512x1xf32> to vector<512x16xf32>
    %mul3A_161 = arith.mulf %mul3A_160, %slice3A_159 : vector<512x16xf32>
    %add3A_162 = arith.addf %add3A_157, %mul3A_161 : vector<512x16xf32>
    %slice3A_163 = vector.extract_strided_slice %div3A_145 {offsets = [0, 3], sizes = [512, 1], strides = [1, 1]} : vector<512x8xf32> to vector<512x1xf32>
    %slice3A_164 = vector.extract_strided_slice %get3A_148 {offsets = [0, 48], sizes = [512, 16], strides = [1, 1]} : vector<512x128xf32> to vector<512x16xf32>
    %mul3A_165 = vector.broadcast %slice3A_163 : vector<512x1xf32> to vector<512x16xf32>
    %mul3A_166 = arith.mulf %mul3A_165, %slice3A_164 : vector<512x16xf32>
    %add3A_167 = arith.addf %add3A_162, %mul3A_166 : vector<512x16xf32>
    %slice3A_168 = vector.extract_strided_slice %div3A_145 {offsets = [0, 4], sizes = [512, 1], strides = [1, 1]} : vector<512x8xf32> to vector<512x1xf32>
    %slice3A_169 = vector.extract_strided_slice %get3A_148 {offsets = [0, 64], sizes = [512, 16], strides = [1, 1]} : vector<512x128xf32> to vector<512x16xf32>
    %mul3A_170 = vector.broadcast %slice3A_168 : vector<512x1xf32> to vector<512x16xf32>
    %mul3A_171 = arith.mulf %mul3A_170, %slice3A_169 : vector<512x16xf32>
    %add3A_172 = arith.addf %add3A_167, %mul3A_171 : vector<512x16xf32>
    %slice3A_173 = vector.extract_strided_slice %div3A_145 {offsets = [0, 5], sizes = [512, 1], strides = [1, 1]} : vector<512x8xf32> to vector<512x1xf32>
    %slice3A_174 = vector.extract_strided_slice %get3A_148 {offsets = [0, 80], sizes = [512, 16], strides = [1, 1]} : vector<512x128xf32> to vector<512x16xf32>
    %mul3A_175 = vector.broadcast %slice3A_173 : vector<512x1xf32> to vector<512x16xf32>
    %mul3A_176 = arith.mulf %mul3A_175, %slice3A_174 : vector<512x16xf32>
    %add3A_177 = arith.addf %add3A_172, %mul3A_176 : vector<512x16xf32>
    %slice3A_178 = vector.extract_strided_slice %div3A_145 {offsets = [0, 6], sizes = [512, 1], strides = [1, 1]} : vector<512x8xf32> to vector<512x1xf32>
    %slice3A_179 = vector.extract_strided_slice %get3A_148 {offsets = [0, 96], sizes = [512, 16], strides = [1, 1]} : vector<512x128xf32> to vector<512x16xf32>
    %mul3A_180 = vector.broadcast %slice3A_178 : vector<512x1xf32> to vector<512x16xf32>
    %mul3A_181 = arith.mulf %mul3A_180, %slice3A_179 : vector<512x16xf32>
    %add3A_182 = arith.addf %add3A_177, %mul3A_181 : vector<512x16xf32>
    %slice3A_183 = vector.extract_strided_slice %div3A_145 {offsets = [0, 7], sizes = [512, 1], strides = [1, 1]} : vector<512x8xf32> to vector<512x1xf32>
    %slice3A_184 = vector.extract_strided_slice %get3A_148 {offsets = [0, 112], sizes = [512, 16], strides = [1, 1]} : vector<512x128xf32> to vector<512x16xf32>
    %mul3A_185 = vector.broadcast %slice3A_183 : vector<512x1xf32> to vector<512x16xf32>
    %mul3A_186 = arith.mulf %mul3A_185, %slice3A_184 : vector<512x16xf32>
    %add3A_187 = arith.addf %add3A_182, %mul3A_186 : vector<512x16xf32>
    %get3A_188 = arith.constant 0 : index
    %get3A_189 = arith.constant 0 : index
    %get3A_190 = vector.load %arg5[%get3A_188, %get3A_189] : memref<512x128xf32, #tpu.memory_space<vmem>>, vector<512x128xf32>
    %slice3A_191 = vector.extract_strided_slice %get3A_190 {offsets = [0, 0], sizes = [512, 16], strides = [1, 1]} : vector<512x128xf32> to vector<512x16xf32>
    %mul3A_192 = arith.mulf %slice3A_191, %get3A_1 : vector<512x16xf32>
    %reduce_sum3A_193 = arith.constant dense<0.000000e+00> : vector<512xf32>
    %reduce_sum3A_194 = vector.multi_reduction <add>, %mul3A_192, %reduce_sum3A_193 [1] : vector<512x16xf32> to vector<512xf32>
    %broadcast_in_dim3A_195 = vector.shape_cast %reduce_sum3A_194 : vector<512xf32> to vector<512x1xf32>
    %slice3A_196 = vector.extract_strided_slice %get3A_190 {offsets = [0, 16], sizes = [512, 16], strides = [1, 1]} : vector<512x128xf32> to vector<512x16xf32>
    %mul3A_197 = arith.mulf %slice3A_196, %get3A_1 : vector<512x16xf32>
    %reduce_sum3A_198 = arith.constant dense<0.000000e+00> : vector<512xf32>
    %reduce_sum3A_199 = vector.multi_reduction <add>, %mul3A_197, %reduce_sum3A_198 [1] : vector<512x16xf32> to vector<512xf32>
    %broadcast_in_dim3A_200 = vector.shape_cast %reduce_sum3A_199 : vector<512xf32> to vector<512x1xf32>
    %slice3A_201 = vector.extract_strided_slice %get3A_190 {offsets = [0, 32], sizes = [512, 16], strides = [1, 1]} : vector<512x128xf32> to vector<512x16xf32>
    %mul3A_202 = arith.mulf %slice3A_201, %get3A_1 : vector<512x16xf32>
    %reduce_sum3A_203 = arith.constant dense<0.000000e+00> : vector<512xf32>
    %reduce_sum3A_204 = vector.multi_reduction <add>, %mul3A_202, %reduce_sum3A_203 [1] : vector<512x16xf32> to vector<512xf32>
    %broadcast_in_dim3A_205 = vector.shape_cast %reduce_sum3A_204 : vector<512xf32> to vector<512x1xf32>
    %slice3A_206 = vector.extract_strided_slice %get3A_190 {offsets = [0, 48], sizes = [512, 16], strides = [1, 1]} : vector<512x128xf32> to vector<512x16xf32>
    %mul3A_207 = arith.mulf %slice3A_206, %get3A_1 : vector<512x16xf32>
    %reduce_sum3A_208 = arith.constant dense<0.000000e+00> : vector<512xf32>
    %reduce_sum3A_209 = vector.multi_reduction <add>, %mul3A_207, %reduce_sum3A_208 [1] : vector<512x16xf32> to vector<512xf32>
    %broadcast_in_dim3A_210 = vector.shape_cast %reduce_sum3A_209 : vector<512xf32> to vector<512x1xf32>
    %slice3A_211 = vector.extract_strided_slice %get3A_190 {offsets = [0, 64], sizes = [512, 16], strides = [1, 1]} : vector<512x128xf32> to vector<512x16xf32>
    %mul3A_212 = arith.mulf %slice3A_211, %get3A_1 : vector<512x16xf32>
    %reduce_sum3A_213 = arith.constant dense<0.000000e+00> : vector<512xf32>
    %reduce_sum3A_214 = vector.multi_reduction <add>, %mul3A_212, %reduce_sum3A_213 [1] : vector<512x16xf32> to vector<512xf32>
    %broadcast_in_dim3A_215 = vector.shape_cast %reduce_sum3A_214 : vector<512xf32> to vector<512x1xf32>
    %slice3A_216 = vector.extract_strided_slice %get3A_190 {offsets = [0, 80], sizes = [512, 16], strides = [1, 1]} : vector<512x128xf32> to vector<512x16xf32>
    %mul3A_217 = arith.mulf %slice3A_216, %get3A_1 : vector<512x16xf32>
    %reduce_sum3A_218 = arith.constant dense<0.000000e+00> : vector<512xf32>
    %reduce_sum3A_219 = vector.multi_reduction <add>, %mul3A_217, %reduce_sum3A_218 [1] : vector<512x16xf32> to vector<512xf32>
    %broadcast_in_dim3A_220 = vector.shape_cast %reduce_sum3A_219 : vector<512xf32> to vector<512x1xf32>
    %slice3A_221 = vector.extract_strided_slice %get3A_190 {offsets = [0, 96], sizes = [512, 16], strides = [1, 1]} : vector<512x128xf32> to vector<512x16xf32>
    %mul3A_222 = arith.mulf %slice3A_221, %get3A_1 : vector<512x16xf32>
    %reduce_sum3A_223 = arith.constant dense<0.000000e+00> : vector<512xf32>
    %reduce_sum3A_224 = vector.multi_reduction <add>, %mul3A_222, %reduce_sum3A_223 [1] : vector<512x16xf32> to vector<512xf32>
    %broadcast_in_dim3A_225 = vector.shape_cast %reduce_sum3A_224 : vector<512xf32> to vector<512x1xf32>
    %slice3A_226 = vector.extract_strided_slice %get3A_190 {offsets = [0, 112], sizes = [512, 16], strides = [1, 1]} : vector<512x128xf32> to vector<512x16xf32>
    %mul3A_227 = arith.mulf %slice3A_226, %get3A_1 : vector<512x16xf32>
    %reduce_sum3A_228 = arith.constant dense<0.000000e+00> : vector<512xf32>
    %reduce_sum3A_229 = vector.multi_reduction <add>, %mul3A_227, %reduce_sum3A_228 [1] : vector<512x16xf32> to vector<512xf32>
    %broadcast_in_dim3A_230 = vector.shape_cast %reduce_sum3A_229 : vector<512xf32> to vector<512x1xf32>
    %concatenate3A = tpu.concatenate %broadcast_in_dim3A_195, %broadcast_in_dim3A_200, %broadcast_in_dim3A_205, %broadcast_in_dim3A_210, %broadcast_in_dim3A_215, %broadcast_in_dim3A_220, %broadcast_in_dim3A_225, %broadcast_in_dim3A_230 in 1 : vector<512x1xf32>, vector<512x1xf32>, vector<512x1xf32>, vector<512x1xf32>, vector<512x1xf32>, vector<512x1xf32>, vector<512x1xf32>, vector<512x1xf32> -> vector<512x8xf32>
    %reduce_max3A_231 = arith.constant dense<0xFF800000> : vector<512xf32>
    %reduce_max3A_232 = vector.multi_reduction <maximumf>, %concatenate3A, %reduce_max3A_231 [1] : vector<512x8xf32> to vector<512xf32>
    %broadcast_in_dim3A_233 = vector.shape_cast %reduce_max3A_232 : vector<512xf32> to vector<512x1xf32>
    %sub3A_234 = vector.broadcast %broadcast_in_dim3A_233 : vector<512x1xf32> to vector<512x8xf32>
    %sub3A_235 = arith.subf %concatenate3A, %sub3A_234 : vector<512x8xf32>
    %exp3A_236 = math.exp %sub3A_235 : vector<512x8xf32>
    %reduce_sum3A_237 = arith.constant dense<0.000000e+00> : vector<512xf32>
    %reduce_sum3A_238 = vector.multi_reduction <add>, %exp3A_236, %reduce_sum3A_237 [1] : vector<512x8xf32> to vector<512xf32>
    %broadcast_in_dim3A_239 = vector.shape_cast %reduce_sum3A_238 : vector<512xf32> to vector<512x1xf32>
    %div3A_240 = vector.broadcast %broadcast_in_dim3A_239 : vector<512x1xf32> to vector<512x8xf32>
    %div3A_241 = arith.divf %exp3A_236, %div3A_240 : vector<512x8xf32>
    %get3A_242 = arith.constant 0 : index
    %get3A_243 = arith.constant 0 : index
    %get3A_244 = vector.load %arg4[%get3A_242, %get3A_243] : memref<512x128xf32, #tpu.memory_space<vmem>>, vector<512x128xf32>
    %slice3A_245 = vector.extract_strided_slice %div3A_241 {offsets = [0, 0], sizes = [512, 1], strides = [1, 1]} : vector<512x8xf32> to vector<512x1xf32>
    %slice3A_246 = vector.extract_strided_slice %get3A_244 {offsets = [0, 0], sizes = [512, 16], strides = [1, 1]} : vector<512x128xf32> to vector<512x16xf32>
    %mul3A_247 = vector.broadcast %slice3A_245 : vector<512x1xf32> to vector<512x16xf32>
    %mul3A_248 = arith.mulf %mul3A_247, %slice3A_246 : vector<512x16xf32>
    %slice3A_249 = vector.extract_strided_slice %div3A_241 {offsets = [0, 1], sizes = [512, 1], strides = [1, 1]} : vector<512x8xf32> to vector<512x1xf32>
    %slice3A_250 = vector.extract_strided_slice %get3A_244 {offsets = [0, 16], sizes = [512, 16], strides = [1, 1]} : vector<512x128xf32> to vector<512x16xf32>
    %mul3A_251 = vector.broadcast %slice3A_249 : vector<512x1xf32> to vector<512x16xf32>
    %mul3A_252 = arith.mulf %mul3A_251, %slice3A_250 : vector<512x16xf32>
    %add3A_253 = arith.addf %mul3A_248, %mul3A_252 : vector<512x16xf32>
    %slice3A_254 = vector.extract_strided_slice %div3A_241 {offsets = [0, 2], sizes = [512, 1], strides = [1, 1]} : vector<512x8xf32> to vector<512x1xf32>
    %slice3A_255 = vector.extract_strided_slice %get3A_244 {offsets = [0, 32], sizes = [512, 16], strides = [1, 1]} : vector<512x128xf32> to vector<512x16xf32>
    %mul3A_256 = vector.broadcast %slice3A_254 : vector<512x1xf32> to vector<512x16xf32>
    %mul3A_257 = arith.mulf %mul3A_256, %slice3A_255 : vector<512x16xf32>
    %add3A_258 = arith.addf %add3A_253, %mul3A_257 : vector<512x16xf32>
    %slice3A_259 = vector.extract_strided_slice %div3A_241 {offsets = [0, 3], sizes = [512, 1], strides = [1, 1]} : vector<512x8xf32> to vector<512x1xf32>
    %slice3A_260 = vector.extract_strided_slice %get3A_244 {offsets = [0, 48], sizes = [512, 16], strides = [1, 1]} : vector<512x128xf32> to vector<512x16xf32>
    %mul3A_261 = vector.broadcast %slice3A_259 : vector<512x1xf32> to vector<512x16xf32>
    %mul3A_262 = arith.mulf %mul3A_261, %slice3A_260 : vector<512x16xf32>
    %add3A_263 = arith.addf %add3A_258, %mul3A_262 : vector<512x16xf32>
    %slice3A_264 = vector.extract_strided_slice %div3A_241 {offsets = [0, 4], sizes = [512, 1], strides = [1, 1]} : vector<512x8xf32> to vector<512x1xf32>
    %slice3A_265 = vector.extract_strided_slice %get3A_244 {offsets = [0, 64], sizes = [512, 16], strides = [1, 1]} : vector<512x128xf32> to vector<512x16xf32>
    %mul3A_266 = vector.broadcast %slice3A_264 : vector<512x1xf32> to vector<512x16xf32>
    %mul3A_267 = arith.mulf %mul3A_266, %slice3A_265 : vector<512x16xf32>
    %add3A_268 = arith.addf %add3A_263, %mul3A_267 : vector<512x16xf32>
    %slice3A_269 = vector.extract_strided_slice %div3A_241 {offsets = [0, 5], sizes = [512, 1], strides = [1, 1]} : vector<512x8xf32> to vector<512x1xf32>
    %slice3A_270 = vector.extract_strided_slice %get3A_244 {offsets = [0, 80], sizes = [512, 16], strides = [1, 1]} : vector<512x128xf32> to vector<512x16xf32>
    %mul3A_271 = vector.broadcast %slice3A_269 : vector<512x1xf32> to vector<512x16xf32>
    %mul3A_272 = arith.mulf %mul3A_271, %slice3A_270 : vector<512x16xf32>
    %add3A_273 = arith.addf %add3A_268, %mul3A_272 : vector<512x16xf32>
    %slice3A_274 = vector.extract_strided_slice %div3A_241 {offsets = [0, 6], sizes = [512, 1], strides = [1, 1]} : vector<512x8xf32> to vector<512x1xf32>
    %slice3A_275 = vector.extract_strided_slice %get3A_244 {offsets = [0, 96], sizes = [512, 16], strides = [1, 1]} : vector<512x128xf32> to vector<512x16xf32>
    %mul3A_276 = vector.broadcast %slice3A_274 : vector<512x1xf32> to vector<512x16xf32>
    %mul3A_277 = arith.mulf %mul3A_276, %slice3A_275 : vector<512x16xf32>
    %add3A_278 = arith.addf %add3A_273, %mul3A_277 : vector<512x16xf32>
    %slice3A_279 = vector.extract_strided_slice %div3A_241 {offsets = [0, 7], sizes = [512, 1], strides = [1, 1]} : vector<512x8xf32> to vector<512x1xf32>
    %slice3A_280 = vector.extract_strided_slice %get3A_244 {offsets = [0, 112], sizes = [512, 16], strides = [1, 1]} : vector<512x128xf32> to vector<512x16xf32>
    %mul3A_281 = vector.broadcast %slice3A_279 : vector<512x1xf32> to vector<512x16xf32>
    %mul3A_282 = arith.mulf %mul3A_281, %slice3A_280 : vector<512x16xf32>
    %add3A_283 = arith.addf %add3A_278, %mul3A_282 : vector<512x16xf32>
    %add3A_284 = arith.addf %get3A_4, %add3A_187 : vector<512x16xf32>
    %add3A_285 = arith.addf %add3A_284, %add3A_283 : vector<512x16xf32>
    %get3A_286 = arith.constant 0 : index
    %get3A_287 = arith.constant 0 : index
    %get3A_288 = vector.load %arg17[%get3A_286, %get3A_287] : memref<16x16xf32, #tpu.memory_space<vmem>>, vector<16x16xf32>
    %dot_general3A_289 = arith.constant dense<0.000000e+00> : vector<512x16xf32>
    %dot_general3A_290 = tpu.matmul %add3A_285, %get3A_288, %dot_general3A_289 {dimension_numbers = #tpu.dot_dimension_numbers<[1], [0], [0], [1], [0, 0, 1, 1], [], []>, transpose_lhs_hint = false} : vector<512x16xf32>, vector<16x16xf32>, vector<512x16xf32> -> vector<512x16xf32>
    %get3A_291 = arith.constant 0 : index
    %get3A_292 = arith.constant 0 : index
    %get3A_293 = vector.load %arg18[%get3A_291, %get3A_292] : memref<1x16xf32, #tpu.memory_space<vmem>>, vector<1x16xf32>
    %add3A_294 = vector.broadcast %get3A_293 : vector<1x16xf32> to vector<512x16xf32>
    %add3A_295 = arith.addf %dot_general3A_290, %add3A_294 : vector<512x16xf32>
    %tanh3A_296 = math.tanh %add3A_295 : vector<512x16xf32>
    %mul3A_297 = arith.mulf %tanh3A, %tanh3A_296 : vector<512x16xf32>
    %reduce_sum3A_298 = arith.constant dense<0.000000e+00> : vector<512xf32>
    %reduce_sum3A_299 = vector.multi_reduction <add>, %mul3A_297, %reduce_sum3A_298 [1] : vector<512x16xf32> to vector<512xf32>
    %neg3A = arith.constant 0.000000e+00 : f32
    %neg3A_300 = vector.broadcast %neg3A : f32 to vector<512xf32>
    %neg3A_301 = arith.subf %neg3A_300, %reduce_sum3A_299 : vector<512xf32>
    %exp3A_302 = math.exp %neg3A_301 : vector<512xf32>
    %add3A_303 = arith.constant 1.000000e+00 : f32
    %add3A_304 = vector.broadcast %add3A_303 : f32 to vector<512xf32>
    %add3A_305 = arith.addf %add3A_304, %exp3A_302 : vector<512xf32>
    %div3A_306 = arith.constant 5.000000e+00 : f32
    %div3A_307 = vector.broadcast %div3A_306 : f32 to vector<512xf32>
    %div3A_308 = arith.divf %div3A_307, %add3A_305 : vector<512xf32>
    %swap3A = arith.constant 0 : index
    %swap3A_309 = vector.load %arg19[%swap3A] : memref<512xf32, #tpu.memory_space<vmem>>, vector<512xf32>
    tpu.vector_store %arg19[%swap3A], %div3A_308 {strides = array<i32>} : memref<512xf32, #tpu.memory_space<vmem>>, vector<512xf32>,
    return
  }
  func.func @transform_0(%arg0: i32) -> (i32, i32) {
    %c0_i32 = arith.constant 0 : i32
    %c0_i32_0 = arith.constant 0 : i32
    return %arg0, %c0_i32 : i32, i32
  }
  func.func @transform_1(%arg0: i32) -> (i32, i32) {
    %c0_i32 = arith.constant 0 : i32
    %c0_i32_0 = arith.constant 0 : i32
    return %arg0, %c0_i32 : i32, i32
  }
  func.func @transform_2(%arg0: i32) -> (i32, i32) {
    %c0_i32 = arith.constant 0 : i32
    %c0_i32_0 = arith.constant 0 : i32
    return %arg0, %c0_i32 : i32, i32
  }
  func.func @transform_3(%arg0: i32) -> (i32, i32) {
    %c0_i32 = arith.constant 0 : i32
    %c0_i32_0 = arith.constant 0 : i32
    return %arg0, %c0_i32 : i32, i32
  }
  func.func @transform_4(%arg0: i32) -> (i32, i32) {
    %c0_i32 = arith.constant 0 : i32
    %c0_i32_0 = arith.constant 0 : i32
    return %arg0, %c0_i32 : i32, i32
  }
  func.func @transform_5(%arg0: i32) -> (i32, i32) {
    %c0_i32 = arith.constant 0 : i32
    %c0_i32_0 = arith.constant 0 : i32
    return %arg0, %c0_i32 : i32, i32
  }
  func.func @transform_6(%arg0: i32) -> (i32, i32) {
    %c0_i32 = arith.constant 0 : i32
    %c0_i32_0 = arith.constant 0 : i32
    return %arg0, %c0_i32 : i32, i32
  }
  func.func @transform_7(%arg0: i32) -> (i32, i32) {
    %c0_i32 = arith.constant 0 : i32
    %c0_i32_0 = arith.constant 0 : i32
    return %arg0, %c0_i32 : i32, i32
  }
  func.func @transform_8(%arg0: i32) -> (i32, i32) {
    %c0_i32 = arith.constant 0 : i32
    %c0_i32_0 = arith.constant 0 : i32
    return %arg0, %c0_i32 : i32, i32
  }
  func.func @transform_9(%arg0: i32) -> (i32, i32) {
    %c0_i32 = arith.constant 0 : i32
    %c0_i32_0 = arith.constant 0 : i32
    return %arg0, %c0_i32 : i32, i32
  }
  func.func @transform_10(%arg0: i32) -> (i32, i32) {
    %c0_i32 = arith.constant 0 : i32
    %c0_i32_0 = arith.constant 0 : i32
    return %arg0, %c0_i32 : i32, i32
  }
  func.func @transform_11(%arg0: i32) -> (i32, i32) {
    %c0_i32 = arith.constant 0 : i32
    %c0_i32_0 = arith.constant 0 : i32
    return %arg0, %c0_i32 : i32, i32
  }
  func.func @transform_12(%arg0: i32) -> (i32, i32) {
    %c0_i32 = arith.constant 0 : i32
    %c0_i32_0 = arith.constant 0 : i32
    return %arg0, %c0_i32 : i32, i32
  }
  func.func @transform_13(%arg0: i32) -> (i32, i32) {
    %c0_i32 = arith.constant 0 : i32
    %c0_i32_0 = arith.constant 0 : i32
    return %arg0, %c0_i32 : i32, i32
  }
  func.func @transform_14(%arg0: i32) -> (i32, i32) {
    %c0_i32 = arith.constant 0 : i32
    %c0_i32_0 = arith.constant 0 : i32
    %c0_i32_1 = arith.constant 0 : i32
    return %c0_i32, %c0_i32_0 : i32, i32
  }
  func.func @transform_15(%arg0: i32) -> (i32, i32) {
    %c0_i32 = arith.constant 0 : i32
    %c0_i32_0 = arith.constant 0 : i32
    %c0_i32_1 = arith.constant 0 : i32
    return %c0_i32, %c0_i32_0 : i32, i32
  }
  func.func @transform_16(%arg0: i32) -> (i32, i32) {
    %c0_i32 = arith.constant 0 : i32
    %c0_i32_0 = arith.constant 0 : i32
    %c0_i32_1 = arith.constant 0 : i32
    return %c0_i32, %c0_i32_0 : i32, i32
  }
  func.func @transform_17(%arg0: i32) -> (i32, i32) {
    %c0_i32 = arith.constant 0 : i32
    %c0_i32_0 = arith.constant 0 : i32
    %c0_i32_1 = arith.constant 0 : i32
    return %c0_i32, %c0_i32_0 : i32, i32
  }
  func.func @transform_18(%arg0: i32) -> i32 {
    %c0_i32 = arith.constant 0 : i32
    return %arg0 : i32
  }
}

</mosaic_0001>

<sc_bundles>
// kernel: kernel.5.cloned.1.call-start
scs
__scs_entry_jumppad:
0x0: {  	(pc) =	sbr.rel $0x88, $3  }
0x1: {  	(tag) =	ssettag $0x0;
	lr =	simm.s32 $0x1  }
0x2: {  	[smem:$0x3F8C] =	sst lr;
	_ =	strace $0xD0000000  }
0x3: {  	_ = 	snop  }
0x4: {  	_ = 	snop  }
0x5: {  	_ = 	snop  }
0x6: {  	_ = 	snop  }
0x7: {  	_ = 	snop  }
__scs_overlays_trampoline_lowered:
0x8: {  	[smem:$0x3F9B] =	sst s0  }
0x9: {  	[smem:$0x3F9C] =	sst s1  }
0xa: {  	[smem:$0x3F9D] =	sst s2  }
0xb: {  	[smem:$0x3F9E] =	sst s3  }
0xc: {  	[smem:$0x3F9F] =	sst s4  }
0xd: {  	[smem:$0x3FA0] =	sst s5  }
0xe: {  	[smem:$0x3FA1] =	sst s6  }
0xf: {  	[smem:$0x3FA2] =	sst s7  }
0x10: {  	[smem:$0x3FA3] =	sst s8  }
0x11: {  	[smem:$0x3FA4] =	sst s9;
	s0 =	simm.s32 @!p0 $0x0  }
0x12: {  	s1 =	sld [smem:$0x3F8A];
	s0 =	simm.s32 @p0 $0x1  }
0x13: {  	[smem:$0x3FA5] =	sst s0;
	s0 =	simm.s32 @!p1 $0x0  }
0x14: {  	s2 =	sld [smem:$0x3F89];
	s0 =	simm.s32 @p1 $0x1  }
0x15: {  	[smem:$0x3FA6] =	sst s0;
	s0 =	simm.s32 @!p2 $0x0  }
0x16: {  	s3 =	sld [smem:$0x3FDB];
	s0 =	simm.s32 @p2 $0x1  }
0x17: {  	s4 =	simm.s32 $0x1BF5;
	[smem:$0x3FA8] =	sst s0  }
0x18: {  	s0 =	sld [smem:$0x3F8B];
	_ =	swait.ge [sflag:s4], $0x0  }
0x19: {  	s7 =	sld [smem:$0x3F8C]  }
0x1a: {  	s8 =	sadd.s32 $0xFFFFE003, lr  }
0x1b: {  	s9 =	sadd.s32 $0xFFFFFEF7, lr;
	s5 =	simm.s32 $0xFFFFFFFF;
	p2 =	slt.u32 s8, $0xFFFFF086  }
0x1c: {  	p1 =	slt.u32 s9, $0xF7A;
	s5 =	simm.s32 @!p2 $0x0  }
0x1d: {  	s5 =	simm.s32 @p1 $0x1;
	p0 =	seq.s32 s7, s2  }
0x1e: {  	s7 =	smul.u32 @!p0 $0xF7A, s2;
	p2 =	seq.s32 @!p0 s5, $0x0  }
0x1f: {  	s9 =	smul.u32 $0xF7A, s1;
	s8 =	simm.s32 @!p0 $0x1BF5;
	p2 =	por !p2, p0  }
0x20: {  	[sflag:s8] =	ssyncset.s32 @!p0 $0xFFFFF086;
	s6 =	sadd.s32 @!p0 s3, s7;
	s7 =	simm.s32 @!p0 $0x108  }
0x21: {  	s3 =	sadd.s32 s3, s9;
	s6 =	sadd.s32 @!p0 $0x88, s6;
	s7 =	simm.s32 @p2 $0x1082  }
0x22: {  	[simem:s7], [sflag:s8] =	dma.local @!p0 [hbm:s6], $0xF7A  }
0x23: {  	s9 =	sor.u32 $0xD0000000, s2;
	s6 =	simm.s32 $0x108;
	_ =	swait.ge @!p0 [sflag:s8], $0x0  }
0x24: {  	s3 =	sadd.s32 $0x88, s3;
	s6 =	simm.s32 @!p1 $0x1082;
	[sflag:s4] =	ssyncset.s32 $0xFFFFF086  }
0x25: {  	[simem:s6], [sflag:s4] =	dma.local [hbm:s3], $0xF7A  }
0x26: {  	[smem:$0x3F8C] =	sst s1;
	(tag) =	ssettag s2;
	_ =	strace s9  }
0x27: {  	s1 =	sld [smem:$0x3F9C]  }
0x28: {  	s2 =	sld [smem:$0x3F9D]  }
0x29: {  	s4 =	sld [smem:$0x3F9F]  }
0x2a: {  	p0 =	seq.s32 s5, $0x0;
	s5 =	sld [smem:$0x3FA0]  }
0x2b: {  	s6 =	sld [smem:$0x3FA1]  }
0x2c: {  	s7 =	sld [smem:$0x3FA2]  }
0x2d: {  	s3 =	simm.s32 $0x108;
	s8 =	sld [smem:$0x3FA3]  }
0x2e: {  	s3 =	simm.s32 @!p0 $0x1082;
	s9 =	sld [smem:$0x3FA4]  }
0x2f: {  	lr =	sadd.s32 s0, s3;
	s0 =	sld [smem:$0x3F9B]  }
0x30: {  	s3 =	sld [smem:$0x3F9E]  }
0x31: {  	[smem:$0x3FA7] =	sst s10  }
0x32: {  	s10 =	sld [smem:$0x3FA5];
	_ =	sdelay $0x3  }
0x33: {  	p0 =	seq.s32 s10, $0x1;
	s10 =	sld [smem:$0x3FA7];
	_ =	sdelay $0x3  }
0x34: {  	[smem:$0x3FA7] =	sst s10  }
0x35: {  	s10 =	sld [smem:$0x3FA6];
	_ =	sdelay $0x3  }
0x36: {  	p1 =	seq.s32 s10, $0x1;
	s10 =	sld [smem:$0x3FA7];
	_ =	sdelay $0x3  }
0x37: {  	[smem:$0x3FA7] =	sst s10  }
0x38: {  	s10 =	sld [smem:$0x3FA8]  }
0x39: {  	_ = 	snop;
	(pc) =	sbr.ind lr, $3  }
0x3a: {  	_ = 	snop  }
0x3b: {  	_ = 	snop  }
0x3c: {  	p2 =	seq.s32 s10, $0x1;
	s10 =	sld [smem:$0x3FA7]  }
0x3d: {  	_ =	shalt  }
0x3e: {  	_ =	shalt  }
0x3f: {  	_ =	shalt  }
0x40: {  	_ =	shalt  }
0x41: {  	_ =	shalt  }
0x42: {  	_ =	shalt  }
0x43: {  	_ =	shalt  }
0x44: {  	_ =	shalt  }
0x45: {  	_ =	shalt  }
0x46: {  	_ =	shalt  }
0x47: {  	_ =	shalt  }
0x48: {  	_ =	shalt  }
0x49: {  	_ =	shalt  }
0x4a: {  	_ =	shalt  }
0x4b: {  	_ =	shalt  }
0x4c: {  	_ =	shalt  }
0x4d: {  	_ =	shalt  }
0x4e: {  	_ =	shalt  }
0x4f: {  	_ =	shalt  }
0x50: {  	_ =	shalt  }
0x51: {  	_ =	shalt  }
0x52: {  	_ =	shalt  }
0x53: {  	_ =	shalt  }
0x54: {  	_ =	shalt  }
0x55: {  	_ =	shalt  }
0x56: {  	_ =	shalt  }
0x57: {  	_ =	shalt  }
0x58: {  	_ =	shalt  }
0x59: {  	_ =	shalt  }
0x5a: {  	_ =	shalt  }
0x5b: {  	_ =	shalt  }
0x5c: {  	_ =	shalt  }
0x5d: {  	_ =	shalt  }
0x5e: {  	_ =	shalt  }
0x5f: {  	_ =	shalt  }
0x60: {  	_ =	shalt  }
0x61: {  	_ =	shalt  }
0x62: {  	_ =	shalt  }
0x63: {  	_ =	shalt  }
0x64: {  	_ =	shalt  }
0x65: {  	_ =	shalt  }
0x66: {  	_ =	shalt  }
0x67: {  	_ =	shalt  }
0x68: {  	_ =	shalt  }
0x69: {  	_ =	shalt  }
0x6a: {  	_ =	shalt  }
0x6b: {  	_ =	shalt  }
0x6c: {  	_ =	shalt  }
0x6d: {  	_ =	shalt  }
0x6e: {  	_ =	shalt  }
0x6f: {  	_ =	shalt  }
0x70: {  	_ =	shalt  }
0x71: {  	_ =	shalt  }
0x72: {  	_ =	shalt  }
0x73: {  	_ =	shalt  }
0x74: {  	_ =	shalt  }
0x75: {  	_ =	shalt  }
0x76: {  	_ =	shalt  }
0x77: {  	_ =	shalt  }
0x78: {  	_ =	shalt  }
0x79: {  	_ =	shalt  }
0x7a: {  	_ =	shalt  }
0x7b: {  	_ =	shalt  }
0x7c: {  	_ =	shalt  }
0x7d: {  	_ =	shalt  }
0x7e: {  	_ =	shalt  }
0x7f: {  	_ =	shalt  }
0x80: {  	_ =	shalt  }
0x81: {  	_ =	shalt  }
0x82: {  	_ =	shalt  }
0x83: {  	_ =	shalt  }
0x84: {  	_ =	shalt  }
0x85: {  	_ =	shalt  }
0x86: {  	_ =	shalt  }
0x87: {  	_ =	shalt  }
.Lfunc_end0:
.L_simem_size_0:
called_computation_lowered:
.L_overlay_start_0:
0x88: {  	s2 =	sld [smem:$0x3FD9]  }
0x89: {  	s3 =	sld [smem:$0x3FFE];
	_ =	sdelay $0x1  }
0x8a: {  	s1 =	srdreg.scid  }
0x8b: {  	s0 =	sand.u32 $0x1, s1  }
0x8c: {  	s17 =	sshll.u32 s0, $0xA;
	s2 =	sadd.s32 s3, s2  }
0x8d: {  	s2 =	sadd.s32 s2, s17  }
0x8e: {  	[smem:$0x3FB3] =	sst s2  }
0x8f: {  	_ = 	snop  }
0x90: {  	s2 =	sld [smem:$0x3FC9]  }
0x91: {  	s18 =	sld [smem:$0x3FC8]  }
0x92: {  	s4 =	sld [smem:$0x3FD0];
	(tm) =	ssettm $0x1  }
0x93: {  	s5 =	sld [smem:$0x3FFB];
	_ =	sdelay $0x3  }
0x94: {  	_ =	strace s5  }
0x95: {  	s5 =	sld [smem:$0x3FFC];
	_ =	sdelay $0x3  }
0x96: {  	_ =	strace s5  }
0x97: {  	s5 =	sld [smem:$0x3FFD];
	_ =	sdelay $0x3  }
0x98: {  	_ =	strace s5  }
0x99: {  	_ =	strace $0x8FFFFFFF  }
0x9a: {  	s19 =	sld [smem:$0x3FDB];
	_ =	sdelay $0x1  }
0x9b: {  	s6 =	simm.s32 $_scs_section_size  }
0x9c: {  	s7 =	simm.s32 $_size__tile_overlayer_lowered;
	s8 =	simm.s32 $_tile_overlayer_lowered  }
0x9d: {  	s22 =	simm.s32 $0x1BFF;
	s21 =	sshll.u32 s8, $0x1;
	s5 =	sadd.s32 s6, s19  }
0x9e: {  	s9 =	simm.s32 $0x0;
	s20 =	sshll.u32 s7, $0x1;
	s7 =	sadd.s32 s21, s5  }
0x9f: {  	[timem:s9], [sflag:s22] =	dma.local [hbm:s7], s20  }
0xa0: {  	_ =	swait.ge [sflag:s22], s20  }
0xa1: {  	s6 =	ssub.s32 $0x0, s20;
	[sflag:s22] =	ssyncset.done $0x0  }
0xa2: {  	[sflag:s22] =	ssyncadd.s32 s6;
	_ =	sdelay $0x1  }
0xa3: {  	s23 =	simm.s32 $0x1B8B  }
0xa4: {  	_ =	swait.ge [sflag:s23], $0x1  }
0xa5: {  	[sflag:s23] =	ssyncset.done $0x0  }
0xa6: {  	s25 =	simm.s32 $0x1B8E;
	s24 =	sld [smem:$0x3FFE];
	[sflag:s23] =	ssyncadd.s32 $0xFFFFFFFF  }
0xa7: {  	s26 =	simm.s32 $execute0_lowered;
	[smem:$0x3FD2] =	sst s25  }
0xa8: {  	s7 =	sshll.u32 s26, $0x1;
	_ =	strace $0x80000046;
	[dreg:$0x1] =	wrdreg $0xFFFFFFFF  }
0xa9: {  	s28 =	simm.s32 $_size_execute0_lowered;
	s5 =	sadd.s32 s5, s7;
	[dreg:$0x0] =	wrdreg $0x0  }
0xaa: {  	s7 =	sshll.u32 s28, $0x1;
	[dreg:$0x2] =	wrdreg s5  }
0xab: {  	[dreg:$0x3] =	wrdreg s7  }
0xac: {  	[dreg:$0x4] =	wrdreg $0xC0  }
0xad: {  	_ =	task [dreg:s9], $0x5FFFF  }
0xae: {  	[dreg:$0x1] =	wrdreg $0xFFFFFFFF  }
0xaf: {  	[dreg:$0x0] =	wrdreg $0x60  }
0xb0: {  	[dreg:$0x2] =	wrdreg s2  }
0xb1: {  	[dreg:$0x3] =	wrdreg s18  }
0xb2: {  	[dreg:$0x4] =	wrdreg s24  }
0xb3: {  	[dreg:$0x5] =	wrdreg s4  }
0xb4: {  	[dreg:$0x6] =	wrdreg $0x9  }
0xb5: {  	_ =	task.clear_ibuf [dreg:s9], $0x7FFFF;
	_ =	strace $0x90000046  }
0xb6: {  	s29 =	simm.s32 $0x9;
	_ =	strace $0x80000048  }
0xb7: {  	_ =	swait.ge [sflag:s29], $0x1  }
0xb8: {  	[sflag:s29] =	ssyncadd.s32 $0xFFFFFFFF  }
0xb9: {  	_ =	strace $0x90000048  }
0xba: {  	_ =	sfence  }
0xbb: {  	s30 =	sld [smem:$0x0];
	_ =	sdelay $0x2  }
0xbc: {  	s31 =	sshll.u32 s1, $0xD;
	s1 =	sshrl.u32 s1, $0x2  }
0xbd: {  	s3 =	sand.u32 $0x4000, s31;
	s1 =	sadd.s32 s1, s30  }
0xbe: {  	s0 =	sor.u32 s3, s0;
	s1 =	sshll.u32 s1, $0x11  }
0xbf: {  	s0 =	sor.u32 s1, s0  }
0xc0: {  	s0 =	sadd.s32 $0x8F2B, s0  }
0xc1: {  	[sflag:s0] =	ssyncadd.remote.s32 $0x1  }
0xc2: {  	_ =	sfence.sel $0xFFFF  }
0xc3: {  	[dreg:$0x0] =	wrdreg $0xFFFFFFFF;
	(pc) =	sbr.abs _section_cstart, $3  }
0xc4: {  	[dreg:$0x1] =	wrdreg $0xFFFFFFFF  }
0xc5: {  	_ =	task.clear_ibuf [dreg:s9], $0x2FFFF;
	_ =	strace $0x9FFFFFFF  }
0xc6: {  	(tm) =	ssettm $0x7FFFFFFF  }
0xc7: {  	_ =	shalt  }
tec
execute0_lowered:
.L_overlay_start_1:
0x0: {  	(tag) =	ssettag $0x1  }
0x1: {  	s0 =	rddreg [dreg:$0x0]  }
0x2: {  	s4 =	rddreg [dreg:$0x1]  }
0x3: {  	s5 =	rddreg [dreg:$0x2]  }
0x4: {  	s1 =	rddreg [dreg:$0x3]  }
0x5: {  	s9 =	stileid.u32;
	s7 =	srdreg.scid;
	s12 =	simm.s32 $0x400  }
0x6: {  	s28 =	simm.s32 $0x4F00;
	s29 =	simm.s32 $0x2;
	s30 =	simm.s32 $0x3  }
0x7: {  	s31 =	simm.s32 $0x0;
	s2 =	sadd.s32 $0x1ECC00, s5;
	s3 =	sadd.s32 $0x205400, s5  }
0x8: {  	[dreg:$0x5] =	wrdreg s1;
	s6 =	sadd.s32 $0x21DC00, s5;
	s13 =	sadd.s32 $0x236400, s5  }
0x9: {  	s1 =	simm.s32 $0x0;
	s14 =	sadd.s32 $0x24EC00, s5;
	s15 =	sshll.u32 s9, $0xE  }
0xa: {  	s8 =	sshll.u32 s9, $0xB;
	s7 =	sand.u32 $0x1, s7;
	[smem:$0x7FF] =	sst s1  }
0xb: {  	s16 =	sshll.u32 s9, $0xA;
	_ =	strace $0x80000047;
	[dreg:$0x6] =	wrdreg s2  }
0xc: {  	s17 =	sshll.u32 s7, $0x9;
	s10 =	ssub.s32 $0x2, s7;
	[dreg:$0x7] =	wrdreg s3  }
0xd: {  	s18 =	sshll.u32 s7, $0xD;
	s24 =	sshll.u32 s7, $0xA;
	[dreg:$0x8] =	wrdreg s6  }
0xe: {  	s2 =	sadd.s32 $0x18B000, s5;
	s3 =	sadd.s32 $0x1BBE00, s5;
	[dreg:$0x9] =	wrdreg s13  }
0xf: {  	[dreg:$0xa] =	wrdreg s14;
	s6 =	sadd.s32 s15, s5;
	s5 =	sadd.s32 s8, s5  }
0x10: {  	s8 =	sor.u32 s17, s16;
	s11 =	sshrl.u32 s10, $0x1;
	s13 =	simm.s32 $0x600  }
0x11: {  	s14 =	simm.s32 $0x700;
	s15 =	simm.s32 $0x500;
	s8 =	sshrl.u32 s8, $0x3  }
0x12: {  	s16 =	simm.s32 $0x800;
	s17 =	simm.s32 $0x900;
	s0 =	sadd.s32 s0, s8  }
0x13: {  	s6 =	sadd.s32 s18, s6;
	s4 =	sadd.s32 s4, s8;
	[dreg:$0x10] =	wrdreg s0  }
0x14: {  	s19 =	ssub.s32 s10, s11;
	s20 =	sadd.s32 $0x114600, s6;
	[dreg:$0x11] =	wrdreg s4  }
0x15: {  	s10 =	simm.s32 $0x4;
	s22 =	smax.u32 s19, $0x1;
	[dreg:$0xb] =	wrdreg s20  }
0x16: {  	s11 =	simm.s32 $0x100;
	s21 =	sadd.s32 $0xD4600, s6;
	[dreg:$0x12] =	wrdreg s22  }
0x17: {  	v0 =	vimm.s32 $0x0;
	s18 =	simm.s32 $0xA00;
	s23 =	sadd.s32 $0x94600, s6;
	[dreg:$0xc] =	wrdreg s21  }
0x18: {  	v1 =	vimm.s32 $0x1;
	vm0 =	vmmov $0xff;
	v3 =	vlaneseq.u32;
	s25 =	sadd.s32 $0x54600, s6;
	s26 =	sadd.s32 $0x14600, s6;
	[dreg:$0xd] =	wrdreg s23  }
0x19: {  	v2 =	vimm.s32 $0x3;
	v4 =	vimm.s32 $0x2;
	v5 =	vimm.s32 $0x4;
	s19 =	simm.s32 $0x20;
	s4 =	sadd.s32 s24, s5;
	[dreg:$0xe] =	wrdreg s25  }
0x1a: {  	v6 =	vimm.s32 $0x5;
	v7 =	vimm.s32 $0x6;
	v8 =	vimm.s32 $0x7;
	[dreg:$0xf] =	wrdreg s26;
	s20 =	simm.s32 $0xB00;
	s21 =	simm.s32 $0xD00  }
0x1b: {  	v9 =	vimm.s32 $0x8;
	v10 =	vimm.s32 $0x9;
	v11 =	vimm.s32 $0xA;
	s22 =	simm.s32 $0x1;
	s23 =	simm.s32 $0xF00;
	s5 =	sadd.s32 $0xC600, s4  }
0x1c: {  	v12 =	vimm.s32 $0xB;
	v13 =	vimm.s32 $0xC;
	v14 =	vimm.s32 $0xD;
	s24 =	simm.s32 $0x1F00;
	s4 =	sadd.s32 $0x4600, s4;
	[dreg:$0x13] =	wrdreg s5  }
0x1d: {  	v15 =	vimm.s32 $0xE;
	v16 =	vimm.s32 $0xF;
	v3 =	vand.u32 $0x7, v3;
	s25 =	simm.s32 $0x2F00;
	s26 =	simm.s32 $0x3F00;
	[dreg:$0x14] =	wrdreg s4  }
.LBB2_1:
0x1e: {  	s0 =	rddreg [dreg:$0x10]  }
0x1f: {  	[tilespmem:s1], [sflag:$0x4] =	stream.linear.gather [hbm4b:s0+s1], $0x200, $0x38;
	[tilespmem:$0x5F00] =	vst v63  }
0x20: {  	_ =	swait.ge [sflag:s10], $0x200  }
0x21: {  	[sflag:s10] =	ssyncset.done $0x0  }
0x22: {  	s0 =	simm.s32 $0x200;
	s4 =	rddreg [dreg:$0x11];
	[sflag:s10] =	ssyncadd.s32 $0xFFFFFE00  }
0x23: {  	[tilespmem:s0], [sflag:$0x4] =	stream.linear.gather [hbm4b:s4+s1], $0x200, $0x38;
	[tilespmem:$0x5F00] =	vst v63  }
0x24: {  	_ =	swait.ge [sflag:s10], $0x200  }
0x25: {  	s7 =	simm.s32 $0x0;
	[sflag:s10] =	ssyncset.done $0x0;
	s9 =	rddreg [dreg:$0x14]  }
0x26: {  	s4 =	simm.s32 $0x0;
	s8 =	rddreg [dreg:$0x13];
	[sflag:s10] =	ssyncadd.s32 $0xFFFFFE00  }
.LBB2_2:
0x27: {  	v17 =	vld [tilespmem:s4+$0x0];
	_ =	sdelay $0x4  }
0x28: {  	v18 =	vperm.xlane v17, v0;
	v19 =	vperm.xlane v17, v1  }
0x29: {  	v20 =	vperm.xlane v17, v4;
	v21 =	vperm.xlane v17, v2  }
0x2a: {  	v22 =	vperm.xlane v17, v5;
	v23 =	vperm.xlane v17, v6  }
0x2b: {  	v26 =	vld [tilespmem:s0+$0x0];
	v37 =	vperm.xlane v17, v7;
	v38 =	vperm.xlane v17, v8  }
0x2c: {  	v39 =	vperm.xlane v17, v9;
	v40 =	vperm.xlane v17, v10  }
0x2d: {  	v24 =	vperm.xlane v17, v11;
	v25 =	vperm.xlane v17, v12  }
0x2e: {  	v41 =	vperm.xlane v17, v13;
	v27 =	vperm.xlane v17, v14  }
0x2f: {  	v42 =	vperm.xlane v17, v15;
	v17 =	vperm.xlane v17, v16  }
0x30: {  	v43 =	vperm.xlane v26, v1;
	v44 =	vperm.xlane v26, v2  }
0x31: {  	v45 =	vperm.xlane v26, v5;
	v46 =	vperm.xlane v26, v6  }
0x32: {  	v47 =	vperm.xlane v26, v7;
	v28 =	vperm.xlane v26, v8  }
0x33: {  	v48 =	vperm.xlane v26, v9;
	v49 =	vperm.xlane v26, v10  }
0x34: {  	v51 =	vperm.xlane v26, v11;
	v52 =	vperm.xlane v26, v12  }
0x35: {  	v53 =	vperm.xlane v26, v14;
	v54 =	vperm.xlane v26, v15;
	v18 =	vsel vm0, v18, v19  }
0x36: {  	v19 =	vsel vm0, v20, v21;
	v36 =	vsel vm0, v22, v23;
	v21 =	vsel vm0, v37, v38  }
0x37: {  	v22 =	vsel vm0, v39, v40;
	v24 =	vsel vm0, v24, v25;
	v18 =	vshll.u32 v18, $0x3  }
0x38: {  	v23 =	vsel vm0, v41, v27;
	v19 =	vshll.u32 v19, $0x3;
	v18 =	vor.u32 v3, v18  }
0x39: {  	v17 =	vsel vm0, v42, v17;
	v20 =	vshll.u32 v36, $0x3;
	v19 =	vor.u32 v3, v19;
	[tilespmem:$0x400] =	vst v18  }
0x3a: {  	v21 =	vshll.u32 v21, $0x3;
	v22 =	vshll.u32 v22, $0x3;
	v20 =	vor.u32 v3, v20;
	[tilespmem:$0x410] =	vst v19  }
0x3b: {  	v24 =	vshll.u32 v24, $0x3;
	v23 =	vshll.u32 v23, $0x3;
	v21 =	vor.u32 v3, v21;
	[tilespmem:$0x420] =	vst v20  }
0x3c: {  	v17 =	vshll.u32 v17, $0x3;
	v22 =	vor.u32 v3, v22;
	v18 =	vperm.xlane v26, v0;
	[tilespmem:$0x430] =	vst v21  }
0x3d: {  	v24 =	vor.u32 v3, v24;
	v23 =	vor.u32 v3, v23;
	v19 =	vperm.xlane v26, v4;
	[tilespmem:$0x440] =	vst v22  }
0x3e: {  	v17 =	vor.u32 v3, v17;
	v20 =	vsel vm0, v45, v46;
	[tilespmem:$0x450] =	vst v24;
	v18 =	vsel vm0, v18, v43  }
0x3f: {  	v21 =	vsel vm0, v47, v28;
	[tilespmem:$0x460] =	vst v23;
	v19 =	vsel vm0, v19, v44;
	v18 =	vshll.u32 v18, $0x3  }
0x40: {  	[tilespmem:$0x470] =	vst v17;
	v20 =	vshll.u32 v20, $0x3;
	v19 =	vshll.u32 v19, $0x3;
	v18 =	vor.u32 v3, v18  }
0x41: {  	v21 =	vshll.u32 v21, $0x3;
	v17 =	vor.u32 v3, v19;
	[tilespmem:$0x500] =	vst v18;
	v18 =	vsel vm0, v48, v49  }
0x42: {  	v19 =	vor.u32 v3, v20;
	[tilespmem:$0x510] =	vst v17;
	v17 =	vshll.u32 v18, $0x3;
	v18 =	vperm.xlane v26, v13  }
0x43: {  	v55 =	vperm.xlane v26, v16;
	v50 =	vor.u32 v3, v21;
	[tilespmem:$0x520] =	vst v19;
	v19 =	vsel vm0, v51, v52  }
0x44: {  	[tilespmem:$0x530] =	vst v50;
	v19 =	vshll.u32 v19, $0x3;
	v17 =	vor.u32 v3, v17;
	v18 =	vsel vm0, v18, v53  }
0x45: {  	[tilespmem:$0x540] =	vst v17;
	v17 =	vor.u32 v3, v19;
	v19 =	vsel vm0, v54, v55;
	v18 =	vshll.u32 v18, $0x3  }
0x46: {  	[tilespmem:$0x550] =	vst v17;
	v17 =	vor.u32 v3, v18;
	v18 =	vshll.u32 v19, $0x3  }
0x47: {  	[tilespmem:$0x560] =	vst v17;
	v17 =	vor.u32 v3, v18  }
0x48: {  	[tilespmem:$0x570] =	vst v17  }
0x49: {  	v17 =	vld [tilespmem:s4+$0x10];
	_ =	sdelay $0x4  }
0x4a: {  	v18 =	vperm.xlane v17, v0  }
0x4b: {  	v19 =	vperm.xlane v17, v1;
	v56 =	vperm.xlane v17, v4  }
0x4c: {  	v57 =	vperm.xlane v17, v2;
	v58 =	vperm.xlane v17, v5  }
0x4d: {  	v63 =	vld [tilespmem:s0+$0x10];
	v59 =	vperm.xlane v17, v6;
	v61 =	vperm.xlane v17, v7  }
0x4e: {  	v62 =	vperm.xlane v17, v8;
	v32 =	vperm.xlane v17, v9  }
0x4f: {  	v33 =	vperm.xlane v17, v10;
	v34 =	vperm.xlane v17, v11  }
0x50: {  	v35 =	vperm.xlane v17, v12;
	v36 =	vperm.xlane v17, v13  }
0x51: {  	v37 =	vperm.xlane v17, v14;
	v38 =	vperm.xlane v17, v15  }
0x52: {  	v17 =	vperm.xlane v17, v16;
	v39 =	vperm.xlane v63, v0  }
0x53: {  	v40 =	vperm.xlane v63, v1;
	v42 =	vperm.xlane v63, v4  }
0x54: {  	v43 =	vperm.xlane v63, v2;
	v46 =	vperm.xlane v63, v5  }
0x55: {  	v47 =	vperm.xlane v63, v6;
	v50 =	vperm.xlane v63, v7  }
0x56: {  	v51 =	vperm.xlane v63, v8;
	v55 =	vperm.xlane v63, v9;
	v18 =	vsel vm0, v18, v19  }
0x57: {  	v19 =	vsel vm0, v56, v57;
	v60 =	vsel vm0, v58, v59;
	v21 =	vsel vm0, v61, v62  }
0x58: {  	v22 =	vsel vm0, v32, v33;
	v25 =	vsel vm0, v34, v35;
	v24 =	vsel vm0, v36, v37  }
0x59: {  	v17 =	vsel vm0, v38, v17;
	v41 =	vsel vm0, v39, v40;
	v18 =	vshll.u32 v18, $0x3  }
0x5a: {  	v53 =	vsel vm0, v50, v51;
	v19 =	vshll.u32 v19, $0x3;
	v18 =	vor.u32 v3, v18  }
0x5b: {  	v56 =	vperm.xlane v63, v10;
	v20 =	vshll.u32 v60, $0x3;
	v19 =	vor.u32 v3, v19;
	[tilespmem:$0x480] =	vst v18  }
0x5c: {  	v58 =	vperm.xlane v63, v11;
	v22 =	vshll.u32 v22, $0x3;
	v20 =	vor.u32 v3, v20;
	[tilespmem:$0x490] =	vst v19  }
0x5d: {  	v59 =	vperm.xlane v63, v12;
	v25 =	vshll.u32 v25, $0x3;
	v44 =	vor.u32 v3, v22;
	[tilespmem:$0x4A0] =	vst v20  }
0x5e: {  	v61 =	vperm.xlane v63, v14;
	v17 =	vshll.u32 v17, $0x3;
	v45 =	vor.u32 v3, v25;
	[tilespmem:$0x4C0] =	vst v44  }
0x5f: {  	v62 =	vperm.xlane v63, v15;
	v49 =	vshll.u32 v41, $0x3;
	v17 =	vor.u32 v3, v17;
	[tilespmem:$0x4D0] =	vst v45  }
0x60: {  	v21 =	vshll.u32 v21, $0x3;
	v48 =	vshll.u32 v24, $0x3;
	v52 =	vor.u32 v3, v49;
	[tilespmem:$0x4F0] =	vst v17  }
0x61: {  	v54 =	vshll.u32 v53, $0x3;
	v18 =	vor.u32 v3, v21;
	v19 =	vsel vm0, v42, v43;
	[tilespmem:$0x580] =	vst v52  }
0x62: {  	v20 =	vor.u32 v3, v48;
	[tilespmem:$0x4B0] =	vst v18;
	v18 =	vsel vm0, v46, v47;
	v19 =	vshll.u32 v19, $0x3  }
0x63: {  	v60 =	vperm.xlane v63, v13;
	[tilespmem:$0x4E0] =	vst v20;
	v18 =	vshll.u32 v18, $0x3;
	v17 =	vor.u32 v3, v19  }
0x64: {  	v63 =	vperm.xlane v63, v16;
	v57 =	vsel vm0, v55, v56;
	v18 =	vor.u32 v3, v18;
	[tilespmem:$0x590] =	vst v17  }
0x65: {  	v19 =	vor.u32 v3, v54;
	v17 =	vshll.u32 v57, $0x3;
	[tilespmem:$0x5A0] =	vst v18;
	v18 =	vsel vm0, v58, v59  }
0x66: {  	[tilespmem:$0x5B0] =	vst v19;
	v19 =	vsel vm0, v60, v61;
	v17 =	vor.u32 v3, v17;
	v18 =	vshll.u32 v18, $0x3  }
0x67: {  	[tilespmem:$0x5C0] =	vst v17;
	v17 =	vor.u32 v3, v18;
	v18 =	vshll.u32 v19, $0x3;
	v19 =	vsel vm0, v62, v63  }
0x68: {  	[tilespmem:$0x5D0] =	vst v17;
	v17 =	vor.u32 v3, v18;
	v18 =	vshll.u32 v19, $0x3  }
0x69: {  	[tilespmem:$0x5E0] =	vst v17;
	v17 =	vor.u32 v3, v18  }
0x6a: {  	s6 =	rddreg [dreg:$0x6];
	[tilespmem:$0x5F0] =	vst v17  }
0x6b: {  	[tilespmem:s13], [sflag:$0x1] =	stream.indirect.gather [hbm4b:s6+s11], $0x1, s12, s11, $0xb8;
	[tilespmem:$0x5F00] =	vst v63  }
0x6c: {  	s5 =	rddreg [dreg:$0x7]  }
0x6d: {  	[tilespmem:s14], [sflag:$0x1] =	stream.indirect.gather [hbm4b:s5+s11], $0x1, s12, s11, $0xb8;
	[tilespmem:$0x5F00] =	vst v63  }
0x6e: {  	s6 =	rddreg [dreg:$0x8]  }
0x6f: {  	[tilespmem:s16], [sflag:$0x1] =	stream.indirect.gather [hbm4b:s6+s11], $0x1, s15, s11, $0xb8;
	[tilespmem:$0x5F00] =	vst v63  }
0x70: {  	s5 =	rddreg [dreg:$0x9]  }
0x71: {  	[tilespmem:s17], [sflag:$0x1] =	stream.indirect.gather [hbm4b:s5+s11], $0x1, s15, s11, $0xb8;
	[tilespmem:$0x5F00] =	vst v63  }
0x72: {  	s6 =	rddreg [dreg:$0xa]  }
0x73: {  	[tilespmem:s18], [sflag:$0x1] =	stream.indirect.gather [hbm4b:s6+s11], $0x1, s15, s11, $0xb8;
	[tilespmem:$0x5F00] =	vst v63  }
0x74: {  	_ = 	snop  }
0x75: {  	[tilespmem:s20], [sflag:$0x1] =	stream.indirect.gather [hbm4b:s2+s19], $0x10, s4, s19, $0xb8;
	[tilespmem:$0x5F00] =	vst v63  }
0x76: {  	_ = 	snop  }
0x77: {  	[tilespmem:s21], [sflag:$0x1] =	stream.indirect.gather [hbm4b:s3+s19], $0x10, s0, s19, $0xb8;
	[tilespmem:$0x5F00] =	vst v63  }
0x78: {  	_ =	swait.ge [sflag:s22], $0x100  }
0x79: {  	[sflag:s22] =	ssyncset.done $0x0  }
0x7a: {  	[sflag:s22] =	ssyncadd.s32 $0xFFFFFF00  }
0x7b: {  	_ =	swait.ge [sflag:s22], $0x100  }
0x7c: {  	[sflag:s22] =	ssyncset.done $0x0  }
0x7d: {  	[sflag:s22] =	ssyncadd.s32 $0xFFFFFF00  }
0x7e: {  	_ =	swait.ge [sflag:s22], $0x100  }
0x7f: {  	[sflag:s22] =	ssyncset.done $0x0  }
0x80: {  	[sflag:s22] =	ssyncadd.s32 $0xFFFFFF00  }
0x81: {  	_ =	swait.ge [sflag:s22], $0x100  }
0x82: {  	[sflag:s22] =	ssyncset.done $0x0  }
0x83: {  	[sflag:s22] =	ssyncadd.s32 $0xFFFFFF00  }
0x84: {  	_ =	swait.ge [sflag:s22], $0x100  }
0x85: {  	[sflag:s22] =	ssyncset.done $0x0  }
0x86: {  	[sflag:s22] =	ssyncadd.s32 $0xFFFFFF00  }
0x87: {  	_ =	swait.ge [sflag:s22], $0x200  }
0x88: {  	[sflag:s22] =	ssyncset.done $0x0  }
0x89: {  	[sflag:s22] =	ssyncadd.s32 $0xFFFFFE00  }
0x8a: {  	_ =	swait.ge [sflag:s22], $0x200  }
0x8b: {  	[sflag:s22] =	ssyncset.done $0x0  }
0x8c: {  	[sflag:s22] =	ssyncadd.s32 $0xFFFFFE00  }
0x8d: {  	[hbm4b:s9+s1] =	stream.linear.scatter [tilespmem:s20], [sflag:$0x3], $0x200, $0x38;
	[tilespmem:$0x5F00] =	vst v63  }
0x8e: {  	_ = 	snop  }
0x8f: {  	[hbm4b:s8+s1] =	stream.linear.scatter [tilespmem:s21], [sflag:$0x3], $0x200, $0x38;
	[tilespmem:$0x5F00] =	vst v63  }
0x90: {  	_ = 	snop  }
0x91: {  	[tilespmem:s23], [sflag:$0x2] =	stream.indirect.gather [hbm4b:s2+s11], $0x10, s13, s11, $0xb8;
	[tilespmem:$0x5F00] =	vst v63  }
0x92: {  	_ = 	snop  }
0x93: {  	[tilespmem:s24], [sflag:$0x2] =	stream.indirect.gather [hbm4b:s3+s11], $0x10, s14, s11, $0xb8;
	[tilespmem:$0x5F00] =	vst v63  }
0x94: {  	_ = 	snop  }
0x95: {  	[tilespmem:s25], [sflag:$0x2] =	stream.indirect.gather [hbm4b:s2+s11], $0x10, s16, s11, $0xb8;
	[tilespmem:$0x5F00] =	vst v63  }
0x96: {  	_ = 	snop  }
0x97: {  	[tilespmem:s26], [sflag:$0x2] =	stream.indirect.gather [hbm4b:s3+s11], $0x10, s17, s11, $0xb8;
	[tilespmem:$0x5F00] =	vst v63  }
0x98: {  	s6 =	rddreg [dreg:$0x5]  }
0x99: {  	[tilespmem:s28], [sflag:$0x2] =	stream.indirect.gather [hbm4b:s6+s11], $0x10, s18, s11, $0xb8;
	[tilespmem:$0x5F00] =	vst v63  }
0x9a: {  	_ =	swait.ge [sflag:s29], $0x1000  }
0x9b: {  	[sflag:s29] =	ssyncset.done $0x0  }
0x9c: {  	[sflag:s29] =	ssyncadd.s32 $0xFFFFF000  }
0x9d: {  	_ =	swait.ge [sflag:s29], $0x1000  }
0x9e: {  	[sflag:s29] =	ssyncset.done $0x0  }
0x9f: {  	[sflag:s29] =	ssyncadd.s32 $0xFFFFF000  }
0xa0: {  	_ =	swait.ge [sflag:s29], $0x1000  }
0xa1: {  	[sflag:s29] =	ssyncset.done $0x0  }
0xa2: {  	[sflag:s29] =	ssyncadd.s32 $0xFFFFF000  }
0xa3: {  	_ =	swait.ge [sflag:s29], $0x1000  }
0xa4: {  	[sflag:s29] =	ssyncset.done $0x0  }
0xa5: {  	[sflag:s29] =	ssyncadd.s32 $0xFFFFF000  }
0xa6: {  	_ =	swait.ge [sflag:s29], $0x1000  }
0xa7: {  	s6 =	rddreg [dreg:$0xf];
	[sflag:s29] =	ssyncset.done $0x0  }
0xa8: {  	[sflag:s29] =	ssyncadd.s32 $0xFFFFF000;
	s5 =	sadd.s32 s7, s6;
	s6 =	rddreg [dreg:$0xe]  }
0xa9: {  	[hbm4b:s5+s1] =	stream.linear.scatter [tilespmem:s23], [sflag:$0x3], $0x1000, $0x38;
	[tilespmem:$0x5F00] =	vst v63  }
0xaa: {  	s5 =	rddreg [dreg:$0xd];
	s6 =	sadd.s32 s7, s6  }
0xab: {  	[hbm4b:s6+s1] =	stream.linear.scatter [tilespmem:s24], [sflag:$0x3], $0x1000, $0x38;
	[tilespmem:$0x5F00] =	vst v63  }
0xac: {  	s5 =	sadd.s32 s7, s5;
	s6 =	rddreg [dreg:$0xc]  }
0xad: {  	[hbm4b:s5+s1] =	stream.linear.scatter [tilespmem:s25], [sflag:$0x3], $0x1000, $0x38;
	[tilespmem:$0x5F00] =	vst v63  }
0xae: {  	s6 =	sadd.s32 s7, s6;
	s5 =	rddreg [dreg:$0xb]  }
0xaf: {  	[hbm4b:s6+s1] =	stream.linear.scatter [tilespmem:s26], [sflag:$0x3], $0x1000, $0x38;
	[tilespmem:$0x5F00] =	vst v63  }
0xb0: {  	s5 =	sadd.s32 s7, s5  }
0xb1: {  	[hbm4b:s5+s1] =	stream.linear.scatter [tilespmem:s28], [sflag:$0x3], $0x1000, $0x38;
	[tilespmem:$0x5F00] =	vst v63  }
0xb2: {  	_ =	swait.ge [sflag:s30], $0x200  }
0xb3: {  	[sflag:s30] =	ssyncset.done $0x0  }
0xb4: {  	[sflag:s30] =	ssyncadd.s32 $0xFFFFFE00  }
0xb5: {  	_ =	swait.ge [sflag:s30], $0x200  }
0xb6: {  	[sflag:s30] =	ssyncset.done $0x0  }
0xb7: {  	[sflag:s30] =	ssyncadd.s32 $0xFFFFFE00  }
0xb8: {  	_ =	swait.ge [sflag:s30], $0x1000  }
0xb9: {  	[sflag:s30] =	ssyncset.done $0x0  }
0xba: {  	[sflag:s30] =	ssyncadd.s32 $0xFFFFF000  }
0xbb: {  	_ =	swait.ge [sflag:s30], $0x1000  }
0xbc: {  	[sflag:s30] =	ssyncset.done $0x0  }
0xbd: {  	[sflag:s30] =	ssyncadd.s32 $0xFFFFF000  }
0xbe: {  	_ =	swait.ge [sflag:s30], $0x1000  }
0xbf: {  	[sflag:s30] =	ssyncset.done $0x0  }
0xc0: {  	[sflag:s30] =	ssyncadd.s32 $0xFFFFF000  }
0xc1: {  	p0 =	sne.s32 s7, $0x1E00;
	_ =	swait.ge [sflag:s30], $0x1000  }
.Ltmp0:
0xc2: {  	[sflag:s30] =	ssyncset.done $0x0;
	(pc) =	sbr.rel @p0 .LBB2_2-.Ltmp0, $4  }
0xc3: {  	[sflag:s30] =	ssyncadd.s32 $0xFFFFF000  }
0xc4: {  	s4 =	sadd.s32 $0x20, s4;
	_ =	swait.ge [sflag:s30], $0x1000  }
0xc5: {  	s0 =	sadd.s32 $0x20, s0;
	s9 =	sadd.s32 $0x40, s9;
	[sflag:s30] =	ssyncset.done $0x0  }
0xc6: {  	s8 =	sadd.s32 $0x40, s8;
	s7 =	sadd.s32 $0x200, s7;
	[sflag:s30] =	ssyncadd.s32 $0xFFFFF000  }
0xc7: {  	s31 =	sadd.s32 $0x1, s31;
	s0 =	rddreg [dreg:$0x12]  }
0xc8: {  	p0 =	sne.s32 s31, s0  }
.Ltmp1:
0xc9: {  	_ = 	snop;
	(pc) =	sbr.rel @p0 .LBB2_1-.Ltmp1, $1  }
0xca: {  	_ =	sdelay $0x3  }
0xcb: {  	_ =	sfence.sel $0x180000  }
0xcc: {  	[bflag:$0x0] =	sbarrier.arrive $0xFFFF  }
0xcd: {  	_ =	strace $0x90000047  }
0xce: {  	s0 =	stileid.u32;
	[bflag:$0x2] =	sbarrier.arrive $0xFFFF  }
0xcf: {  	p0 =	sne.s32 s0, $0x0;
	s0 =	rddreg [dreg:$0x4]  }
0xd0: {  	s0 =	sadd.s32 @!p0 $0x100000, s0  }
0xd1: {  	[sflag:s0] =	ssyncadd.tile.s32 @!p0 $0x1;
	_ =	shalt  }
.Lfunc_end2:
_tile_overlayer_lowered:
.L_overlay_start_2:
0xd2: {  	(tag) =	ssettag $0x2  }
0xd3: {  	s0 =	rddreg [dreg:$0x0];
	s2 =	stileid.u32  }
0xd4: {  	s1 =	rddreg [dreg:$0x1];
	p0 =	sne.s32 s2, $0x0  }
0xd5: {  	s3 =	rddreg [dreg:$0x2];
	[bflag:$0x3] =	sbarrier.arrive $0xFFFF;
	s2 =	simm.s32 @!p0 $0x1C04  }
0xd6: {  	[timem:s3], [sflag:s2] =	dma.local @!p0 [hbm:s0], s1  }
0xd7: {  	s0 =	simm.s32 @!p0 $0x4  }
0xd8: {  	_ =	swait.ge @!p0 [sflag:s0], s1  }
0xd9: {  	s1 =	ssub.s32 @!p0 $0x0, s1;
	[sflag:s0] =	ssyncset.done @!p0 $0x0  }
0xda: {  	[sflag:s0] =	ssyncadd.s32 @!p0 s1  }
0xdb: {  	[bflag:$0x3] =	sbarrier.arrive $0xFFFF  }
0xdc: {  	_ =	shalt  }

// kernel: kernel.8.cloned.1.call-start
scs
__scs_entry_jumppad:
0x0: {  	(pc) =	sbr.rel $0x88, $3  }
0x1: {  	(tag) =	ssettag $0x0;
	lr =	simm.s32 $0x1  }
0x2: {  	[smem:$0x3F8C] =	sst lr;
	_ =	strace $0xD0000000  }
0x3: {  	_ = 	snop  }
0x4: {  	_ = 	snop  }
0x5: {  	_ = 	snop  }
0x6: {  	_ = 	snop  }
0x7: {  	_ = 	snop  }
__scs_overlays_trampoline_lowered:
0x8: {  	[smem:$0x3F9B] =	sst s0  }
0x9: {  	[smem:$0x3F9C] =	sst s1  }
0xa: {  	[smem:$0x3F9D] =	sst s2  }
0xb: {  	[smem:$0x3F9E] =	sst s3  }
0xc: {  	[smem:$0x3F9F] =	sst s4  }
0xd: {  	[smem:$0x3FA0] =	sst s5  }
0xe: {  	[smem:$0x3FA1] =	sst s6  }
0xf: {  	[smem:$0x3FA2] =	sst s7  }
0x10: {  	[smem:$0x3FA3] =	sst s8  }
0x11: {  	[smem:$0x3FA4] =	sst s9;
	s0 =	simm.s32 @!p0 $0x0  }
0x12: {  	s1 =	sld [smem:$0x3F8A];
	s0 =	simm.s32 @p0 $0x1  }
0x13: {  	[smem:$0x3FA5] =	sst s0;
	s0 =	simm.s32 @!p1 $0x0  }
0x14: {  	s2 =	sld [smem:$0x3F89];
	s0 =	simm.s32 @p1 $0x1  }
0x15: {  	[smem:$0x3FA6] =	sst s0;
	s0 =	simm.s32 @!p2 $0x0  }
0x16: {  	s3 =	sld [smem:$0x3FDB];
	s0 =	simm.s32 @p2 $0x1  }
0x17: {  	s4 =	simm.s32 $0x1BF5;
	[smem:$0x3FA8] =	sst s0  }
0x18: {  	s0 =	sld [smem:$0x3F8B];
	_ =	swait.ge [sflag:s4], $0x0  }
0x19: {  	s7 =	sld [smem:$0x3F8C]  }
0x1a: {  	s8 =	sadd.s32 $0xFFFFE003, lr  }
0x1b: {  	s9 =	sadd.s32 $0xFFFFFEF7, lr;
	s5 =	simm.s32 $0xFFFFFFFF;
	p2 =	slt.u32 s8, $0xFFFFF086  }
0x1c: {  	p1 =	slt.u32 s9, $0xF7A;
	s5 =	simm.s32 @!p2 $0x0  }
0x1d: {  	s5 =	simm.s32 @p1 $0x1;
	p0 =	seq.s32 s7, s2  }
0x1e: {  	s7 =	smul.u32 @!p0 $0xF7A, s2;
	p2 =	seq.s32 @!p0 s5, $0x0  }
0x1f: {  	s9 =	smul.u32 $0xF7A, s1;
	s8 =	simm.s32 @!p0 $0x1BF5;
	p2 =	por !p2, p0  }
0x20: {  	[sflag:s8] =	ssyncset.s32 @!p0 $0xFFFFF086;
	s6 =	sadd.s32 @!p0 s3, s7;
	s7 =	simm.s32 @!p0 $0x108  }
0x21: {  	s3 =	sadd.s32 s3, s9;
	s6 =	sadd.s32 @!p0 $0x88, s6;
	s7 =	simm.s32 @p2 $0x1082  }
0x22: {  	[simem:s7], [sflag:s8] =	dma.local @!p0 [hbm:s6], $0xF7A  }
0x23: {  	s9 =	sor.u32 $0xD0000000, s2;
	s6 =	simm.s32 $0x108;
	_ =	swait.ge @!p0 [sflag:s8], $0x0  }
0x24: {  	s3 =	sadd.s32 $0x88, s3;
	s6 =	simm.s32 @!p1 $0x1082;
	[sflag:s4] =	ssyncset.s32 $0xFFFFF086  }
0x25: {  	[simem:s6], [sflag:s4] =	dma.local [hbm:s3], $0xF7A  }
0x26: {  	[smem:$0x3F8C] =	sst s1;
	(tag) =	ssettag s2;
	_ =	strace s9  }
0x27: {  	s1 =	sld [smem:$0x3F9C]  }
0x28: {  	s2 =	sld [smem:$0x3F9D]  }
0x29: {  	s4 =	sld [smem:$0x3F9F]  }
0x2a: {  	p0 =	seq.s32 s5, $0x0;
	s5 =	sld [smem:$0x3FA0]  }
0x2b: {  	s6 =	sld [smem:$0x3FA1]  }
0x2c: {  	s7 =	sld [smem:$0x3FA2]  }
0x2d: {  	s3 =	simm.s32 $0x108;
	s8 =	sld [smem:$0x3FA3]  }
0x2e: {  	s3 =	simm.s32 @!p0 $0x1082;
	s9 =	sld [smem:$0x3FA4]  }
0x2f: {  	lr =	sadd.s32 s0, s3;
	s0 =	sld [smem:$0x3F9B]  }
0x30: {  	s3 =	sld [smem:$0x3F9E]  }
0x31: {  	[smem:$0x3FA7] =	sst s10  }
0x32: {  	s10 =	sld [smem:$0x3FA5];
	_ =	sdelay $0x3  }
0x33: {  	p0 =	seq.s32 s10, $0x1;
	s10 =	sld [smem:$0x3FA7];
	_ =	sdelay $0x3  }
0x34: {  	[smem:$0x3FA7] =	sst s10  }
0x35: {  	s10 =	sld [smem:$0x3FA6];
	_ =	sdelay $0x3  }
0x36: {  	p1 =	seq.s32 s10, $0x1;
	s10 =	sld [smem:$0x3FA7];
	_ =	sdelay $0x3  }
0x37: {  	[smem:$0x3FA7] =	sst s10  }
0x38: {  	s10 =	sld [smem:$0x3FA8]  }
0x39: {  	_ = 	snop;
	(pc) =	sbr.ind lr, $3  }
0x3a: {  	_ = 	snop  }
0x3b: {  	_ = 	snop  }
0x3c: {  	p2 =	seq.s32 s10, $0x1;
	s10 =	sld [smem:$0x3FA7]  }
0x3d: {  	_ =	shalt  }
0x3e: {  	_ =	shalt  }
0x3f: {  	_ =	shalt  }
0x40: {  	_ =	shalt  }
0x41: {  	_ =	shalt  }
0x42: {  	_ =	shalt  }
0x43: {  	_ =	shalt  }
0x44: {  	_ =	shalt  }
0x45: {  	_ =	shalt  }
0x46: {  	_ =	shalt  }
0x47: {  	_ =	shalt  }
0x48: {  	_ =	shalt  }
0x49: {  	_ =	shalt  }
0x4a: {  	_ =	shalt  }
0x4b: {  	_ =	shalt  }
0x4c: {  	_ =	shalt  }
0x4d: {  	_ =	shalt  }
0x4e: {  	_ =	shalt  }
0x4f: {  	_ =	shalt  }
0x50: {  	_ =	shalt  }
0x51: {  	_ =	shalt  }
0x52: {  	_ =	shalt  }
0x53: {  	_ =	shalt  }
0x54: {  	_ =	shalt  }
0x55: {  	_ =	shalt  }
0x56: {  	_ =	shalt  }
0x57: {  	_ =	shalt  }
0x58: {  	_ =	shalt  }
0x59: {  	_ =	shalt  }
0x5a: {  	_ =	shalt  }
0x5b: {  	_ =	shalt  }
0x5c: {  	_ =	shalt  }
0x5d: {  	_ =	shalt  }
0x5e: {  	_ =	shalt  }
0x5f: {  	_ =	shalt  }
0x60: {  	_ =	shalt  }
0x61: {  	_ =	shalt  }
0x62: {  	_ =	shalt  }
0x63: {  	_ =	shalt  }
0x64: {  	_ =	shalt  }
0x65: {  	_ =	shalt  }
0x66: {  	_ =	shalt  }
0x67: {  	_ =	shalt  }
0x68: {  	_ =	shalt  }
0x69: {  	_ =	shalt  }
0x6a: {  	_ =	shalt  }
0x6b: {  	_ =	shalt  }
0x6c: {  	_ =	shalt  }
0x6d: {  	_ =	shalt  }
0x6e: {  	_ =	shalt  }
0x6f: {  	_ =	shalt  }
0x70: {  	_ =	shalt  }
0x71: {  	_ =	shalt  }
0x72: {  	_ =	shalt  }
0x73: {  	_ =	shalt  }
0x74: {  	_ =	shalt  }
0x75: {  	_ =	shalt  }
0x76: {  	_ =	shalt  }
0x77: {  	_ =	shalt  }
0x78: {  	_ =	shalt  }
0x79: {  	_ =	shalt  }
0x7a: {  	_ =	shalt  }
0x7b: {  	_ =	shalt  }
0x7c: {  	_ =	shalt  }
0x7d: {  	_ =	shalt  }
0x7e: {  	_ =	shalt  }
0x7f: {  	_ =	shalt  }
0x80: {  	_ =	shalt  }
0x81: {  	_ =	shalt  }
0x82: {  	_ =	shalt  }
0x83: {  	_ =	shalt  }
0x84: {  	_ =	shalt  }
0x85: {  	_ =	shalt  }
0x86: {  	_ =	shalt  }
0x87: {  	_ =	shalt  }
.Lfunc_end0:
.L_simem_size_0:
called_computation.1_lowered:
.L_overlay_start_0:
0x88: {  	s2 =	sld [smem:$0x3FD9]  }
0x89: {  	s3 =	sld [smem:$0x3FFE];
	_ =	sdelay $0x1  }
0x8a: {  	s1 =	srdreg.scid  }
0x8b: {  	s0 =	sand.u32 $0x1, s1  }
0x8c: {  	s17 =	sshll.u32 s0, $0xA;
	s2 =	sadd.s32 s3, s2  }
0x8d: {  	s2 =	sadd.s32 s2, s17  }
0x8e: {  	[smem:$0x3FB3] =	sst s2  }
0x8f: {  	_ = 	snop  }
0x90: {  	s18 =	sld [smem:$0x3FC9]  }
0x91: {  	s4 =	sld [smem:$0x3FC8];
	(tm) =	ssettm $0x1  }
0x92: {  	s19 =	sld [smem:$0x3FFB];
	_ =	sdelay $0x3  }
0x93: {  	_ =	strace s19  }
0x94: {  	s2 =	sld [smem:$0x3FFC];
	_ =	sdelay $0x3  }
0x95: {  	_ =	strace s2  }
0x96: {  	s2 =	sld [smem:$0x3FFD];
	_ =	sdelay $0x3  }
0x97: {  	_ =	strace s2  }
0x98: {  	_ =	strace $0x8FFFFFFF  }
0x99: {  	s20 =	sld [smem:$0x3FDB];
	_ =	sdelay $0x1  }
0x9a: {  	s5 =	simm.s32 $_scs_section_size  }
0x9b: {  	s6 =	simm.s32 $_size__tile_overlayer_lowered;
	s7 =	simm.s32 $_tile_overlayer_lowered  }
0x9c: {  	s8 =	simm.s32 $0x1BFF;
	s21 =	sshll.u32 s7, $0x1;
	s5 =	sadd.s32 s5, s20  }
0x9d: {  	s22 =	simm.s32 $0x0;
	s6 =	sshll.u32 s6, $0x1;
	s7 =	sadd.s32 s21, s5  }
0x9e: {  	[timem:s22], [sflag:s8] =	dma.local [hbm:s7], s6  }
0x9f: {  	_ =	swait.ge [sflag:s8], s6  }
0xa0: {  	s6 =	ssub.s32 $0x0, s6;
	[sflag:s8] =	ssyncset.done $0x0  }
0xa1: {  	[sflag:s8] =	ssyncadd.s32 s6;
	_ =	sdelay $0x1  }
0xa2: {  	s23 =	simm.s32 $0x1B8B  }
0xa3: {  	_ =	swait.ge [sflag:s23], $0x1  }
0xa4: {  	[sflag:s23] =	ssyncset.done $0x0  }
0xa5: {  	[sflag:s23] =	ssyncadd.s32 $0xFFFFFFFF  }
0xa6: {  	s6 =	sld [smem:$0x0]  }
0xa7: {  	s7 =	sand.u32 $0xFFFFFFFE, s1  }
0xa8: {  	p0 =	sne.s32 s1, s7  }
0xa9: {  	s7 =	sshll.u32 @p0 s7, $0xE  }
0xaa: {  	s7 =	sadd.s32 @p0 $0x11B8D, s7;
	s8 =	sshll.u32 @p0 s6, $0x11  }
0xab: {  	s7 =	sor.u32 @p0 s8, s7  }
0xac: {  	[sflag:s7] =	ssyncadd.remote.s32 @p0 $0x1;
	_ =	sdelay $0x1  }
0xad: {  	s7 =	simm.s32 @p0 $0x1B8D  }
0xae: {  	_ =	swait.eq @p0 [sflag:s7], $0x1  }
0xaf: {  	[sflag:s7] =	ssyncadd.s32 @p0 $0xFFFFFFFF  }
0xb0: {  	s8 =	sshll.u32 @!p0 s1, $0xE  }
0xb1: {  	s8 =	sor.u32 @!p0 $0x4000, s8;
	s7 =	simm.s32 @!p0 $0x1B8D  }
0xb2: {  	s6 =	sshll.u32 @!p0 s6, $0x11;
	s8 =	sadd.s32 @!p0 $0x11B8D, s8;
	_ =	swait.eq @!p0 [sflag:s7], $0x1  }
0xb3: {  	s6 =	sor.u32 @!p0 s6, s8;
	[sflag:s7] =	ssyncadd.s32 @!p0 $0xFFFFFFFF  }
0xb4: {  	s25 =	simm.s32 $0x1B8E;
	s24 =	sld [smem:$0x3FFE];
	[sflag:s6] =	ssyncadd.remote.s32 @!p0 $0x1  }
0xb5: {  	s26 =	simm.s32 $execute0_lowered;
	[smem:$0x3FD2] =	sst s25  }
0xb6: {  	s7 =	sshll.u32 s26, $0x1;
	_ =	strace $0x80000049;
	[dreg:$0x1] =	wrdreg $0xFFFFFFFF  }
0xb7: {  	s28 =	simm.s32 $_size_execute0_lowered;
	s5 =	sadd.s32 s5, s7;
	[dreg:$0x0] =	wrdreg $0x0  }
0xb8: {  	s7 =	sshll.u32 s28, $0x1;
	[dreg:$0x2] =	wrdreg s5  }
0xb9: {  	[dreg:$0x3] =	wrdreg s7  }
0xba: {  	[dreg:$0x4] =	wrdreg $0xC0  }
0xbb: {  	_ =	task [dreg:s22], $0x5FFFF  }
0xbc: {  	[dreg:$0x1] =	wrdreg $0xFFFFFFFF  }
0xbd: {  	[dreg:$0x0] =	wrdreg $0x60  }
0xbe: {  	[dreg:$0x2] =	wrdreg s18  }
0xbf: {  	[dreg:$0x3] =	wrdreg s4  }
0xc0: {  	[dreg:$0x4] =	wrdreg s24  }
0xc1: {  	[dreg:$0x5] =	wrdreg $0xA  }
0xc2: {  	_ =	task.clear_ibuf [dreg:s22], $0x6FFFF;
	_ =	strace $0x90000049  }
0xc3: {  	s29 =	simm.s32 $0xA;
	_ =	strace $0x8000004B  }
0xc4: {  	_ =	swait.ge [sflag:s29], $0x1  }
0xc5: {  	[sflag:s29] =	ssyncadd.s32 $0xFFFFFFFF  }
0xc6: {  	_ =	strace $0x9000004B  }
0xc7: {  	_ =	sfence  }
0xc8: {  	s30 =	sld [smem:$0x0];
	_ =	sdelay $0x2  }
0xc9: {  	s31 =	sshll.u32 s1, $0xD;
	s1 =	sshrl.u32 s1, $0x2  }
0xca: {  	s4 =	sand.u32 $0x4000, s31;
	s1 =	sadd.s32 s1, s30  }
0xcb: {  	s0 =	sor.u32 s4, s0;
	s1 =	sshll.u32 s1, $0x11  }
0xcc: {  	s0 =	sor.u32 s1, s0  }
0xcd: {  	s0 =	sadd.s32 $0x8F2B, s0  }
0xce: {  	[sflag:s0] =	ssyncadd.remote.s32 $0x1  }
0xcf: {  	_ =	sfence.sel $0xFFFF  }
0xd0: {  	[dreg:$0x0] =	wrdreg $0xFFFFFFFF;
	(pc) =	sbr.abs _section_cstart, $3  }
0xd1: {  	[dreg:$0x1] =	wrdreg $0xFFFFFFFF  }
0xd2: {  	_ =	task.clear_ibuf [dreg:s22], $0x2FFFF;
	_ =	strace $0x9FFFFFFF  }
0xd3: {  	(tm) =	ssettm $0x7FFFFFFF  }
tec
execute0_lowered:
.L_overlay_start_1:
0x0: {  	(tag) =	ssettag $0x1  }
0x1: {  	s3 =	rddreg [dreg:$0x0]  }
0x2: {  	s4 =	rddreg [dreg:$0x1]  }
0x3: {  	s5 =	rddreg [dreg:$0x2]  }
0x4: {  	s1 =	simm.s32 $0x0;
	s6 =	srdreg.scid;
	s12 =	simm.s32 $0x3  }
0x5: {  	s13 =	simm.s32 $0x80;
	s14 =	simm.s32 $0x400;
	s15 =	simm.s32 $0x500  }
0x6: {  	s16 =	simm.s32 $0x580;
	s17 =	simm.s32 $0x600;
	s18 =	simm.s32 $0x680  }
0x7: {  	s19 =	simm.s32 $0x480;
	[smem:$0x7FF] =	sst s1;
	s2 =	sadd.s32 $0x154600, s5  }
0x8: {  	s24 =	sadd.s32 $0x16CE00, s5;
	_ =	strace $0x8000004A;
	[dreg:$0x4] =	wrdreg s2  }
0x9: {  	s20 =	simm.s32 $0x700;
	s25 =	sadd.s32 $0x3EDE00, s5;
	[dreg:$0x5] =	wrdreg s24  }
0xa: {  	s21 =	simm.s32 $0x780;
	s26 =	sadd.s32 $0x406600, s5;
	[dreg:$0x6] =	wrdreg s25  }
0xb: {  	s22 =	simm.s32 $0x800;
	s28 =	sadd.s32 $0x41EE00, s5;
	[dreg:$0x7] =	wrdreg s26  }
0xc: {  	s23 =	simm.s32 $0x1;
	s29 =	sadd.s32 $0x437600, s5;
	[dreg:$0x8] =	wrdreg s28  }
0xd: {  	s6 =	sand.u32 $0x1, s6;
	s7 =	sadd.s32 $0x44FE00, s5;
	[dreg:$0x9] =	wrdreg s29  }
0xe: {  	s2 =	stileid.u32;
	s9 =	sshll.u32 s6, $0x9;
	[dreg:$0xa] =	wrdreg s7  }
0xf: {  	v0 =	vimm.s32 $0x0;
	s6 =	ssub.s32 $0x2, s6;
	s24 =	simm.s32 $0x2;
	s8 =	sshll.u32 s2, $0xA  }
0x10: {  	v1 =	vimm.s32 $0x1;
	vm0 =	vmmov $0xff;
	v3 =	vlaneseq.u32;
	s25 =	simm.s32 $0x0;
	s30 =	sor.u32 s9, s8;
	s5 =	sadd.s32 s8, s5  }
0x11: {  	v2 =	vimm.s32 $0x3;
	v4 =	vimm.s32 $0x2;
	v5 =	vimm.s32 $0x4;
	s31 =	sshrl.u32 s6, $0x1;
	s7 =	sshrl.u32 s30, $0x3;
	s11 =	sadd.s32 s9, s5  }
0x12: {  	v6 =	vimm.s32 $0x5;
	v7 =	vimm.s32 $0x6;
	v10 =	vimm.s32 $0x9;
	s6 =	ssub.s32 s6, s31;
	s3 =	sadd.s32 s3, s7;
	s9 =	sadd.s32 $0x27B400, s11  }
0x13: {  	v8 =	vimm.s32 $0x7;
	v11 =	vimm.s32 $0xA;
	v12 =	vimm.s32 $0xB;
	s4 =	sadd.s32 s4, s7;
	s5 =	sadd.s32 $0x277400, s11;
	s7 =	sadd.s32 $0x273400, s11  }
0x14: {  	v9 =	vimm.s32 $0x8;
	v13 =	vimm.s32 $0xC;
	v14 =	vimm.s32 $0xD;
	s6 =	smax.u32 s6, $0x1;
	s8 =	sadd.s32 $0x26F400, s11;
	s10 =	sadd.s32 $0x267400, s11  }
0x15: {  	v15 =	vimm.s32 $0xE;
	v16 =	vimm.s32 $0xF;
	v3 =	vand.u32 $0x7, v3;
	[dreg:$0xb] =	wrdreg s9;
	s9 =	sadd.s32 $0x26B400, s11;
	s11 =	sadd.s32 $0x185600, s11  }
.LBB2_1:
0x16: {  	[tilespmem:s1], [sflag:$0x3] =	stream.linear.gather [hbm4b:s3+s1], $0x200, $0x38;
	[tilespmem:$0x880] =	vst v63  }
0x17: {  	_ =	swait.ge [sflag:s12], $0x200  }
0x18: {  	[sflag:s12] =	ssyncset.done $0x0  }
0x19: {  	s26 =	simm.s32 $0x200;
	[sflag:s12] =	ssyncadd.s32 $0xFFFFFE00  }
0x1a: {  	[tilespmem:s26], [sflag:$0x3] =	stream.linear.gather [hbm4b:s4+s1], $0x200, $0x38;
	[tilespmem:$0x880] =	vst v63  }
0x1b: {  	_ =	swait.ge [sflag:s12], $0x200  }
0x1c: {  	[sflag:s12] =	ssyncset.done $0x0  }
0x1d: {  	[sflag:s12] =	ssyncadd.s32 $0xFFFFFE00  }
0x1e: {  	v17 =	vld [tilespmem:s1+$0x0];
	_ =	sdelay $0x4  }
0x1f: {  	v18 =	vperm.xlane v17, v5  }
0x20: {  	v19 =	vperm.xlane v17, v11;
	v20 =	vperm.xlane v17, v6  }
0x21: {  	v21 =	vperm.xlane v17, v8;
	v22 =	vperm.xlane v17, v7  }
0x22: {  	v27 =	vld [tilespmem:s26+$0x0];
	v23 =	vperm.xlane v17, v4;
	v44 =	vperm.xlane v17, v12  }
0x23: {  	v24 =	vperm.xlane v17, v2;
	v45 =	vperm.xlane v17, v16  }
0x24: {  	v46 =	vperm.xlane v17, v0;
	v25 =	vperm.xlane v17, v1  }
0x25: {  	v47 =	vperm.xlane v17, v9;
	v26 =	vperm.xlane v17, v10  }
0x26: {  	v48 =	vperm.xlane v17, v13;
	v28 =	vperm.xlane v17, v14  }
0x27: {  	v17 =	vperm.xlane v17, v15;
	v51 =	vperm.xlane v27, v9  }
0x28: {  	v52 =	vperm.xlane v27, v16;
	v53 =	vperm.xlane v27, v0  }
0x29: {  	v29 =	vperm.xlane v27, v14;
	v30 =	vperm.xlane v27, v15  }
0x2a: {  	v54 =	vperm.xlane v27, v8;
	v55 =	vperm.xlane v27, v7  }
0x2b: {  	v56 =	vperm.xlane v27, v6;
	v58 =	vperm.xlane v27, v5  }
0x2c: {  	v59 =	vperm.xlane v27, v12;
	v60 =	vperm.xlane v27, v10  }
0x2d: {  	v61 =	vperm.xlane v27, v11;
	v62 =	vperm.xlane v27, v2  }
0x2e: {  	v21 =	vsel vm0, v22, v21;
	v23 =	vsel vm0, v23, v24;
	v17 =	vsel vm0, v17, v45  }
0x2f: {  	v22 =	vsel vm0, v46, v25;
	v25 =	vsel vm0, v48, v28;
	v17 =	vshll.u32 v17, $0x3  }
0x30: {  	v24 =	vsel vm0, v47, v26;
	v25 =	vshll.u32 v25, $0x3;
	v17 =	vor.u32 v3, v17  }
0x31: {  	v19 =	vsel vm0, v19, v44;
	v24 =	vshll.u32 v24, $0x3;
	v50 =	vor.u32 v3, v25;
	[tilespmem:$0x470] =	vst v17  }
0x32: {  	v18 =	vsel vm0, v18, v20;
	v19 =	vshll.u32 v19, $0x3;
	v49 =	vor.u32 v3, v24;
	[tilespmem:$0x460] =	vst v50  }
0x33: {  	v26 =	vsel vm0, v30, v52;
	v21 =	vshll.u32 v21, $0x3;
	v17 =	vor.u32 v3, v19;
	[tilespmem:$0x440] =	vst v49  }
0x34: {  	v18 =	vshll.u32 v18, $0x3;
	v21 =	vor.u32 v3, v21;
	[tilespmem:$0x450] =	vst v17;
	v17 =	vperm.xlane v27, v1  }
0x35: {  	v20 =	vsel vm0, v58, v56;
	v26 =	vshll.u32 v26, $0x3;
	v18 =	vor.u32 v3, v18;
	[tilespmem:$0x430] =	vst v21  }
0x36: {  	v23 =	vshll.u32 v23, $0x3;
	v57 =	vor.u32 v3, v26;
	[tilespmem:$0x420] =	vst v18;
	v17 =	vsel vm0, v53, v17  }
0x37: {  	v23 =	vor.u32 v3, v23;
	v18 =	vsel vm0, v55, v54;
	[tilespmem:$0x4F0] =	vst v57;
	v17 =	vshll.u32 v17, $0x3  }
0x38: {  	v22 =	vshll.u32 v22, $0x3;
	[tilespmem:$0x410] =	vst v23;
	v18 =	vshll.u32 v18, $0x3;
	v17 =	vor.u32 v3, v17  }
0x39: {  	v20 =	vshll.u32 v20, $0x3;
	[tilespmem:$0x480] =	vst v17;
	v17 =	vor.u32 v3, v18;
	v18 =	vperm.xlane v27, v13  }
0x3a: {  	v22 =	vor.u32 v3, v22;
	v20 =	vor.u32 v3, v20;
	[tilespmem:$0x4B0] =	vst v17;
	v17 =	vsel vm0, v51, v60  }
0x3b: {  	v19 =	vperm.xlane v27, v4;
	[tilespmem:$0x400] =	vst v22;
	v18 =	vsel vm0, v18, v29;
	v17 =	vshll.u32 v17, $0x3  }
0x3c: {  	v21 =	vsel vm0, v61, v59;
	[tilespmem:$0x4A0] =	vst v20;
	v18 =	vshll.u32 v18, $0x3;
	v17 =	vor.u32 v3, v17  }
0x3d: {  	v63 =	vshll.u32 v21, $0x3;
	v19 =	vsel vm0, v19, v62;
	v18 =	vor.u32 v3, v18;
	[tilespmem:$0x4C0] =	vst v17  }
0x3e: {  	v17 =	vshll.u32 v19, $0x3;
	v19 =	vor.u32 v3, v63;
	[tilespmem:$0x4E0] =	vst v18  }
0x3f: {  	v17 =	vor.u32 v3, v17;
	[tilespmem:$0x4D0] =	vst v19  }
0x40: {  	s28 =	rddreg [dreg:$0x4];
	[tilespmem:$0x490] =	vst v17  }
0x41: {  	[tilespmem:s15], [sflag:$0x1] =	stream.indirect.gather [hbm4b:s28+s13], $0x1, s14, s13, $0xb8;
	[tilespmem:$0x880] =	vst v63  }
0x42: {  	s29 =	rddreg [dreg:$0x5]  }
0x43: {  	[tilespmem:s16], [sflag:$0x1] =	stream.indirect.gather [hbm4b:s29+s13], $0x1, s14, s13, $0xb8;
	[tilespmem:$0x880] =	vst v63  }
0x44: {  	s28 =	rddreg [dreg:$0x6]  }
0x45: {  	[tilespmem:s17], [sflag:$0x1] =	stream.indirect.gather [hbm4b:s28+s13], $0x1, s14, s13, $0xb8;
	[tilespmem:$0x880] =	vst v63  }
0x46: {  	s29 =	rddreg [dreg:$0x7]  }
0x47: {  	[tilespmem:s18], [sflag:$0x1] =	stream.indirect.gather [hbm4b:s29+s13], $0x1, s14, s13, $0xb8;
	[tilespmem:$0x880] =	vst v63  }
0x48: {  	s28 =	rddreg [dreg:$0x8]  }
0x49: {  	[tilespmem:s20], [sflag:$0x1] =	stream.indirect.gather [hbm4b:s28+s13], $0x1, s19, s13, $0xb8;
	[tilespmem:$0x880] =	vst v63  }
0x4a: {  	s29 =	rddreg [dreg:$0x9]  }
0x4b: {  	[tilespmem:s21], [sflag:$0x1] =	stream.indirect.gather [hbm4b:s29+s13], $0x1, s19, s13, $0xb8;
	[tilespmem:$0x880] =	vst v63  }
0x4c: {  	s28 =	rddreg [dreg:$0xa]  }
0x4d: {  	[tilespmem:s22], [sflag:$0x1] =	stream.indirect.gather [hbm4b:s28+s13], $0x1, s19, s13, $0xb8;
	[tilespmem:$0x880] =	vst v63  }
0x4e: {  	_ =	swait.ge [sflag:s23], $0x80  }
0x4f: {  	[sflag:s23] =	ssyncset.done $0x0  }
0x50: {  	[sflag:s23] =	ssyncadd.s32 $0xFFFFFF80  }
0x51: {  	_ =	swait.ge [sflag:s23], $0x80  }
0x52: {  	[sflag:s23] =	ssyncset.done $0x0  }
0x53: {  	[sflag:s23] =	ssyncadd.s32 $0xFFFFFF80  }
0x54: {  	_ =	swait.ge [sflag:s23], $0x80  }
0x55: {  	[sflag:s23] =	ssyncset.done $0x0  }
0x56: {  	[sflag:s23] =	ssyncadd.s32 $0xFFFFFF80  }
0x57: {  	_ =	swait.ge [sflag:s23], $0x80  }
0x58: {  	[sflag:s23] =	ssyncset.done $0x0  }
0x59: {  	[sflag:s23] =	ssyncadd.s32 $0xFFFFFF80  }
0x5a: {  	_ =	swait.ge [sflag:s23], $0x80  }
0x5b: {  	[sflag:s23] =	ssyncset.done $0x0  }
0x5c: {  	[sflag:s23] =	ssyncadd.s32 $0xFFFFFF80  }
0x5d: {  	_ =	swait.ge [sflag:s23], $0x80  }
0x5e: {  	[sflag:s23] =	ssyncset.done $0x0  }
0x5f: {  	[sflag:s23] =	ssyncadd.s32 $0xFFFFFF80  }
0x60: {  	_ =	swait.ge [sflag:s23], $0x80  }
0x61: {  	[sflag:s23] =	ssyncset.done $0x0  }
0x62: {  	s28 =	sadd.s32 $0x0, s11;
	[sflag:s23] =	ssyncadd.s32 $0xFFFFFF80  }
0x63: {  	[hbm4b:s28+s1] =	stream.linear.scatter [tilespmem:s15], [sflag:$0x2], $0x80, $0x38;
	[tilespmem:$0x880] =	vst v63  }
0x64: {  	s28 =	sadd.s32 $0x0, s10  }
0x65: {  	[hbm4b:s28+s1] =	stream.linear.scatter [tilespmem:s16], [sflag:$0x2], $0x80, $0x38;
	[tilespmem:$0x880] =	vst v63  }
0x66: {  	s28 =	sadd.s32 $0x0, s9  }
0x67: {  	[hbm4b:s28+s1] =	stream.linear.scatter [tilespmem:s17], [sflag:$0x2], $0x80, $0x38;
	[tilespmem:$0x880] =	vst v63  }
0x68: {  	s28 =	sadd.s32 $0x0, s8  }
0x69: {  	[hbm4b:s28+s1] =	stream.linear.scatter [tilespmem:s18], [sflag:$0x2], $0x80, $0x38;
	[tilespmem:$0x880] =	vst v63  }
0x6a: {  	s28 =	sadd.s32 $0x0, s7  }
0x6b: {  	[hbm4b:s28+s1] =	stream.linear.scatter [tilespmem:s20], [sflag:$0x2], $0x80, $0x38;
	[tilespmem:$0x880] =	vst v63  }
0x6c: {  	s29 =	rddreg [dreg:$0xb];
	s28 =	sadd.s32 $0x0, s5  }
0x6d: {  	[hbm4b:s28+s1] =	stream.linear.scatter [tilespmem:s21], [sflag:$0x2], $0x80, $0x38;
	[tilespmem:$0x880] =	vst v63  }
0x6e: {  	s28 =	sadd.s32 $0x0, s29  }
0x6f: {  	[hbm4b:s28+s1] =	stream.linear.scatter [tilespmem:s22], [sflag:$0x2], $0x80, $0x38;
	[tilespmem:$0x880] =	vst v63  }
0x70: {  	_ =	swait.ge [sflag:s24], $0x80  }
0x71: {  	[sflag:s24] =	ssyncset.done $0x0  }
0x72: {  	[sflag:s24] =	ssyncadd.s32 $0xFFFFFF80  }
0x73: {  	_ =	swait.ge [sflag:s24], $0x80  }
0x74: {  	[sflag:s24] =	ssyncset.done $0x0  }
0x75: {  	[sflag:s24] =	ssyncadd.s32 $0xFFFFFF80  }
0x76: {  	s29 =	simm.s32 $0x0;
	s28 =	simm.s32 $0x10;
	_ =	swait.ge [sflag:s24], $0x80  }
.LBB2_2:
0x77: {  	[sflag:s24] =	ssyncset.done $0x0  }
0x78: {  	[sflag:s24] =	ssyncadd.s32 $0xFFFFFF80  }
0x79: {  	_ =	swait.ge [sflag:s24], $0x80  }
0x7a: {  	[sflag:s24] =	ssyncset.done $0x0  }
0x7b: {  	[sflag:s24] =	ssyncadd.s32 $0xFFFFFF80  }
0x7c: {  	_ =	swait.ge [sflag:s24], $0x80  }
0x7d: {  	[sflag:s24] =	ssyncset.done $0x0  }
0x7e: {  	[sflag:s24] =	ssyncadd.s32 $0xFFFFFF80  }
0x7f: {  	_ =	swait.ge [sflag:s24], $0x80  }
0x80: {  	[sflag:s24] =	ssyncset.done $0x0  }
0x81: {  	[sflag:s24] =	ssyncadd.s32 $0xFFFFFF80  }
0x82: {  	_ =	swait.ge [sflag:s24], $0x80  }
0x83: {  	[sflag:s24] =	ssyncset.done $0x0  }
0x84: {  	s29 =	sadd.s32 $0x10, s29;
	[sflag:s24] =	ssyncadd.s32 $0xFFFFFF80  }
0x85: {  	v17 =	vld [tilespmem:s29+$0x0];
	_ =	sdelay $0x4  }
0x86: {  	v18 =	vperm.xlane v17, v5  }
0x87: {  	v19 =	vperm.xlane v17, v11;
	v20 =	vperm.xlane v17, v6  }
0x88: {  	s26 =	sadd.s32 $0x10, s26;
	v21 =	vperm.xlane v17, v8;
	v22 =	vperm.xlane v17, v4  }
0x89: {  	v27 =	vld [tilespmem:s26+$0x0];
	v23 =	vperm.xlane v17, v7;
	v24 =	vperm.xlane v17, v2  }
0x8a: {  	v49 =	vperm.xlane v17, v12;
	v50 =	vperm.xlane v17, v16  }
0x8b: {  	v51 =	vperm.xlane v17, v0;
	v25 =	vperm.xlane v17, v1  }
0x8c: {  	v52 =	vperm.xlane v17, v9;
	v26 =	vperm.xlane v17, v10  }
0x8d: {  	v53 =	vperm.xlane v17, v13;
	v28 =	vperm.xlane v17, v14  }
0x8e: {  	v17 =	vperm.xlane v17, v15;
	v56 =	vperm.xlane v27, v9  }
0x8f: {  	v57 =	vperm.xlane v27, v16;
	v58 =	vperm.xlane v27, v0  }
0x90: {  	v29 =	vperm.xlane v27, v14;
	v30 =	vperm.xlane v27, v4  }
0x91: {  	v31 =	vperm.xlane v27, v12;
	v32 =	vperm.xlane v27, v15  }
0x92: {  	v59 =	vperm.xlane v27, v6;
	v33 =	vperm.xlane v27, v8  }
0x93: {  	v34 =	vperm.xlane v27, v11;
	v60 =	vperm.xlane v27, v7  }
0x94: {  	v61 =	vperm.xlane v27, v10;
	v62 =	vperm.xlane v27, v5  }
0x95: {  	v21 =	vsel vm0, v23, v21;
	v19 =	vsel vm0, v19, v49;
	v17 =	vsel vm0, v17, v50  }
0x96: {  	v23 =	vsel vm0, v51, v25;
	v25 =	vsel vm0, v53, v28;
	v17 =	vshll.u32 v17, $0x3  }
0x97: {  	v22 =	vsel vm0, v22, v24;
	v25 =	vshll.u32 v25, $0x3;
	v17 =	vor.u32 v3, v17  }
0x98: {  	v24 =	vsel vm0, v52, v26;
	v19 =	vshll.u32 v19, $0x3;
	v55 =	vor.u32 v3, v25;
	[tilespmem:$0x470] =	vst v17  }
0x99: {  	v18 =	vsel vm0, v18, v20;
	v24 =	vshll.u32 v24, $0x3;
	v19 =	vor.u32 v3, v19;
	[tilespmem:$0x460] =	vst v55  }
0x9a: {  	v26 =	vsel vm0, v32, v57;
	v21 =	vshll.u32 v21, $0x3;
	v54 =	vor.u32 v3, v24;
	[tilespmem:$0x450] =	vst v19  }
0x9b: {  	v63 =	vsel vm0, v56, v61;
	v18 =	vshll.u32 v18, $0x3;
	v21 =	vor.u32 v3, v21;
	[tilespmem:$0x440] =	vst v54  }
0x9c: {  	v23 =	vshll.u32 v23, $0x3;
	v26 =	vshll.u32 v26, $0x3;
	v18 =	vor.u32 v3, v18;
	[tilespmem:$0x430] =	vst v21  }
0x9d: {  	v22 =	vshll.u32 v22, $0x3;
	v26 =	vor.u32 v3, v26;
	v19 =	vperm.xlane v27, v1;
	[tilespmem:$0x420] =	vst v18  }
0x9e: {  	v20 =	vshll.u32 v63, $0x3;
	v22 =	vor.u32 v3, v22;
	v23 =	vor.u32 v3, v23;
	[tilespmem:$0x4F0] =	vst v26  }
0x9f: {  	v20 =	vor.u32 v3, v20;
	v17 =	vperm.xlane v27, v13;
	[tilespmem:$0x410] =	vst v22;
	v19 =	vsel vm0, v58, v19  }
0xa0: {  	v21 =	vsel vm0, v62, v59;
	[tilespmem:$0x400] =	vst v23;
	v18 =	vshll.u32 v19, $0x3;
	v19 =	vsel vm0, v60, v33  }
0xa1: {  	[tilespmem:$0x4C0] =	vst v20;
	v21 =	vshll.u32 v21, $0x3;
	v18 =	vor.u32 v3, v18;
	v19 =	vshll.u32 v19, $0x3  }
0xa2: {  	v17 =	vsel vm0, v17, v29;
	[tilespmem:$0x480] =	vst v18;
	v18 =	vperm.xlane v27, v2;
	v19 =	vor.u32 v3, v19  }
0xa3: {  	v21 =	vor.u32 v3, v21;
	v17 =	vshll.u32 v17, $0x3;
	[tilespmem:$0x4B0] =	vst v19;
	v19 =	vsel vm0, v34, v31  }
0xa4: {  	[tilespmem:$0x4A0] =	vst v21;
	v17 =	vor.u32 v3, v17;
	v18 =	vsel vm0, v30, v18;
	v19 =	vshll.u32 v19, $0x3  }
0xa5: {  	[tilespmem:$0x4E0] =	vst v17;
	v18 =	vshll.u32 v18, $0x3;
	v19 =	vor.u32 v3, v19  }
0xa6: {  	v18 =	vor.u32 v3, v18;
	[tilespmem:$0x4D0] =	vst v19  }
0xa7: {  	s31 =	rddreg [dreg:$0x4];
	[tilespmem:$0x490] =	vst v18  }
0xa8: {  	[tilespmem:s15], [sflag:$0x1] =	stream.indirect.gather [hbm4b:s31+s13], $0x1, s14, s13, $0xb8;
	[tilespmem:$0x880] =	vst v63  }
0xa9: {  	s0 =	rddreg [dreg:$0x5]  }
0xaa: {  	[tilespmem:s16], [sflag:$0x1] =	stream.indirect.gather [hbm4b:s0+s13], $0x1, s14, s13, $0xb8;
	[tilespmem:$0x880] =	vst v63  }
0xab: {  	s31 =	rddreg [dreg:$0x6]  }
0xac: {  	[tilespmem:s17], [sflag:$0x1] =	stream.indirect.gather [hbm4b:s31+s13], $0x1, s14, s13, $0xb8;
	[tilespmem:$0x880] =	vst v63  }
0xad: {  	s0 =	rddreg [dreg:$0x7]  }
0xae: {  	[tilespmem:s18], [sflag:$0x1] =	stream.indirect.gather [hbm4b:s0+s13], $0x1, s14, s13, $0xb8;
	[tilespmem:$0x880] =	vst v63  }
0xaf: {  	s31 =	rddreg [dreg:$0x8]  }
0xb0: {  	[tilespmem:s20], [sflag:$0x1] =	stream.indirect.gather [hbm4b:s31+s13], $0x1, s19, s13, $0xb8;
	[tilespmem:$0x880] =	vst v63  }
0xb1: {  	s0 =	rddreg [dreg:$0x9]  }
0xb2: {  	[tilespmem:s21], [sflag:$0x1] =	stream.indirect.gather [hbm4b:s0+s13], $0x1, s19, s13, $0xb8;
	[tilespmem:$0x880] =	vst v63  }
0xb3: {  	s31 =	rddreg [dreg:$0xa]  }
0xb4: {  	[tilespmem:s22], [sflag:$0x1] =	stream.indirect.gather [hbm4b:s31+s13], $0x1, s19, s13, $0xb8;
	[tilespmem:$0x880] =	vst v63  }
0xb5: {  	_ =	swait.ge [sflag:s23], $0x80  }
0xb6: {  	[sflag:s23] =	ssyncset.done $0x0  }
0xb7: {  	[sflag:s23] =	ssyncadd.s32 $0xFFFFFF80  }
0xb8: {  	_ =	swait.ge [sflag:s23], $0x80  }
0xb9: {  	[sflag:s23] =	ssyncset.done $0x0  }
0xba: {  	[sflag:s23] =	ssyncadd.s32 $0xFFFFFF80  }
0xbb: {  	_ =	swait.ge [sflag:s23], $0x80  }
0xbc: {  	[sflag:s23] =	ssyncset.done $0x0  }
0xbd: {  	[sflag:s23] =	ssyncadd.s32 $0xFFFFFF80  }
0xbe: {  	_ =	swait.ge [sflag:s23], $0x80  }
0xbf: {  	[sflag:s23] =	ssyncset.done $0x0  }
0xc0: {  	[sflag:s23] =	ssyncadd.s32 $0xFFFFFF80  }
0xc1: {  	_ =	swait.ge [sflag:s23], $0x80  }
0xc2: {  	[sflag:s23] =	ssyncset.done $0x0  }
0xc3: {  	[sflag:s23] =	ssyncadd.s32 $0xFFFFFF80  }
0xc4: {  	_ =	swait.ge [sflag:s23], $0x80  }
0xc5: {  	[sflag:s23] =	ssyncset.done $0x0  }
0xc6: {  	[sflag:s23] =	ssyncadd.s32 $0xFFFFFF80  }
0xc7: {  	_ =	swait.ge [sflag:s23], $0x80  }
0xc8: {  	s30 =	smov.u32 s28;
	[sflag:s23] =	ssyncset.done $0x0  }
0xc9: {  	s31 =	sadd.s32 s30, s11;
	[sflag:s23] =	ssyncadd.s32 $0xFFFFFF80  }
0xca: {  	[hbm4b:s31+s1] =	stream.linear.scatter [tilespmem:s15], [sflag:$0x2], $0x80, $0x38;
	[tilespmem:$0x880] =	vst v63  }
0xcb: {  	s31 =	sadd.s32 s30, s10  }
0xcc: {  	[hbm4b:s31+s1] =	stream.linear.scatter [tilespmem:s16], [sflag:$0x2], $0x80, $0x38;
	[tilespmem:$0x880] =	vst v63  }
0xcd: {  	s31 =	sadd.s32 s30, s9  }
0xce: {  	[hbm4b:s31+s1] =	stream.linear.scatter [tilespmem:s17], [sflag:$0x2], $0x80, $0x38;
	[tilespmem:$0x880] =	vst v63  }
0xcf: {  	s31 =	sadd.s32 s30, s8  }
0xd0: {  	[hbm4b:s31+s1] =	stream.linear.scatter [tilespmem:s18], [sflag:$0x2], $0x80, $0x38;
	[tilespmem:$0x880] =	vst v63  }
0xd1: {  	s0 =	sadd.s32 s30, s7  }
0xd2: {  	[hbm4b:s0+s1] =	stream.linear.scatter [tilespmem:s20], [sflag:$0x2], $0x80, $0x38;
	[tilespmem:$0x880] =	vst v63  }
0xd3: {  	s31 =	rddreg [dreg:$0xb];
	s0 =	sadd.s32 s30, s5  }
0xd4: {  	[hbm4b:s0+s1] =	stream.linear.scatter [tilespmem:s21], [sflag:$0x2], $0x80, $0x38;
	[tilespmem:$0x880] =	vst v63  }
0xd5: {  	s31 =	sadd.s32 s30, s31  }
0xd6: {  	[hbm4b:s31+s1] =	stream.linear.scatter [tilespmem:s22], [sflag:$0x2], $0x80, $0x38;
	[tilespmem:$0x880] =	vst v63  }
0xd7: {  	_ =	swait.ge [sflag:s24], $0x80  }
0xd8: {  	p0 =	sne.s32 s28, $0x1F0;
	[sflag:s24] =	ssyncset.done $0x0  }
.Ltmp0:
0xd9: {  	[sflag:s24] =	ssyncadd.s32 $0xFFFFFF80;
	(pc) =	sbr.rel @p0 .LBB2_2-.Ltmp0, $4  }
0xda: {  	_ =	swait.ge [sflag:s24], $0x80  }
0xdb: {  	[sflag:s24] =	ssyncset.done $0x0  }
0xdc: {  	[sflag:s24] =	ssyncadd.s32 $0xFFFFFF80  }
0xdd: {  	s28 =	sadd.s32 $0x10, s28;
	_ =	swait.ge [sflag:s24], $0x80  }
0xde: {  	[sflag:s24] =	ssyncset.done $0x0  }
0xdf: {  	[sflag:s24] =	ssyncadd.s32 $0xFFFFFF80  }
0xe0: {  	_ =	swait.ge [sflag:s24], $0x80  }
0xe1: {  	[sflag:s24] =	ssyncset.done $0x0  }
0xe2: {  	[sflag:s24] =	ssyncadd.s32 $0xFFFFFF80  }
0xe3: {  	_ =	swait.ge [sflag:s24], $0x80  }
0xe4: {  	[sflag:s24] =	ssyncset.done $0x0  }
0xe5: {  	s25 =	sadd.s32 $0x1, s25;
	[sflag:s24] =	ssyncadd.s32 $0xFFFFFF80  }
0xe6: {  	p0 =	sne.s32 s25, s6;
	_ =	swait.ge [sflag:s24], $0x80  }
.Ltmp1:
0xe7: {  	[sflag:s24] =	ssyncset.done $0x0;
	(pc) =	sbr.rel @p0 .LBB2_1-.Ltmp1, $4  }
0xe8: {  	[sflag:s24] =	ssyncadd.s32 $0xFFFFFF80  }
0xe9: {  	_ =	swait.ge [sflag:s24], $0x80  }
0xea: {  	[sflag:s24] =	ssyncset.done $0x0  }
0xeb: {  	[sflag:s24] =	ssyncadd.s32 $0xFFFFFF80  }
0xec: {  	_ =	sfence.sel $0x180000  }
0xed: {  	[bflag:$0x0] =	sbarrier.arrive $0xFFFF  }
0xee: {  	_ =	strace $0x9000004A  }
0xef: {  	[bflag:$0x2] =	sbarrier.arrive $0xFFFF  }
0xf0: {  	p0 =	sne.s32 s2, $0x0;
	s0 =	rddreg [dreg:$0x3]  }
0xf1: {  	s0 =	sadd.s32 @!p0 $0x100000, s0  }
0xf2: {  	[sflag:s0] =	ssyncadd.tile.s32 @!p0 $0x1;
	_ =	shalt  }
.Lfunc_end2:
_tile_overlayer_lowered:
.L_overlay_start_2:
0xf3: {  	(tag) =	ssettag $0x2  }
0xf4: {  	s0 =	rddreg [dreg:$0x0];
	s2 =	stileid.u32  }
0xf5: {  	s1 =	rddreg [dreg:$0x1];
	p0 =	sne.s32 s2, $0x0  }
0xf6: {  	s3 =	rddreg [dreg:$0x2];
	[bflag:$0x3] =	sbarrier.arrive $0xFFFF;
	s2 =	simm.s32 @!p0 $0x1C03  }
0xf7: {  	[timem:s3], [sflag:s2] =	dma.local @!p0 [hbm:s0], s1  }
0xf8: {  	s0 =	simm.s32 @!p0 $0x3  }
0xf9: {  	_ =	swait.ge @!p0 [sflag:s0], s1  }
0xfa: {  	s1 =	ssub.s32 @!p0 $0x0, s1;
	[sflag:s0] =	ssyncset.done @!p0 $0x0  }
0xfb: {  	[sflag:s0] =	ssyncadd.s32 @!p0 s1  }
0xfc: {  	[bflag:$0x3] =	sbarrier.arrive $0xFFFF  }
0xfd: {  	_ =	shalt  }

</sc_bundles>
